<compile_context>
chip_gen: v7x
topology: tpu7x:2x2x1
jax: 0.10.2.dev20260603
libtpu: 0.0.44.dev20260713+nightly
codegen_flags: <defaults>
</compile_context>

<pallas_src>
import jax
import jax.numpy as jnp
from jax import lax
from jax.experimental import pallas as pl
from jax.experimental.pallas import tpu as pltpu
from jax.experimental.pallas import tpu_sc as plsc

N = 10000
E = 320000
NC = 2
NS = 16
L = 16
CH = 80
NPAD = 10240
BLK = 1000

_MESH = plsc.VectorSubcoreMesh(core_axis_name="c", subcore_axis_name="s")




CH2 = 125
RPT = E // (NS * CH2)
GR = 8
NG = RPT // GR


def _scat_body(yflat, srcoff, dst2d, zrows, out, srcst, dstst, rows2, sst, sg0, sg1, ssc, acc):
    c = lax.axis_index("c")
    s = lax.axis_index("s")
    for t in range(8):
        pltpu.sync_copy(zrows, acc.at[pl.ds(s * 640 + t * CH, CH)])

    tbase = s * RPT
    pltpu.sync_copy(srcoff.at[c, pl.ds(tbase, GR)], srcst.at[0])
    pltpu.sync_copy(dst2d.at[pl.ds(tbase, GR)], dstst.at[0])
    plsc.subcore_barrier()

    sg = (sg0, sg1)
    pltpu.async_copy(yflat.at[srcst.at[0, 0]], rows2.at[0], sg0)

    def body(g, carry):
        gb = lax.rem(g, 2)
        nb2 = lax.rem(g + 1, 2)
        nxt = tbase + (g + 1) * GR

        @pl.when(g < NG - 1)
        def _():
            pltpu.async_copy(srcoff.at[c, pl.ds(nxt, GR)], srcst.at[nb2], sst)
            pltpu.async_copy(dst2d.at[pl.ds(nxt, GR)], dstst.at[nb2], sst)

        for k in range(GR):
            b = k % 2
            nbb = 1 - b
            if k > 0:
                pltpu.make_async_copy(rows2.at[nbb], acc.at[dstst.at[gb, k]], ssc).wait()
            else:

                @pl.when(g > 0)
                def _():
                    pltpu.make_async_copy(
                        rows2.at[nbb], acc.at[dstst.at[gb, k]], ssc
                    ).wait()

            if k < GR - 1:
                pltpu.async_copy(yflat.at[srcst.at[gb, k + 1]], rows2.at[nbb], sg[nbb])
            else:

                @pl.when(g < NG - 1)
                def _():
                    pltpu.make_async_copy(
                        srcoff.at[c, pl.ds(nxt, GR)], srcst.at[nb2], sst
                    ).wait()
                    pltpu.make_async_copy(
                        dst2d.at[pl.ds(nxt, GR)], dstst.at[nb2], sst
                    ).wait()
                    pltpu.async_copy(yflat.at[srcst.at[nb2, 0]], rows2.at[nbb], sg[nbb])

            pltpu.make_async_copy(yflat.at[srcst.at[gb, k]], rows2.at[b], sg[b]).wait()
            pltpu.async_copy(rows2.at[b], acc.at[dstst.at[gb, k]], ssc, add=True)
        return carry

    lax.fori_loop(0, NG, body, 0)
    pltpu.make_async_copy(rows2.at[1], acc.at[dstst.at[0, 0]], ssc).wait()
    plsc.subcore_barrier()
    r0 = s * 640
    pltpu.sync_copy(acc.at[pl.ds(r0, 640)], out.at[c, pl.ds(r0, 640)])


_scatter_rows = pl.kernel(
    _scat_body,
    out_type=jax.ShapeDtypeStruct((NC, NPAD, 128), jnp.float32),
    mesh=_MESH,
    scratch_types=[
        pltpu.VMEM((2, GR, CH2), jnp.int32),
        pltpu.VMEM((2, GR, CH2), jnp.int32),
        pltpu.VMEM((2, CH2, 128), jnp.float32),
        pltpu.SemaphoreType.DMA,
        pltpu.SemaphoreType.DMA,
        pltpu.SemaphoreType.DMA,
        pltpu.SemaphoreType.DMA,
        pltpu.VMEM_SHARED((NPAD, 128), jnp.float32),
    ],
)


DW = 128


def _deg_body(dst2d, zrows, ones_hbm, out, dstst, ones_v, acc):
    c = lax.axis_index("c")
    s = lax.axis_index("s")
    pltpu.sync_copy(zrows, acc.at[pl.ds(s * 640, 640)])
    pltpu.sync_copy(ones_hbm, ones_v)
    plsc.subcore_barrier()
    ngroups = (NG + 1) // 2 - c * (NG % 2)

    def body(g, carry):
        base = s * RPT + (2 * g + c) * GR
        pltpu.sync_copy(dst2d.at[pl.ds(base, GR)], dstst)
        for k in range(GR):
            pltpu.sync_copy(ones_v, acc.at[dstst.at[k]], add=True)
        return carry

    lax.fori_loop(0, ngroups, body, 0)
    plsc.subcore_barrier()
    pltpu.sync_copy(acc.at[pl.ds(s * 640, 640)], out.at[c, pl.ds(s * 640, 640)])


_deg_count = pl.kernel(
    _deg_body,
    out_type=jax.ShapeDtypeStruct((NC, NPAD, DW), jnp.float32),
    mesh=_MESH,
    scratch_types=[
        pltpu.VMEM((GR, CH2), jnp.int32),
        pltpu.VMEM((CH2, DW), jnp.float32),
        pltpu.VMEM_SHARED((NPAD, DW), jnp.float32),
    ],
)


def _mm1_body(degp_ref, x_ref, w1_ref, y_ref, dinv_ref):
    deg = degp_ref[0, :, 0] + degp_ref[1, :, 0] + 1.0
    dinv = lax.rsqrt(deg)
    xw = jnp.dot(x_ref[...], w1_ref[...], preferred_element_type=jnp.float32)
    y = xw * dinv[:, None]
    y_ref[0] = y[:, :128]
    y_ref[1] = y[:, 128:]
    dinv_ref[...] = dinv[:, None]


def _mm1(degp, x, w1):
    return pl.pallas_call(
        _mm1_body,
        grid=(N // BLK,),
        in_specs=[
            pl.BlockSpec((NC, BLK, DW), lambda i: (0, i, 0)),
            pl.BlockSpec((BLK, 128), lambda i: (i, 0)),
            pl.BlockSpec((128, 256), lambda i: (0, 0)),
        ],
        out_specs=[
            pl.BlockSpec((NC, BLK, 128), lambda i: (0, i, 0)),
            pl.BlockSpec((BLK, 1), lambda i: (i, 0)),
        ],
        out_shape=[
            jax.ShapeDtypeStruct((NC, N, 128), jnp.float32),
            jax.ShapeDtypeStruct((N, 1), jnp.float32),
        ],
    )(degp, x, w1)


def _cat(ref):
    return jnp.concatenate([ref[0], ref[1]], axis=-1)


def _mm_mid_body(dinv_ref, s_ref, y_ref, b1_ref, wc_ref, bc_ref, w2_ref, o_ref):
    dinv = dinv_ref[...]
    st = _cat(s_ref) + _cat(y_ref)
    h = jnp.maximum(st * dinv + b1_ref[0][None, :], 0.0)
    hc = jnp.dot(h, wc_ref[...], preferred_element_type=jnp.float32) + bc_ref[0][None, :]
    y2 = jnp.dot(hc, w2_ref[...], preferred_element_type=jnp.float32) * dinv
    o_ref[0] = y2[:, :128]
    o_ref[1] = y2[:, 128:]


def _mm_mid(dinv, s1, y1, b1, wc, bc, w2):
    return pl.pallas_call(
        _mm_mid_body,
        grid=(N // BLK,),
        in_specs=[
            pl.BlockSpec((BLK, 1), lambda i: (i, 0)),
            pl.BlockSpec((NC, BLK, 128), lambda i: (0, i, 0)),
            pl.BlockSpec((NC, BLK, 128), lambda i: (0, i, 0)),
            pl.BlockSpec((1, 256), lambda i: (0, 0)),
            pl.BlockSpec((256, 256), lambda i: (0, 0)),
            pl.BlockSpec((1, 256), lambda i: (0, 0)),
            pl.BlockSpec((256, 256), lambda i: (0, 0)),
        ],
        out_specs=pl.BlockSpec((NC, BLK, 128), lambda i: (0, i, 0)),
        out_shape=jax.ShapeDtypeStruct((NC, N, 128), jnp.float32),
    )(dinv, s1, y1, b1, wc, bc, w2)


def _mm3_body(dinv_ref, s_ref, y_ref, b2_ref, w3_ref, o_ref):
    dinv = dinv_ref[...]
    st = _cat(s_ref) + _cat(y_ref)
    h = jnp.maximum(st * dinv + b2_ref[0][None, :], 0.0)
    y3 = jnp.dot(h, w3_ref[...], preferred_element_type=jnp.float32) * dinv
    o_ref[0] = y3[:, :128]
    o_ref[1] = y3[:, 128:]


def _mm3(dinv, s2, y2, b2, w3):
    return pl.pallas_call(
        _mm3_body,
        grid=(N // BLK,),
        in_specs=[
            pl.BlockSpec((BLK, 1), lambda i: (i, 0)),
            pl.BlockSpec((NC, BLK, 128), lambda i: (0, i, 0)),
            pl.BlockSpec((NC, BLK, 128), lambda i: (0, i, 0)),
            pl.BlockSpec((1, 256), lambda i: (0, 0)),
            pl.BlockSpec((256, 256), lambda i: (0, 0)),
        ],
        out_specs=pl.BlockSpec((NC, BLK, 128), lambda i: (0, i, 0)),
        out_shape=jax.ShapeDtypeStruct((NC, N, 128), jnp.float32),
    )(dinv, s2, y2, b2, w3)


def _final_body(dinv_ref, s_ref, y_ref, b3_ref, wcls_ref, bcls_ref, o_ref, mx_ref):
    i = pl.program_id(0)
    dinv = dinv_ref[...]
    st = _cat(s_ref) + _cat(y_ref)
    h3 = st * dinv + b3_ref[0][None, :]
    bm = jnp.max(h3, axis=0, keepdims=True)

    @pl.when(i == 0)
    def _():
        mx_ref[...] = bm

    @pl.when(i > 0)
    def _():
        mx_ref[...] = jnp.maximum(mx_ref[...], bm)

    @pl.when(i == N // BLK - 1)
    def _():
        pooled = mx_ref[...]
        logits = (
            jnp.dot(pooled, wcls_ref[...], preferred_element_type=jnp.float32)
            + bcls_ref[0][None, :]
        )
        m = jnp.max(logits, axis=1, keepdims=True)
        e = jnp.exp(logits - m)
        o_ref[...] = e / jnp.sum(e, axis=1, keepdims=True)


def _final(dinv, s3, y3, b3, wcls, bcls):
    return pl.pallas_call(
        _final_body,
        grid=(N // BLK,),
        in_specs=[
            pl.BlockSpec((BLK, 1), lambda i: (i, 0)),
            pl.BlockSpec((NC, BLK, 128), lambda i: (0, i, 0)),
            pl.BlockSpec((NC, BLK, 128), lambda i: (0, i, 0)),
            pl.BlockSpec((1, 256), lambda i: (0, 0)),
            pl.BlockSpec((256, 2), lambda i: (0, 0)),
            pl.BlockSpec((1, 2), lambda i: (0, 0)),
        ],
        out_specs=pl.BlockSpec((1, 2), lambda i: (0, 0)),
        out_shape=jax.ShapeDtypeStruct((1, 2), jnp.float32),
        scratch_shapes=[pltpu.VMEM((1, 256), jnp.float32)],
    )(dinv, s3, y3, b3, wcls, bcls)


def kernel(x, edge_index, W1, b1, Wc, bc, W2, b2, W3, b3, Wcls, bcls):
    ei = edge_index.astype(jnp.int32)
    src = ei[0]
    dst = ei[1]
    srcoff = jnp.stack([src, src + N]).reshape(NC, E // CH2, CH2)
    dst2d = dst.reshape(E // CH2, CH2)
    z128 = jnp.zeros((CH, 128), jnp.float32)
    zdeg = jnp.zeros((640, DW), jnp.float32)
    onesdeg = jnp.ones((CH2, DW), jnp.float32)

    degp = _deg_count(dst2d, zdeg, onesdeg)
    y1, dinv = _mm1(degp, x, W1)
    s1 = _scatter_rows(y1.reshape(NC * N, 128), srcoff, dst2d, z128)
    y2 = _mm_mid(dinv, s1, y1, b1[None, :], Wc, bc[None, :], W2)
    s2 = _scatter_rows(y2.reshape(NC * N, 128), srcoff, dst2d, z128)
    y3 = _mm3(dinv, s2, y2, b2[None, :], W3)
    s3 = _scatter_rows(y3.reshape(NC * N, 128), srcoff, dst2d, z128)
    res = _final(dinv, s3, y3, b3[None, :], Wcls, bcls[None, :])
    return (res, x)

# --- scband reference (transcript-rebuilt; emitter-appended) ---
"""Pipeline reference for scband-ivdetect-simplify-26422638805464 (READ-ONLY COPY).

The authoritative reference and input builder live on the scoring server;
editing this copy changes nothing except your own understanding.
"""

import jax, jax.numpy as jnp
import numpy as np

N = 10000
E = 320000
D_IN = 128
D_OUT = 256


def setup_inputs(seed: int = 0):
    key = jax.random.key(seed)
    ks = jax.random.split(key, 16)
    inp = {}
    inp["x"] = jax.random.normal(ks[0], (N, D_IN), dtype=jnp.float32)
    inp["edge_index"] = jax.random.randint(ks[1], (2, E), 0, N, dtype=jnp.int32)
    # GCNConv 1: in=128 -> out=256
    inp["W1"] = jax.random.normal(ks[2], (D_IN, D_OUT), dtype=jnp.float32) / np.sqrt(D_IN)
    inp["b1"] = jnp.zeros((D_OUT,), dtype=jnp.float32)
    # connect Linear: 256 -> 256
    inp["Wc"] = jax.random.normal(ks[3], (D_OUT, D_OUT), dtype=jnp.float32) / np.sqrt(D_OUT)
    inp["bc"] = jnp.zeros((D_OUT,), dtype=jnp.float32)
    # GCNConv 2: 256 -> 256
    inp["W2"] = jax.random.normal(ks[4], (D_OUT, D_OUT), dtype=jnp.float32) / np.sqrt(D_OUT)
    inp["b2"] = jnp.zeros((D_OUT,), dtype=jnp.float32)
    # GCNConv 3: 256 -> 256
    inp["W3"] = jax.random.normal(ks[5], (D_OUT, D_OUT), dtype=jnp.float32) / np.sqrt(D_OUT)
    inp["b3"] = jnp.zeros((D_OUT,), dtype=jnp.float32)
    # classifier: 256 -> 2
    inp["Wcls"] = jax.random.normal(ks[6], (D_OUT, 2), dtype=jnp.float32) / np.sqrt(D_OUT)
    inp["bcls"] = jnp.zeros((2,), dtype=jnp.float32)
    return inp


def gcn_conv(x, edge_index, W, b):
    # Faithful GCNConv: add self-loops, symmetric normalization, scatter-add aggregation.
    n = x.shape[0]
    src = edge_index[0]
    dst = edge_index[1]
    loop = jnp.arange(n, dtype=src.dtype)
    src = jnp.concatenate([src, loop])
    dst = jnp.concatenate([dst, loop])
    deg = jnp.zeros((n,), dtype=x.dtype).at[dst].add(1.0)
    dinv = jnp.where(deg > 0, jax.lax.rsqrt(deg), 0.0)
    norm = dinv[src] * dinv[dst]
    xw = x @ W
    msg = jnp.take(xw, src, axis=0) * norm[:, None]
    out = jnp.zeros((n, W.shape[1]), dtype=x.dtype).at[dst].add(msg)
    return out + b


def reference(x, edge_index, W1, b1, Wc, bc, W2, b2, W3, b3, Wcls, bcls):
    h = jax.nn.relu(gcn_conv(x, edge_index, W1, b1))
    # dropout(0.3) is identity in eval mode
    h = h @ Wc + bc
    h = jax.nn.relu(gcn_conv(h, edge_index, W2, b2))
    h = gcn_conv(h, edge_index, W3, b3)
    # global max pool with batch = zeros -> single graph
    pooled = jnp.max(h, axis=0, keepdims=True)
    logits = pooled @ Wcls + bcls
    result = jax.nn.softmax(logits, axis=1)
    return (result, x)

if __name__ == "__main__":
    import jax
    _d = setup_inputs()
    print(jax.jit(kernel)(*tuple(_d.values())))

</pallas_src>

<mosaic_0001>
#map = affine_map<(d0, d1) -> (0, 0)>
#map1 = affine_map<(d0, d1) -> (0, 0, 0)>
module attributes {stable_mosaic.version = 14 : i64} {
  func.func @_deg_body(%arg0: i32, %arg1: i32, %arg2: memref<2560x125xi32, #tpu.memory_space<hbm>>, %arg3: memref<640x128xf32, #tpu.memory_space<hbm>>, %arg4: memref<125x128xf32, #tpu.memory_space<hbm>>, %arg5: memref<2x10240x128xf32, #tpu.memory_space<hbm>>, %arg6: memref<8x125xi32, #tpu.memory_space<vmem>>, %arg7: memref<125x128xf32, #tpu.memory_space<vmem>>, %arg8: memref<10240x128xf32, #tpu.memory_space<vmem_shared>>) attributes {dimension_semantics = [#tpu.dimension_semantics<core_parallel>, #tpu.dimension_semantics<subcore_parallel>], iteration_bounds = array<i64: 2, 16>, scalar_prefetch = 0 : i64, scratch_operands = 3 : i64, tpu.core_type = #tpu.core_type<sc_vector_subcore>, window_params = [{transform_indices = #map}, {transform_indices = #map}, {transform_indices = #map}, {transform_indices = #map1}]} {
    %mul3A = arith.constant 640 : i32
    %mul3A_0 = arith.muli %arg1, %mul3A : i32
    "tpu.region"() ({
      %run_scoped3A = tpu.sem_alloc : memref<!tpu.dma_semaphore, #tpu.memory_space<semaphore_mem>>
      %dma_start3A = arith.constant 0 : i32
      %dma_start3A_18 = tpu.memref_slice %arg8[%mul3A_0, %dma_start3A] : memref<10240x128xf32, #tpu.memory_space<vmem_shared>> -> memref<640x128xf32, #tpu.memory_space<vmem_shared>>
      tpu.enqueue_dma source(%arg3 : memref<640x128xf32, #tpu.memory_space<hbm>>) target(%dma_start3A_18 : memref<640x128xf32, #tpu.memory_space<vmem_shared>>) target_semaphore(%run_scoped3A : memref<!tpu.dma_semaphore, #tpu.memory_space<semaphore_mem>>)
      %dma_wait3A = arith.constant 0 : i32
      %dma_wait3A_19 = tpu.memref_slice %arg8[%mul3A_0, %dma_wait3A] : memref<10240x128xf32, #tpu.memory_space<vmem_shared>> -> memref<640x128xf32, #tpu.memory_space<vmem_shared>>
      tpu.wait_dma2 semaphore(%run_scoped3A : memref<!tpu.dma_semaphore, #tpu.memory_space<semaphore_mem>>) src(%arg3 : memref<640x128xf32, #tpu.memory_space<hbm>>) dst(%dma_wait3A_19 : memref<640x128xf32, #tpu.memory_space<vmem_shared>>)
      tpu.yield
    }) : () -> ()
    "tpu.region"() ({
      %run_scoped3A = tpu.sem_alloc : memref<!tpu.dma_semaphore, #tpu.memory_space<semaphore_mem>>
      tpu.enqueue_dma source(%arg4 : memref<125x128xf32, #tpu.memory_space<hbm>>) target(%arg7 : memref<125x128xf32, #tpu.memory_space<vmem>>) target_semaphore(%run_scoped3A : memref<!tpu.dma_semaphore, #tpu.memory_space<semaphore_mem>>)
      tpu.wait_dma2 semaphore(%run_scoped3A : memref<!tpu.dma_semaphore, #tpu.memory_space<semaphore_mem>>) src(%arg4 : memref<125x128xf32, #tpu.memory_space<hbm>>) dst(%arg7 : memref<125x128xf32, #tpu.memory_space<vmem>>)
      tpu.yield
    }) : () -> ()
    %barrier3A = arith.constant 0 : index
    tpu.barrier barrier_id(%barrier3A)
    %mul3A_1 = arith.constant 0 : i32
    %mul3A_2 = arith.muli %arg0, %mul3A_1 : i32
    %sub3A = arith.constant 10 : i32
    %sub3A_3 = arith.subi %sub3A, %mul3A_2 : i32
    %while3A = arith.constant 0 : i32
    %while3A_4 = arith.constant 0 : i32
    %while3A_5 = arith.subi %sub3A_3, %while3A_4 : i32
    %while3A_6 = arith.addi %while3A_4, %while3A_5 : i32
    %while3A_7 = arith.constant 1 : i32
    %while3A_8 = arith.divsi %while3A_5, %while3A_7 : i32
    %while3A_9 = arith.muli %while3A_8, %while3A_7 : i32
    %while3A_10 = arith.addi %while3A_4, %while3A_9 : i32
    %while3A_11 = arith.constant 1 : i32
    scf.for %while3A_18 = %while3A_4 to %while3A_10 step %while3A_11  : i32 {
      %mul3A_19 = arith.constant 160 : i32
      %mul3A_20 = arith.muli %arg1, %mul3A_19 : i32
      %mul3A_21 = arith.constant 2 : i32
      %mul3A_22 = arith.muli %mul3A_21, %while3A_18 : i32
      %add3A = arith.addi %mul3A_22, %arg0 : i32
      %mul3A_23 = arith.constant 8 : i32
      %mul3A_24 = arith.muli %add3A, %mul3A_23 : i32
      %add3A_25 = arith.addi %mul3A_20, %mul3A_24 : i32
      "tpu.region"() ({
        %run_scoped3A_33 = tpu.sem_alloc : memref<!tpu.dma_semaphore, #tpu.memory_space<semaphore_mem>>
        %dma_start3A = arith.constant 0 : i32
        %dma_start3A_34 = tpu.memref_slice %arg2[%add3A_25, %dma_start3A] : memref<2560x125xi32, #tpu.memory_space<hbm>> -> memref<8x125xi32, #tpu.memory_space<hbm>>
        %dma_start3A_35 = arith.constant 0 : i32
        %dma_start3A_36 = tpu.memref_slice %arg2[%add3A_25, %dma_start3A_35] : memref<2560x125xi32, #tpu.memory_space<hbm>> -> memref<8x125xi32, #tpu.memory_space<hbm>>
        tpu.enqueue_dma source(%dma_start3A_36 : memref<8x125xi32, #tpu.memory_space<hbm>>) target(%arg6 : memref<8x125xi32, #tpu.memory_space<vmem>>) target_semaphore(%run_scoped3A_33 : memref<!tpu.dma_semaphore, #tpu.memory_space<semaphore_mem>>)
        %dma_wait3A = arith.constant 0 : i32
        %dma_wait3A_37 = tpu.memref_slice %arg2[%add3A_25, %dma_wait3A] : memref<2560x125xi32, #tpu.memory_space<hbm>> -> memref<8x125xi32, #tpu.memory_space<hbm>>
        %dma_wait3A_38 = arith.constant 0 : i32
        %dma_wait3A_39 = tpu.memref_slice %arg2[%add3A_25, %dma_wait3A_38] : memref<2560x125xi32, #tpu.memory_space<hbm>> -> memref<8x125xi32, #tpu.memory_space<hbm>>
        tpu.wait_dma2 semaphore(%run_scoped3A_33 : memref<!tpu.dma_semaphore, #tpu.memory_space<semaphore_mem>>) src(%dma_wait3A_39 : memref<8x125xi32, #tpu.memory_space<hbm>>) dst(%arg6 : memref<8x125xi32, #tpu.memory_space<vmem>>)
        tpu.yield
      }) : () -> ()
      %run_scoped3A = arith.constant 0 : i32
      "tpu.region"() ({
        %run_scoped3A_33 = tpu.sem_alloc : memref<!tpu.dma_semaphore, #tpu.memory_space<semaphore_mem>>
        %dma_start3A = arith.constant 0 : i32
        %dma_start3A_34 = tpu.memref_slice %arg6[%run_scoped3A, %dma_start3A] : memref<8x125xi32, #tpu.memory_space<vmem>> -> memref<1x125xi32, #tpu.memory_space<vmem>>
        %dma_start3A_35 = tpu.memref_squeeze %dma_start3A_34 : memref<1x125xi32, #tpu.memory_space<vmem>> -> memref<125xi32, #tpu.memory_space<vmem>>
        %dma_start3A_36 = arith.constant 0 : i32
        %dma_start3A_37 = arith.constant 0 : i32
        %dma_start3A_38 = tpu.memref_slice %arg8[%dma_start3A_36, %dma_start3A_37] : memref<10240x128xf32, #tpu.memory_space<vmem_shared>> -> memref<10240x128xf32, #tpu.memory_space<vmem_shared>>
        tpu.enqueue_indirect_dma source(%arg7 : memref<125x128xf32, #tpu.memory_space<vmem>>) target(%dma_start3A_38 : memref<10240x128xf32, #tpu.memory_space<vmem_shared>>) offsets(%dma_start3A_35 : memref<125xi32, #tpu.memory_space<vmem>>) semaphore(%run_scoped3A_33 : memref<!tpu.dma_semaphore, #tpu.memory_space<semaphore_mem>>) {add = true}
        %dma_wait3A = arith.constant 0 : i32
        %dma_wait3A_39 = tpu.memref_slice %arg6[%run_scoped3A, %dma_wait3A] : memref<8x125xi32, #tpu.memory_space<vmem>> -> memref<1x125xi32, #tpu.memory_space<vmem>>
        %dma_wait3A_40 = tpu.memref_squeeze %dma_wait3A_39 : memref<1x125xi32, #tpu.memory_space<vmem>> -> memref<125xi32, #tpu.memory_space<vmem>>
        %dma_wait3A_41 = arith.constant 0 : i32
        %dma_wait3A_42 = arith.constant 0 : i32
        %dma_wait3A_43 = tpu.memref_slice %arg8[%dma_wait3A_41, %dma_wait3A_42] : memref<10240x128xf32, #tpu.memory_space<vmem_shared>> -> memref<10240x128xf32, #tpu.memory_space<vmem_shared>>
        tpu.wait_indirect_dma semaphore(%run_scoped3A_33 : memref<!tpu.dma_semaphore, #tpu.memory_space<semaphore_mem>>) src(%arg7 : memref<125x128xf32, #tpu.memory_space<vmem>>) dst(%dma_wait3A_43 : memref<10240x128xf32, #tpu.memory_space<vmem_shared>>)
        tpu.yield
      }) : () -> ()
      %run_scoped3A_26 = arith.constant 1 : i32
      "tpu.region"() ({
        %run_scoped3A_33 = tpu.sem_alloc : memref<!tpu.dma_semaphore, #tpu.memory_space<semaphore_mem>>
        %dma_start3A = arith.constant 0 : i32
        %dma_start3A_34 = tpu.memref_slice %arg6[%run_scoped3A_26, %dma_start3A] : memref<8x125xi32, #tpu.memory_space<vmem>> -> memref<1x125xi32, #tpu.memory_space<vmem>>
        %dma_start3A_35 = tpu.memref_squeeze %dma_start3A_34 : memref<1x125xi32, #tpu.memory_space<vmem>> -> memref<125xi32, #tpu.memory_space<vmem>>
        %dma_start3A_36 = arith.constant 0 : i32
        %dma_start3A_37 = arith.constant 0 : i32
        %dma_start3A_38 = tpu.memref_slice %arg8[%dma_start3A_36, %dma_start3A_37] : memref<10240x128xf32, #tpu.memory_space<vmem_shared>> -> memref<10240x128xf32, #tpu.memory_space<vmem_shared>>
        tpu.enqueue_indirect_dma source(%arg7 : memref<125x128xf32, #tpu.memory_space<vmem>>) target(%dma_start3A_38 : memref<10240x128xf32, #tpu.memory_space<vmem_shared>>) offsets(%dma_start3A_35 : memref<125xi32, #tpu.memory_space<vmem>>) semaphore(%run_scoped3A_33 : memref<!tpu.dma_semaphore, #tpu.memory_space<semaphore_mem>>) {add = true}
        %dma_wait3A = arith.constant 0 : i32
        %dma_wait3A_39 = tpu.memref_slice %arg6[%run_scoped3A_26, %dma_wait3A] : memref<8x125xi32, #tpu.memory_space<vmem>> -> memref<1x125xi32, #tpu.memory_space<vmem>>
        %dma_wait3A_40 = tpu.memref_squeeze %dma_wait3A_39 : memref<1x125xi32, #tpu.memory_space<vmem>> -> memref<125xi32, #tpu.memory_space<vmem>>
        %dma_wait3A_41 = arith.constant 0 : i32
        %dma_wait3A_42 = arith.constant 0 : i32
        %dma_wait3A_43 = tpu.memref_slice %arg8[%dma_wait3A_41, %dma_wait3A_42] : memref<10240x128xf32, #tpu.memory_space<vmem_shared>> -> memref<10240x128xf32, #tpu.memory_space<vmem_shared>>
        tpu.wait_indirect_dma semaphore(%run_scoped3A_33 : memref<!tpu.dma_semaphore, #tpu.memory_space<semaphore_mem>>) src(%arg7 : memref<125x128xf32, #tpu.memory_space<vmem>>) dst(%dma_wait3A_43 : memref<10240x128xf32, #tpu.memory_space<vmem_shared>>)
        tpu.yield
      }) : () -> ()
      %run_scoped3A_27 = arith.constant 2 : i32
      "tpu.region"() ({
        %run_scoped3A_33 = tpu.sem_alloc : memref<!tpu.dma_semaphore, #tpu.memory_space<semaphore_mem>>
        %dma_start3A = arith.constant 0 : i32
        %dma_start3A_34 = tpu.memref_slice %arg6[%run_scoped3A_27, %dma_start3A] : memref<8x125xi32, #tpu.memory_space<vmem>> -> memref<1x125xi32, #tpu.memory_space<vmem>>
        %dma_start3A_35 = tpu.memref_squeeze %dma_start3A_34 : memref<1x125xi32, #tpu.memory_space<vmem>> -> memref<125xi32, #tpu.memory_space<vmem>>
        %dma_start3A_36 = arith.constant 0 : i32
        %dma_start3A_37 = arith.constant 0 : i32
        %dma_start3A_38 = tpu.memref_slice %arg8[%dma_start3A_36, %dma_start3A_37] : memref<10240x128xf32, #tpu.memory_space<vmem_shared>> -> memref<10240x128xf32, #tpu.memory_space<vmem_shared>>
        tpu.enqueue_indirect_dma source(%arg7 : memref<125x128xf32, #tpu.memory_space<vmem>>) target(%dma_start3A_38 : memref<10240x128xf32, #tpu.memory_space<vmem_shared>>) offsets(%dma_start3A_35 : memref<125xi32, #tpu.memory_space<vmem>>) semaphore(%run_scoped3A_33 : memref<!tpu.dma_semaphore, #tpu.memory_space<semaphore_mem>>) {add = true}
        %dma_wait3A = arith.constant 0 : i32
        %dma_wait3A_39 = tpu.memref_slice %arg6[%run_scoped3A_27, %dma_wait3A] : memref<8x125xi32, #tpu.memory_space<vmem>> -> memref<1x125xi32, #tpu.memory_space<vmem>>
        %dma_wait3A_40 = tpu.memref_squeeze %dma_wait3A_39 : memref<1x125xi32, #tpu.memory_space<vmem>> -> memref<125xi32, #tpu.memory_space<vmem>>
        %dma_wait3A_41 = arith.constant 0 : i32
        %dma_wait3A_42 = arith.constant 0 : i32
        %dma_wait3A_43 = tpu.memref_slice %arg8[%dma_wait3A_41, %dma_wait3A_42] : memref<10240x128xf32, #tpu.memory_space<vmem_shared>> -> memref<10240x128xf32, #tpu.memory_space<vmem_shared>>
        tpu.wait_indirect_dma semaphore(%run_scoped3A_33 : memref<!tpu.dma_semaphore, #tpu.memory_space<semaphore_mem>>) src(%arg7 : memref<125x128xf32, #tpu.memory_space<vmem>>) dst(%dma_wait3A_43 : memref<10240x128xf32, #tpu.memory_space<vmem_shared>>)
        tpu.yield
      }) : () -> ()
      %run_scoped3A_28 = arith.constant 3 : i32
      "tpu.region"() ({
        %run_scoped3A_33 = tpu.sem_alloc : memref<!tpu.dma_semaphore, #tpu.memory_space<semaphore_mem>>
        %dma_start3A = arith.constant 0 : i32
        %dma_start3A_34 = tpu.memref_slice %arg6[%run_scoped3A_28, %dma_start3A] : memref<8x125xi32, #tpu.memory_space<vmem>> -> memref<1x125xi32, #tpu.memory_space<vmem>>
        %dma_start3A_35 = tpu.memref_squeeze %dma_start3A_34 : memref<1x125xi32, #tpu.memory_space<vmem>> -> memref<125xi32, #tpu.memory_space<vmem>>
        %dma_start3A_36 = arith.constant 0 : i32
        %dma_start3A_37 = arith.constant 0 : i32
        %dma_start3A_38 = tpu.memref_slice %arg8[%dma_start3A_36, %dma_start3A_37] : memref<10240x128xf32, #tpu.memory_space<vmem_shared>> -> memref<10240x128xf32, #tpu.memory_space<vmem_shared>>
        tpu.enqueue_indirect_dma source(%arg7 : memref<125x128xf32, #tpu.memory_space<vmem>>) target(%dma_start3A_38 : memref<10240x128xf32, #tpu.memory_space<vmem_shared>>) offsets(%dma_start3A_35 : memref<125xi32, #tpu.memory_space<vmem>>) semaphore(%run_scoped3A_33 : memref<!tpu.dma_semaphore, #tpu.memory_space<semaphore_mem>>) {add = true}
        %dma_wait3A = arith.constant 0 : i32
        %dma_wait3A_39 = tpu.memref_slice %arg6[%run_scoped3A_28, %dma_wait3A] : memref<8x125xi32, #tpu.memory_space<vmem>> -> memref<1x125xi32, #tpu.memory_space<vmem>>
        %dma_wait3A_40 = tpu.memref_squeeze %dma_wait3A_39 : memref<1x125xi32, #tpu.memory_space<vmem>> -> memref<125xi32, #tpu.memory_space<vmem>>
        %dma_wait3A_41 = arith.constant 0 : i32
        %dma_wait3A_42 = arith.constant 0 : i32
        %dma_wait3A_43 = tpu.memref_slice %arg8[%dma_wait3A_41, %dma_wait3A_42] : memref<10240x128xf32, #tpu.memory_space<vmem_shared>> -> memref<10240x128xf32, #tpu.memory_space<vmem_shared>>
        tpu.wait_indirect_dma semaphore(%run_scoped3A_33 : memref<!tpu.dma_semaphore, #tpu.memory_space<semaphore_mem>>) src(%arg7 : memref<125x128xf32, #tpu.memory_space<vmem>>) dst(%dma_wait3A_43 : memref<10240x128xf32, #tpu.memory_space<vmem_shared>>)
        tpu.yield
      }) : () -> ()
      %run_scoped3A_29 = arith.constant 4 : i32
      "tpu.region"() ({
        %run_scoped3A_33 = tpu.sem_alloc : memref<!tpu.dma_semaphore, #tpu.memory_space<semaphore_mem>>
        %dma_start3A = arith.constant 0 : i32
        %dma_start3A_34 = tpu.memref_slice %arg6[%run_scoped3A_29, %dma_start3A] : memref<8x125xi32, #tpu.memory_space<vmem>> -> memref<1x125xi32, #tpu.memory_space<vmem>>
        %dma_start3A_35 = tpu.memref_squeeze %dma_start3A_34 : memref<1x125xi32, #tpu.memory_space<vmem>> -> memref<125xi32, #tpu.memory_space<vmem>>
        %dma_start3A_36 = arith.constant 0 : i32
        %dma_start3A_37 = arith.constant 0 : i32
        %dma_start3A_38 = tpu.memref_slice %arg8[%dma_start3A_36, %dma_start3A_37] : memref<10240x128xf32, #tpu.memory_space<vmem_shared>> -> memref<10240x128xf32, #tpu.memory_space<vmem_shared>>
        tpu.enqueue_indirect_dma source(%arg7 : memref<125x128xf32, #tpu.memory_space<vmem>>) target(%dma_start3A_38 : memref<10240x128xf32, #tpu.memory_space<vmem_shared>>) offsets(%dma_start3A_35 : memref<125xi32, #tpu.memory_space<vmem>>) semaphore(%run_scoped3A_33 : memref<!tpu.dma_semaphore, #tpu.memory_space<semaphore_mem>>) {add = true}
        %dma_wait3A = arith.constant 0 : i32
        %dma_wait3A_39 = tpu.memref_slice %arg6[%run_scoped3A_29, %dma_wait3A] : memref<8x125xi32, #tpu.memory_space<vmem>> -> memref<1x125xi32, #tpu.memory_space<vmem>>
        %dma_wait3A_40 = tpu.memref_squeeze %dma_wait3A_39 : memref<1x125xi32, #tpu.memory_space<vmem>> -> memref<125xi32, #tpu.memory_space<vmem>>
        %dma_wait3A_41 = arith.constant 0 : i32
        %dma_wait3A_42 = arith.constant 0 : i32
        %dma_wait3A_43 = tpu.memref_slice %arg8[%dma_wait3A_41, %dma_wait3A_42] : memref<10240x128xf32, #tpu.memory_space<vmem_shared>> -> memref<10240x128xf32, #tpu.memory_space<vmem_shared>>
        tpu.wait_indirect_dma semaphore(%run_scoped3A_33 : memref<!tpu.dma_semaphore, #tpu.memory_space<semaphore_mem>>) src(%arg7 : memref<125x128xf32, #tpu.memory_space<vmem>>) dst(%dma_wait3A_43 : memref<10240x128xf32, #tpu.memory_space<vmem_shared>>)
        tpu.yield
      }) : () -> ()
      %run_scoped3A_30 = arith.constant 5 : i32
      "tpu.region"() ({
        %run_scoped3A_33 = tpu.sem_alloc : memref<!tpu.dma_semaphore, #tpu.memory_space<semaphore_mem>>
        %dma_start3A = arith.constant 0 : i32
        %dma_start3A_34 = tpu.memref_slice %arg6[%run_scoped3A_30, %dma_start3A] : memref<8x125xi32, #tpu.memory_space<vmem>> -> memref<1x125xi32, #tpu.memory_space<vmem>>
        %dma_start3A_35 = tpu.memref_squeeze %dma_start3A_34 : memref<1x125xi32, #tpu.memory_space<vmem>> -> memref<125xi32, #tpu.memory_space<vmem>>
        %dma_start3A_36 = arith.constant 0 : i32
        %dma_start3A_37 = arith.constant 0 : i32
        %dma_start3A_38 = tpu.memref_slice %arg8[%dma_start3A_36, %dma_start3A_37] : memref<10240x128xf32, #tpu.memory_space<vmem_shared>> -> memref<10240x128xf32, #tpu.memory_space<vmem_shared>>
        tpu.enqueue_indirect_dma source(%arg7 : memref<125x128xf32, #tpu.memory_space<vmem>>) target(%dma_start3A_38 : memref<10240x128xf32, #tpu.memory_space<vmem_shared>>) offsets(%dma_start3A_35 : memref<125xi32, #tpu.memory_space<vmem>>) semaphore(%run_scoped3A_33 : memref<!tpu.dma_semaphore, #tpu.memory_space<semaphore_mem>>) {add = true}
        %dma_wait3A = arith.constant 0 : i32
        %dma_wait3A_39 = tpu.memref_slice %arg6[%run_scoped3A_30, %dma_wait3A] : memref<8x125xi32, #tpu.memory_space<vmem>> -> memref<1x125xi32, #tpu.memory_space<vmem>>
        %dma_wait3A_40 = tpu.memref_squeeze %dma_wait3A_39 : memref<1x125xi32, #tpu.memory_space<vmem>> -> memref<125xi32, #tpu.memory_space<vmem>>
        %dma_wait3A_41 = arith.constant 0 : i32
        %dma_wait3A_42 = arith.constant 0 : i32
        %dma_wait3A_43 = tpu.memref_slice %arg8[%dma_wait3A_41, %dma_wait3A_42] : memref<10240x128xf32, #tpu.memory_space<vmem_shared>> -> memref<10240x128xf32, #tpu.memory_space<vmem_shared>>
        tpu.wait_indirect_dma semaphore(%run_scoped3A_33 : memref<!tpu.dma_semaphore, #tpu.memory_space<semaphore_mem>>) src(%arg7 : memref<125x128xf32, #tpu.memory_space<vmem>>) dst(%dma_wait3A_43 : memref<10240x128xf32, #tpu.memory_space<vmem_shared>>)
        tpu.yield
      }) : () -> ()
      %run_scoped3A_31 = arith.constant 6 : i32
      "tpu.region"() ({
        %run_scoped3A_33 = tpu.sem_alloc : memref<!tpu.dma_semaphore, #tpu.memory_space<semaphore_mem>>
        %dma_start3A = arith.constant 0 : i32
        %dma_start3A_34 = tpu.memref_slice %arg6[%run_scoped3A_31, %dma_start3A] : memref<8x125xi32, #tpu.memory_space<vmem>> -> memref<1x125xi32, #tpu.memory_space<vmem>>
        %dma_start3A_35 = tpu.memref_squeeze %dma_start3A_34 : memref<1x125xi32, #tpu.memory_space<vmem>> -> memref<125xi32, #tpu.memory_space<vmem>>
        %dma_start3A_36 = arith.constant 0 : i32
        %dma_start3A_37 = arith.constant 0 : i32
        %dma_start3A_38 = tpu.memref_slice %arg8[%dma_start3A_36, %dma_start3A_37] : memref<10240x128xf32, #tpu.memory_space<vmem_shared>> -> memref<10240x128xf32, #tpu.memory_space<vmem_shared>>
        tpu.enqueue_indirect_dma source(%arg7 : memref<125x128xf32, #tpu.memory_space<vmem>>) target(%dma_start3A_38 : memref<10240x128xf32, #tpu.memory_space<vmem_shared>>) offsets(%dma_start3A_35 : memref<125xi32, #tpu.memory_space<vmem>>) semaphore(%run_scoped3A_33 : memref<!tpu.dma_semaphore, #tpu.memory_space<semaphore_mem>>) {add = true}
        %dma_wait3A = arith.constant 0 : i32
        %dma_wait3A_39 = tpu.memref_slice %arg6[%run_scoped3A_31, %dma_wait3A] : memref<8x125xi32, #tpu.memory_space<vmem>> -> memref<1x125xi32, #tpu.memory_space<vmem>>
        %dma_wait3A_40 = tpu.memref_squeeze %dma_wait3A_39 : memref<1x125xi32, #tpu.memory_space<vmem>> -> memref<125xi32, #tpu.memory_space<vmem>>
        %dma_wait3A_41 = arith.constant 0 : i32
        %dma_wait3A_42 = arith.constant 0 : i32
        %dma_wait3A_43 = tpu.memref_slice %arg8[%dma_wait3A_41, %dma_wait3A_42] : memref<10240x128xf32, #tpu.memory_space<vmem_shared>> -> memref<10240x128xf32, #tpu.memory_space<vmem_shared>>
        tpu.wait_indirect_dma semaphore(%run_scoped3A_33 : memref<!tpu.dma_semaphore, #tpu.memory_space<semaphore_mem>>) src(%arg7 : memref<125x128xf32, #tpu.memory_space<vmem>>) dst(%dma_wait3A_43 : memref<10240x128xf32, #tpu.memory_space<vmem_shared>>)
        tpu.yield
      }) : () -> ()
      %run_scoped3A_32 = arith.constant 7 : i32
      "tpu.region"() ({
        %run_scoped3A_33 = tpu.sem_alloc : memref<!tpu.dma_semaphore, #tpu.memory_space<semaphore_mem>>
        %dma_start3A = arith.constant 0 : i32
        %dma_start3A_34 = tpu.memref_slice %arg6[%run_scoped3A_32, %dma_start3A] : memref<8x125xi32, #tpu.memory_space<vmem>> -> memref<1x125xi32, #tpu.memory_space<vmem>>
        %dma_start3A_35 = tpu.memref_squeeze %dma_start3A_34 : memref<1x125xi32, #tpu.memory_space<vmem>> -> memref<125xi32, #tpu.memory_space<vmem>>
        %dma_start3A_36 = arith.constant 0 : i32
        %dma_start3A_37 = arith.constant 0 : i32
        %dma_start3A_38 = tpu.memref_slice %arg8[%dma_start3A_36, %dma_start3A_37] : memref<10240x128xf32, #tpu.memory_space<vmem_shared>> -> memref<10240x128xf32, #tpu.memory_space<vmem_shared>>
        tpu.enqueue_indirect_dma source(%arg7 : memref<125x128xf32, #tpu.memory_space<vmem>>) target(%dma_start3A_38 : memref<10240x128xf32, #tpu.memory_space<vmem_shared>>) offsets(%dma_start3A_35 : memref<125xi32, #tpu.memory_space<vmem>>) semaphore(%run_scoped3A_33 : memref<!tpu.dma_semaphore, #tpu.memory_space<semaphore_mem>>) {add = true}
        %dma_wait3A = arith.constant 0 : i32
        %dma_wait3A_39 = tpu.memref_slice %arg6[%run_scoped3A_32, %dma_wait3A] : memref<8x125xi32, #tpu.memory_space<vmem>> -> memref<1x125xi32, #tpu.memory_space<vmem>>
        %dma_wait3A_40 = tpu.memref_squeeze %dma_wait3A_39 : memref<1x125xi32, #tpu.memory_space<vmem>> -> memref<125xi32, #tpu.memory_space<vmem>>
        %dma_wait3A_41 = arith.constant 0 : i32
        %dma_wait3A_42 = arith.constant 0 : i32
        %dma_wait3A_43 = tpu.memref_slice %arg8[%dma_wait3A_41, %dma_wait3A_42] : memref<10240x128xf32, #tpu.memory_space<vmem_shared>> -> memref<10240x128xf32, #tpu.memory_space<vmem_shared>>
        tpu.wait_indirect_dma semaphore(%run_scoped3A_33 : memref<!tpu.dma_semaphore, #tpu.memory_space<semaphore_mem>>) src(%arg7 : memref<125x128xf32, #tpu.memory_space<vmem>>) dst(%dma_wait3A_43 : memref<10240x128xf32, #tpu.memory_space<vmem_shared>>)
        tpu.yield
      }) : () -> ()
    }
    %while3A_12 = arith.constant 1 : i32
    scf.for %while3A_18 = %while3A_10 to %while3A_6 step %while3A_12  : i32 {
      %mul3A_19 = arith.constant 160 : i32
      %mul3A_20 = arith.muli %arg1, %mul3A_19 : i32
      %mul3A_21 = arith.constant 2 : i32
      %mul3A_22 = arith.muli %mul3A_21, %while3A_18 : i32
      %add3A = arith.addi %mul3A_22, %arg0 : i32
      %mul3A_23 = arith.constant 8 : i32
      %mul3A_24 = arith.muli %add3A, %mul3A_23 : i32
      %add3A_25 = arith.addi %mul3A_20, %mul3A_24 : i32
      "tpu.region"() ({
        %run_scoped3A_33 = tpu.sem_alloc : memref<!tpu.dma_semaphore, #tpu.memory_space<semaphore_mem>>
        %dma_start3A = arith.constant 0 : i32
        %dma_start3A_34 = tpu.memref_slice %arg2[%add3A_25, %dma_start3A] : memref<2560x125xi32, #tpu.memory_space<hbm>> -> memref<8x125xi32, #tpu.memory_space<hbm>>
        %dma_start3A_35 = arith.constant 0 : i32
        %dma_start3A_36 = tpu.memref_slice %arg2[%add3A_25, %dma_start3A_35] : memref<2560x125xi32, #tpu.memory_space<hbm>> -> memref<8x125xi32, #tpu.memory_space<hbm>>
        tpu.enqueue_dma source(%dma_start3A_36 : memref<8x125xi32, #tpu.memory_space<hbm>>) target(%arg6 : memref<8x125xi32, #tpu.memory_space<vmem>>) target_semaphore(%run_scoped3A_33 : memref<!tpu.dma_semaphore, #tpu.memory_space<semaphore_mem>>)
        %dma_wait3A = arith.constant 0 : i32
        %dma_wait3A_37 = tpu.memref_slice %arg2[%add3A_25, %dma_wait3A] : memref<2560x125xi32, #tpu.memory_space<hbm>> -> memref<8x125xi32, #tpu.memory_space<hbm>>
        %dma_wait3A_38 = arith.constant 0 : i32
        %dma_wait3A_39 = tpu.memref_slice %arg2[%add3A_25, %dma_wait3A_38] : memref<2560x125xi32, #tpu.memory_space<hbm>> -> memref<8x125xi32, #tpu.memory_space<hbm>>
        tpu.wait_dma2 semaphore(%run_scoped3A_33 : memref<!tpu.dma_semaphore, #tpu.memory_space<semaphore_mem>>) src(%dma_wait3A_39 : memref<8x125xi32, #tpu.memory_space<hbm>>) dst(%arg6 : memref<8x125xi32, #tpu.memory_space<vmem>>)
        tpu.yield
      }) : () -> ()
      %run_scoped3A = arith.constant 0 : i32
      "tpu.region"() ({
        %run_scoped3A_33 = tpu.sem_alloc : memref<!tpu.dma_semaphore, #tpu.memory_space<semaphore_mem>>
        %dma_start3A = arith.constant 0 : i32
        %dma_start3A_34 = tpu.memref_slice %arg6[%run_scoped3A, %dma_start3A] : memref<8x125xi32, #tpu.memory_space<vmem>> -> memref<1x125xi32, #tpu.memory_space<vmem>>
        %dma_start3A_35 = tpu.memref_squeeze %dma_start3A_34 : memref<1x125xi32, #tpu.memory_space<vmem>> -> memref<125xi32, #tpu.memory_space<vmem>>
        %dma_start3A_36 = arith.constant 0 : i32
        %dma_start3A_37 = arith.constant 0 : i32
        %dma_start3A_38 = tpu.memref_slice %arg8[%dma_start3A_36, %dma_start3A_37] : memref<10240x128xf32, #tpu.memory_space<vmem_shared>> -> memref<10240x128xf32, #tpu.memory_space<vmem_shared>>
        tpu.enqueue_indirect_dma source(%arg7 : memref<125x128xf32, #tpu.memory_space<vmem>>) target(%dma_start3A_38 : memref<10240x128xf32, #tpu.memory_space<vmem_shared>>) offsets(%dma_start3A_35 : memref<125xi32, #tpu.memory_space<vmem>>) semaphore(%run_scoped3A_33 : memref<!tpu.dma_semaphore, #tpu.memory_space<semaphore_mem>>) {add = true}
        %dma_wait3A = arith.constant 0 : i32
        %dma_wait3A_39 = tpu.memref_slice %arg6[%run_scoped3A, %dma_wait3A] : memref<8x125xi32, #tpu.memory_space<vmem>> -> memref<1x125xi32, #tpu.memory_space<vmem>>
        %dma_wait3A_40 = tpu.memref_squeeze %dma_wait3A_39 : memref<1x125xi32, #tpu.memory_space<vmem>> -> memref<125xi32, #tpu.memory_space<vmem>>
        %dma_wait3A_41 = arith.constant 0 : i32
        %dma_wait3A_42 = arith.constant 0 : i32
        %dma_wait3A_43 = tpu.memref_slice %arg8[%dma_wait3A_41, %dma_wait3A_42] : memref<10240x128xf32, #tpu.memory_space<vmem_shared>> -> memref<10240x128xf32, #tpu.memory_space<vmem_shared>>
        tpu.wait_indirect_dma semaphore(%run_scoped3A_33 : memref<!tpu.dma_semaphore, #tpu.memory_space<semaphore_mem>>) src(%arg7 : memref<125x128xf32, #tpu.memory_space<vmem>>) dst(%dma_wait3A_43 : memref<10240x128xf32, #tpu.memory_space<vmem_shared>>)
        tpu.yield
      }) : () -> ()
      %run_scoped3A_26 = arith.constant 1 : i32
      "tpu.region"() ({
        %run_scoped3A_33 = tpu.sem_alloc : memref<!tpu.dma_semaphore, #tpu.memory_space<semaphore_mem>>
        %dma_start3A = arith.constant 0 : i32
        %dma_start3A_34 = tpu.memref_slice %arg6[%run_scoped3A_26, %dma_start3A] : memref<8x125xi32, #tpu.memory_space<vmem>> -> memref<1x125xi32, #tpu.memory_space<vmem>>
        %dma_start3A_35 = tpu.memref_squeeze %dma_start3A_34 : memref<1x125xi32, #tpu.memory_space<vmem>> -> memref<125xi32, #tpu.memory_space<vmem>>
        %dma_start3A_36 = arith.constant 0 : i32
        %dma_start3A_37 = arith.constant 0 : i32
        %dma_start3A_38 = tpu.memref_slice %arg8[%dma_start3A_36, %dma_start3A_37] : memref<10240x128xf32, #tpu.memory_space<vmem_shared>> -> memref<10240x128xf32, #tpu.memory_space<vmem_shared>>
        tpu.enqueue_indirect_dma source(%arg7 : memref<125x128xf32, #tpu.memory_space<vmem>>) target(%dma_start3A_38 : memref<10240x128xf32, #tpu.memory_space<vmem_shared>>) offsets(%dma_start3A_35 : memref<125xi32, #tpu.memory_space<vmem>>) semaphore(%run_scoped3A_33 : memref<!tpu.dma_semaphore, #tpu.memory_space<semaphore_mem>>) {add = true}
        %dma_wait3A = arith.constant 0 : i32
        %dma_wait3A_39 = tpu.memref_slice %arg6[%run_scoped3A_26, %dma_wait3A] : memref<8x125xi32, #tpu.memory_space<vmem>> -> memref<1x125xi32, #tpu.memory_space<vmem>>
        %dma_wait3A_40 = tpu.memref_squeeze %dma_wait3A_39 : memref<1x125xi32, #tpu.memory_space<vmem>> -> memref<125xi32, #tpu.memory_space<vmem>>
        %dma_wait3A_41 = arith.constant 0 : i32
        %dma_wait3A_42 = arith.constant 0 : i32
        %dma_wait3A_43 = tpu.memref_slice %arg8[%dma_wait3A_41, %dma_wait3A_42] : memref<10240x128xf32, #tpu.memory_space<vmem_shared>> -> memref<10240x128xf32, #tpu.memory_space<vmem_shared>>
        tpu.wait_indirect_dma semaphore(%run_scoped3A_33 : memref<!tpu.dma_semaphore, #tpu.memory_space<semaphore_mem>>) src(%arg7 : memref<125x128xf32, #tpu.memory_space<vmem>>) dst(%dma_wait3A_43 : memref<10240x128xf32, #tpu.memory_space<vmem_shared>>)
        tpu.yield
      }) : () -> ()
      %run_scoped3A_27 = arith.constant 2 : i32
      "tpu.region"() ({
        %run_scoped3A_33 = tpu.sem_alloc : memref<!tpu.dma_semaphore, #tpu.memory_space<semaphore_mem>>
        %dma_start3A = arith.constant 0 : i32
        %dma_start3A_34 = tpu.memref_slice %arg6[%run_scoped3A_27, %dma_start3A] : memref<8x125xi32, #tpu.memory_space<vmem>> -> memref<1x125xi32, #tpu.memory_space<vmem>>
        %dma_start3A_35 = tpu.memref_squeeze %dma_start3A_34 : memref<1x125xi32, #tpu.memory_space<vmem>> -> memref<125xi32, #tpu.memory_space<vmem>>
        %dma_start3A_36 = arith.constant 0 : i32
        %dma_start3A_37 = arith.constant 0 : i32
        %dma_start3A_38 = tpu.memref_slice %arg8[%dma_start3A_36, %dma_start3A_37] : memref<10240x128xf32, #tpu.memory_space<vmem_shared>> -> memref<10240x128xf32, #tpu.memory_space<vmem_shared>>
        tpu.enqueue_indirect_dma source(%arg7 : memref<125x128xf32, #tpu.memory_space<vmem>>) target(%dma_start3A_38 : memref<10240x128xf32, #tpu.memory_space<vmem_shared>>) offsets(%dma_start3A_35 : memref<125xi32, #tpu.memory_space<vmem>>) semaphore(%run_scoped3A_33 : memref<!tpu.dma_semaphore, #tpu.memory_space<semaphore_mem>>) {add = true}
        %dma_wait3A = arith.constant 0 : i32
        %dma_wait3A_39 = tpu.memref_slice %arg6[%run_scoped3A_27, %dma_wait3A] : memref<8x125xi32, #tpu.memory_space<vmem>> -> memref<1x125xi32, #tpu.memory_space<vmem>>
        %dma_wait3A_40 = tpu.memref_squeeze %dma_wait3A_39 : memref<1x125xi32, #tpu.memory_space<vmem>> -> memref<125xi32, #tpu.memory_space<vmem>>
        %dma_wait3A_41 = arith.constant 0 : i32
        %dma_wait3A_42 = arith.constant 0 : i32
        %dma_wait3A_43 = tpu.memref_slice %arg8[%dma_wait3A_41, %dma_wait3A_42] : memref<10240x128xf32, #tpu.memory_space<vmem_shared>> -> memref<10240x128xf32, #tpu.memory_space<vmem_shared>>
        tpu.wait_indirect_dma semaphore(%run_scoped3A_33 : memref<!tpu.dma_semaphore, #tpu.memory_space<semaphore_mem>>) src(%arg7 : memref<125x128xf32, #tpu.memory_space<vmem>>) dst(%dma_wait3A_43 : memref<10240x128xf32, #tpu.memory_space<vmem_shared>>)
        tpu.yield
      }) : () -> ()
      %run_scoped3A_28 = arith.constant 3 : i32
      "tpu.region"() ({
        %run_scoped3A_33 = tpu.sem_alloc : memref<!tpu.dma_semaphore, #tpu.memory_space<semaphore_mem>>
        %dma_start3A = arith.constant 0 : i32
        %dma_start3A_34 = tpu.memref_slice %arg6[%run_scoped3A_28, %dma_start3A] : memref<8x125xi32, #tpu.memory_space<vmem>> -> memref<1x125xi32, #tpu.memory_space<vmem>>
        %dma_start3A_35 = tpu.memref_squeeze %dma_start3A_34 : memref<1x125xi32, #tpu.memory_space<vmem>> -> memref<125xi32, #tpu.memory_space<vmem>>
        %dma_start3A_36 = arith.constant 0 : i32
        %dma_start3A_37 = arith.constant 0 : i32
        %dma_start3A_38 = tpu.memref_slice %arg8[%dma_start3A_36, %dma_start3A_37] : memref<10240x128xf32, #tpu.memory_space<vmem_shared>> -> memref<10240x128xf32, #tpu.memory_space<vmem_shared>>
        tpu.enqueue_indirect_dma source(%arg7 : memref<125x128xf32, #tpu.memory_space<vmem>>) target(%dma_start3A_38 : memref<10240x128xf32, #tpu.memory_space<vmem_shared>>) offsets(%dma_start3A_35 : memref<125xi32, #tpu.memory_space<vmem>>) semaphore(%run_scoped3A_33 : memref<!tpu.dma_semaphore, #tpu.memory_space<semaphore_mem>>) {add = true}
        %dma_wait3A = arith.constant 0 : i32
        %dma_wait3A_39 = tpu.memref_slice %arg6[%run_scoped3A_28, %dma_wait3A] : memref<8x125xi32, #tpu.memory_space<vmem>> -> memref<1x125xi32, #tpu.memory_space<vmem>>
        %dma_wait3A_40 = tpu.memref_squeeze %dma_wait3A_39 : memref<1x125xi32, #tpu.memory_space<vmem>> -> memref<125xi32, #tpu.memory_space<vmem>>
        %dma_wait3A_41 = arith.constant 0 : i32
        %dma_wait3A_42 = arith.constant 0 : i32
        %dma_wait3A_43 = tpu.memref_slice %arg8[%dma_wait3A_41, %dma_wait3A_42] : memref<10240x128xf32, #tpu.memory_space<vmem_shared>> -> memref<10240x128xf32, #tpu.memory_space<vmem_shared>>
        tpu.wait_indirect_dma semaphore(%run_scoped3A_33 : memref<!tpu.dma_semaphore, #tpu.memory_space<semaphore_mem>>) src(%arg7 : memref<125x128xf32, #tpu.memory_space<vmem>>) dst(%dma_wait3A_43 : memref<10240x128xf32, #tpu.memory_space<vmem_shared>>)
        tpu.yield
      }) : () -> ()
      %run_scoped3A_29 = arith.constant 4 : i32
      "tpu.region"() ({
        %run_scoped3A_33 = tpu.sem_alloc : memref<!tpu.dma_semaphore, #tpu.memory_space<semaphore_mem>>
        %dma_start3A = arith.constant 0 : i32
        %dma_start3A_34 = tpu.memref_slice %arg6[%run_scoped3A_29, %dma_start3A] : memref<8x125xi32, #tpu.memory_space<vmem>> -> memref<1x125xi32, #tpu.memory_space<vmem>>
        %dma_start3A_35 = tpu.memref_squeeze %dma_start3A_34 : memref<1x125xi32, #tpu.memory_space<vmem>> -> memref<125xi32, #tpu.memory_space<vmem>>
        %dma_start3A_36 = arith.constant 0 : i32
        %dma_start3A_37 = arith.constant 0 : i32
        %dma_start3A_38 = tpu.memref_slice %arg8[%dma_start3A_36, %dma_start3A_37] : memref<10240x128xf32, #tpu.memory_space<vmem_shared>> -> memref<10240x128xf32, #tpu.memory_space<vmem_shared>>
        tpu.enqueue_indirect_dma source(%arg7 : memref<125x128xf32, #tpu.memory_space<vmem>>) target(%dma_start3A_38 : memref<10240x128xf32, #tpu.memory_space<vmem_shared>>) offsets(%dma_start3A_35 : memref<125xi32, #tpu.memory_space<vmem>>) semaphore(%run_scoped3A_33 : memref<!tpu.dma_semaphore, #tpu.memory_space<semaphore_mem>>) {add = true}
        %dma_wait3A = arith.constant 0 : i32
        %dma_wait3A_39 = tpu.memref_slice %arg6[%run_scoped3A_29, %dma_wait3A] : memref<8x125xi32, #tpu.memory_space<vmem>> -> memref<1x125xi32, #tpu.memory_space<vmem>>
        %dma_wait3A_40 = tpu.memref_squeeze %dma_wait3A_39 : memref<1x125xi32, #tpu.memory_space<vmem>> -> memref<125xi32, #tpu.memory_space<vmem>>
        %dma_wait3A_41 = arith.constant 0 : i32
        %dma_wait3A_42 = arith.constant 0 : i32
        %dma_wait3A_43 = tpu.memref_slice %arg8[%dma_wait3A_41, %dma_wait3A_42] : memref<10240x128xf32, #tpu.memory_space<vmem_shared>> -> memref<10240x128xf32, #tpu.memory_space<vmem_shared>>
        tpu.wait_indirect_dma semaphore(%run_scoped3A_33 : memref<!tpu.dma_semaphore, #tpu.memory_space<semaphore_mem>>) src(%arg7 : memref<125x128xf32, #tpu.memory_space<vmem>>) dst(%dma_wait3A_43 : memref<10240x128xf32, #tpu.memory_space<vmem_shared>>)
        tpu.yield
      }) : () -> ()
      %run_scoped3A_30 = arith.constant 5 : i32
      "tpu.region"() ({
        %run_scoped3A_33 = tpu.sem_alloc : memref<!tpu.dma_semaphore, #tpu.memory_space<semaphore_mem>>
        %dma_start3A = arith.constant 0 : i32
        %dma_start3A_34 = tpu.memref_slice %arg6[%run_scoped3A_30, %dma_start3A] : memref<8x125xi32, #tpu.memory_space<vmem>> -> memref<1x125xi32, #tpu.memory_space<vmem>>
        %dma_start3A_35 = tpu.memref_squeeze %dma_start3A_34 : memref<1x125xi32, #tpu.memory_space<vmem>> -> memref<125xi32, #tpu.memory_space<vmem>>
        %dma_start3A_36 = arith.constant 0 : i32
        %dma_start3A_37 = arith.constant 0 : i32
        %dma_start3A_38 = tpu.memref_slice %arg8[%dma_start3A_36, %dma_start3A_37] : memref<10240x128xf32, #tpu.memory_space<vmem_shared>> -> memref<10240x128xf32, #tpu.memory_space<vmem_shared>>
        tpu.enqueue_indirect_dma source(%arg7 : memref<125x128xf32, #tpu.memory_space<vmem>>) target(%dma_start3A_38 : memref<10240x128xf32, #tpu.memory_space<vmem_shared>>) offsets(%dma_start3A_35 : memref<125xi32, #tpu.memory_space<vmem>>) semaphore(%run_scoped3A_33 : memref<!tpu.dma_semaphore, #tpu.memory_space<semaphore_mem>>) {add = true}
        %dma_wait3A = arith.constant 0 : i32
        %dma_wait3A_39 = tpu.memref_slice %arg6[%run_scoped3A_30, %dma_wait3A] : memref<8x125xi32, #tpu.memory_space<vmem>> -> memref<1x125xi32, #tpu.memory_space<vmem>>
        %dma_wait3A_40 = tpu.memref_squeeze %dma_wait3A_39 : memref<1x125xi32, #tpu.memory_space<vmem>> -> memref<125xi32, #tpu.memory_space<vmem>>
        %dma_wait3A_41 = arith.constant 0 : i32
        %dma_wait3A_42 = arith.constant 0 : i32
        %dma_wait3A_43 = tpu.memref_slice %arg8[%dma_wait3A_41, %dma_wait3A_42] : memref<10240x128xf32, #tpu.memory_space<vmem_shared>> -> memref<10240x128xf32, #tpu.memory_space<vmem_shared>>
        tpu.wait_indirect_dma semaphore(%run_scoped3A_33 : memref<!tpu.dma_semaphore, #tpu.memory_space<semaphore_mem>>) src(%arg7 : memref<125x128xf32, #tpu.memory_space<vmem>>) dst(%dma_wait3A_43 : memref<10240x128xf32, #tpu.memory_space<vmem_shared>>)
        tpu.yield
      }) : () -> ()
      %run_scoped3A_31 = arith.constant 6 : i32
      "tpu.region"() ({
        %run_scoped3A_33 = tpu.sem_alloc : memref<!tpu.dma_semaphore, #tpu.memory_space<semaphore_mem>>
        %dma_start3A = arith.constant 0 : i32
        %dma_start3A_34 = tpu.memref_slice %arg6[%run_scoped3A_31, %dma_start3A] : memref<8x125xi32, #tpu.memory_space<vmem>> -> memref<1x125xi32, #tpu.memory_space<vmem>>
        %dma_start3A_35 = tpu.memref_squeeze %dma_start3A_34 : memref<1x125xi32, #tpu.memory_space<vmem>> -> memref<125xi32, #tpu.memory_space<vmem>>
        %dma_start3A_36 = arith.constant 0 : i32
        %dma_start3A_37 = arith.constant 0 : i32
        %dma_start3A_38 = tpu.memref_slice %arg8[%dma_start3A_36, %dma_start3A_37] : memref<10240x128xf32, #tpu.memory_space<vmem_shared>> -> memref<10240x128xf32, #tpu.memory_space<vmem_shared>>
        tpu.enqueue_indirect_dma source(%arg7 : memref<125x128xf32, #tpu.memory_space<vmem>>) target(%dma_start3A_38 : memref<10240x128xf32, #tpu.memory_space<vmem_shared>>) offsets(%dma_start3A_35 : memref<125xi32, #tpu.memory_space<vmem>>) semaphore(%run_scoped3A_33 : memref<!tpu.dma_semaphore, #tpu.memory_space<semaphore_mem>>) {add = true}
        %dma_wait3A = arith.constant 0 : i32
        %dma_wait3A_39 = tpu.memref_slice %arg6[%run_scoped3A_31, %dma_wait3A] : memref<8x125xi32, #tpu.memory_space<vmem>> -> memref<1x125xi32, #tpu.memory_space<vmem>>
        %dma_wait3A_40 = tpu.memref_squeeze %dma_wait3A_39 : memref<1x125xi32, #tpu.memory_space<vmem>> -> memref<125xi32, #tpu.memory_space<vmem>>
        %dma_wait3A_41 = arith.constant 0 : i32
        %dma_wait3A_42 = arith.constant 0 : i32
        %dma_wait3A_43 = tpu.memref_slice %arg8[%dma_wait3A_41, %dma_wait3A_42] : memref<10240x128xf32, #tpu.memory_space<vmem_shared>> -> memref<10240x128xf32, #tpu.memory_space<vmem_shared>>
        tpu.wait_indirect_dma semaphore(%run_scoped3A_33 : memref<!tpu.dma_semaphore, #tpu.memory_space<semaphore_mem>>) src(%arg7 : memref<125x128xf32, #tpu.memory_space<vmem>>) dst(%dma_wait3A_43 : memref<10240x128xf32, #tpu.memory_space<vmem_shared>>)
        tpu.yield
      }) : () -> ()
      %run_scoped3A_32 = arith.constant 7 : i32
      "tpu.region"() ({
        %run_scoped3A_33 = tpu.sem_alloc : memref<!tpu.dma_semaphore, #tpu.memory_space<semaphore_mem>>
        %dma_start3A = arith.constant 0 : i32
        %dma_start3A_34 = tpu.memref_slice %arg6[%run_scoped3A_32, %dma_start3A] : memref<8x125xi32, #tpu.memory_space<vmem>> -> memref<1x125xi32, #tpu.memory_space<vmem>>
        %dma_start3A_35 = tpu.memref_squeeze %dma_start3A_34 : memref<1x125xi32, #tpu.memory_space<vmem>> -> memref<125xi32, #tpu.memory_space<vmem>>
        %dma_start3A_36 = arith.constant 0 : i32
        %dma_start3A_37 = arith.constant 0 : i32
        %dma_start3A_38 = tpu.memref_slice %arg8[%dma_start3A_36, %dma_start3A_37] : memref<10240x128xf32, #tpu.memory_space<vmem_shared>> -> memref<10240x128xf32, #tpu.memory_space<vmem_shared>>
        tpu.enqueue_indirect_dma source(%arg7 : memref<125x128xf32, #tpu.memory_space<vmem>>) target(%dma_start3A_38 : memref<10240x128xf32, #tpu.memory_space<vmem_shared>>) offsets(%dma_start3A_35 : memref<125xi32, #tpu.memory_space<vmem>>) semaphore(%run_scoped3A_33 : memref<!tpu.dma_semaphore, #tpu.memory_space<semaphore_mem>>) {add = true}
        %dma_wait3A = arith.constant 0 : i32
        %dma_wait3A_39 = tpu.memref_slice %arg6[%run_scoped3A_32, %dma_wait3A] : memref<8x125xi32, #tpu.memory_space<vmem>> -> memref<1x125xi32, #tpu.memory_space<vmem>>
        %dma_wait3A_40 = tpu.memref_squeeze %dma_wait3A_39 : memref<1x125xi32, #tpu.memory_space<vmem>> -> memref<125xi32, #tpu.memory_space<vmem>>
        %dma_wait3A_41 = arith.constant 0 : i32
        %dma_wait3A_42 = arith.constant 0 : i32
        %dma_wait3A_43 = tpu.memref_slice %arg8[%dma_wait3A_41, %dma_wait3A_42] : memref<10240x128xf32, #tpu.memory_space<vmem_shared>> -> memref<10240x128xf32, #tpu.memory_space<vmem_shared>>
        tpu.wait_indirect_dma semaphore(%run_scoped3A_33 : memref<!tpu.dma_semaphore, #tpu.memory_space<semaphore_mem>>) src(%arg7 : memref<125x128xf32, #tpu.memory_space<vmem>>) dst(%dma_wait3A_43 : memref<10240x128xf32, #tpu.memory_space<vmem_shared>>)
        tpu.yield
      }) : () -> ()
    }
    %barrier3A_13 = arith.constant 0 : index
    tpu.barrier barrier_id(%barrier3A_13)
    %mul3A_14 = arith.constant 640 : i32
    %mul3A_15 = arith.muli %arg1, %mul3A_14 : i32
    %mul3A_16 = arith.constant 640 : i32
    %mul3A_17 = arith.muli %arg1, %mul3A_16 : i32
    "tpu.region"() ({
      %run_scoped3A = tpu.sem_alloc : memref<!tpu.dma_semaphore, #tpu.memory_space<semaphore_mem>>
      %dma_start3A = arith.constant 0 : i32
      %dma_start3A_18 = tpu.memref_slice %arg5[%arg0, %mul3A_17, %dma_start3A] : memref<2x10240x128xf32, #tpu.memory_space<hbm>> -> memref<1x640x128xf32, #tpu.memory_space<hbm>>
      %dma_start3A_19 = tpu.memref_squeeze %dma_start3A_18 : memref<1x640x128xf32, #tpu.memory_space<hbm>> -> memref<640x128xf32, #tpu.memory_space<hbm>>
      %dma_start3A_20 = arith.constant 0 : i32
      %dma_start3A_21 = tpu.memref_slice %arg8[%mul3A_15, %dma_start3A_20] : memref<10240x128xf32, #tpu.memory_space<vmem_shared>> -> memref<640x128xf32, #tpu.memory_space<vmem_shared>>
      tpu.enqueue_dma source(%dma_start3A_21 : memref<640x128xf32, #tpu.memory_space<vmem_shared>>) target(%dma_start3A_19 : memref<640x128xf32, #tpu.memory_space<hbm>>) target_semaphore(%run_scoped3A : memref<!tpu.dma_semaphore, #tpu.memory_space<semaphore_mem>>)
      %dma_wait3A = arith.constant 0 : i32
      %dma_wait3A_22 = tpu.memref_slice %arg5[%arg0, %mul3A_17, %dma_wait3A] : memref<2x10240x128xf32, #tpu.memory_space<hbm>> -> memref<1x640x128xf32, #tpu.memory_space<hbm>>
      %dma_wait3A_23 = tpu.memref_squeeze %dma_wait3A_22 : memref<1x640x128xf32, #tpu.memory_space<hbm>> -> memref<640x128xf32, #tpu.memory_space<hbm>>
      %dma_wait3A_24 = arith.constant 0 : i32
      %dma_wait3A_25 = tpu.memref_slice %arg8[%mul3A_15, %dma_wait3A_24] : memref<10240x128xf32, #tpu.memory_space<vmem_shared>> -> memref<640x128xf32, #tpu.memory_space<vmem_shared>>
      tpu.wait_dma2 semaphore(%run_scoped3A : memref<!tpu.dma_semaphore, #tpu.memory_space<semaphore_mem>>) src(%dma_wait3A_25 : memref<640x128xf32, #tpu.memory_space<vmem_shared>>) dst(%dma_wait3A_23 : memref<640x128xf32, #tpu.memory_space<hbm>>)
      tpu.yield
    }) : () -> ()
    return
  }
}

#map = affine_map<(d0, d1) -> (0, 0)>
#map1 = affine_map<(d0, d1) -> (0, 0, 0)>
module attributes {stable_mosaic.version = 14 : i64} {
  func.func @_scat_body(%arg0: i32, %arg1: i32, %arg2: memref<20000x128xf32, #tpu.memory_space<hbm>>, %arg3: memref<2x2560x125xi32, #tpu.memory_space<hbm>>, %arg4: memref<2560x125xi32, #tpu.memory_space<hbm>>, %arg5: memref<80x128xf32, #tpu.memory_space<hbm>>, %arg6: memref<2x10240x128xf32, #tpu.memory_space<hbm>>, %arg7: memref<2x8x125xi32, #tpu.memory_space<vmem>>, %arg8: memref<2x8x125xi32, #tpu.memory_space<vmem>>, %arg9: memref<2x125x128xf32, #tpu.memory_space<vmem>>, %arg10: memref<!tpu.dma_semaphore, #tpu.memory_space<semaphore_mem>>, %arg11: memref<!tpu.dma_semaphore, #tpu.memory_space<semaphore_mem>>, %arg12: memref<!tpu.dma_semaphore, #tpu.memory_space<semaphore_mem>>, %arg13: memref<!tpu.dma_semaphore, #tpu.memory_space<semaphore_mem>>, %arg14: memref<10240x128xf32, #tpu.memory_space<vmem_shared>>) attributes {dimension_semantics = [#tpu.dimension_semantics<core_parallel>, #tpu.dimension_semantics<subcore_parallel>], iteration_bounds = array<i64: 2, 16>, scalar_prefetch = 0 : i64, scratch_operands = 8 : i64, tpu.core_type = #tpu.core_type<sc_vector_subcore>, window_params = [{transform_indices = #map}, {transform_indices = #map1}, {transform_indices = #map}, {transform_indices = #map}, {transform_indices = #map1}]} {
    %mul3A = arith.constant 640 : i32
    %mul3A_0 = arith.muli %arg1, %mul3A : i32
    %add3A = arith.constant 0 : i32
    %add3A_1 = arith.addi %mul3A_0, %add3A : i32
    "tpu.region"() ({
      %run_scoped3A_65 = tpu.sem_alloc : memref<!tpu.dma_semaphore, #tpu.memory_space<semaphore_mem>>
      %dma_start3A_66 = arith.constant 0 : i32
      %dma_start3A_67 = tpu.memref_slice %arg14[%add3A_1, %dma_start3A_66] : memref<10240x128xf32, #tpu.memory_space<vmem_shared>> -> memref<80x128xf32, #tpu.memory_space<vmem_shared>>
      tpu.enqueue_dma source(%arg5 : memref<80x128xf32, #tpu.memory_space<hbm>>) target(%dma_start3A_67 : memref<80x128xf32, #tpu.memory_space<vmem_shared>>) target_semaphore(%run_scoped3A_65 : memref<!tpu.dma_semaphore, #tpu.memory_space<semaphore_mem>>)
      %dma_wait3A_68 = arith.constant 0 : i32
      %dma_wait3A_69 = tpu.memref_slice %arg14[%add3A_1, %dma_wait3A_68] : memref<10240x128xf32, #tpu.memory_space<vmem_shared>> -> memref<80x128xf32, #tpu.memory_space<vmem_shared>>
      tpu.wait_dma2 semaphore(%run_scoped3A_65 : memref<!tpu.dma_semaphore, #tpu.memory_space<semaphore_mem>>) src(%arg5 : memref<80x128xf32, #tpu.memory_space<hbm>>) dst(%dma_wait3A_69 : memref<80x128xf32, #tpu.memory_space<vmem_shared>>)
      tpu.yield
    }) : () -> ()
    %mul3A_2 = arith.constant 640 : i32
    %mul3A_3 = arith.muli %arg1, %mul3A_2 : i32
    %add3A_4 = arith.constant 80 : i32
    %add3A_5 = arith.addi %mul3A_3, %add3A_4 : i32
    "tpu.region"() ({
      %run_scoped3A_65 = tpu.sem_alloc : memref<!tpu.dma_semaphore, #tpu.memory_space<semaphore_mem>>
      %dma_start3A_66 = arith.constant 0 : i32
      %dma_start3A_67 = tpu.memref_slice %arg14[%add3A_5, %dma_start3A_66] : memref<10240x128xf32, #tpu.memory_space<vmem_shared>> -> memref<80x128xf32, #tpu.memory_space<vmem_shared>>
      tpu.enqueue_dma source(%arg5 : memref<80x128xf32, #tpu.memory_space<hbm>>) target(%dma_start3A_67 : memref<80x128xf32, #tpu.memory_space<vmem_shared>>) target_semaphore(%run_scoped3A_65 : memref<!tpu.dma_semaphore, #tpu.memory_space<semaphore_mem>>)
      %dma_wait3A_68 = arith.constant 0 : i32
      %dma_wait3A_69 = tpu.memref_slice %arg14[%add3A_5, %dma_wait3A_68] : memref<10240x128xf32, #tpu.memory_space<vmem_shared>> -> memref<80x128xf32, #tpu.memory_space<vmem_shared>>
      tpu.wait_dma2 semaphore(%run_scoped3A_65 : memref<!tpu.dma_semaphore, #tpu.memory_space<semaphore_mem>>) src(%arg5 : memref<80x128xf32, #tpu.memory_space<hbm>>) dst(%dma_wait3A_69 : memref<80x128xf32, #tpu.memory_space<vmem_shared>>)
      tpu.yield
    }) : () -> ()
    %mul3A_6 = arith.constant 640 : i32
    %mul3A_7 = arith.muli %arg1, %mul3A_6 : i32
    %add3A_8 = arith.constant 160 : i32
    %add3A_9 = arith.addi %mul3A_7, %add3A_8 : i32
    "tpu.region"() ({
      %run_scoped3A_65 = tpu.sem_alloc : memref<!tpu.dma_semaphore, #tpu.memory_space<semaphore_mem>>
      %dma_start3A_66 = arith.constant 0 : i32
      %dma_start3A_67 = tpu.memref_slice %arg14[%add3A_9, %dma_start3A_66] : memref<10240x128xf32, #tpu.memory_space<vmem_shared>> -> memref<80x128xf32, #tpu.memory_space<vmem_shared>>
      tpu.enqueue_dma source(%arg5 : memref<80x128xf32, #tpu.memory_space<hbm>>) target(%dma_start3A_67 : memref<80x128xf32, #tpu.memory_space<vmem_shared>>) target_semaphore(%run_scoped3A_65 : memref<!tpu.dma_semaphore, #tpu.memory_space<semaphore_mem>>)
      %dma_wait3A_68 = arith.constant 0 : i32
      %dma_wait3A_69 = tpu.memref_slice %arg14[%add3A_9, %dma_wait3A_68] : memref<10240x128xf32, #tpu.memory_space<vmem_shared>> -> memref<80x128xf32, #tpu.memory_space<vmem_shared>>
      tpu.wait_dma2 semaphore(%run_scoped3A_65 : memref<!tpu.dma_semaphore, #tpu.memory_space<semaphore_mem>>) src(%arg5 : memref<80x128xf32, #tpu.memory_space<hbm>>) dst(%dma_wait3A_69 : memref<80x128xf32, #tpu.memory_space<vmem_shared>>)
      tpu.yield
    }) : () -> ()
    %mul3A_10 = arith.constant 640 : i32
    %mul3A_11 = arith.muli %arg1, %mul3A_10 : i32
    %add3A_12 = arith.constant 240 : i32
    %add3A_13 = arith.addi %mul3A_11, %add3A_12 : i32
    "tpu.region"() ({
      %run_scoped3A_65 = tpu.sem_alloc : memref<!tpu.dma_semaphore, #tpu.memory_space<semaphore_mem>>
      %dma_start3A_66 = arith.constant 0 : i32
      %dma_start3A_67 = tpu.memref_slice %arg14[%add3A_13, %dma_start3A_66] : memref<10240x128xf32, #tpu.memory_space<vmem_shared>> -> memref<80x128xf32, #tpu.memory_space<vmem_shared>>
      tpu.enqueue_dma source(%arg5 : memref<80x128xf32, #tpu.memory_space<hbm>>) target(%dma_start3A_67 : memref<80x128xf32, #tpu.memory_space<vmem_shared>>) target_semaphore(%run_scoped3A_65 : memref<!tpu.dma_semaphore, #tpu.memory_space<semaphore_mem>>)
      %dma_wait3A_68 = arith.constant 0 : i32
      %dma_wait3A_69 = tpu.memref_slice %arg14[%add3A_13, %dma_wait3A_68] : memref<10240x128xf32, #tpu.memory_space<vmem_shared>> -> memref<80x128xf32, #tpu.memory_space<vmem_shared>>
      tpu.wait_dma2 semaphore(%run_scoped3A_65 : memref<!tpu.dma_semaphore, #tpu.memory_space<semaphore_mem>>) src(%arg5 : memref<80x128xf32, #tpu.memory_space<hbm>>) dst(%dma_wait3A_69 : memref<80x128xf32, #tpu.memory_space<vmem_shared>>)
      tpu.yield
    }) : () -> ()
    %mul3A_14 = arith.constant 640 : i32
    %mul3A_15 = arith.muli %arg1, %mul3A_14 : i32
    %add3A_16 = arith.constant 320 : i32
    %add3A_17 = arith.addi %mul3A_15, %add3A_16 : i32
    "tpu.region"() ({
      %run_scoped3A_65 = tpu.sem_alloc : memref<!tpu.dma_semaphore, #tpu.memory_space<semaphore_mem>>
      %dma_start3A_66 = arith.constant 0 : i32
      %dma_start3A_67 = tpu.memref_slice %arg14[%add3A_17, %dma_start3A_66] : memref<10240x128xf32, #tpu.memory_space<vmem_shared>> -> memref<80x128xf32, #tpu.memory_space<vmem_shared>>
      tpu.enqueue_dma source(%arg5 : memref<80x128xf32, #tpu.memory_space<hbm>>) target(%dma_start3A_67 : memref<80x128xf32, #tpu.memory_space<vmem_shared>>) target_semaphore(%run_scoped3A_65 : memref<!tpu.dma_semaphore, #tpu.memory_space<semaphore_mem>>)
      %dma_wait3A_68 = arith.constant 0 : i32
      %dma_wait3A_69 = tpu.memref_slice %arg14[%add3A_17, %dma_wait3A_68] : memref<10240x128xf32, #tpu.memory_space<vmem_shared>> -> memref<80x128xf32, #tpu.memory_space<vmem_shared>>
      tpu.wait_dma2 semaphore(%run_scoped3A_65 : memref<!tpu.dma_semaphore, #tpu.memory_space<semaphore_mem>>) src(%arg5 : memref<80x128xf32, #tpu.memory_space<hbm>>) dst(%dma_wait3A_69 : memref<80x128xf32, #tpu.memory_space<vmem_shared>>)
      tpu.yield
    }) : () -> ()
    %mul3A_18 = arith.constant 640 : i32
    %mul3A_19 = arith.muli %arg1, %mul3A_18 : i32
    %add3A_20 = arith.constant 400 : i32
    %add3A_21 = arith.addi %mul3A_19, %add3A_20 : i32
    "tpu.region"() ({
      %run_scoped3A_65 = tpu.sem_alloc : memref<!tpu.dma_semaphore, #tpu.memory_space<semaphore_mem>>
      %dma_start3A_66 = arith.constant 0 : i32
      %dma_start3A_67 = tpu.memref_slice %arg14[%add3A_21, %dma_start3A_66] : memref<10240x128xf32, #tpu.memory_space<vmem_shared>> -> memref<80x128xf32, #tpu.memory_space<vmem_shared>>
      tpu.enqueue_dma source(%arg5 : memref<80x128xf32, #tpu.memory_space<hbm>>) target(%dma_start3A_67 : memref<80x128xf32, #tpu.memory_space<vmem_shared>>) target_semaphore(%run_scoped3A_65 : memref<!tpu.dma_semaphore, #tpu.memory_space<semaphore_mem>>)
      %dma_wait3A_68 = arith.constant 0 : i32
      %dma_wait3A_69 = tpu.memref_slice %arg14[%add3A_21, %dma_wait3A_68] : memref<10240x128xf32, #tpu.memory_space<vmem_shared>> -> memref<80x128xf32, #tpu.memory_space<vmem_shared>>
      tpu.wait_dma2 semaphore(%run_scoped3A_65 : memref<!tpu.dma_semaphore, #tpu.memory_space<semaphore_mem>>) src(%arg5 : memref<80x128xf32, #tpu.memory_space<hbm>>) dst(%dma_wait3A_69 : memref<80x128xf32, #tpu.memory_space<vmem_shared>>)
      tpu.yield
    }) : () -> ()
    %mul3A_22 = arith.constant 640 : i32
    %mul3A_23 = arith.muli %arg1, %mul3A_22 : i32
    %add3A_24 = arith.constant 480 : i32
    %add3A_25 = arith.addi %mul3A_23, %add3A_24 : i32
    "tpu.region"() ({
      %run_scoped3A_65 = tpu.sem_alloc : memref<!tpu.dma_semaphore, #tpu.memory_space<semaphore_mem>>
      %dma_start3A_66 = arith.constant 0 : i32
      %dma_start3A_67 = tpu.memref_slice %arg14[%add3A_25, %dma_start3A_66] : memref<10240x128xf32, #tpu.memory_space<vmem_shared>> -> memref<80x128xf32, #tpu.memory_space<vmem_shared>>
      tpu.enqueue_dma source(%arg5 : memref<80x128xf32, #tpu.memory_space<hbm>>) target(%dma_start3A_67 : memref<80x128xf32, #tpu.memory_space<vmem_shared>>) target_semaphore(%run_scoped3A_65 : memref<!tpu.dma_semaphore, #tpu.memory_space<semaphore_mem>>)
      %dma_wait3A_68 = arith.constant 0 : i32
      %dma_wait3A_69 = tpu.memref_slice %arg14[%add3A_25, %dma_wait3A_68] : memref<10240x128xf32, #tpu.memory_space<vmem_shared>> -> memref<80x128xf32, #tpu.memory_space<vmem_shared>>
      tpu.wait_dma2 semaphore(%run_scoped3A_65 : memref<!tpu.dma_semaphore, #tpu.memory_space<semaphore_mem>>) src(%arg5 : memref<80x128xf32, #tpu.memory_space<hbm>>) dst(%dma_wait3A_69 : memref<80x128xf32, #tpu.memory_space<vmem_shared>>)
      tpu.yield
    }) : () -> ()
    %mul3A_26 = arith.constant 640 : i32
    %mul3A_27 = arith.muli %arg1, %mul3A_26 : i32
    %add3A_28 = arith.constant 560 : i32
    %add3A_29 = arith.addi %mul3A_27, %add3A_28 : i32
    "tpu.region"() ({
      %run_scoped3A_65 = tpu.sem_alloc : memref<!tpu.dma_semaphore, #tpu.memory_space<semaphore_mem>>
      %dma_start3A_66 = arith.constant 0 : i32
      %dma_start3A_67 = tpu.memref_slice %arg14[%add3A_29, %dma_start3A_66] : memref<10240x128xf32, #tpu.memory_space<vmem_shared>> -> memref<80x128xf32, #tpu.memory_space<vmem_shared>>
      tpu.enqueue_dma source(%arg5 : memref<80x128xf32, #tpu.memory_space<hbm>>) target(%dma_start3A_67 : memref<80x128xf32, #tpu.memory_space<vmem_shared>>) target_semaphore(%run_scoped3A_65 : memref<!tpu.dma_semaphore, #tpu.memory_space<semaphore_mem>>)
      %dma_wait3A_68 = arith.constant 0 : i32
      %dma_wait3A_69 = tpu.memref_slice %arg14[%add3A_29, %dma_wait3A_68] : memref<10240x128xf32, #tpu.memory_space<vmem_shared>> -> memref<80x128xf32, #tpu.memory_space<vmem_shared>>
      tpu.wait_dma2 semaphore(%run_scoped3A_65 : memref<!tpu.dma_semaphore, #tpu.memory_space<semaphore_mem>>) src(%arg5 : memref<80x128xf32, #tpu.memory_space<hbm>>) dst(%dma_wait3A_69 : memref<80x128xf32, #tpu.memory_space<vmem_shared>>)
      tpu.yield
    }) : () -> ()
    %mul3A_30 = arith.constant 160 : i32
    %mul3A_31 = arith.muli %arg1, %mul3A_30 : i32
    %run_scoped3A = arith.constant 0 : i32
    "tpu.region"() ({
      %run_scoped3A_65 = tpu.sem_alloc : memref<!tpu.dma_semaphore, #tpu.memory_space<semaphore_mem>>
      %dma_start3A_66 = arith.constant 0 : i32
      %dma_start3A_67 = arith.constant 0 : i32
      %dma_start3A_68 = tpu.memref_slice %arg7[%run_scoped3A, %dma_start3A_66, %dma_start3A_67] : memref<2x8x125xi32, #tpu.memory_space<vmem>> -> memref<1x8x125xi32, #tpu.memory_space<vmem>>
      %dma_start3A_69 = tpu.memref_squeeze %dma_start3A_68 : memref<1x8x125xi32, #tpu.memory_space<vmem>> -> memref<8x125xi32, #tpu.memory_space<vmem>>
      %dma_start3A_70 = arith.constant 0 : i32
      %dma_start3A_71 = tpu.memref_slice %arg3[%arg0, %mul3A_31, %dma_start3A_70] : memref<2x2560x125xi32, #tpu.memory_space<hbm>> -> memref<1x8x125xi32, #tpu.memory_space<hbm>>
      %dma_start3A_72 = tpu.memref_squeeze %dma_start3A_71 : memref<1x8x125xi32, #tpu.memory_space<hbm>> -> memref<8x125xi32, #tpu.memory_space<hbm>>
      %dma_start3A_73 = arith.constant 0 : i32
      %dma_start3A_74 = arith.constant 0 : i32
      %dma_start3A_75 = tpu.memref_slice %arg7[%run_scoped3A, %dma_start3A_73, %dma_start3A_74] : memref<2x8x125xi32, #tpu.memory_space<vmem>> -> memref<1x8x125xi32, #tpu.memory_space<vmem>>
      %dma_start3A_76 = tpu.memref_squeeze %dma_start3A_75 : memref<1x8x125xi32, #tpu.memory_space<vmem>> -> memref<8x125xi32, #tpu.memory_space<vmem>>
      %dma_start3A_77 = arith.constant 0 : i32
      %dma_start3A_78 = tpu.memref_slice %arg3[%arg0, %mul3A_31, %dma_start3A_77] : memref<2x2560x125xi32, #tpu.memory_space<hbm>> -> memref<1x8x125xi32, #tpu.memory_space<hbm>>
      %dma_start3A_79 = tpu.memref_squeeze %dma_start3A_78 : memref<1x8x125xi32, #tpu.memory_space<hbm>> -> memref<8x125xi32, #tpu.memory_space<hbm>>
      tpu.enqueue_dma source(%dma_start3A_79 : memref<8x125xi32, #tpu.memory_space<hbm>>) target(%dma_start3A_76 : memref<8x125xi32, #tpu.memory_space<vmem>>) target_semaphore(%run_scoped3A_65 : memref<!tpu.dma_semaphore, #tpu.memory_space<semaphore_mem>>)
      %dma_wait3A_80 = arith.constant 0 : i32
      %dma_wait3A_81 = arith.constant 0 : i32
      %dma_wait3A_82 = tpu.memref_slice %arg7[%run_scoped3A, %dma_wait3A_80, %dma_wait3A_81] : memref<2x8x125xi32, #tpu.memory_space<vmem>> -> memref<1x8x125xi32, #tpu.memory_space<vmem>>
      %dma_wait3A_83 = tpu.memref_squeeze %dma_wait3A_82 : memref<1x8x125xi32, #tpu.memory_space<vmem>> -> memref<8x125xi32, #tpu.memory_space<vmem>>
      %dma_wait3A_84 = arith.constant 0 : i32
      %dma_wait3A_85 = tpu.memref_slice %arg3[%arg0, %mul3A_31, %dma_wait3A_84] : memref<2x2560x125xi32, #tpu.memory_space<hbm>> -> memref<1x8x125xi32, #tpu.memory_space<hbm>>
      %dma_wait3A_86 = tpu.memref_squeeze %dma_wait3A_85 : memref<1x8x125xi32, #tpu.memory_space<hbm>> -> memref<8x125xi32, #tpu.memory_space<hbm>>
      %dma_wait3A_87 = arith.constant 0 : i32
      %dma_wait3A_88 = arith.constant 0 : i32
      %dma_wait3A_89 = tpu.memref_slice %arg7[%run_scoped3A, %dma_wait3A_87, %dma_wait3A_88] : memref<2x8x125xi32, #tpu.memory_space<vmem>> -> memref<1x8x125xi32, #tpu.memory_space<vmem>>
      %dma_wait3A_90 = tpu.memref_squeeze %dma_wait3A_89 : memref<1x8x125xi32, #tpu.memory_space<vmem>> -> memref<8x125xi32, #tpu.memory_space<vmem>>
      %dma_wait3A_91 = arith.constant 0 : i32
      %dma_wait3A_92 = tpu.memref_slice %arg3[%arg0, %mul3A_31, %dma_wait3A_91] : memref<2x2560x125xi32, #tpu.memory_space<hbm>> -> memref<1x8x125xi32, #tpu.memory_space<hbm>>
      %dma_wait3A_93 = tpu.memref_squeeze %dma_wait3A_92 : memref<1x8x125xi32, #tpu.memory_space<hbm>> -> memref<8x125xi32, #tpu.memory_space<hbm>>
      tpu.wait_dma2 semaphore(%run_scoped3A_65 : memref<!tpu.dma_semaphore, #tpu.memory_space<semaphore_mem>>) src(%dma_wait3A_93 : memref<8x125xi32, #tpu.memory_space<hbm>>) dst(%dma_wait3A_90 : memref<8x125xi32, #tpu.memory_space<vmem>>)
      tpu.yield
    }) : () -> ()
    %run_scoped3A_32 = arith.constant 0 : i32
    "tpu.region"() ({
      %run_scoped3A_65 = tpu.sem_alloc : memref<!tpu.dma_semaphore, #tpu.memory_space<semaphore_mem>>
      %dma_start3A_66 = arith.constant 0 : i32
      %dma_start3A_67 = arith.constant 0 : i32
      %dma_start3A_68 = tpu.memref_slice %arg8[%run_scoped3A_32, %dma_start3A_66, %dma_start3A_67] : memref<2x8x125xi32, #tpu.memory_space<vmem>> -> memref<1x8x125xi32, #tpu.memory_space<vmem>>
      %dma_start3A_69 = tpu.memref_squeeze %dma_start3A_68 : memref<1x8x125xi32, #tpu.memory_space<vmem>> -> memref<8x125xi32, #tpu.memory_space<vmem>>
      %dma_start3A_70 = arith.constant 0 : i32
      %dma_start3A_71 = tpu.memref_slice %arg4[%mul3A_31, %dma_start3A_70] : memref<2560x125xi32, #tpu.memory_space<hbm>> -> memref<8x125xi32, #tpu.memory_space<hbm>>
      %dma_start3A_72 = arith.constant 0 : i32
      %dma_start3A_73 = arith.constant 0 : i32
      %dma_start3A_74 = tpu.memref_slice %arg8[%run_scoped3A_32, %dma_start3A_72, %dma_start3A_73] : memref<2x8x125xi32, #tpu.memory_space<vmem>> -> memref<1x8x125xi32, #tpu.memory_space<vmem>>
      %dma_start3A_75 = tpu.memref_squeeze %dma_start3A_74 : memref<1x8x125xi32, #tpu.memory_space<vmem>> -> memref<8x125xi32, #tpu.memory_space<vmem>>
      %dma_start3A_76 = arith.constant 0 : i32
      %dma_start3A_77 = tpu.memref_slice %arg4[%mul3A_31, %dma_start3A_76] : memref<2560x125xi32, #tpu.memory_space<hbm>> -> memref<8x125xi32, #tpu.memory_space<hbm>>
      tpu.enqueue_dma source(%dma_start3A_77 : memref<8x125xi32, #tpu.memory_space<hbm>>) target(%dma_start3A_75 : memref<8x125xi32, #tpu.memory_space<vmem>>) target_semaphore(%run_scoped3A_65 : memref<!tpu.dma_semaphore, #tpu.memory_space<semaphore_mem>>)
      %dma_wait3A_78 = arith.constant 0 : i32
      %dma_wait3A_79 = arith.constant 0 : i32
      %dma_wait3A_80 = tpu.memref_slice %arg8[%run_scoped3A_32, %dma_wait3A_78, %dma_wait3A_79] : memref<2x8x125xi32, #tpu.memory_space<vmem>> -> memref<1x8x125xi32, #tpu.memory_space<vmem>>
      %dma_wait3A_81 = tpu.memref_squeeze %dma_wait3A_80 : memref<1x8x125xi32, #tpu.memory_space<vmem>> -> memref<8x125xi32, #tpu.memory_space<vmem>>
      %dma_wait3A_82 = arith.constant 0 : i32
      %dma_wait3A_83 = tpu.memref_slice %arg4[%mul3A_31, %dma_wait3A_82] : memref<2560x125xi32, #tpu.memory_space<hbm>> -> memref<8x125xi32, #tpu.memory_space<hbm>>
      %dma_wait3A_84 = arith.constant 0 : i32
      %dma_wait3A_85 = arith.constant 0 : i32
      %dma_wait3A_86 = tpu.memref_slice %arg8[%run_scoped3A_32, %dma_wait3A_84, %dma_wait3A_85] : memref<2x8x125xi32, #tpu.memory_space<vmem>> -> memref<1x8x125xi32, #tpu.memory_space<vmem>>
      %dma_wait3A_87 = tpu.memref_squeeze %dma_wait3A_86 : memref<1x8x125xi32, #tpu.memory_space<vmem>> -> memref<8x125xi32, #tpu.memory_space<vmem>>
      %dma_wait3A_88 = arith.constant 0 : i32
      %dma_wait3A_89 = tpu.memref_slice %arg4[%mul3A_31, %dma_wait3A_88] : memref<2560x125xi32, #tpu.memory_space<hbm>> -> memref<8x125xi32, #tpu.memory_space<hbm>>
      tpu.wait_dma2 semaphore(%run_scoped3A_65 : memref<!tpu.dma_semaphore, #tpu.memory_space<semaphore_mem>>) src(%dma_wait3A_89 : memref<8x125xi32, #tpu.memory_space<hbm>>) dst(%dma_wait3A_87 : memref<8x125xi32, #tpu.memory_space<vmem>>)
      tpu.yield
    }) : () -> ()
    %barrier3A = arith.constant 0 : index
    tpu.barrier barrier_id(%barrier3A)
    %dma_start3A = arith.constant 0 : i32
    %dma_start3A_33 = arith.constant 0 : i32
    %dma_start3A_34 = arith.constant 0 : i32
    %dma_start3A_35 = arith.constant 0 : i32
    %dma_start3A_36 = arith.constant 0 : i32
    %dma_start3A_37 = tpu.memref_slice %arg9[%dma_start3A_34, %dma_start3A_35, %dma_start3A_36] : memref<2x125x128xf32, #tpu.memory_space<vmem>> -> memref<1x125x128xf32, #tpu.memory_space<vmem>>
    %dma_start3A_38 = tpu.memref_squeeze %dma_start3A_37 : memref<1x125x128xf32, #tpu.memory_space<vmem>> -> memref<125x128xf32, #tpu.memory_space<vmem>>
    %dma_start3A_39 = arith.constant 0 : i32
    %dma_start3A_40 = tpu.memref_slice %arg7[%dma_start3A, %dma_start3A_33, %dma_start3A_39] : memref<2x8x125xi32, #tpu.memory_space<vmem>> -> memref<1x1x125xi32, #tpu.memory_space<vmem>>
    %dma_start3A_41 = tpu.memref_squeeze %dma_start3A_40 : memref<1x1x125xi32, #tpu.memory_space<vmem>> -> memref<125xi32, #tpu.memory_space<vmem>>
    %dma_start3A_42 = arith.constant 0 : i32
    %dma_start3A_43 = arith.constant 0 : i32
    %dma_start3A_44 = tpu.memref_slice %arg2[%dma_start3A_42, %dma_start3A_43] : memref<20000x128xf32, #tpu.memory_space<hbm>> -> memref<20000x128xf32, #tpu.memory_space<hbm>>
    tpu.enqueue_indirect_dma source(%dma_start3A_44 : memref<20000x128xf32, #tpu.memory_space<hbm>>) target(%dma_start3A_38 : memref<125x128xf32, #tpu.memory_space<vmem>>) offsets(%dma_start3A_41 : memref<125xi32, #tpu.memory_space<vmem>>) semaphore(%arg11 : memref<!tpu.dma_semaphore, #tpu.memory_space<semaphore_mem>>)
    %scan3A = arith.constant 0 : i32
    %scan3A_45 = arith.constant 0 : i32
    %scan3A_46 = arith.constant 20 : i32
    %scan3A_47 = arith.addi %scan3A_45, %scan3A_46 : i32
    %scan3A_48 = arith.constant 1 : i32
    scf.for %scan3A_65 = %scan3A_45 to %scan3A_47 step %scan3A_48  : i32 {
      %rem3A = arith.constant 2 : i32
      %rem3A_66 = arith.remsi %scan3A_65, %rem3A : i32
      %add3A_67 = arith.constant 1 : i32
      %add3A_68 = arith.addi %scan3A_65, %add3A_67 : i32
      %rem3A_69 = arith.constant 2 : i32
      %rem3A_70 = arith.remsi %add3A_68, %rem3A_69 : i32
      %add3A_71 = arith.constant 1 : i32
      %add3A_72 = arith.addi %scan3A_65, %add3A_71 : i32
      %mul3A_73 = arith.constant 8 : i32
      %mul3A_74 = arith.muli %add3A_72, %mul3A_73 : i32
      %add3A_75 = arith.addi %mul3A_31, %mul3A_74 : i32
      %lt3A = arith.constant 19 : i32
      %lt3A_76 = arith.cmpi slt, %scan3A_65, %lt3A : i32
      %convert_element_type3A = arith.extui %lt3A_76 : i1 to i32
      %cond3A = arith.constant 0 : i32
      %cond3A_77 = arith.cmpi ne, %convert_element_type3A, %cond3A : i32
      scf.if %cond3A_77 {
        %dma_start3A_447 = arith.constant 0 : i32
        %dma_start3A_448 = arith.constant 0 : i32
        %dma_start3A_449 = tpu.memref_slice %arg7[%rem3A_70, %dma_start3A_447, %dma_start3A_448] : memref<2x8x125xi32, #tpu.memory_space<vmem>> -> memref<1x8x125xi32, #tpu.memory_space<vmem>>
        %dma_start3A_450 = tpu.memref_squeeze %dma_start3A_449 : memref<1x8x125xi32, #tpu.memory_space<vmem>> -> memref<8x125xi32, #tpu.memory_space<vmem>>
        %dma_start3A_451 = arith.constant 0 : i32
        %dma_start3A_452 = tpu.memref_slice %arg3[%arg0, %add3A_75, %dma_start3A_451] : memref<2x2560x125xi32, #tpu.memory_space<hbm>> -> memref<1x8x125xi32, #tpu.memory_space<hbm>>
        %dma_start3A_453 = tpu.memref_squeeze %dma_start3A_452 : memref<1x8x125xi32, #tpu.memory_space<hbm>> -> memref<8x125xi32, #tpu.memory_space<hbm>>
        %dma_start3A_454 = arith.constant 0 : i32
        %dma_start3A_455 = arith.constant 0 : i32
        %dma_start3A_456 = tpu.memref_slice %arg7[%rem3A_70, %dma_start3A_454, %dma_start3A_455] : memref<2x8x125xi32, #tpu.memory_space<vmem>> -> memref<1x8x125xi32, #tpu.memory_space<vmem>>
        %dma_start3A_457 = tpu.memref_squeeze %dma_start3A_456 : memref<1x8x125xi32, #tpu.memory_space<vmem>> -> memref<8x125xi32, #tpu.memory_space<vmem>>
        %dma_start3A_458 = arith.constant 0 : i32
        %dma_start3A_459 = tpu.memref_slice %arg3[%arg0, %add3A_75, %dma_start3A_458] : memref<2x2560x125xi32, #tpu.memory_space<hbm>> -> memref<1x8x125xi32, #tpu.memory_space<hbm>>
        %dma_start3A_460 = tpu.memref_squeeze %dma_start3A_459 : memref<1x8x125xi32, #tpu.memory_space<hbm>> -> memref<8x125xi32, #tpu.memory_space<hbm>>
        tpu.enqueue_dma source(%dma_start3A_460 : memref<8x125xi32, #tpu.memory_space<hbm>>) target(%dma_start3A_457 : memref<8x125xi32, #tpu.memory_space<vmem>>) target_semaphore(%arg10 : memref<!tpu.dma_semaphore, #tpu.memory_space<semaphore_mem>>)
        %dma_start3A_461 = arith.constant 0 : i32
        %dma_start3A_462 = arith.constant 0 : i32
        %dma_start3A_463 = tpu.memref_slice %arg8[%rem3A_70, %dma_start3A_461, %dma_start3A_462] : memref<2x8x125xi32, #tpu.memory_space<vmem>> -> memref<1x8x125xi32, #tpu.memory_space<vmem>>
        %dma_start3A_464 = tpu.memref_squeeze %dma_start3A_463 : memref<1x8x125xi32, #tpu.memory_space<vmem>> -> memref<8x125xi32, #tpu.memory_space<vmem>>
        %dma_start3A_465 = arith.constant 0 : i32
        %dma_start3A_466 = tpu.memref_slice %arg4[%add3A_75, %dma_start3A_465] : memref<2560x125xi32, #tpu.memory_space<hbm>> -> memref<8x125xi32, #tpu.memory_space<hbm>>
        %dma_start3A_467 = arith.constant 0 : i32
        %dma_start3A_468 = arith.constant 0 : i32
        %dma_start3A_469 = tpu.memref_slice %arg8[%rem3A_70, %dma_start3A_467, %dma_start3A_468] : memref<2x8x125xi32, #tpu.memory_space<vmem>> -> memref<1x8x125xi32, #tpu.memory_space<vmem>>
        %dma_start3A_470 = tpu.memref_squeeze %dma_start3A_469 : memref<1x8x125xi32, #tpu.memory_space<vmem>> -> memref<8x125xi32, #tpu.memory_space<vmem>>
        %dma_start3A_471 = arith.constant 0 : i32
        %dma_start3A_472 = tpu.memref_slice %arg4[%add3A_75, %dma_start3A_471] : memref<2560x125xi32, #tpu.memory_space<hbm>> -> memref<8x125xi32, #tpu.memory_space<hbm>>
        tpu.enqueue_dma source(%dma_start3A_472 : memref<8x125xi32, #tpu.memory_space<hbm>>) target(%dma_start3A_470 : memref<8x125xi32, #tpu.memory_space<vmem>>) target_semaphore(%arg10 : memref<!tpu.dma_semaphore, #tpu.memory_space<semaphore_mem>>)
      } else {
      }
      %gt3A = arith.constant 0 : i32
      %gt3A_78 = arith.cmpi sgt, %scan3A_65, %gt3A : i32
      %convert_element_type3A_79 = arith.extui %gt3A_78 : i1 to i32
      %cond3A_80 = arith.constant 0 : i32
      %cond3A_81 = arith.cmpi ne, %convert_element_type3A_79, %cond3A_80 : i32
      scf.if %cond3A_81 {
        %dma_wait3A_447 = arith.constant 1 : i32
        %dma_wait3A_448 = arith.constant 0 : i32
        %dma_wait3A_449 = arith.constant 0 : i32
        %dma_wait3A_450 = arith.constant 0 : i32
        %dma_wait3A_451 = tpu.memref_slice %arg9[%dma_wait3A_447, %dma_wait3A_449, %dma_wait3A_450] : memref<2x125x128xf32, #tpu.memory_space<vmem>> -> memref<1x125x128xf32, #tpu.memory_space<vmem>>
        %dma_wait3A_452 = tpu.memref_squeeze %dma_wait3A_451 : memref<1x125x128xf32, #tpu.memory_space<vmem>> -> memref<125x128xf32, #tpu.memory_space<vmem>>
        %dma_wait3A_453 = arith.constant 0 : i32
        %dma_wait3A_454 = tpu.memref_slice %arg8[%rem3A_66, %dma_wait3A_448, %dma_wait3A_453] : memref<2x8x125xi32, #tpu.memory_space<vmem>> -> memref<1x1x125xi32, #tpu.memory_space<vmem>>
        %dma_wait3A_455 = tpu.memref_squeeze %dma_wait3A_454 : memref<1x1x125xi32, #tpu.memory_space<vmem>> -> memref<125xi32, #tpu.memory_space<vmem>>
        %dma_wait3A_456 = arith.constant 0 : i32
        %dma_wait3A_457 = arith.constant 0 : i32
        %dma_wait3A_458 = tpu.memref_slice %arg14[%dma_wait3A_456, %dma_wait3A_457] : memref<10240x128xf32, #tpu.memory_space<vmem_shared>> -> memref<10240x128xf32, #tpu.memory_space<vmem_shared>>
        tpu.wait_indirect_dma semaphore(%arg13 : memref<!tpu.dma_semaphore, #tpu.memory_space<semaphore_mem>>) src(%dma_wait3A_452 : memref<125x128xf32, #tpu.memory_space<vmem>>) dst(%dma_wait3A_458 : memref<10240x128xf32, #tpu.memory_space<vmem_shared>>)
      } else {
      }
      %dma_start3A_82 = arith.constant 1 : i32
      %dma_start3A_83 = arith.constant 1 : i32
      %dma_start3A_84 = arith.constant 0 : i32
      %dma_start3A_85 = arith.constant 0 : i32
      %dma_start3A_86 = tpu.memref_slice %arg9[%dma_start3A_83, %dma_start3A_84, %dma_start3A_85] : memref<2x125x128xf32, #tpu.memory_space<vmem>> -> memref<1x125x128xf32, #tpu.memory_space<vmem>>
      %dma_start3A_87 = tpu.memref_squeeze %dma_start3A_86 : memref<1x125x128xf32, #tpu.memory_space<vmem>> -> memref<125x128xf32, #tpu.memory_space<vmem>>
      %dma_start3A_88 = arith.constant 0 : i32
      %dma_start3A_89 = tpu.memref_slice %arg7[%rem3A_66, %dma_start3A_82, %dma_start3A_88] : memref<2x8x125xi32, #tpu.memory_space<vmem>> -> memref<1x1x125xi32, #tpu.memory_space<vmem>>
      %dma_start3A_90 = tpu.memref_squeeze %dma_start3A_89 : memref<1x1x125xi32, #tpu.memory_space<vmem>> -> memref<125xi32, #tpu.memory_space<vmem>>
      %dma_start3A_91 = arith.constant 0 : i32
      %dma_start3A_92 = arith.constant 0 : i32
      %dma_start3A_93 = tpu.memref_slice %arg2[%dma_start3A_91, %dma_start3A_92] : memref<20000x128xf32, #tpu.memory_space<hbm>> -> memref<20000x128xf32, #tpu.memory_space<hbm>>
      tpu.enqueue_indirect_dma source(%dma_start3A_93 : memref<20000x128xf32, #tpu.memory_space<hbm>>) target(%dma_start3A_87 : memref<125x128xf32, #tpu.memory_space<vmem>>) offsets(%dma_start3A_90 : memref<125xi32, #tpu.memory_space<vmem>>) semaphore(%arg12 : memref<!tpu.dma_semaphore, #tpu.memory_space<semaphore_mem>>)
      %dma_wait3A_94 = arith.constant 0 : i32
      %dma_wait3A_95 = arith.constant 0 : i32
      %dma_wait3A_96 = arith.constant 0 : i32
      %dma_wait3A_97 = arith.constant 0 : i32
      %dma_wait3A_98 = tpu.memref_slice %arg9[%dma_wait3A_95, %dma_wait3A_96, %dma_wait3A_97] : memref<2x125x128xf32, #tpu.memory_space<vmem>> -> memref<1x125x128xf32, #tpu.memory_space<vmem>>
      %dma_wait3A_99 = tpu.memref_squeeze %dma_wait3A_98 : memref<1x125x128xf32, #tpu.memory_space<vmem>> -> memref<125x128xf32, #tpu.memory_space<vmem>>
      %dma_wait3A_100 = arith.constant 0 : i32
      %dma_wait3A_101 = tpu.memref_slice %arg7[%rem3A_66, %dma_wait3A_94, %dma_wait3A_100] : memref<2x8x125xi32, #tpu.memory_space<vmem>> -> memref<1x1x125xi32, #tpu.memory_space<vmem>>
      %dma_wait3A_102 = tpu.memref_squeeze %dma_wait3A_101 : memref<1x1x125xi32, #tpu.memory_space<vmem>> -> memref<125xi32, #tpu.memory_space<vmem>>
      %dma_wait3A_103 = arith.constant 0 : i32
      %dma_wait3A_104 = arith.constant 0 : i32
      %dma_wait3A_105 = tpu.memref_slice %arg2[%dma_wait3A_103, %dma_wait3A_104] : memref<20000x128xf32, #tpu.memory_space<hbm>> -> memref<20000x128xf32, #tpu.memory_space<hbm>>
      tpu.wait_indirect_dma semaphore(%arg11 : memref<!tpu.dma_semaphore, #tpu.memory_space<semaphore_mem>>) src(%dma_wait3A_105 : memref<20000x128xf32, #tpu.memory_space<hbm>>) dst(%dma_wait3A_99 : memref<125x128xf32, #tpu.memory_space<vmem>>)
      %dma_start3A_106 = arith.constant 0 : i32
      %dma_start3A_107 = arith.constant 0 : i32
      %dma_start3A_108 = arith.constant 0 : i32
      %dma_start3A_109 = arith.constant 0 : i32
      %dma_start3A_110 = tpu.memref_slice %arg9[%dma_start3A_106, %dma_start3A_108, %dma_start3A_109] : memref<2x125x128xf32, #tpu.memory_space<vmem>> -> memref<1x125x128xf32, #tpu.memory_space<vmem>>
      %dma_start3A_111 = tpu.memref_squeeze %dma_start3A_110 : memref<1x125x128xf32, #tpu.memory_space<vmem>> -> memref<125x128xf32, #tpu.memory_space<vmem>>
      %dma_start3A_112 = arith.constant 0 : i32
      %dma_start3A_113 = tpu.memref_slice %arg8[%rem3A_66, %dma_start3A_107, %dma_start3A_112] : memref<2x8x125xi32, #tpu.memory_space<vmem>> -> memref<1x1x125xi32, #tpu.memory_space<vmem>>
      %dma_start3A_114 = tpu.memref_squeeze %dma_start3A_113 : memref<1x1x125xi32, #tpu.memory_space<vmem>> -> memref<125xi32, #tpu.memory_space<vmem>>
      %dma_start3A_115 = arith.constant 0 : i32
      %dma_start3A_116 = arith.constant 0 : i32
      %dma_start3A_117 = tpu.memref_slice %arg14[%dma_start3A_115, %dma_start3A_116] : memref<10240x128xf32, #tpu.memory_space<vmem_shared>> -> memref<10240x128xf32, #tpu.memory_space<vmem_shared>>
      tpu.enqueue_indirect_dma source(%dma_start3A_111 : memref<125x128xf32, #tpu.memory_space<vmem>>) target(%dma_start3A_117 : memref<10240x128xf32, #tpu.memory_space<vmem_shared>>) offsets(%dma_start3A_114 : memref<125xi32, #tpu.memory_space<vmem>>) semaphore(%arg13 : memref<!tpu.dma_semaphore, #tpu.memory_space<semaphore_mem>>) {add = true}
      %dma_wait3A_118 = arith.constant 0 : i32
      %dma_wait3A_119 = arith.constant 1 : i32
      %dma_wait3A_120 = arith.constant 0 : i32
      %dma_wait3A_121 = arith.constant 0 : i32
      %dma_wait3A_122 = tpu.memref_slice %arg9[%dma_wait3A_118, %dma_wait3A_120, %dma_wait3A_121] : memref<2x125x128xf32, #tpu.memory_space<vmem>> -> memref<1x125x128xf32, #tpu.memory_space<vmem>>
      %dma_wait3A_123 = tpu.memref_squeeze %dma_wait3A_122 : memref<1x125x128xf32, #tpu.memory_space<vmem>> -> memref<125x128xf32, #tpu.memory_space<vmem>>
      %dma_wait3A_124 = arith.constant 0 : i32
      %dma_wait3A_125 = tpu.memref_slice %arg8[%rem3A_66, %dma_wait3A_119, %dma_wait3A_124] : memref<2x8x125xi32, #tpu.memory_space<vmem>> -> memref<1x1x125xi32, #tpu.memory_space<vmem>>
      %dma_wait3A_126 = tpu.memref_squeeze %dma_wait3A_125 : memref<1x1x125xi32, #tpu.memory_space<vmem>> -> memref<125xi32, #tpu.memory_space<vmem>>
      %dma_wait3A_127 = arith.constant 0 : i32
      %dma_wait3A_128 = arith.constant 0 : i32
      %dma_wait3A_129 = tpu.memref_slice %arg14[%dma_wait3A_127, %dma_wait3A_128] : memref<10240x128xf32, #tpu.memory_space<vmem_shared>> -> memref<10240x128xf32, #tpu.memory_space<vmem_shared>>
      tpu.wait_indirect_dma semaphore(%arg13 : memref<!tpu.dma_semaphore, #tpu.memory_space<semaphore_mem>>) src(%dma_wait3A_123 : memref<125x128xf32, #tpu.memory_space<vmem>>) dst(%dma_wait3A_129 : memref<10240x128xf32, #tpu.memory_space<vmem_shared>>)
      %dma_start3A_130 = arith.constant 2 : i32
      %dma_start3A_131 = arith.constant 0 : i32
      %dma_start3A_132 = arith.constant 0 : i32
      %dma_start3A_133 = arith.constant 0 : i32
      %dma_start3A_134 = tpu.memref_slice %arg9[%dma_start3A_131, %dma_start3A_132, %dma_start3A_133] : memref<2x125x128xf32, #tpu.memory_space<vmem>> -> memref<1x125x128xf32, #tpu.memory_space<vmem>>
      %dma_start3A_135 = tpu.memref_squeeze %dma_start3A_134 : memref<1x125x128xf32, #tpu.memory_space<vmem>> -> memref<125x128xf32, #tpu.memory_space<vmem>>
      %dma_start3A_136 = arith.constant 0 : i32
      %dma_start3A_137 = tpu.memref_slice %arg7[%rem3A_66, %dma_start3A_130, %dma_start3A_136] : memref<2x8x125xi32, #tpu.memory_space<vmem>> -> memref<1x1x125xi32, #tpu.memory_space<vmem>>
      %dma_start3A_138 = tpu.memref_squeeze %dma_start3A_137 : memref<1x1x125xi32, #tpu.memory_space<vmem>> -> memref<125xi32, #tpu.memory_space<vmem>>
      %dma_start3A_139 = arith.constant 0 : i32
      %dma_start3A_140 = arith.constant 0 : i32
      %dma_start3A_141 = tpu.memref_slice %arg2[%dma_start3A_139, %dma_start3A_140] : memref<20000x128xf32, #tpu.memory_space<hbm>> -> memref<20000x128xf32, #tpu.memory_space<hbm>>
      tpu.enqueue_indirect_dma source(%dma_start3A_141 : memref<20000x128xf32, #tpu.memory_space<hbm>>) target(%dma_start3A_135 : memref<125x128xf32, #tpu.memory_space<vmem>>) offsets(%dma_start3A_138 : memref<125xi32, #tpu.memory_space<vmem>>) semaphore(%arg11 : memref<!tpu.dma_semaphore, #tpu.memory_space<semaphore_mem>>)
      %dma_wait3A_142 = arith.constant 1 : i32
      %dma_wait3A_143 = arith.constant 1 : i32
      %dma_wait3A_144 = arith.constant 0 : i32
      %dma_wait3A_145 = arith.constant 0 : i32
      %dma_wait3A_146 = tpu.memref_slice %arg9[%dma_wait3A_143, %dma_wait3A_144, %dma_wait3A_145] : memref<2x125x128xf32, #tpu.memory_space<vmem>> -> memref<1x125x128xf32, #tpu.memory_space<vmem>>
      %dma_wait3A_147 = tpu.memref_squeeze %dma_wait3A_146 : memref<1x125x128xf32, #tpu.memory_space<vmem>> -> memref<125x128xf32, #tpu.memory_space<vmem>>
      %dma_wait3A_148 = arith.constant 0 : i32
      %dma_wait3A_149 = tpu.memref_slice %arg7[%rem3A_66, %dma_wait3A_142, %dma_wait3A_148] : memref<2x8x125xi32, #tpu.memory_space<vmem>> -> memref<1x1x125xi32, #tpu.memory_space<vmem>>
      %dma_wait3A_150 = tpu.memref_squeeze %dma_wait3A_149 : memref<1x1x125xi32, #tpu.memory_space<vmem>> -> memref<125xi32, #tpu.memory_space<vmem>>
      %dma_wait3A_151 = arith.constant 0 : i32
      %dma_wait3A_152 = arith.constant 0 : i32
      %dma_wait3A_153 = tpu.memref_slice %arg2[%dma_wait3A_151, %dma_wait3A_152] : memref<20000x128xf32, #tpu.memory_space<hbm>> -> memref<20000x128xf32, #tpu.memory_space<hbm>>
      tpu.wait_indirect_dma semaphore(%arg12 : memref<!tpu.dma_semaphore, #tpu.memory_space<semaphore_mem>>) src(%dma_wait3A_153 : memref<20000x128xf32, #tpu.memory_space<hbm>>) dst(%dma_wait3A_147 : memref<125x128xf32, #tpu.memory_space<vmem>>)
      %dma_start3A_154 = arith.constant 1 : i32
      %dma_start3A_155 = arith.constant 1 : i32
      %dma_start3A_156 = arith.constant 0 : i32
      %dma_start3A_157 = arith.constant 0 : i32
      %dma_start3A_158 = tpu.memref_slice %arg9[%dma_start3A_154, %dma_start3A_156, %dma_start3A_157] : memref<2x125x128xf32, #tpu.memory_space<vmem>> -> memref<1x125x128xf32, #tpu.memory_space<vmem>>
      %dma_start3A_159 = tpu.memref_squeeze %dma_start3A_158 : memref<1x125x128xf32, #tpu.memory_space<vmem>> -> memref<125x128xf32, #tpu.memory_space<vmem>>
      %dma_start3A_160 = arith.constant 0 : i32
      %dma_start3A_161 = tpu.memref_slice %arg8[%rem3A_66, %dma_start3A_155, %dma_start3A_160] : memref<2x8x125xi32, #tpu.memory_space<vmem>> -> memref<1x1x125xi32, #tpu.memory_space<vmem>>
      %dma_start3A_162 = tpu.memref_squeeze %dma_start3A_161 : memref<1x1x125xi32, #tpu.memory_space<vmem>> -> memref<125xi32, #tpu.memory_space<vmem>>
      %dma_start3A_163 = arith.constant 0 : i32
      %dma_start3A_164 = arith.constant 0 : i32
      %dma_start3A_165 = tpu.memref_slice %arg14[%dma_start3A_163, %dma_start3A_164] : memref<10240x128xf32, #tpu.memory_space<vmem_shared>> -> memref<10240x128xf32, #tpu.memory_space<vmem_shared>>
      tpu.enqueue_indirect_dma source(%dma_start3A_159 : memref<125x128xf32, #tpu.memory_space<vmem>>) target(%dma_start3A_165 : memref<10240x128xf32, #tpu.memory_space<vmem_shared>>) offsets(%dma_start3A_162 : memref<125xi32, #tpu.memory_space<vmem>>) semaphore(%arg13 : memref<!tpu.dma_semaphore, #tpu.memory_space<semaphore_mem>>) {add = true}
      %dma_wait3A_166 = arith.constant 1 : i32
      %dma_wait3A_167 = arith.constant 2 : i32
      %dma_wait3A_168 = arith.constant 0 : i32
      %dma_wait3A_169 = arith.constant 0 : i32
      %dma_wait3A_170 = tpu.memref_slice %arg9[%dma_wait3A_166, %dma_wait3A_168, %dma_wait3A_169] : memref<2x125x128xf32, #tpu.memory_space<vmem>> -> memref<1x125x128xf32, #tpu.memory_space<vmem>>
      %dma_wait3A_171 = tpu.memref_squeeze %dma_wait3A_170 : memref<1x125x128xf32, #tpu.memory_space<vmem>> -> memref<125x128xf32, #tpu.memory_space<vmem>>
      %dma_wait3A_172 = arith.constant 0 : i32
      %dma_wait3A_173 = tpu.memref_slice %arg8[%rem3A_66, %dma_wait3A_167, %dma_wait3A_172] : memref<2x8x125xi32, #tpu.memory_space<vmem>> -> memref<1x1x125xi32, #tpu.memory_space<vmem>>
      %dma_wait3A_174 = tpu.memref_squeeze %dma_wait3A_173 : memref<1x1x125xi32, #tpu.memory_space<vmem>> -> memref<125xi32, #tpu.memory_space<vmem>>
      %dma_wait3A_175 = arith.constant 0 : i32
      %dma_wait3A_176 = arith.constant 0 : i32
      %dma_wait3A_177 = tpu.memref_slice %arg14[%dma_wait3A_175, %dma_wait3A_176] : memref<10240x128xf32, #tpu.memory_space<vmem_shared>> -> memref<10240x128xf32, #tpu.memory_space<vmem_shared>>
      tpu.wait_indirect_dma semaphore(%arg13 : memref<!tpu.dma_semaphore, #tpu.memory_space<semaphore_mem>>) src(%dma_wait3A_171 : memref<125x128xf32, #tpu.memory_space<vmem>>) dst(%dma_wait3A_177 : memref<10240x128xf32, #tpu.memory_space<vmem_shared>>)
      %dma_start3A_178 = arith.constant 3 : i32
      %dma_start3A_179 = arith.constant 1 : i32
      %dma_start3A_180 = arith.constant 0 : i32
      %dma_start3A_181 = arith.constant 0 : i32
      %dma_start3A_182 = tpu.memref_slice %arg9[%dma_start3A_179, %dma_start3A_180, %dma_start3A_181] : memref<2x125x128xf32, #tpu.memory_space<vmem>> -> memref<1x125x128xf32, #tpu.memory_space<vmem>>
      %dma_start3A_183 = tpu.memref_squeeze %dma_start3A_182 : memref<1x125x128xf32, #tpu.memory_space<vmem>> -> memref<125x128xf32, #tpu.memory_space<vmem>>
      %dma_start3A_184 = arith.constant 0 : i32
      %dma_start3A_185 = tpu.memref_slice %arg7[%rem3A_66, %dma_start3A_178, %dma_start3A_184] : memref<2x8x125xi32, #tpu.memory_space<vmem>> -> memref<1x1x125xi32, #tpu.memory_space<vmem>>
      %dma_start3A_186 = tpu.memref_squeeze %dma_start3A_185 : memref<1x1x125xi32, #tpu.memory_space<vmem>> -> memref<125xi32, #tpu.memory_space<vmem>>
      %dma_start3A_187 = arith.constant 0 : i32
      %dma_start3A_188 = arith.constant 0 : i32
      %dma_start3A_189 = tpu.memref_slice %arg2[%dma_start3A_187, %dma_start3A_188] : memref<20000x128xf32, #tpu.memory_space<hbm>> -> memref<20000x128xf32, #tpu.memory_space<hbm>>
      tpu.enqueue_indirect_dma source(%dma_start3A_189 : memref<20000x128xf32, #tpu.memory_space<hbm>>) target(%dma_start3A_183 : memref<125x128xf32, #tpu.memory_space<vmem>>) offsets(%dma_start3A_186 : memref<125xi32, #tpu.memory_space<vmem>>) semaphore(%arg12 : memref<!tpu.dma_semaphore, #tpu.memory_space<semaphore_mem>>)
      %dma_wait3A_190 = arith.constant 2 : i32
      %dma_wait3A_191 = arith.constant 0 : i32
      %dma_wait3A_192 = arith.constant 0 : i32
      %dma_wait3A_193 = arith.constant 0 : i32
      %dma_wait3A_194 = tpu.memref_slice %arg9[%dma_wait3A_191, %dma_wait3A_192, %dma_wait3A_193] : memref<2x125x128xf32, #tpu.memory_space<vmem>> -> memref<1x125x128xf32, #tpu.memory_space<vmem>>
      %dma_wait3A_195 = tpu.memref_squeeze %dma_wait3A_194 : memref<1x125x128xf32, #tpu.memory_space<vmem>> -> memref<125x128xf32, #tpu.memory_space<vmem>>
      %dma_wait3A_196 = arith.constant 0 : i32
      %dma_wait3A_197 = tpu.memref_slice %arg7[%rem3A_66, %dma_wait3A_190, %dma_wait3A_196] : memref<2x8x125xi32, #tpu.memory_space<vmem>> -> memref<1x1x125xi32, #tpu.memory_space<vmem>>
      %dma_wait3A_198 = tpu.memref_squeeze %dma_wait3A_197 : memref<1x1x125xi32, #tpu.memory_space<vmem>> -> memref<125xi32, #tpu.memory_space<vmem>>
      %dma_wait3A_199 = arith.constant 0 : i32
      %dma_wait3A_200 = arith.constant 0 : i32
      %dma_wait3A_201 = tpu.memref_slice %arg2[%dma_wait3A_199, %dma_wait3A_200] : memref<20000x128xf32, #tpu.memory_space<hbm>> -> memref<20000x128xf32, #tpu.memory_space<hbm>>
      tpu.wait_indirect_dma semaphore(%arg11 : memref<!tpu.dma_semaphore, #tpu.memory_space<semaphore_mem>>) src(%dma_wait3A_201 : memref<20000x128xf32, #tpu.memory_space<hbm>>) dst(%dma_wait3A_195 : memref<125x128xf32, #tpu.memory_space<vmem>>)
      %dma_start3A_202 = arith.constant 0 : i32
      %dma_start3A_203 = arith.constant 2 : i32
      %dma_start3A_204 = arith.constant 0 : i32
      %dma_start3A_205 = arith.constant 0 : i32
      %dma_start3A_206 = tpu.memref_slice %arg9[%dma_start3A_202, %dma_start3A_204, %dma_start3A_205] : memref<2x125x128xf32, #tpu.memory_space<vmem>> -> memref<1x125x128xf32, #tpu.memory_space<vmem>>
      %dma_start3A_207 = tpu.memref_squeeze %dma_start3A_206 : memref<1x125x128xf32, #tpu.memory_space<vmem>> -> memref<125x128xf32, #tpu.memory_space<vmem>>
      %dma_start3A_208 = arith.constant 0 : i32
      %dma_start3A_209 = tpu.memref_slice %arg8[%rem3A_66, %dma_start3A_203, %dma_start3A_208] : memref<2x8x125xi32, #tpu.memory_space<vmem>> -> memref<1x1x125xi32, #tpu.memory_space<vmem>>
      %dma_start3A_210 = tpu.memref_squeeze %dma_start3A_209 : memref<1x1x125xi32, #tpu.memory_space<vmem>> -> memref<125xi32, #tpu.memory_space<vmem>>
      %dma_start3A_211 = arith.constant 0 : i32
      %dma_start3A_212 = arith.constant 0 : i32
      %dma_start3A_213 = tpu.memref_slice %arg14[%dma_start3A_211, %dma_start3A_212] : memref<10240x128xf32, #tpu.memory_space<vmem_shared>> -> memref<10240x128xf32, #tpu.memory_space<vmem_shared>>
      tpu.enqueue_indirect_dma source(%dma_start3A_207 : memref<125x128xf32, #tpu.memory_space<vmem>>) target(%dma_start3A_213 : memref<10240x128xf32, #tpu.memory_space<vmem_shared>>) offsets(%dma_start3A_210 : memref<125xi32, #tpu.memory_space<vmem>>) semaphore(%arg13 : memref<!tpu.dma_semaphore, #tpu.memory_space<semaphore_mem>>) {add = true}
      %dma_wait3A_214 = arith.constant 0 : i32
      %dma_wait3A_215 = arith.constant 3 : i32
      %dma_wait3A_216 = arith.constant 0 : i32
      %dma_wait3A_217 = arith.constant 0 : i32
      %dma_wait3A_218 = tpu.memref_slice %arg9[%dma_wait3A_214, %dma_wait3A_216, %dma_wait3A_217] : memref<2x125x128xf32, #tpu.memory_space<vmem>> -> memref<1x125x128xf32, #tpu.memory_space<vmem>>
      %dma_wait3A_219 = tpu.memref_squeeze %dma_wait3A_218 : memref<1x125x128xf32, #tpu.memory_space<vmem>> -> memref<125x128xf32, #tpu.memory_space<vmem>>
      %dma_wait3A_220 = arith.constant 0 : i32
      %dma_wait3A_221 = tpu.memref_slice %arg8[%rem3A_66, %dma_wait3A_215, %dma_wait3A_220] : memref<2x8x125xi32, #tpu.memory_space<vmem>> -> memref<1x1x125xi32, #tpu.memory_space<vmem>>
      %dma_wait3A_222 = tpu.memref_squeeze %dma_wait3A_221 : memref<1x1x125xi32, #tpu.memory_space<vmem>> -> memref<125xi32, #tpu.memory_space<vmem>>
      %dma_wait3A_223 = arith.constant 0 : i32
      %dma_wait3A_224 = arith.constant 0 : i32
      %dma_wait3A_225 = tpu.memref_slice %arg14[%dma_wait3A_223, %dma_wait3A_224] : memref<10240x128xf32, #tpu.memory_space<vmem_shared>> -> memref<10240x128xf32, #tpu.memory_space<vmem_shared>>
      tpu.wait_indirect_dma semaphore(%arg13 : memref<!tpu.dma_semaphore, #tpu.memory_space<semaphore_mem>>) src(%dma_wait3A_219 : memref<125x128xf32, #tpu.memory_space<vmem>>) dst(%dma_wait3A_225 : memref<10240x128xf32, #tpu.memory_space<vmem_shared>>)
      %dma_start3A_226 = arith.constant 4 : i32
      %dma_start3A_227 = arith.constant 0 : i32
      %dma_start3A_228 = arith.constant 0 : i32
      %dma_start3A_229 = arith.constant 0 : i32
      %dma_start3A_230 = tpu.memref_slice %arg9[%dma_start3A_227, %dma_start3A_228, %dma_start3A_229] : memref<2x125x128xf32, #tpu.memory_space<vmem>> -> memref<1x125x128xf32, #tpu.memory_space<vmem>>
      %dma_start3A_231 = tpu.memref_squeeze %dma_start3A_230 : memref<1x125x128xf32, #tpu.memory_space<vmem>> -> memref<125x128xf32, #tpu.memory_space<vmem>>
      %dma_start3A_232 = arith.constant 0 : i32
      %dma_start3A_233 = tpu.memref_slice %arg7[%rem3A_66, %dma_start3A_226, %dma_start3A_232] : memref<2x8x125xi32, #tpu.memory_space<vmem>> -> memref<1x1x125xi32, #tpu.memory_space<vmem>>
      %dma_start3A_234 = tpu.memref_squeeze %dma_start3A_233 : memref<1x1x125xi32, #tpu.memory_space<vmem>> -> memref<125xi32, #tpu.memory_space<vmem>>
      %dma_start3A_235 = arith.constant 0 : i32
      %dma_start3A_236 = arith.constant 0 : i32
      %dma_start3A_237 = tpu.memref_slice %arg2[%dma_start3A_235, %dma_start3A_236] : memref<20000x128xf32, #tpu.memory_space<hbm>> -> memref<20000x128xf32, #tpu.memory_space<hbm>>
      tpu.enqueue_indirect_dma source(%dma_start3A_237 : memref<20000x128xf32, #tpu.memory_space<hbm>>) target(%dma_start3A_231 : memref<125x128xf32, #tpu.memory_space<vmem>>) offsets(%dma_start3A_234 : memref<125xi32, #tpu.memory_space<vmem>>) semaphore(%arg11 : memref<!tpu.dma_semaphore, #tpu.memory_space<semaphore_mem>>)
      %dma_wait3A_238 = arith.constant 3 : i32
      %dma_wait3A_239 = arith.constant 1 : i32
      %dma_wait3A_240 = arith.constant 0 : i32
      %dma_wait3A_241 = arith.constant 0 : i32
      %dma_wait3A_242 = tpu.memref_slice %arg9[%dma_wait3A_239, %dma_wait3A_240, %dma_wait3A_241] : memref<2x125x128xf32, #tpu.memory_space<vmem>> -> memref<1x125x128xf32, #tpu.memory_space<vmem>>
      %dma_wait3A_243 = tpu.memref_squeeze %dma_wait3A_242 : memref<1x125x128xf32, #tpu.memory_space<vmem>> -> memref<125x128xf32, #tpu.memory_space<vmem>>
      %dma_wait3A_244 = arith.constant 0 : i32
      %dma_wait3A_245 = tpu.memref_slice %arg7[%rem3A_66, %dma_wait3A_238, %dma_wait3A_244] : memref<2x8x125xi32, #tpu.memory_space<vmem>> -> memref<1x1x125xi32, #tpu.memory_space<vmem>>
      %dma_wait3A_246 = tpu.memref_squeeze %dma_wait3A_245 : memref<1x1x125xi32, #tpu.memory_space<vmem>> -> memref<125xi32, #tpu.memory_space<vmem>>
      %dma_wait3A_247 = arith.constant 0 : i32
      %dma_wait3A_248 = arith.constant 0 : i32
      %dma_wait3A_249 = tpu.memref_slice %arg2[%dma_wait3A_247, %dma_wait3A_248] : memref<20000x128xf32, #tpu.memory_space<hbm>> -> memref<20000x128xf32, #tpu.memory_space<hbm>>
      tpu.wait_indirect_dma semaphore(%arg12 : memref<!tpu.dma_semaphore, #tpu.memory_space<semaphore_mem>>) src(%dma_wait3A_249 : memref<20000x128xf32, #tpu.memory_space<hbm>>) dst(%dma_wait3A_243 : memref<125x128xf32, #tpu.memory_space<vmem>>)
      %dma_start3A_250 = arith.constant 1 : i32
      %dma_start3A_251 = arith.constant 3 : i32
      %dma_start3A_252 = arith.constant 0 : i32
      %dma_start3A_253 = arith.constant 0 : i32
      %dma_start3A_254 = tpu.memref_slice %arg9[%dma_start3A_250, %dma_start3A_252, %dma_start3A_253] : memref<2x125x128xf32, #tpu.memory_space<vmem>> -> memref<1x125x128xf32, #tpu.memory_space<vmem>>
      %dma_start3A_255 = tpu.memref_squeeze %dma_start3A_254 : memref<1x125x128xf32, #tpu.memory_space<vmem>> -> memref<125x128xf32, #tpu.memory_space<vmem>>
      %dma_start3A_256 = arith.constant 0 : i32
      %dma_start3A_257 = tpu.memref_slice %arg8[%rem3A_66, %dma_start3A_251, %dma_start3A_256] : memref<2x8x125xi32, #tpu.memory_space<vmem>> -> memref<1x1x125xi32, #tpu.memory_space<vmem>>
      %dma_start3A_258 = tpu.memref_squeeze %dma_start3A_257 : memref<1x1x125xi32, #tpu.memory_space<vmem>> -> memref<125xi32, #tpu.memory_space<vmem>>
      %dma_start3A_259 = arith.constant 0 : i32
      %dma_start3A_260 = arith.constant 0 : i32
      %dma_start3A_261 = tpu.memref_slice %arg14[%dma_start3A_259, %dma_start3A_260] : memref<10240x128xf32, #tpu.memory_space<vmem_shared>> -> memref<10240x128xf32, #tpu.memory_space<vmem_shared>>
      tpu.enqueue_indirect_dma source(%dma_start3A_255 : memref<125x128xf32, #tpu.memory_space<vmem>>) target(%dma_start3A_261 : memref<10240x128xf32, #tpu.memory_space<vmem_shared>>) offsets(%dma_start3A_258 : memref<125xi32, #tpu.memory_space<vmem>>) semaphore(%arg13 : memref<!tpu.dma_semaphore, #tpu.memory_space<semaphore_mem>>) {add = true}
      %dma_wait3A_262 = arith.constant 1 : i32
      %dma_wait3A_263 = arith.constant 4 : i32
      %dma_wait3A_264 = arith.constant 0 : i32
      %dma_wait3A_265 = arith.constant 0 : i32
      %dma_wait3A_266 = tpu.memref_slice %arg9[%dma_wait3A_262, %dma_wait3A_264, %dma_wait3A_265] : memref<2x125x128xf32, #tpu.memory_space<vmem>> -> memref<1x125x128xf32, #tpu.memory_space<vmem>>
      %dma_wait3A_267 = tpu.memref_squeeze %dma_wait3A_266 : memref<1x125x128xf32, #tpu.memory_space<vmem>> -> memref<125x128xf32, #tpu.memory_space<vmem>>
      %dma_wait3A_268 = arith.constant 0 : i32
      %dma_wait3A_269 = tpu.memref_slice %arg8[%rem3A_66, %dma_wait3A_263, %dma_wait3A_268] : memref<2x8x125xi32, #tpu.memory_space<vmem>> -> memref<1x1x125xi32, #tpu.memory_space<vmem>>
      %dma_wait3A_270 = tpu.memref_squeeze %dma_wait3A_269 : memref<1x1x125xi32, #tpu.memory_space<vmem>> -> memref<125xi32, #tpu.memory_space<vmem>>
      %dma_wait3A_271 = arith.constant 0 : i32
      %dma_wait3A_272 = arith.constant 0 : i32
      %dma_wait3A_273 = tpu.memref_slice %arg14[%dma_wait3A_271, %dma_wait3A_272] : memref<10240x128xf32, #tpu.memory_space<vmem_shared>> -> memref<10240x128xf32, #tpu.memory_space<vmem_shared>>
      tpu.wait_indirect_dma semaphore(%arg13 : memref<!tpu.dma_semaphore, #tpu.memory_space<semaphore_mem>>) src(%dma_wait3A_267 : memref<125x128xf32, #tpu.memory_space<vmem>>) dst(%dma_wait3A_273 : memref<10240x128xf32, #tpu.memory_space<vmem_shared>>)
      %dma_start3A_274 = arith.constant 5 : i32
      %dma_start3A_275 = arith.constant 1 : i32
      %dma_start3A_276 = arith.constant 0 : i32
      %dma_start3A_277 = arith.constant 0 : i32
      %dma_start3A_278 = tpu.memref_slice %arg9[%dma_start3A_275, %dma_start3A_276, %dma_start3A_277] : memref<2x125x128xf32, #tpu.memory_space<vmem>> -> memref<1x125x128xf32, #tpu.memory_space<vmem>>
      %dma_start3A_279 = tpu.memref_squeeze %dma_start3A_278 : memref<1x125x128xf32, #tpu.memory_space<vmem>> -> memref<125x128xf32, #tpu.memory_space<vmem>>
      %dma_start3A_280 = arith.constant 0 : i32
      %dma_start3A_281 = tpu.memref_slice %arg7[%rem3A_66, %dma_start3A_274, %dma_start3A_280] : memref<2x8x125xi32, #tpu.memory_space<vmem>> -> memref<1x1x125xi32, #tpu.memory_space<vmem>>
      %dma_start3A_282 = tpu.memref_squeeze %dma_start3A_281 : memref<1x1x125xi32, #tpu.memory_space<vmem>> -> memref<125xi32, #tpu.memory_space<vmem>>
      %dma_start3A_283 = arith.constant 0 : i32
      %dma_start3A_284 = arith.constant 0 : i32
      %dma_start3A_285 = tpu.memref_slice %arg2[%dma_start3A_283, %dma_start3A_284] : memref<20000x128xf32, #tpu.memory_space<hbm>> -> memref<20000x128xf32, #tpu.memory_space<hbm>>
      tpu.enqueue_indirect_dma source(%dma_start3A_285 : memref<20000x128xf32, #tpu.memory_space<hbm>>) target(%dma_start3A_279 : memref<125x128xf32, #tpu.memory_space<vmem>>) offsets(%dma_start3A_282 : memref<125xi32, #tpu.memory_space<vmem>>) semaphore(%arg12 : memref<!tpu.dma_semaphore, #tpu.memory_space<semaphore_mem>>)
      %dma_wait3A_286 = arith.constant 4 : i32
      %dma_wait3A_287 = arith.constant 0 : i32
      %dma_wait3A_288 = arith.constant 0 : i32
      %dma_wait3A_289 = arith.constant 0 : i32
      %dma_wait3A_290 = tpu.memref_slice %arg9[%dma_wait3A_287, %dma_wait3A_288, %dma_wait3A_289] : memref<2x125x128xf32, #tpu.memory_space<vmem>> -> memref<1x125x128xf32, #tpu.memory_space<vmem>>
      %dma_wait3A_291 = tpu.memref_squeeze %dma_wait3A_290 : memref<1x125x128xf32, #tpu.memory_space<vmem>> -> memref<125x128xf32, #tpu.memory_space<vmem>>
      %dma_wait3A_292 = arith.constant 0 : i32
      %dma_wait3A_293 = tpu.memref_slice %arg7[%rem3A_66, %dma_wait3A_286, %dma_wait3A_292] : memref<2x8x125xi32, #tpu.memory_space<vmem>> -> memref<1x1x125xi32, #tpu.memory_space<vmem>>
      %dma_wait3A_294 = tpu.memref_squeeze %dma_wait3A_293 : memref<1x1x125xi32, #tpu.memory_space<vmem>> -> memref<125xi32, #tpu.memory_space<vmem>>
      %dma_wait3A_295 = arith.constant 0 : i32
      %dma_wait3A_296 = arith.constant 0 : i32
      %dma_wait3A_297 = tpu.memref_slice %arg2[%dma_wait3A_295, %dma_wait3A_296] : memref<20000x128xf32, #tpu.memory_space<hbm>> -> memref<20000x128xf32, #tpu.memory_space<hbm>>
      tpu.wait_indirect_dma semaphore(%arg11 : memref<!tpu.dma_semaphore, #tpu.memory_space<semaphore_mem>>) src(%dma_wait3A_297 : memref<20000x128xf32, #tpu.memory_space<hbm>>) dst(%dma_wait3A_291 : memref<125x128xf32, #tpu.memory_space<vmem>>)
      %dma_start3A_298 = arith.constant 0 : i32
      %dma_start3A_299 = arith.constant 4 : i32
      %dma_start3A_300 = arith.constant 0 : i32
      %dma_start3A_301 = arith.constant 0 : i32
      %dma_start3A_302 = tpu.memref_slice %arg9[%dma_start3A_298, %dma_start3A_300, %dma_start3A_301] : memref<2x125x128xf32, #tpu.memory_space<vmem>> -> memref<1x125x128xf32, #tpu.memory_space<vmem>>
      %dma_start3A_303 = tpu.memref_squeeze %dma_start3A_302 : memref<1x125x128xf32, #tpu.memory_space<vmem>> -> memref<125x128xf32, #tpu.memory_space<vmem>>
      %dma_start3A_304 = arith.constant 0 : i32
      %dma_start3A_305 = tpu.memref_slice %arg8[%rem3A_66, %dma_start3A_299, %dma_start3A_304] : memref<2x8x125xi32, #tpu.memory_space<vmem>> -> memref<1x1x125xi32, #tpu.memory_space<vmem>>
      %dma_start3A_306 = tpu.memref_squeeze %dma_start3A_305 : memref<1x1x125xi32, #tpu.memory_space<vmem>> -> memref<125xi32, #tpu.memory_space<vmem>>
      %dma_start3A_307 = arith.constant 0 : i32
      %dma_start3A_308 = arith.constant 0 : i32
      %dma_start3A_309 = tpu.memref_slice %arg14[%dma_start3A_307, %dma_start3A_308] : memref<10240x128xf32, #tpu.memory_space<vmem_shared>> -> memref<10240x128xf32, #tpu.memory_space<vmem_shared>>
      tpu.enqueue_indirect_dma source(%dma_start3A_303 : memref<125x128xf32, #tpu.memory_space<vmem>>) target(%dma_start3A_309 : memref<10240x128xf32, #tpu.memory_space<vmem_shared>>) offsets(%dma_start3A_306 : memref<125xi32, #tpu.memory_space<vmem>>) semaphore(%arg13 : memref<!tpu.dma_semaphore, #tpu.memory_space<semaphore_mem>>) {add = true}
      %dma_wait3A_310 = arith.constant 0 : i32
      %dma_wait3A_311 = arith.constant 5 : i32
      %dma_wait3A_312 = arith.constant 0 : i32
      %dma_wait3A_313 = arith.constant 0 : i32
      %dma_wait3A_314 = tpu.memref_slice %arg9[%dma_wait3A_310, %dma_wait3A_312, %dma_wait3A_313] : memref<2x125x128xf32, #tpu.memory_space<vmem>> -> memref<1x125x128xf32, #tpu.memory_space<vmem>>
      %dma_wait3A_315 = tpu.memref_squeeze %dma_wait3A_314 : memref<1x125x128xf32, #tpu.memory_space<vmem>> -> memref<125x128xf32, #tpu.memory_space<vmem>>
      %dma_wait3A_316 = arith.constant 0 : i32
      %dma_wait3A_317 = tpu.memref_slice %arg8[%rem3A_66, %dma_wait3A_311, %dma_wait3A_316] : memref<2x8x125xi32, #tpu.memory_space<vmem>> -> memref<1x1x125xi32, #tpu.memory_space<vmem>>
      %dma_wait3A_318 = tpu.memref_squeeze %dma_wait3A_317 : memref<1x1x125xi32, #tpu.memory_space<vmem>> -> memref<125xi32, #tpu.memory_space<vmem>>
      %dma_wait3A_319 = arith.constant 0 : i32
      %dma_wait3A_320 = arith.constant 0 : i32
      %dma_wait3A_321 = tpu.memref_slice %arg14[%dma_wait3A_319, %dma_wait3A_320] : memref<10240x128xf32, #tpu.memory_space<vmem_shared>> -> memref<10240x128xf32, #tpu.memory_space<vmem_shared>>
      tpu.wait_indirect_dma semaphore(%arg13 : memref<!tpu.dma_semaphore, #tpu.memory_space<semaphore_mem>>) src(%dma_wait3A_315 : memref<125x128xf32, #tpu.memory_space<vmem>>) dst(%dma_wait3A_321 : memref<10240x128xf32, #tpu.memory_space<vmem_shared>>)
      %dma_start3A_322 = arith.constant 6 : i32
      %dma_start3A_323 = arith.constant 0 : i32
      %dma_start3A_324 = arith.constant 0 : i32
      %dma_start3A_325 = arith.constant 0 : i32
      %dma_start3A_326 = tpu.memref_slice %arg9[%dma_start3A_323, %dma_start3A_324, %dma_start3A_325] : memref<2x125x128xf32, #tpu.memory_space<vmem>> -> memref<1x125x128xf32, #tpu.memory_space<vmem>>
      %dma_start3A_327 = tpu.memref_squeeze %dma_start3A_326 : memref<1x125x128xf32, #tpu.memory_space<vmem>> -> memref<125x128xf32, #tpu.memory_space<vmem>>
      %dma_start3A_328 = arith.constant 0 : i32
      %dma_start3A_329 = tpu.memref_slice %arg7[%rem3A_66, %dma_start3A_322, %dma_start3A_328] : memref<2x8x125xi32, #tpu.memory_space<vmem>> -> memref<1x1x125xi32, #tpu.memory_space<vmem>>
      %dma_start3A_330 = tpu.memref_squeeze %dma_start3A_329 : memref<1x1x125xi32, #tpu.memory_space<vmem>> -> memref<125xi32, #tpu.memory_space<vmem>>
      %dma_start3A_331 = arith.constant 0 : i32
      %dma_start3A_332 = arith.constant 0 : i32
      %dma_start3A_333 = tpu.memref_slice %arg2[%dma_start3A_331, %dma_start3A_332] : memref<20000x128xf32, #tpu.memory_space<hbm>> -> memref<20000x128xf32, #tpu.memory_space<hbm>>
      tpu.enqueue_indirect_dma source(%dma_start3A_333 : memref<20000x128xf32, #tpu.memory_space<hbm>>) target(%dma_start3A_327 : memref<125x128xf32, #tpu.memory_space<vmem>>) offsets(%dma_start3A_330 : memref<125xi32, #tpu.memory_space<vmem>>) semaphore(%arg11 : memref<!tpu.dma_semaphore, #tpu.memory_space<semaphore_mem>>)
      %dma_wait3A_334 = arith.constant 5 : i32
      %dma_wait3A_335 = arith.constant 1 : i32
      %dma_wait3A_336 = arith.constant 0 : i32
      %dma_wait3A_337 = arith.constant 0 : i32
      %dma_wait3A_338 = tpu.memref_slice %arg9[%dma_wait3A_335, %dma_wait3A_336, %dma_wait3A_337] : memref<2x125x128xf32, #tpu.memory_space<vmem>> -> memref<1x125x128xf32, #tpu.memory_space<vmem>>
      %dma_wait3A_339 = tpu.memref_squeeze %dma_wait3A_338 : memref<1x125x128xf32, #tpu.memory_space<vmem>> -> memref<125x128xf32, #tpu.memory_space<vmem>>
      %dma_wait3A_340 = arith.constant 0 : i32
      %dma_wait3A_341 = tpu.memref_slice %arg7[%rem3A_66, %dma_wait3A_334, %dma_wait3A_340] : memref<2x8x125xi32, #tpu.memory_space<vmem>> -> memref<1x1x125xi32, #tpu.memory_space<vmem>>
      %dma_wait3A_342 = tpu.memref_squeeze %dma_wait3A_341 : memref<1x1x125xi32, #tpu.memory_space<vmem>> -> memref<125xi32, #tpu.memory_space<vmem>>
      %dma_wait3A_343 = arith.constant 0 : i32
      %dma_wait3A_344 = arith.constant 0 : i32
      %dma_wait3A_345 = tpu.memref_slice %arg2[%dma_wait3A_343, %dma_wait3A_344] : memref<20000x128xf32, #tpu.memory_space<hbm>> -> memref<20000x128xf32, #tpu.memory_space<hbm>>
      tpu.wait_indirect_dma semaphore(%arg12 : memref<!tpu.dma_semaphore, #tpu.memory_space<semaphore_mem>>) src(%dma_wait3A_345 : memref<20000x128xf32, #tpu.memory_space<hbm>>) dst(%dma_wait3A_339 : memref<125x128xf32, #tpu.memory_space<vmem>>)
      %dma_start3A_346 = arith.constant 1 : i32
      %dma_start3A_347 = arith.constant 5 : i32
      %dma_start3A_348 = arith.constant 0 : i32
      %dma_start3A_349 = arith.constant 0 : i32
      %dma_start3A_350 = tpu.memref_slice %arg9[%dma_start3A_346, %dma_start3A_348, %dma_start3A_349] : memref<2x125x128xf32, #tpu.memory_space<vmem>> -> memref<1x125x128xf32, #tpu.memory_space<vmem>>
      %dma_start3A_351 = tpu.memref_squeeze %dma_start3A_350 : memref<1x125x128xf32, #tpu.memory_space<vmem>> -> memref<125x128xf32, #tpu.memory_space<vmem>>
      %dma_start3A_352 = arith.constant 0 : i32
      %dma_start3A_353 = tpu.memref_slice %arg8[%rem3A_66, %dma_start3A_347, %dma_start3A_352] : memref<2x8x125xi32, #tpu.memory_space<vmem>> -> memref<1x1x125xi32, #tpu.memory_space<vmem>>
      %dma_start3A_354 = tpu.memref_squeeze %dma_start3A_353 : memref<1x1x125xi32, #tpu.memory_space<vmem>> -> memref<125xi32, #tpu.memory_space<vmem>>
      %dma_start3A_355 = arith.constant 0 : i32
      %dma_start3A_356 = arith.constant 0 : i32
      %dma_start3A_357 = tpu.memref_slice %arg14[%dma_start3A_355, %dma_start3A_356] : memref<10240x128xf32, #tpu.memory_space<vmem_shared>> -> memref<10240x128xf32, #tpu.memory_space<vmem_shared>>
      tpu.enqueue_indirect_dma source(%dma_start3A_351 : memref<125x128xf32, #tpu.memory_space<vmem>>) target(%dma_start3A_357 : memref<10240x128xf32, #tpu.memory_space<vmem_shared>>) offsets(%dma_start3A_354 : memref<125xi32, #tpu.memory_space<vmem>>) semaphore(%arg13 : memref<!tpu.dma_semaphore, #tpu.memory_space<semaphore_mem>>) {add = true}
      %dma_wait3A_358 = arith.constant 1 : i32
      %dma_wait3A_359 = arith.constant 6 : i32
      %dma_wait3A_360 = arith.constant 0 : i32
      %dma_wait3A_361 = arith.constant 0 : i32
      %dma_wait3A_362 = tpu.memref_slice %arg9[%dma_wait3A_358, %dma_wait3A_360, %dma_wait3A_361] : memref<2x125x128xf32, #tpu.memory_space<vmem>> -> memref<1x125x128xf32, #tpu.memory_space<vmem>>
      %dma_wait3A_363 = tpu.memref_squeeze %dma_wait3A_362 : memref<1x125x128xf32, #tpu.memory_space<vmem>> -> memref<125x128xf32, #tpu.memory_space<vmem>>
      %dma_wait3A_364 = arith.constant 0 : i32
      %dma_wait3A_365 = tpu.memref_slice %arg8[%rem3A_66, %dma_wait3A_359, %dma_wait3A_364] : memref<2x8x125xi32, #tpu.memory_space<vmem>> -> memref<1x1x125xi32, #tpu.memory_space<vmem>>
      %dma_wait3A_366 = tpu.memref_squeeze %dma_wait3A_365 : memref<1x1x125xi32, #tpu.memory_space<vmem>> -> memref<125xi32, #tpu.memory_space<vmem>>
      %dma_wait3A_367 = arith.constant 0 : i32
      %dma_wait3A_368 = arith.constant 0 : i32
      %dma_wait3A_369 = tpu.memref_slice %arg14[%dma_wait3A_367, %dma_wait3A_368] : memref<10240x128xf32, #tpu.memory_space<vmem_shared>> -> memref<10240x128xf32, #tpu.memory_space<vmem_shared>>
      tpu.wait_indirect_dma semaphore(%arg13 : memref<!tpu.dma_semaphore, #tpu.memory_space<semaphore_mem>>) src(%dma_wait3A_363 : memref<125x128xf32, #tpu.memory_space<vmem>>) dst(%dma_wait3A_369 : memref<10240x128xf32, #tpu.memory_space<vmem_shared>>)
      %dma_start3A_370 = arith.constant 7 : i32
      %dma_start3A_371 = arith.constant 1 : i32
      %dma_start3A_372 = arith.constant 0 : i32
      %dma_start3A_373 = arith.constant 0 : i32
      %dma_start3A_374 = tpu.memref_slice %arg9[%dma_start3A_371, %dma_start3A_372, %dma_start3A_373] : memref<2x125x128xf32, #tpu.memory_space<vmem>> -> memref<1x125x128xf32, #tpu.memory_space<vmem>>
      %dma_start3A_375 = tpu.memref_squeeze %dma_start3A_374 : memref<1x125x128xf32, #tpu.memory_space<vmem>> -> memref<125x128xf32, #tpu.memory_space<vmem>>
      %dma_start3A_376 = arith.constant 0 : i32
      %dma_start3A_377 = tpu.memref_slice %arg7[%rem3A_66, %dma_start3A_370, %dma_start3A_376] : memref<2x8x125xi32, #tpu.memory_space<vmem>> -> memref<1x1x125xi32, #tpu.memory_space<vmem>>
      %dma_start3A_378 = tpu.memref_squeeze %dma_start3A_377 : memref<1x1x125xi32, #tpu.memory_space<vmem>> -> memref<125xi32, #tpu.memory_space<vmem>>
      %dma_start3A_379 = arith.constant 0 : i32
      %dma_start3A_380 = arith.constant 0 : i32
      %dma_start3A_381 = tpu.memref_slice %arg2[%dma_start3A_379, %dma_start3A_380] : memref<20000x128xf32, #tpu.memory_space<hbm>> -> memref<20000x128xf32, #tpu.memory_space<hbm>>
      tpu.enqueue_indirect_dma source(%dma_start3A_381 : memref<20000x128xf32, #tpu.memory_space<hbm>>) target(%dma_start3A_375 : memref<125x128xf32, #tpu.memory_space<vmem>>) offsets(%dma_start3A_378 : memref<125xi32, #tpu.memory_space<vmem>>) semaphore(%arg12 : memref<!tpu.dma_semaphore, #tpu.memory_space<semaphore_mem>>)
      %dma_wait3A_382 = arith.constant 6 : i32
      %dma_wait3A_383 = arith.constant 0 : i32
      %dma_wait3A_384 = arith.constant 0 : i32
      %dma_wait3A_385 = arith.constant 0 : i32
      %dma_wait3A_386 = tpu.memref_slice %arg9[%dma_wait3A_383, %dma_wait3A_384, %dma_wait3A_385] : memref<2x125x128xf32, #tpu.memory_space<vmem>> -> memref<1x125x128xf32, #tpu.memory_space<vmem>>
      %dma_wait3A_387 = tpu.memref_squeeze %dma_wait3A_386 : memref<1x125x128xf32, #tpu.memory_space<vmem>> -> memref<125x128xf32, #tpu.memory_space<vmem>>
      %dma_wait3A_388 = arith.constant 0 : i32
      %dma_wait3A_389 = tpu.memref_slice %arg7[%rem3A_66, %dma_wait3A_382, %dma_wait3A_388] : memref<2x8x125xi32, #tpu.memory_space<vmem>> -> memref<1x1x125xi32, #tpu.memory_space<vmem>>
      %dma_wait3A_390 = tpu.memref_squeeze %dma_wait3A_389 : memref<1x1x125xi32, #tpu.memory_space<vmem>> -> memref<125xi32, #tpu.memory_space<vmem>>
      %dma_wait3A_391 = arith.constant 0 : i32
      %dma_wait3A_392 = arith.constant 0 : i32
      %dma_wait3A_393 = tpu.memref_slice %arg2[%dma_wait3A_391, %dma_wait3A_392] : memref<20000x128xf32, #tpu.memory_space<hbm>> -> memref<20000x128xf32, #tpu.memory_space<hbm>>
      tpu.wait_indirect_dma semaphore(%arg11 : memref<!tpu.dma_semaphore, #tpu.memory_space<semaphore_mem>>) src(%dma_wait3A_393 : memref<20000x128xf32, #tpu.memory_space<hbm>>) dst(%dma_wait3A_387 : memref<125x128xf32, #tpu.memory_space<vmem>>)
      %dma_start3A_394 = arith.constant 0 : i32
      %dma_start3A_395 = arith.constant 6 : i32
      %dma_start3A_396 = arith.constant 0 : i32
      %dma_start3A_397 = arith.constant 0 : i32
      %dma_start3A_398 = tpu.memref_slice %arg9[%dma_start3A_394, %dma_start3A_396, %dma_start3A_397] : memref<2x125x128xf32, #tpu.memory_space<vmem>> -> memref<1x125x128xf32, #tpu.memory_space<vmem>>
      %dma_start3A_399 = tpu.memref_squeeze %dma_start3A_398 : memref<1x125x128xf32, #tpu.memory_space<vmem>> -> memref<125x128xf32, #tpu.memory_space<vmem>>
      %dma_start3A_400 = arith.constant 0 : i32
      %dma_start3A_401 = tpu.memref_slice %arg8[%rem3A_66, %dma_start3A_395, %dma_start3A_400] : memref<2x8x125xi32, #tpu.memory_space<vmem>> -> memref<1x1x125xi32, #tpu.memory_space<vmem>>
      %dma_start3A_402 = tpu.memref_squeeze %dma_start3A_401 : memref<1x1x125xi32, #tpu.memory_space<vmem>> -> memref<125xi32, #tpu.memory_space<vmem>>
      %dma_start3A_403 = arith.constant 0 : i32
      %dma_start3A_404 = arith.constant 0 : i32
      %dma_start3A_405 = tpu.memref_slice %arg14[%dma_start3A_403, %dma_start3A_404] : memref<10240x128xf32, #tpu.memory_space<vmem_shared>> -> memref<10240x128xf32, #tpu.memory_space<vmem_shared>>
      tpu.enqueue_indirect_dma source(%dma_start3A_399 : memref<125x128xf32, #tpu.memory_space<vmem>>) target(%dma_start3A_405 : memref<10240x128xf32, #tpu.memory_space<vmem_shared>>) offsets(%dma_start3A_402 : memref<125xi32, #tpu.memory_space<vmem>>) semaphore(%arg13 : memref<!tpu.dma_semaphore, #tpu.memory_space<semaphore_mem>>) {add = true}
      %dma_wait3A_406 = arith.constant 0 : i32
      %dma_wait3A_407 = arith.constant 7 : i32
      %dma_wait3A_408 = arith.constant 0 : i32
      %dma_wait3A_409 = arith.constant 0 : i32
      %dma_wait3A_410 = tpu.memref_slice %arg9[%dma_wait3A_406, %dma_wait3A_408, %dma_wait3A_409] : memref<2x125x128xf32, #tpu.memory_space<vmem>> -> memref<1x125x128xf32, #tpu.memory_space<vmem>>
      %dma_wait3A_411 = tpu.memref_squeeze %dma_wait3A_410 : memref<1x125x128xf32, #tpu.memory_space<vmem>> -> memref<125x128xf32, #tpu.memory_space<vmem>>
      %dma_wait3A_412 = arith.constant 0 : i32
      %dma_wait3A_413 = tpu.memref_slice %arg8[%rem3A_66, %dma_wait3A_407, %dma_wait3A_412] : memref<2x8x125xi32, #tpu.memory_space<vmem>> -> memref<1x1x125xi32, #tpu.memory_space<vmem>>
      %dma_wait3A_414 = tpu.memref_squeeze %dma_wait3A_413 : memref<1x1x125xi32, #tpu.memory_space<vmem>> -> memref<125xi32, #tpu.memory_space<vmem>>
      %dma_wait3A_415 = arith.constant 0 : i32
      %dma_wait3A_416 = arith.constant 0 : i32
      %dma_wait3A_417 = tpu.memref_slice %arg14[%dma_wait3A_415, %dma_wait3A_416] : memref<10240x128xf32, #tpu.memory_space<vmem_shared>> -> memref<10240x128xf32, #tpu.memory_space<vmem_shared>>
      tpu.wait_indirect_dma semaphore(%arg13 : memref<!tpu.dma_semaphore, #tpu.memory_space<semaphore_mem>>) src(%dma_wait3A_411 : memref<125x128xf32, #tpu.memory_space<vmem>>) dst(%dma_wait3A_417 : memref<10240x128xf32, #tpu.memory_space<vmem_shared>>)
      %lt3A_418 = arith.constant 19 : i32
      %lt3A_419 = arith.cmpi slt, %scan3A_65, %lt3A_418 : i32
      %convert_element_type3A_420 = arith.extui %lt3A_419 : i1 to i32
      %cond3A_421 = arith.constant 0 : i32
      %cond3A_422 = arith.cmpi ne, %convert_element_type3A_420, %cond3A_421 : i32
      scf.if %cond3A_422 {
        %dma_wait3A_447 = arith.constant 0 : i32
        %dma_wait3A_448 = arith.constant 0 : i32
        %dma_wait3A_449 = tpu.memref_slice %arg7[%rem3A_70, %dma_wait3A_447, %dma_wait3A_448] : memref<2x8x125xi32, #tpu.memory_space<vmem>> -> memref<1x8x125xi32, #tpu.memory_space<vmem>>
        %dma_wait3A_450 = tpu.memref_squeeze %dma_wait3A_449 : memref<1x8x125xi32, #tpu.memory_space<vmem>> -> memref<8x125xi32, #tpu.memory_space<vmem>>
        %dma_wait3A_451 = arith.constant 0 : i32
        %dma_wait3A_452 = tpu.memref_slice %arg3[%arg0, %add3A_75, %dma_wait3A_451] : memref<2x2560x125xi32, #tpu.memory_space<hbm>> -> memref<1x8x125xi32, #tpu.memory_space<hbm>>
        %dma_wait3A_453 = tpu.memref_squeeze %dma_wait3A_452 : memref<1x8x125xi32, #tpu.memory_space<hbm>> -> memref<8x125xi32, #tpu.memory_space<hbm>>
        %dma_wait3A_454 = arith.constant 0 : i32
        %dma_wait3A_455 = arith.constant 0 : i32
        %dma_wait3A_456 = tpu.memref_slice %arg7[%rem3A_70, %dma_wait3A_454, %dma_wait3A_455] : memref<2x8x125xi32, #tpu.memory_space<vmem>> -> memref<1x8x125xi32, #tpu.memory_space<vmem>>
        %dma_wait3A_457 = tpu.memref_squeeze %dma_wait3A_456 : memref<1x8x125xi32, #tpu.memory_space<vmem>> -> memref<8x125xi32, #tpu.memory_space<vmem>>
        %dma_wait3A_458 = arith.constant 0 : i32
        %dma_wait3A_459 = tpu.memref_slice %arg3[%arg0, %add3A_75, %dma_wait3A_458] : memref<2x2560x125xi32, #tpu.memory_space<hbm>> -> memref<1x8x125xi32, #tpu.memory_space<hbm>>
        %dma_wait3A_460 = tpu.memref_squeeze %dma_wait3A_459 : memref<1x8x125xi32, #tpu.memory_space<hbm>> -> memref<8x125xi32, #tpu.memory_space<hbm>>
        tpu.wait_dma2 semaphore(%arg10 : memref<!tpu.dma_semaphore, #tpu.memory_space<semaphore_mem>>) src(%dma_wait3A_460 : memref<8x125xi32, #tpu.memory_space<hbm>>) dst(%dma_wait3A_457 : memref<8x125xi32, #tpu.memory_space<vmem>>)
        %dma_wait3A_461 = arith.constant 0 : i32
        %dma_wait3A_462 = arith.constant 0 : i32
        %dma_wait3A_463 = tpu.memref_slice %arg8[%rem3A_70, %dma_wait3A_461, %dma_wait3A_462] : memref<2x8x125xi32, #tpu.memory_space<vmem>> -> memref<1x8x125xi32, #tpu.memory_space<vmem>>
        %dma_wait3A_464 = tpu.memref_squeeze %dma_wait3A_463 : memref<1x8x125xi32, #tpu.memory_space<vmem>> -> memref<8x125xi32, #tpu.memory_space<vmem>>
        %dma_wait3A_465 = arith.constant 0 : i32
        %dma_wait3A_466 = tpu.memref_slice %arg4[%add3A_75, %dma_wait3A_465] : memref<2560x125xi32, #tpu.memory_space<hbm>> -> memref<8x125xi32, #tpu.memory_space<hbm>>
        %dma_wait3A_467 = arith.constant 0 : i32
        %dma_wait3A_468 = arith.constant 0 : i32
        %dma_wait3A_469 = tpu.memref_slice %arg8[%rem3A_70, %dma_wait3A_467, %dma_wait3A_468] : memref<2x8x125xi32, #tpu.memory_space<vmem>> -> memref<1x8x125xi32, #tpu.memory_space<vmem>>
        %dma_wait3A_470 = tpu.memref_squeeze %dma_wait3A_469 : memref<1x8x125xi32, #tpu.memory_space<vmem>> -> memref<8x125xi32, #tpu.memory_space<vmem>>
        %dma_wait3A_471 = arith.constant 0 : i32
        %dma_wait3A_472 = tpu.memref_slice %arg4[%add3A_75, %dma_wait3A_471] : memref<2560x125xi32, #tpu.memory_space<hbm>> -> memref<8x125xi32, #tpu.memory_space<hbm>>
        tpu.wait_dma2 semaphore(%arg10 : memref<!tpu.dma_semaphore, #tpu.memory_space<semaphore_mem>>) src(%dma_wait3A_472 : memref<8x125xi32, #tpu.memory_space<hbm>>) dst(%dma_wait3A_470 : memref<8x125xi32, #tpu.memory_space<vmem>>)
        %dma_start3A_473 = arith.constant 0 : i32
        %dma_start3A_474 = arith.constant 0 : i32
        %dma_start3A_475 = arith.constant 0 : i32
        %dma_start3A_476 = arith.constant 0 : i32
        %dma_start3A_477 = tpu.memref_slice %arg9[%dma_start3A_474, %dma_start3A_475, %dma_start3A_476] : memref<2x125x128xf32, #tpu.memory_space<vmem>> -> memref<1x125x128xf32, #tpu.memory_space<vmem>>
        %dma_start3A_478 = tpu.memref_squeeze %dma_start3A_477 : memref<1x125x128xf32, #tpu.memory_space<vmem>> -> memref<125x128xf32, #tpu.memory_space<vmem>>
        %dma_start3A_479 = arith.constant 0 : i32
        %dma_start3A_480 = tpu.memref_slice %arg7[%rem3A_70, %dma_start3A_473, %dma_start3A_479] : memref<2x8x125xi32, #tpu.memory_space<vmem>> -> memref<1x1x125xi32, #tpu.memory_space<vmem>>
        %dma_start3A_481 = tpu.memref_squeeze %dma_start3A_480 : memref<1x1x125xi32, #tpu.memory_space<vmem>> -> memref<125xi32, #tpu.memory_space<vmem>>
        %dma_start3A_482 = arith.constant 0 : i32
        %dma_start3A_483 = arith.constant 0 : i32
        %dma_start3A_484 = tpu.memref_slice %arg2[%dma_start3A_482, %dma_start3A_483] : memref<20000x128xf32, #tpu.memory_space<hbm>> -> memref<20000x128xf32, #tpu.memory_space<hbm>>
        tpu.enqueue_indirect_dma source(%dma_start3A_484 : memref<20000x128xf32, #tpu.memory_space<hbm>>) target(%dma_start3A_478 : memref<125x128xf32, #tpu.memory_space<vmem>>) offsets(%dma_start3A_481 : memref<125xi32, #tpu.memory_space<vmem>>) semaphore(%arg11 : memref<!tpu.dma_semaphore, #tpu.memory_space<semaphore_mem>>)
      } else {
      }
      %dma_wait3A_423 = arith.constant 7 : i32
      %dma_wait3A_424 = arith.constant 1 : i32
      %dma_wait3A_425 = arith.constant 0 : i32
      %dma_wait3A_426 = arith.constant 0 : i32
      %dma_wait3A_427 = tpu.memref_slice %arg9[%dma_wait3A_424, %dma_wait3A_425, %dma_wait3A_426] : memref<2x125x128xf32, #tpu.memory_space<vmem>> -> memref<1x125x128xf32, #tpu.memory_space<vmem>>
      %dma_wait3A_428 = tpu.memref_squeeze %dma_wait3A_427 : memref<1x125x128xf32, #tpu.memory_space<vmem>> -> memref<125x128xf32, #tpu.memory_space<vmem>>
      %dma_wait3A_429 = arith.constant 0 : i32
      %dma_wait3A_430 = tpu.memref_slice %arg7[%rem3A_66, %dma_wait3A_423, %dma_wait3A_429] : memref<2x8x125xi32, #tpu.memory_space<vmem>> -> memref<1x1x125xi32, #tpu.memory_space<vmem>>
      %dma_wait3A_431 = tpu.memref_squeeze %dma_wait3A_430 : memref<1x1x125xi32, #tpu.memory_space<vmem>> -> memref<125xi32, #tpu.memory_space<vmem>>
      %dma_wait3A_432 = arith.constant 0 : i32
      %dma_wait3A_433 = arith.constant 0 : i32
      %dma_wait3A_434 = tpu.memref_slice %arg2[%dma_wait3A_432, %dma_wait3A_433] : memref<20000x128xf32, #tpu.memory_space<hbm>> -> memref<20000x128xf32, #tpu.memory_space<hbm>>
      tpu.wait_indirect_dma semaphore(%arg12 : memref<!tpu.dma_semaphore, #tpu.memory_space<semaphore_mem>>) src(%dma_wait3A_434 : memref<20000x128xf32, #tpu.memory_space<hbm>>) dst(%dma_wait3A_428 : memref<125x128xf32, #tpu.memory_space<vmem>>)
      %dma_start3A_435 = arith.constant 1 : i32
      %dma_start3A_436 = arith.constant 7 : i32
      %dma_start3A_437 = arith.constant 0 : i32
      %dma_start3A_438 = arith.constant 0 : i32
      %dma_start3A_439 = tpu.memref_slice %arg9[%dma_start3A_435, %dma_start3A_437, %dma_start3A_438] : memref<2x125x128xf32, #tpu.memory_space<vmem>> -> memref<1x125x128xf32, #tpu.memory_space<vmem>>
      %dma_start3A_440 = tpu.memref_squeeze %dma_start3A_439 : memref<1x125x128xf32, #tpu.memory_space<vmem>> -> memref<125x128xf32, #tpu.memory_space<vmem>>
      %dma_start3A_441 = arith.constant 0 : i32
      %dma_start3A_442 = tpu.memref_slice %arg8[%rem3A_66, %dma_start3A_436, %dma_start3A_441] : memref<2x8x125xi32, #tpu.memory_space<vmem>> -> memref<1x1x125xi32, #tpu.memory_space<vmem>>
      %dma_start3A_443 = tpu.memref_squeeze %dma_start3A_442 : memref<1x1x125xi32, #tpu.memory_space<vmem>> -> memref<125xi32, #tpu.memory_space<vmem>>
      %dma_start3A_444 = arith.constant 0 : i32
      %dma_start3A_445 = arith.constant 0 : i32
      %dma_start3A_446 = tpu.memref_slice %arg14[%dma_start3A_444, %dma_start3A_445] : memref<10240x128xf32, #tpu.memory_space<vmem_shared>> -> memref<10240x128xf32, #tpu.memory_space<vmem_shared>>
      tpu.enqueue_indirect_dma source(%dma_start3A_440 : memref<125x128xf32, #tpu.memory_space<vmem>>) target(%dma_start3A_446 : memref<10240x128xf32, #tpu.memory_space<vmem_shared>>) offsets(%dma_start3A_443 : memref<125xi32, #tpu.memory_space<vmem>>) semaphore(%arg13 : memref<!tpu.dma_semaphore, #tpu.memory_space<semaphore_mem>>) {add = true}
    }
    %scan3A_49 = arith.constant 20 : i32
    %dma_wait3A = arith.constant 1 : i32
    %dma_wait3A_50 = arith.constant 0 : i32
    %dma_wait3A_51 = arith.constant 0 : i32
    %dma_wait3A_52 = arith.constant 0 : i32
    %dma_wait3A_53 = arith.constant 0 : i32
    %dma_wait3A_54 = tpu.memref_slice %arg9[%dma_wait3A, %dma_wait3A_52, %dma_wait3A_53] : memref<2x125x128xf32, #tpu.memory_space<vmem>> -> memref<1x125x128xf32, #tpu.memory_space<vmem>>
    %dma_wait3A_55 = tpu.memref_squeeze %dma_wait3A_54 : memref<1x125x128xf32, #tpu.memory_space<vmem>> -> memref<125x128xf32, #tpu.memory_space<vmem>>
    %dma_wait3A_56 = arith.constant 0 : i32
    %dma_wait3A_57 = tpu.memref_slice %arg8[%dma_wait3A_50, %dma_wait3A_51, %dma_wait3A_56] : memref<2x8x125xi32, #tpu.memory_space<vmem>> -> memref<1x1x125xi32, #tpu.memory_space<vmem>>
    %dma_wait3A_58 = tpu.memref_squeeze %dma_wait3A_57 : memref<1x1x125xi32, #tpu.memory_space<vmem>> -> memref<125xi32, #tpu.memory_space<vmem>>
    %dma_wait3A_59 = arith.constant 0 : i32
    %dma_wait3A_60 = arith.constant 0 : i32
    %dma_wait3A_61 = tpu.memref_slice %arg14[%dma_wait3A_59, %dma_wait3A_60] : memref<10240x128xf32, #tpu.memory_space<vmem_shared>> -> memref<10240x128xf32, #tpu.memory_space<vmem_shared>>
    tpu.wait_indirect_dma semaphore(%arg13 : memref<!tpu.dma_semaphore, #tpu.memory_space<semaphore_mem>>) src(%dma_wait3A_55 : memref<125x128xf32, #tpu.memory_space<vmem>>) dst(%dma_wait3A_61 : memref<10240x128xf32, #tpu.memory_space<vmem_shared>>)
    %barrier3A_62 = arith.constant 0 : index
    tpu.barrier barrier_id(%barrier3A_62)
    %mul3A_63 = arith.constant 640 : i32
    %mul3A_64 = arith.muli %arg1, %mul3A_63 : i32
    "tpu.region"() ({
      %run_scoped3A_65 = tpu.sem_alloc : memref<!tpu.dma_semaphore, #tpu.memory_space<semaphore_mem>>
      %dma_start3A_66 = arith.constant 0 : i32
      %dma_start3A_67 = tpu.memref_slice %arg6[%arg0, %mul3A_64, %dma_start3A_66] : memref<2x10240x128xf32, #tpu.memory_space<hbm>> -> memref<1x640x128xf32, #tpu.memory_space<hbm>>
      %dma_start3A_68 = tpu.memref_squeeze %dma_start3A_67 : memref<1x640x128xf32, #tpu.memory_space<hbm>> -> memref<640x128xf32, #tpu.memory_space<hbm>>
      %dma_start3A_69 = arith.constant 0 : i32
      %dma_start3A_70 = tpu.memref_slice %arg14[%mul3A_64, %dma_start3A_69] : memref<10240x128xf32, #tpu.memory_space<vmem_shared>> -> memref<640x128xf32, #tpu.memory_space<vmem_shared>>
      tpu.enqueue_dma source(%dma_start3A_70 : memref<640x128xf32, #tpu.memory_space<vmem_shared>>) target(%dma_start3A_68 : memref<640x128xf32, #tpu.memory_space<hbm>>) target_semaphore(%run_scoped3A_65 : memref<!tpu.dma_semaphore, #tpu.memory_space<semaphore_mem>>)
      %dma_wait3A_71 = arith.constant 0 : i32
      %dma_wait3A_72 = tpu.memref_slice %arg6[%arg0, %mul3A_64, %dma_wait3A_71] : memref<2x10240x128xf32, #tpu.memory_space<hbm>> -> memref<1x640x128xf32, #tpu.memory_space<hbm>>
      %dma_wait3A_73 = tpu.memref_squeeze %dma_wait3A_72 : memref<1x640x128xf32, #tpu.memory_space<hbm>> -> memref<640x128xf32, #tpu.memory_space<hbm>>
      %dma_wait3A_74 = arith.constant 0 : i32
      %dma_wait3A_75 = tpu.memref_slice %arg14[%mul3A_64, %dma_wait3A_74] : memref<10240x128xf32, #tpu.memory_space<vmem_shared>> -> memref<640x128xf32, #tpu.memory_space<vmem_shared>>
      tpu.wait_dma2 semaphore(%run_scoped3A_65 : memref<!tpu.dma_semaphore, #tpu.memory_space<semaphore_mem>>) src(%dma_wait3A_75 : memref<640x128xf32, #tpu.memory_space<vmem_shared>>) dst(%dma_wait3A_73 : memref<640x128xf32, #tpu.memory_space<hbm>>)
      tpu.yield
    }) : () -> ()
    return
  }
}

#map = affine_map<(d0, d1) -> (0, 0)>
#map1 = affine_map<(d0, d1) -> (0, 0, 0)>
module attributes {stable_mosaic.version = 14 : i64} {
  func.func @_scat_body(%arg0: i32, %arg1: i32, %arg2: memref<20000x128xf32, #tpu.memory_space<hbm>>, %arg3: memref<2x2560x125xi32, #tpu.memory_space<hbm>>, %arg4: memref<2560x125xi32, #tpu.memory_space<hbm>>, %arg5: memref<80x128xf32, #tpu.memory_space<hbm>>, %arg6: memref<2x10240x128xf32, #tpu.memory_space<hbm>>, %arg7: memref<2x8x125xi32, #tpu.memory_space<vmem>>, %arg8: memref<2x8x125xi32, #tpu.memory_space<vmem>>, %arg9: memref<2x125x128xf32, #tpu.memory_space<vmem>>, %arg10: memref<!tpu.dma_semaphore, #tpu.memory_space<semaphore_mem>>, %arg11: memref<!tpu.dma_semaphore, #tpu.memory_space<semaphore_mem>>, %arg12: memref<!tpu.dma_semaphore, #tpu.memory_space<semaphore_mem>>, %arg13: memref<!tpu.dma_semaphore, #tpu.memory_space<semaphore_mem>>, %arg14: memref<10240x128xf32, #tpu.memory_space<vmem_shared>>) attributes {dimension_semantics = [#tpu.dimension_semantics<core_parallel>, #tpu.dimension_semantics<subcore_parallel>], iteration_bounds = array<i64: 2, 16>, scalar_prefetch = 0 : i64, scratch_operands = 8 : i64, tpu.core_type = #tpu.core_type<sc_vector_subcore>, window_params = [{transform_indices = #map}, {transform_indices = #map1}, {transform_indices = #map}, {transform_indices = #map}, {transform_indices = #map1}]} {
    %mul3A = arith.constant 640 : i32
    %mul3A_0 = arith.muli %arg1, %mul3A : i32
    %add3A = arith.constant 0 : i32
    %add3A_1 = arith.addi %mul3A_0, %add3A : i32
    "tpu.region"() ({
      %run_scoped3A_65 = tpu.sem_alloc : memref<!tpu.dma_semaphore, #tpu.memory_space<semaphore_mem>>
      %dma_start3A_66 = arith.constant 0 : i32
      %dma_start3A_67 = tpu.memref_slice %arg14[%add3A_1, %dma_start3A_66] : memref<10240x128xf32, #tpu.memory_space<vmem_shared>> -> memref<80x128xf32, #tpu.memory_space<vmem_shared>>
      tpu.enqueue_dma source(%arg5 : memref<80x128xf32, #tpu.memory_space<hbm>>) target(%dma_start3A_67 : memref<80x128xf32, #tpu.memory_space<vmem_shared>>) target_semaphore(%run_scoped3A_65 : memref<!tpu.dma_semaphore, #tpu.memory_space<semaphore_mem>>)
      %dma_wait3A_68 = arith.constant 0 : i32
      %dma_wait3A_69 = tpu.memref_slice %arg14[%add3A_1, %dma_wait3A_68] : memref<10240x128xf32, #tpu.memory_space<vmem_shared>> -> memref<80x128xf32, #tpu.memory_space<vmem_shared>>
      tpu.wait_dma2 semaphore(%run_scoped3A_65 : memref<!tpu.dma_semaphore, #tpu.memory_space<semaphore_mem>>) src(%arg5 : memref<80x128xf32, #tpu.memory_space<hbm>>) dst(%dma_wait3A_69 : memref<80x128xf32, #tpu.memory_space<vmem_shared>>)
      tpu.yield
    }) : () -> ()
    %mul3A_2 = arith.constant 640 : i32
    %mul3A_3 = arith.muli %arg1, %mul3A_2 : i32
    %add3A_4 = arith.constant 80 : i32
    %add3A_5 = arith.addi %mul3A_3, %add3A_4 : i32
    "tpu.region"() ({
      %run_scoped3A_65 = tpu.sem_alloc : memref<!tpu.dma_semaphore, #tpu.memory_space<semaphore_mem>>
      %dma_start3A_66 = arith.constant 0 : i32
      %dma_start3A_67 = tpu.memref_slice %arg14[%add3A_5, %dma_start3A_66] : memref<10240x128xf32, #tpu.memory_space<vmem_shared>> -> memref<80x128xf32, #tpu.memory_space<vmem_shared>>
      tpu.enqueue_dma source(%arg5 : memref<80x128xf32, #tpu.memory_space<hbm>>) target(%dma_start3A_67 : memref<80x128xf32, #tpu.memory_space<vmem_shared>>) target_semaphore(%run_scoped3A_65 : memref<!tpu.dma_semaphore, #tpu.memory_space<semaphore_mem>>)
      %dma_wait3A_68 = arith.constant 0 : i32
      %dma_wait3A_69 = tpu.memref_slice %arg14[%add3A_5, %dma_wait3A_68] : memref<10240x128xf32, #tpu.memory_space<vmem_shared>> -> memref<80x128xf32, #tpu.memory_space<vmem_shared>>
      tpu.wait_dma2 semaphore(%run_scoped3A_65 : memref<!tpu.dma_semaphore, #tpu.memory_space<semaphore_mem>>) src(%arg5 : memref<80x128xf32, #tpu.memory_space<hbm>>) dst(%dma_wait3A_69 : memref<80x128xf32, #tpu.memory_space<vmem_shared>>)
      tpu.yield
    }) : () -> ()
    %mul3A_6 = arith.constant 640 : i32
    %mul3A_7 = arith.muli %arg1, %mul3A_6 : i32
    %add3A_8 = arith.constant 160 : i32
    %add3A_9 = arith.addi %mul3A_7, %add3A_8 : i32
    "tpu.region"() ({
      %run_scoped3A_65 = tpu.sem_alloc : memref<!tpu.dma_semaphore, #tpu.memory_space<semaphore_mem>>
      %dma_start3A_66 = arith.constant 0 : i32
      %dma_start3A_67 = tpu.memref_slice %arg14[%add3A_9, %dma_start3A_66] : memref<10240x128xf32, #tpu.memory_space<vmem_shared>> -> memref<80x128xf32, #tpu.memory_space<vmem_shared>>
      tpu.enqueue_dma source(%arg5 : memref<80x128xf32, #tpu.memory_space<hbm>>) target(%dma_start3A_67 : memref<80x128xf32, #tpu.memory_space<vmem_shared>>) target_semaphore(%run_scoped3A_65 : memref<!tpu.dma_semaphore, #tpu.memory_space<semaphore_mem>>)
      %dma_wait3A_68 = arith.constant 0 : i32
      %dma_wait3A_69 = tpu.memref_slice %arg14[%add3A_9, %dma_wait3A_68] : memref<10240x128xf32, #tpu.memory_space<vmem_shared>> -> memref<80x128xf32, #tpu.memory_space<vmem_shared>>
      tpu.wait_dma2 semaphore(%run_scoped3A_65 : memref<!tpu.dma_semaphore, #tpu.memory_space<semaphore_mem>>) src(%arg5 : memref<80x128xf32, #tpu.memory_space<hbm>>) dst(%dma_wait3A_69 : memref<80x128xf32, #tpu.memory_space<vmem_shared>>)
      tpu.yield
    }) : () -> ()
    %mul3A_10 = arith.constant 640 : i32
    %mul3A_11 = arith.muli %arg1, %mul3A_10 : i32
    %add3A_12 = arith.constant 240 : i32
    %add3A_13 = arith.addi %mul3A_11, %add3A_12 : i32
    "tpu.region"() ({
      %run_scoped3A_65 = tpu.sem_alloc : memref<!tpu.dma_semaphore, #tpu.memory_space<semaphore_mem>>
      %dma_start3A_66 = arith.constant 0 : i32
      %dma_start3A_67 = tpu.memref_slice %arg14[%add3A_13, %dma_start3A_66] : memref<10240x128xf32, #tpu.memory_space<vmem_shared>> -> memref<80x128xf32, #tpu.memory_space<vmem_shared>>
      tpu.enqueue_dma source(%arg5 : memref<80x128xf32, #tpu.memory_space<hbm>>) target(%dma_start3A_67 : memref<80x128xf32, #tpu.memory_space<vmem_shared>>) target_semaphore(%run_scoped3A_65 : memref<!tpu.dma_semaphore, #tpu.memory_space<semaphore_mem>>)
      %dma_wait3A_68 = arith.constant 0 : i32
      %dma_wait3A_69 = tpu.memref_slice %arg14[%add3A_13, %dma_wait3A_68] : memref<10240x128xf32, #tpu.memory_space<vmem_shared>> -> memref<80x128xf32, #tpu.memory_space<vmem_shared>>
      tpu.wait_dma2 semaphore(%run_scoped3A_65 : memref<!tpu.dma_semaphore, #tpu.memory_space<semaphore_mem>>) src(%arg5 : memref<80x128xf32, #tpu.memory_space<hbm>>) dst(%dma_wait3A_69 : memref<80x128xf32, #tpu.memory_space<vmem_shared>>)
      tpu.yield
    }) : () -> ()
    %mul3A_14 = arith.constant 640 : i32
    %mul3A_15 = arith.muli %arg1, %mul3A_14 : i32
    %add3A_16 = arith.constant 320 : i32
    %add3A_17 = arith.addi %mul3A_15, %add3A_16 : i32
    "tpu.region"() ({
      %run_scoped3A_65 = tpu.sem_alloc : memref<!tpu.dma_semaphore, #tpu.memory_space<semaphore_mem>>
      %dma_start3A_66 = arith.constant 0 : i32
      %dma_start3A_67 = tpu.memref_slice %arg14[%add3A_17, %dma_start3A_66] : memref<10240x128xf32, #tpu.memory_space<vmem_shared>> -> memref<80x128xf32, #tpu.memory_space<vmem_shared>>
      tpu.enqueue_dma source(%arg5 : memref<80x128xf32, #tpu.memory_space<hbm>>) target(%dma_start3A_67 : memref<80x128xf32, #tpu.memory_space<vmem_shared>>) target_semaphore(%run_scoped3A_65 : memref<!tpu.dma_semaphore, #tpu.memory_space<semaphore_mem>>)
      %dma_wait3A_68 = arith.constant 0 : i32
      %dma_wait3A_69 = tpu.memref_slice %arg14[%add3A_17, %dma_wait3A_68] : memref<10240x128xf32, #tpu.memory_space<vmem_shared>> -> memref<80x128xf32, #tpu.memory_space<vmem_shared>>
      tpu.wait_dma2 semaphore(%run_scoped3A_65 : memref<!tpu.dma_semaphore, #tpu.memory_space<semaphore_mem>>) src(%arg5 : memref<80x128xf32, #tpu.memory_space<hbm>>) dst(%dma_wait3A_69 : memref<80x128xf32, #tpu.memory_space<vmem_shared>>)
      tpu.yield
    }) : () -> ()
    %mul3A_18 = arith.constant 640 : i32
    %mul3A_19 = arith.muli %arg1, %mul3A_18 : i32
    %add3A_20 = arith.constant 400 : i32
    %add3A_21 = arith.addi %mul3A_19, %add3A_20 : i32
    "tpu.region"() ({
      %run_scoped3A_65 = tpu.sem_alloc : memref<!tpu.dma_semaphore, #tpu.memory_space<semaphore_mem>>
      %dma_start3A_66 = arith.constant 0 : i32
      %dma_start3A_67 = tpu.memref_slice %arg14[%add3A_21, %dma_start3A_66] : memref<10240x128xf32, #tpu.memory_space<vmem_shared>> -> memref<80x128xf32, #tpu.memory_space<vmem_shared>>
      tpu.enqueue_dma source(%arg5 : memref<80x128xf32, #tpu.memory_space<hbm>>) target(%dma_start3A_67 : memref<80x128xf32, #tpu.memory_space<vmem_shared>>) target_semaphore(%run_scoped3A_65 : memref<!tpu.dma_semaphore, #tpu.memory_space<semaphore_mem>>)
      %dma_wait3A_68 = arith.constant 0 : i32
      %dma_wait3A_69 = tpu.memref_slice %arg14[%add3A_21, %dma_wait3A_68] : memref<10240x128xf32, #tpu.memory_space<vmem_shared>> -> memref<80x128xf32, #tpu.memory_space<vmem_shared>>
      tpu.wait_dma2 semaphore(%run_scoped3A_65 : memref<!tpu.dma_semaphore, #tpu.memory_space<semaphore_mem>>) src(%arg5 : memref<80x128xf32, #tpu.memory_space<hbm>>) dst(%dma_wait3A_69 : memref<80x128xf32, #tpu.memory_space<vmem_shared>>)
      tpu.yield
    }) : () -> ()
    %mul3A_22 = arith.constant 640 : i32
    %mul3A_23 = arith.muli %arg1, %mul3A_22 : i32
    %add3A_24 = arith.constant 480 : i32
    %add3A_25 = arith.addi %mul3A_23, %add3A_24 : i32
    "tpu.region"() ({
      %run_scoped3A_65 = tpu.sem_alloc : memref<!tpu.dma_semaphore, #tpu.memory_space<semaphore_mem>>
      %dma_start3A_66 = arith.constant 0 : i32
      %dma_start3A_67 = tpu.memref_slice %arg14[%add3A_25, %dma_start3A_66] : memref<10240x128xf32, #tpu.memory_space<vmem_shared>> -> memref<80x128xf32, #tpu.memory_space<vmem_shared>>
      tpu.enqueue_dma source(%arg5 : memref<80x128xf32, #tpu.memory_space<hbm>>) target(%dma_start3A_67 : memref<80x128xf32, #tpu.memory_space<vmem_shared>>) target_semaphore(%run_scoped3A_65 : memref<!tpu.dma_semaphore, #tpu.memory_space<semaphore_mem>>)
      %dma_wait3A_68 = arith.constant 0 : i32
      %dma_wait3A_69 = tpu.memref_slice %arg14[%add3A_25, %dma_wait3A_68] : memref<10240x128xf32, #tpu.memory_space<vmem_shared>> -> memref<80x128xf32, #tpu.memory_space<vmem_shared>>
      tpu.wait_dma2 semaphore(%run_scoped3A_65 : memref<!tpu.dma_semaphore, #tpu.memory_space<semaphore_mem>>) src(%arg5 : memref<80x128xf32, #tpu.memory_space<hbm>>) dst(%dma_wait3A_69 : memref<80x128xf32, #tpu.memory_space<vmem_shared>>)
      tpu.yield
    }) : () -> ()
    %mul3A_26 = arith.constant 640 : i32
    %mul3A_27 = arith.muli %arg1, %mul3A_26 : i32
    %add3A_28 = arith.constant 560 : i32
    %add3A_29 = arith.addi %mul3A_27, %add3A_28 : i32
    "tpu.region"() ({
      %run_scoped3A_65 = tpu.sem_alloc : memref<!tpu.dma_semaphore, #tpu.memory_space<semaphore_mem>>
      %dma_start3A_66 = arith.constant 0 : i32
      %dma_start3A_67 = tpu.memref_slice %arg14[%add3A_29, %dma_start3A_66] : memref<10240x128xf32, #tpu.memory_space<vmem_shared>> -> memref<80x128xf32, #tpu.memory_space<vmem_shared>>
      tpu.enqueue_dma source(%arg5 : memref<80x128xf32, #tpu.memory_space<hbm>>) target(%dma_start3A_67 : memref<80x128xf32, #tpu.memory_space<vmem_shared>>) target_semaphore(%run_scoped3A_65 : memref<!tpu.dma_semaphore, #tpu.memory_space<semaphore_mem>>)
      %dma_wait3A_68 = arith.constant 0 : i32
      %dma_wait3A_69 = tpu.memref_slice %arg14[%add3A_29, %dma_wait3A_68] : memref<10240x128xf32, #tpu.memory_space<vmem_shared>> -> memref<80x128xf32, #tpu.memory_space<vmem_shared>>
      tpu.wait_dma2 semaphore(%run_scoped3A_65 : memref<!tpu.dma_semaphore, #tpu.memory_space<semaphore_mem>>) src(%arg5 : memref<80x128xf32, #tpu.memory_space<hbm>>) dst(%dma_wait3A_69 : memref<80x128xf32, #tpu.memory_space<vmem_shared>>)
      tpu.yield
    }) : () -> ()
    %mul3A_30 = arith.constant 160 : i32
    %mul3A_31 = arith.muli %arg1, %mul3A_30 : i32
    %run_scoped3A = arith.constant 0 : i32
    "tpu.region"() ({
      %run_scoped3A_65 = tpu.sem_alloc : memref<!tpu.dma_semaphore, #tpu.memory_space<semaphore_mem>>
      %dma_start3A_66 = arith.constant 0 : i32
      %dma_start3A_67 = arith.constant 0 : i32
      %dma_start3A_68 = tpu.memref_slice %arg7[%run_scoped3A, %dma_start3A_66, %dma_start3A_67] : memref<2x8x125xi32, #tpu.memory_space<vmem>> -> memref<1x8x125xi32, #tpu.memory_space<vmem>>
      %dma_start3A_69 = tpu.memref_squeeze %dma_start3A_68 : memref<1x8x125xi32, #tpu.memory_space<vmem>> -> memref<8x125xi32, #tpu.memory_space<vmem>>
      %dma_start3A_70 = arith.constant 0 : i32
      %dma_start3A_71 = tpu.memref_slice %arg3[%arg0, %mul3A_31, %dma_start3A_70] : memref<2x2560x125xi32, #tpu.memory_space<hbm>> -> memref<1x8x125xi32, #tpu.memory_space<hbm>>
      %dma_start3A_72 = tpu.memref_squeeze %dma_start3A_71 : memref<1x8x125xi32, #tpu.memory_space<hbm>> -> memref<8x125xi32, #tpu.memory_space<hbm>>
      %dma_start3A_73 = arith.constant 0 : i32
      %dma_start3A_74 = arith.constant 0 : i32
      %dma_start3A_75 = tpu.memref_slice %arg7[%run_scoped3A, %dma_start3A_73, %dma_start3A_74] : memref<2x8x125xi32, #tpu.memory_space<vmem>> -> memref<1x8x125xi32, #tpu.memory_space<vmem>>
      %dma_start3A_76 = tpu.memref_squeeze %dma_start3A_75 : memref<1x8x125xi32, #tpu.memory_space<vmem>> -> memref<8x125xi32, #tpu.memory_space<vmem>>
      %dma_start3A_77 = arith.constant 0 : i32
      %dma_start3A_78 = tpu.memref_slice %arg3[%arg0, %mul3A_31, %dma_start3A_77] : memref<2x2560x125xi32, #tpu.memory_space<hbm>> -> memref<1x8x125xi32, #tpu.memory_space<hbm>>
      %dma_start3A_79 = tpu.memref_squeeze %dma_start3A_78 : memref<1x8x125xi32, #tpu.memory_space<hbm>> -> memref<8x125xi32, #tpu.memory_space<hbm>>
      tpu.enqueue_dma source(%dma_start3A_79 : memref<8x125xi32, #tpu.memory_space<hbm>>) target(%dma_start3A_76 : memref<8x125xi32, #tpu.memory_space<vmem>>) target_semaphore(%run_scoped3A_65 : memref<!tpu.dma_semaphore, #tpu.memory_space<semaphore_mem>>)
      %dma_wait3A_80 = arith.constant 0 : i32
      %dma_wait3A_81 = arith.constant 0 : i32
      %dma_wait3A_82 = tpu.memref_slice %arg7[%run_scoped3A, %dma_wait3A_80, %dma_wait3A_81] : memref<2x8x125xi32, #tpu.memory_space<vmem>> -> memref<1x8x125xi32, #tpu.memory_space<vmem>>
      %dma_wait3A_83 = tpu.memref_squeeze %dma_wait3A_82 : memref<1x8x125xi32, #tpu.memory_space<vmem>> -> memref<8x125xi32, #tpu.memory_space<vmem>>
      %dma_wait3A_84 = arith.constant 0 : i32
      %dma_wait3A_85 = tpu.memref_slice %arg3[%arg0, %mul3A_31, %dma_wait3A_84] : memref<2x2560x125xi32, #tpu.memory_space<hbm>> -> memref<1x8x125xi32, #tpu.memory_space<hbm>>
      %dma_wait3A_86 = tpu.memref_squeeze %dma_wait3A_85 : memref<1x8x125xi32, #tpu.memory_space<hbm>> -> memref<8x125xi32, #tpu.memory_space<hbm>>
      %dma_wait3A_87 = arith.constant 0 : i32
      %dma_wait3A_88 = arith.constant 0 : i32
      %dma_wait3A_89 = tpu.memref_slice %arg7[%run_scoped3A, %dma_wait3A_87, %dma_wait3A_88] : memref<2x8x125xi32, #tpu.memory_space<vmem>> -> memref<1x8x125xi32, #tpu.memory_space<vmem>>
      %dma_wait3A_90 = tpu.memref_squeeze %dma_wait3A_89 : memref<1x8x125xi32, #tpu.memory_space<vmem>> -> memref<8x125xi32, #tpu.memory_space<vmem>>
      %dma_wait3A_91 = arith.constant 0 : i32
      %dma_wait3A_92 = tpu.memref_slice %arg3[%arg0, %mul3A_31, %dma_wait3A_91] : memref<2x2560x125xi32, #tpu.memory_space<hbm>> -> memref<1x8x125xi32, #tpu.memory_space<hbm>>
      %dma_wait3A_93 = tpu.memref_squeeze %dma_wait3A_92 : memref<1x8x125xi32, #tpu.memory_space<hbm>> -> memref<8x125xi32, #tpu.memory_space<hbm>>
      tpu.wait_dma2 semaphore(%run_scoped3A_65 : memref<!tpu.dma_semaphore, #tpu.memory_space<semaphore_mem>>) src(%dma_wait3A_93 : memref<8x125xi32, #tpu.memory_space<hbm>>) dst(%dma_wait3A_90 : memref<8x125xi32, #tpu.memory_space<vmem>>)
      tpu.yield
    }) : () -> ()
    %run_scoped3A_32 = arith.constant 0 : i32
    "tpu.region"() ({
      %run_scoped3A_65 = tpu.sem_alloc : memref<!tpu.dma_semaphore, #tpu.memory_space<semaphore_mem>>
      %dma_start3A_66 = arith.constant 0 : i32
      %dma_start3A_67 = arith.constant 0 : i32
      %dma_start3A_68 = tpu.memref_slice %arg8[%run_scoped3A_32, %dma_start3A_66, %dma_start3A_67] : memref<2x8x125xi32, #tpu.memory_space<vmem>> -> memref<1x8x125xi32, #tpu.memory_space<vmem>>
      %dma_start3A_69 = tpu.memref_squeeze %dma_start3A_68 : memref<1x8x125xi32, #tpu.memory_space<vmem>> -> memref<8x125xi32, #tpu.memory_space<vmem>>
      %dma_start3A_70 = arith.constant 0 : i32
      %dma_start3A_71 = tpu.memref_slice %arg4[%mul3A_31, %dma_start3A_70] : memref<2560x125xi32, #tpu.memory_space<hbm>> -> memref<8x125xi32, #tpu.memory_space<hbm>>
      %dma_start3A_72 = arith.constant 0 : i32
      %dma_start3A_73 = arith.constant 0 : i32
      %dma_start3A_74 = tpu.memref_slice %arg8[%run_scoped3A_32, %dma_start3A_72, %dma_start3A_73] : memref<2x8x125xi32, #tpu.memory_space<vmem>> -> memref<1x8x125xi32, #tpu.memory_space<vmem>>
      %dma_start3A_75 = tpu.memref_squeeze %dma_start3A_74 : memref<1x8x125xi32, #tpu.memory_space<vmem>> -> memref<8x125xi32, #tpu.memory_space<vmem>>
      %dma_start3A_76 = arith.constant 0 : i32
      %dma_start3A_77 = tpu.memref_slice %arg4[%mul3A_31, %dma_start3A_76] : memref<2560x125xi32, #tpu.memory_space<hbm>> -> memref<8x125xi32, #tpu.memory_space<hbm>>
      tpu.enqueue_dma source(%dma_start3A_77 : memref<8x125xi32, #tpu.memory_space<hbm>>) target(%dma_start3A_75 : memref<8x125xi32, #tpu.memory_space<vmem>>) target_semaphore(%run_scoped3A_65 : memref<!tpu.dma_semaphore, #tpu.memory_space<semaphore_mem>>)
      %dma_wait3A_78 = arith.constant 0 : i32
      %dma_wait3A_79 = arith.constant 0 : i32
      %dma_wait3A_80 = tpu.memref_slice %arg8[%run_scoped3A_32, %dma_wait3A_78, %dma_wait3A_79] : memref<2x8x125xi32, #tpu.memory_space<vmem>> -> memref<1x8x125xi32, #tpu.memory_space<vmem>>
      %dma_wait3A_81 = tpu.memref_squeeze %dma_wait3A_80 : memref<1x8x125xi32, #tpu.memory_space<vmem>> -> memref<8x125xi32, #tpu.memory_space<vmem>>
      %dma_wait3A_82 = arith.constant 0 : i32
      %dma_wait3A_83 = tpu.memref_slice %arg4[%mul3A_31, %dma_wait3A_82] : memref<2560x125xi32, #tpu.memory_space<hbm>> -> memref<8x125xi32, #tpu.memory_space<hbm>>
      %dma_wait3A_84 = arith.constant 0 : i32
      %dma_wait3A_85 = arith.constant 0 : i32
      %dma_wait3A_86 = tpu.memref_slice %arg8[%run_scoped3A_32, %dma_wait3A_84, %dma_wait3A_85] : memref<2x8x125xi32, #tpu.memory_space<vmem>> -> memref<1x8x125xi32, #tpu.memory_space<vmem>>
      %dma_wait3A_87 = tpu.memref_squeeze %dma_wait3A_86 : memref<1x8x125xi32, #tpu.memory_space<vmem>> -> memref<8x125xi32, #tpu.memory_space<vmem>>
      %dma_wait3A_88 = arith.constant 0 : i32
      %dma_wait3A_89 = tpu.memref_slice %arg4[%mul3A_31, %dma_wait3A_88] : memref<2560x125xi32, #tpu.memory_space<hbm>> -> memref<8x125xi32, #tpu.memory_space<hbm>>
      tpu.wait_dma2 semaphore(%run_scoped3A_65 : memref<!tpu.dma_semaphore, #tpu.memory_space<semaphore_mem>>) src(%dma_wait3A_89 : memref<8x125xi32, #tpu.memory_space<hbm>>) dst(%dma_wait3A_87 : memref<8x125xi32, #tpu.memory_space<vmem>>)
      tpu.yield
    }) : () -> ()
    %barrier3A = arith.constant 0 : index
    tpu.barrier barrier_id(%barrier3A)
    %dma_start3A = arith.constant 0 : i32
    %dma_start3A_33 = arith.constant 0 : i32
    %dma_start3A_34 = arith.constant 0 : i32
    %dma_start3A_35 = arith.constant 0 : i32
    %dma_start3A_36 = arith.constant 0 : i32
    %dma_start3A_37 = tpu.memref_slice %arg9[%dma_start3A_34, %dma_start3A_35, %dma_start3A_36] : memref<2x125x128xf32, #tpu.memory_space<vmem>> -> memref<1x125x128xf32, #tpu.memory_space<vmem>>
    %dma_start3A_38 = tpu.memref_squeeze %dma_start3A_37 : memref<1x125x128xf32, #tpu.memory_space<vmem>> -> memref<125x128xf32, #tpu.memory_space<vmem>>
    %dma_start3A_39 = arith.constant 0 : i32
    %dma_start3A_40 = tpu.memref_slice %arg7[%dma_start3A, %dma_start3A_33, %dma_start3A_39] : memref<2x8x125xi32, #tpu.memory_space<vmem>> -> memref<1x1x125xi32, #tpu.memory_space<vmem>>
    %dma_start3A_41 = tpu.memref_squeeze %dma_start3A_40 : memref<1x1x125xi32, #tpu.memory_space<vmem>> -> memref<125xi32, #tpu.memory_space<vmem>>
    %dma_start3A_42 = arith.constant 0 : i32
    %dma_start3A_43 = arith.constant 0 : i32
    %dma_start3A_44 = tpu.memref_slice %arg2[%dma_start3A_42, %dma_start3A_43] : memref<20000x128xf32, #tpu.memory_space<hbm>> -> memref<20000x128xf32, #tpu.memory_space<hbm>>
    tpu.enqueue_indirect_dma source(%dma_start3A_44 : memref<20000x128xf32, #tpu.memory_space<hbm>>) target(%dma_start3A_38 : memref<125x128xf32, #tpu.memory_space<vmem>>) offsets(%dma_start3A_41 : memref<125xi32, #tpu.memory_space<vmem>>) semaphore(%arg11 : memref<!tpu.dma_semaphore, #tpu.memory_space<semaphore_mem>>)
    %scan3A = arith.constant 0 : i32
    %scan3A_45 = arith.constant 0 : i32
    %scan3A_46 = arith.constant 20 : i32
    %scan3A_47 = arith.addi %scan3A_45, %scan3A_46 : i32
    %scan3A_48 = arith.constant 1 : i32
    scf.for %scan3A_65 = %scan3A_45 to %scan3A_47 step %scan3A_48  : i32 {
      %rem3A = arith.constant 2 : i32
      %rem3A_66 = arith.remsi %scan3A_65, %rem3A : i32
      %add3A_67 = arith.constant 1 : i32
      %add3A_68 = arith.addi %scan3A_65, %add3A_67 : i32
      %rem3A_69 = arith.constant 2 : i32
      %rem3A_70 = arith.remsi %add3A_68, %rem3A_69 : i32
      %add3A_71 = arith.constant 1 : i32
      %add3A_72 = arith.addi %scan3A_65, %add3A_71 : i32
      %mul3A_73 = arith.constant 8 : i32
      %mul3A_74 = arith.muli %add3A_72, %mul3A_73 : i32
      %add3A_75 = arith.addi %mul3A_31, %mul3A_74 : i32
      %lt3A = arith.constant 19 : i32
      %lt3A_76 = arith.cmpi slt, %scan3A_65, %lt3A : i32
      %convert_element_type3A = arith.extui %lt3A_76 : i1 to i32
      %cond3A = arith.constant 0 : i32
      %cond3A_77 = arith.cmpi ne, %convert_element_type3A, %cond3A : i32
      scf.if %cond3A_77 {
        %dma_start3A_447 = arith.constant 0 : i32
        %dma_start3A_448 = arith.constant 0 : i32
        %dma_start3A_449 = tpu.memref_slice %arg7[%rem3A_70, %dma_start3A_447, %dma_start3A_448] : memref<2x8x125xi32, #tpu.memory_space<vmem>> -> memref<1x8x125xi32, #tpu.memory_space<vmem>>
        %dma_start3A_450 = tpu.memref_squeeze %dma_start3A_449 : memref<1x8x125xi32, #tpu.memory_space<vmem>> -> memref<8x125xi32, #tpu.memory_space<vmem>>
        %dma_start3A_451 = arith.constant 0 : i32
        %dma_start3A_452 = tpu.memref_slice %arg3[%arg0, %add3A_75, %dma_start3A_451] : memref<2x2560x125xi32, #tpu.memory_space<hbm>> -> memref<1x8x125xi32, #tpu.memory_space<hbm>>
        %dma_start3A_453 = tpu.memref_squeeze %dma_start3A_452 : memref<1x8x125xi32, #tpu.memory_space<hbm>> -> memref<8x125xi32, #tpu.memory_space<hbm>>
        %dma_start3A_454 = arith.constant 0 : i32
        %dma_start3A_455 = arith.constant 0 : i32
        %dma_start3A_456 = tpu.memref_slice %arg7[%rem3A_70, %dma_start3A_454, %dma_start3A_455] : memref<2x8x125xi32, #tpu.memory_space<vmem>> -> memref<1x8x125xi32, #tpu.memory_space<vmem>>
        %dma_start3A_457 = tpu.memref_squeeze %dma_start3A_456 : memref<1x8x125xi32, #tpu.memory_space<vmem>> -> memref<8x125xi32, #tpu.memory_space<vmem>>
        %dma_start3A_458 = arith.constant 0 : i32
        %dma_start3A_459 = tpu.memref_slice %arg3[%arg0, %add3A_75, %dma_start3A_458] : memref<2x2560x125xi32, #tpu.memory_space<hbm>> -> memref<1x8x125xi32, #tpu.memory_space<hbm>>
        %dma_start3A_460 = tpu.memref_squeeze %dma_start3A_459 : memref<1x8x125xi32, #tpu.memory_space<hbm>> -> memref<8x125xi32, #tpu.memory_space<hbm>>
        tpu.enqueue_dma source(%dma_start3A_460 : memref<8x125xi32, #tpu.memory_space<hbm>>) target(%dma_start3A_457 : memref<8x125xi32, #tpu.memory_space<vmem>>) target_semaphore(%arg10 : memref<!tpu.dma_semaphore, #tpu.memory_space<semaphore_mem>>)
        %dma_start3A_461 = arith.constant 0 : i32
        %dma_start3A_462 = arith.constant 0 : i32
        %dma_start3A_463 = tpu.memref_slice %arg8[%rem3A_70, %dma_start3A_461, %dma_start3A_462] : memref<2x8x125xi32, #tpu.memory_space<vmem>> -> memref<1x8x125xi32, #tpu.memory_space<vmem>>
        %dma_start3A_464 = tpu.memref_squeeze %dma_start3A_463 : memref<1x8x125xi32, #tpu.memory_space<vmem>> -> memref<8x125xi32, #tpu.memory_space<vmem>>
        %dma_start3A_465 = arith.constant 0 : i32
        %dma_start3A_466 = tpu.memref_slice %arg4[%add3A_75, %dma_start3A_465] : memref<2560x125xi32, #tpu.memory_space<hbm>> -> memref<8x125xi32, #tpu.memory_space<hbm>>
        %dma_start3A_467 = arith.constant 0 : i32
        %dma_start3A_468 = arith.constant 0 : i32
        %dma_start3A_469 = tpu.memref_slice %arg8[%rem3A_70, %dma_start3A_467, %dma_start3A_468] : memref<2x8x125xi32, #tpu.memory_space<vmem>> -> memref<1x8x125xi32, #tpu.memory_space<vmem>>
        %dma_start3A_470 = tpu.memref_squeeze %dma_start3A_469 : memref<1x8x125xi32, #tpu.memory_space<vmem>> -> memref<8x125xi32, #tpu.memory_space<vmem>>
        %dma_start3A_471 = arith.constant 0 : i32
        %dma_start3A_472 = tpu.memref_slice %arg4[%add3A_75, %dma_start3A_471] : memref<2560x125xi32, #tpu.memory_space<hbm>> -> memref<8x125xi32, #tpu.memory_space<hbm>>
        tpu.enqueue_dma source(%dma_start3A_472 : memref<8x125xi32, #tpu.memory_space<hbm>>) target(%dma_start3A_470 : memref<8x125xi32, #tpu.memory_space<vmem>>) target_semaphore(%arg10 : memref<!tpu.dma_semaphore, #tpu.memory_space<semaphore_mem>>)
      } else {
      }
      %gt3A = arith.constant 0 : i32
      %gt3A_78 = arith.cmpi sgt, %scan3A_65, %gt3A : i32
      %convert_element_type3A_79 = arith.extui %gt3A_78 : i1 to i32
      %cond3A_80 = arith.constant 0 : i32
      %cond3A_81 = arith.cmpi ne, %convert_element_type3A_79, %cond3A_80 : i32
      scf.if %cond3A_81 {
        %dma_wait3A_447 = arith.constant 1 : i32
        %dma_wait3A_448 = arith.constant 0 : i32
        %dma_wait3A_449 = arith.constant 0 : i32
        %dma_wait3A_450 = arith.constant 0 : i32
        %dma_wait3A_451 = tpu.memref_slice %arg9[%dma_wait3A_447, %dma_wait3A_449, %dma_wait3A_450] : memref<2x125x128xf32, #tpu.memory_space<vmem>> -> memref<1x125x128xf32, #tpu.memory_space<vmem>>
        %dma_wait3A_452 = tpu.memref_squeeze %dma_wait3A_451 : memref<1x125x128xf32, #tpu.memory_space<vmem>> -> memref<125x128xf32, #tpu.memory_space<vmem>>
        %dma_wait3A_453 = arith.constant 0 : i32
        %dma_wait3A_454 = tpu.memref_slice %arg8[%rem3A_66, %dma_wait3A_448, %dma_wait3A_453] : memref<2x8x125xi32, #tpu.memory_space<vmem>> -> memref<1x1x125xi32, #tpu.memory_space<vmem>>
        %dma_wait3A_455 = tpu.memref_squeeze %dma_wait3A_454 : memref<1x1x125xi32, #tpu.memory_space<vmem>> -> memref<125xi32, #tpu.memory_space<vmem>>
        %dma_wait3A_456 = arith.constant 0 : i32
        %dma_wait3A_457 = arith.constant 0 : i32
        %dma_wait3A_458 = tpu.memref_slice %arg14[%dma_wait3A_456, %dma_wait3A_457] : memref<10240x128xf32, #tpu.memory_space<vmem_shared>> -> memref<10240x128xf32, #tpu.memory_space<vmem_shared>>
        tpu.wait_indirect_dma semaphore(%arg13 : memref<!tpu.dma_semaphore, #tpu.memory_space<semaphore_mem>>) src(%dma_wait3A_452 : memref<125x128xf32, #tpu.memory_space<vmem>>) dst(%dma_wait3A_458 : memref<10240x128xf32, #tpu.memory_space<vmem_shared>>)
      } else {
      }
      %dma_start3A_82 = arith.constant 1 : i32
      %dma_start3A_83 = arith.constant 1 : i32
      %dma_start3A_84 = arith.constant 0 : i32
      %dma_start3A_85 = arith.constant 0 : i32
      %dma_start3A_86 = tpu.memref_slice %arg9[%dma_start3A_83, %dma_start3A_84, %dma_start3A_85] : memref<2x125x128xf32, #tpu.memory_space<vmem>> -> memref<1x125x128xf32, #tpu.memory_space<vmem>>
      %dma_start3A_87 = tpu.memref_squeeze %dma_start3A_86 : memref<1x125x128xf32, #tpu.memory_space<vmem>> -> memref<125x128xf32, #tpu.memory_space<vmem>>
      %dma_start3A_88 = arith.constant 0 : i32
      %dma_start3A_89 = tpu.memref_slice %arg7[%rem3A_66, %dma_start3A_82, %dma_start3A_88] : memref<2x8x125xi32, #tpu.memory_space<vmem>> -> memref<1x1x125xi32, #tpu.memory_space<vmem>>
      %dma_start3A_90 = tpu.memref_squeeze %dma_start3A_89 : memref<1x1x125xi32, #tpu.memory_space<vmem>> -> memref<125xi32, #tpu.memory_space<vmem>>
      %dma_start3A_91 = arith.constant 0 : i32
      %dma_start3A_92 = arith.constant 0 : i32
      %dma_start3A_93 = tpu.memref_slice %arg2[%dma_start3A_91, %dma_start3A_92] : memref<20000x128xf32, #tpu.memory_space<hbm>> -> memref<20000x128xf32, #tpu.memory_space<hbm>>
      tpu.enqueue_indirect_dma source(%dma_start3A_93 : memref<20000x128xf32, #tpu.memory_space<hbm>>) target(%dma_start3A_87 : memref<125x128xf32, #tpu.memory_space<vmem>>) offsets(%dma_start3A_90 : memref<125xi32, #tpu.memory_space<vmem>>) semaphore(%arg12 : memref<!tpu.dma_semaphore, #tpu.memory_space<semaphore_mem>>)
      %dma_wait3A_94 = arith.constant 0 : i32
      %dma_wait3A_95 = arith.constant 0 : i32
      %dma_wait3A_96 = arith.constant 0 : i32
      %dma_wait3A_97 = arith.constant 0 : i32
      %dma_wait3A_98 = tpu.memref_slice %arg9[%dma_wait3A_95, %dma_wait3A_96, %dma_wait3A_97] : memref<2x125x128xf32, #tpu.memory_space<vmem>> -> memref<1x125x128xf32, #tpu.memory_space<vmem>>
      %dma_wait3A_99 = tpu.memref_squeeze %dma_wait3A_98 : memref<1x125x128xf32, #tpu.memory_space<vmem>> -> memref<125x128xf32, #tpu.memory_space<vmem>>
      %dma_wait3A_100 = arith.constant 0 : i32
      %dma_wait3A_101 = tpu.memref_slice %arg7[%rem3A_66, %dma_wait3A_94, %dma_wait3A_100] : memref<2x8x125xi32, #tpu.memory_space<vmem>> -> memref<1x1x125xi32, #tpu.memory_space<vmem>>
      %dma_wait3A_102 = tpu.memref_squeeze %dma_wait3A_101 : memref<1x1x125xi32, #tpu.memory_space<vmem>> -> memref<125xi32, #tpu.memory_space<vmem>>
      %dma_wait3A_103 = arith.constant 0 : i32
      %dma_wait3A_104 = arith.constant 0 : i32
      %dma_wait3A_105 = tpu.memref_slice %arg2[%dma_wait3A_103, %dma_wait3A_104] : memref<20000x128xf32, #tpu.memory_space<hbm>> -> memref<20000x128xf32, #tpu.memory_space<hbm>>
      tpu.wait_indirect_dma semaphore(%arg11 : memref<!tpu.dma_semaphore, #tpu.memory_space<semaphore_mem>>) src(%dma_wait3A_105 : memref<20000x128xf32, #tpu.memory_space<hbm>>) dst(%dma_wait3A_99 : memref<125x128xf32, #tpu.memory_space<vmem>>)
      %dma_start3A_106 = arith.constant 0 : i32
      %dma_start3A_107 = arith.constant 0 : i32
      %dma_start3A_108 = arith.constant 0 : i32
      %dma_start3A_109 = arith.constant 0 : i32
      %dma_start3A_110 = tpu.memref_slice %arg9[%dma_start3A_106, %dma_start3A_108, %dma_start3A_109] : memref<2x125x128xf32, #tpu.memory_space<vmem>> -> memref<1x125x128xf32, #tpu.memory_space<vmem>>
      %dma_start3A_111 = tpu.memref_squeeze %dma_start3A_110 : memref<1x125x128xf32, #tpu.memory_space<vmem>> -> memref<125x128xf32, #tpu.memory_space<vmem>>
      %dma_start3A_112 = arith.constant 0 : i32
      %dma_start3A_113 = tpu.memref_slice %arg8[%rem3A_66, %dma_start3A_107, %dma_start3A_112] : memref<2x8x125xi32, #tpu.memory_space<vmem>> -> memref<1x1x125xi32, #tpu.memory_space<vmem>>
      %dma_start3A_114 = tpu.memref_squeeze %dma_start3A_113 : memref<1x1x125xi32, #tpu.memory_space<vmem>> -> memref<125xi32, #tpu.memory_space<vmem>>
      %dma_start3A_115 = arith.constant 0 : i32
      %dma_start3A_116 = arith.constant 0 : i32
      %dma_start3A_117 = tpu.memref_slice %arg14[%dma_start3A_115, %dma_start3A_116] : memref<10240x128xf32, #tpu.memory_space<vmem_shared>> -> memref<10240x128xf32, #tpu.memory_space<vmem_shared>>
      tpu.enqueue_indirect_dma source(%dma_start3A_111 : memref<125x128xf32, #tpu.memory_space<vmem>>) target(%dma_start3A_117 : memref<10240x128xf32, #tpu.memory_space<vmem_shared>>) offsets(%dma_start3A_114 : memref<125xi32, #tpu.memory_space<vmem>>) semaphore(%arg13 : memref<!tpu.dma_semaphore, #tpu.memory_space<semaphore_mem>>) {add = true}
      %dma_wait3A_118 = arith.constant 0 : i32
      %dma_wait3A_119 = arith.constant 1 : i32
      %dma_wait3A_120 = arith.constant 0 : i32
      %dma_wait3A_121 = arith.constant 0 : i32
      %dma_wait3A_122 = tpu.memref_slice %arg9[%dma_wait3A_118, %dma_wait3A_120, %dma_wait3A_121] : memref<2x125x128xf32, #tpu.memory_space<vmem>> -> memref<1x125x128xf32, #tpu.memory_space<vmem>>
      %dma_wait3A_123 = tpu.memref_squeeze %dma_wait3A_122 : memref<1x125x128xf32, #tpu.memory_space<vmem>> -> memref<125x128xf32, #tpu.memory_space<vmem>>
      %dma_wait3A_124 = arith.constant 0 : i32
      %dma_wait3A_125 = tpu.memref_slice %arg8[%rem3A_66, %dma_wait3A_119, %dma_wait3A_124] : memref<2x8x125xi32, #tpu.memory_space<vmem>> -> memref<1x1x125xi32, #tpu.memory_space<vmem>>
      %dma_wait3A_126 = tpu.memref_squeeze %dma_wait3A_125 : memref<1x1x125xi32, #tpu.memory_space<vmem>> -> memref<125xi32, #tpu.memory_space<vmem>>
      %dma_wait3A_127 = arith.constant 0 : i32
      %dma_wait3A_128 = arith.constant 0 : i32
      %dma_wait3A_129 = tpu.memref_slice %arg14[%dma_wait3A_127, %dma_wait3A_128] : memref<10240x128xf32, #tpu.memory_space<vmem_shared>> -> memref<10240x128xf32, #tpu.memory_space<vmem_shared>>
      tpu.wait_indirect_dma semaphore(%arg13 : memref<!tpu.dma_semaphore, #tpu.memory_space<semaphore_mem>>) src(%dma_wait3A_123 : memref<125x128xf32, #tpu.memory_space<vmem>>) dst(%dma_wait3A_129 : memref<10240x128xf32, #tpu.memory_space<vmem_shared>>)
      %dma_start3A_130 = arith.constant 2 : i32
      %dma_start3A_131 = arith.constant 0 : i32
      %dma_start3A_132 = arith.constant 0 : i32
      %dma_start3A_133 = arith.constant 0 : i32
      %dma_start3A_134 = tpu.memref_slice %arg9[%dma_start3A_131, %dma_start3A_132, %dma_start3A_133] : memref<2x125x128xf32, #tpu.memory_space<vmem>> -> memref<1x125x128xf32, #tpu.memory_space<vmem>>
      %dma_start3A_135 = tpu.memref_squeeze %dma_start3A_134 : memref<1x125x128xf32, #tpu.memory_space<vmem>> -> memref<125x128xf32, #tpu.memory_space<vmem>>
      %dma_start3A_136 = arith.constant 0 : i32
      %dma_start3A_137 = tpu.memref_slice %arg7[%rem3A_66, %dma_start3A_130, %dma_start3A_136] : memref<2x8x125xi32, #tpu.memory_space<vmem>> -> memref<1x1x125xi32, #tpu.memory_space<vmem>>
      %dma_start3A_138 = tpu.memref_squeeze %dma_start3A_137 : memref<1x1x125xi32, #tpu.memory_space<vmem>> -> memref<125xi32, #tpu.memory_space<vmem>>
      %dma_start3A_139 = arith.constant 0 : i32
      %dma_start3A_140 = arith.constant 0 : i32
      %dma_start3A_141 = tpu.memref_slice %arg2[%dma_start3A_139, %dma_start3A_140] : memref<20000x128xf32, #tpu.memory_space<hbm>> -> memref<20000x128xf32, #tpu.memory_space<hbm>>
      tpu.enqueue_indirect_dma source(%dma_start3A_141 : memref<20000x128xf32, #tpu.memory_space<hbm>>) target(%dma_start3A_135 : memref<125x128xf32, #tpu.memory_space<vmem>>) offsets(%dma_start3A_138 : memref<125xi32, #tpu.memory_space<vmem>>) semaphore(%arg11 : memref<!tpu.dma_semaphore, #tpu.memory_space<semaphore_mem>>)
      %dma_wait3A_142 = arith.constant 1 : i32
      %dma_wait3A_143 = arith.constant 1 : i32
      %dma_wait3A_144 = arith.constant 0 : i32
      %dma_wait3A_145 = arith.constant 0 : i32
      %dma_wait3A_146 = tpu.memref_slice %arg9[%dma_wait3A_143, %dma_wait3A_144, %dma_wait3A_145] : memref<2x125x128xf32, #tpu.memory_space<vmem>> -> memref<1x125x128xf32, #tpu.memory_space<vmem>>
      %dma_wait3A_147 = tpu.memref_squeeze %dma_wait3A_146 : memref<1x125x128xf32, #tpu.memory_space<vmem>> -> memref<125x128xf32, #tpu.memory_space<vmem>>
      %dma_wait3A_148 = arith.constant 0 : i32
      %dma_wait3A_149 = tpu.memref_slice %arg7[%rem3A_66, %dma_wait3A_142, %dma_wait3A_148] : memref<2x8x125xi32, #tpu.memory_space<vmem>> -> memref<1x1x125xi32, #tpu.memory_space<vmem>>
      %dma_wait3A_150 = tpu.memref_squeeze %dma_wait3A_149 : memref<1x1x125xi32, #tpu.memory_space<vmem>> -> memref<125xi32, #tpu.memory_space<vmem>>
      %dma_wait3A_151 = arith.constant 0 : i32
      %dma_wait3A_152 = arith.constant 0 : i32
      %dma_wait3A_153 = tpu.memref_slice %arg2[%dma_wait3A_151, %dma_wait3A_152] : memref<20000x128xf32, #tpu.memory_space<hbm>> -> memref<20000x128xf32, #tpu.memory_space<hbm>>
      tpu.wait_indirect_dma semaphore(%arg12 : memref<!tpu.dma_semaphore, #tpu.memory_space<semaphore_mem>>) src(%dma_wait3A_153 : memref<20000x128xf32, #tpu.memory_space<hbm>>) dst(%dma_wait3A_147 : memref<125x128xf32, #tpu.memory_space<vmem>>)
      %dma_start3A_154 = arith.constant 1 : i32
      %dma_start3A_155 = arith.constant 1 : i32
      %dma_start3A_156 = arith.constant 0 : i32
      %dma_start3A_157 = arith.constant 0 : i32
      %dma_start3A_158 = tpu.memref_slice %arg9[%dma_start3A_154, %dma_start3A_156, %dma_start3A_157] : memref<2x125x128xf32, #tpu.memory_space<vmem>> -> memref<1x125x128xf32, #tpu.memory_space<vmem>>
      %dma_start3A_159 = tpu.memref_squeeze %dma_start3A_158 : memref<1x125x128xf32, #tpu.memory_space<vmem>> -> memref<125x128xf32, #tpu.memory_space<vmem>>
      %dma_start3A_160 = arith.constant 0 : i32
      %dma_start3A_161 = tpu.memref_slice %arg8[%rem3A_66, %dma_start3A_155, %dma_start3A_160] : memref<2x8x125xi32, #tpu.memory_space<vmem>> -> memref<1x1x125xi32, #tpu.memory_space<vmem>>
      %dma_start3A_162 = tpu.memref_squeeze %dma_start3A_161 : memref<1x1x125xi32, #tpu.memory_space<vmem>> -> memref<125xi32, #tpu.memory_space<vmem>>
      %dma_start3A_163 = arith.constant 0 : i32
      %dma_start3A_164 = arith.constant 0 : i32
      %dma_start3A_165 = tpu.memref_slice %arg14[%dma_start3A_163, %dma_start3A_164] : memref<10240x128xf32, #tpu.memory_space<vmem_shared>> -> memref<10240x128xf32, #tpu.memory_space<vmem_shared>>
      tpu.enqueue_indirect_dma source(%dma_start3A_159 : memref<125x128xf32, #tpu.memory_space<vmem>>) target(%dma_start3A_165 : memref<10240x128xf32, #tpu.memory_space<vmem_shared>>) offsets(%dma_start3A_162 : memref<125xi32, #tpu.memory_space<vmem>>) semaphore(%arg13 : memref<!tpu.dma_semaphore, #tpu.memory_space<semaphore_mem>>) {add = true}
      %dma_wait3A_166 = arith.constant 1 : i32
      %dma_wait3A_167 = arith.constant 2 : i32
      %dma_wait3A_168 = arith.constant 0 : i32
      %dma_wait3A_169 = arith.constant 0 : i32
      %dma_wait3A_170 = tpu.memref_slice %arg9[%dma_wait3A_166, %dma_wait3A_168, %dma_wait3A_169] : memref<2x125x128xf32, #tpu.memory_space<vmem>> -> memref<1x125x128xf32, #tpu.memory_space<vmem>>
      %dma_wait3A_171 = tpu.memref_squeeze %dma_wait3A_170 : memref<1x125x128xf32, #tpu.memory_space<vmem>> -> memref<125x128xf32, #tpu.memory_space<vmem>>
      %dma_wait3A_172 = arith.constant 0 : i32
      %dma_wait3A_173 = tpu.memref_slice %arg8[%rem3A_66, %dma_wait3A_167, %dma_wait3A_172] : memref<2x8x125xi32, #tpu.memory_space<vmem>> -> memref<1x1x125xi32, #tpu.memory_space<vmem>>
      %dma_wait3A_174 = tpu.memref_squeeze %dma_wait3A_173 : memref<1x1x125xi32, #tpu.memory_space<vmem>> -> memref<125xi32, #tpu.memory_space<vmem>>
      %dma_wait3A_175 = arith.constant 0 : i32
      %dma_wait3A_176 = arith.constant 0 : i32
      %dma_wait3A_177 = tpu.memref_slice %arg14[%dma_wait3A_175, %dma_wait3A_176] : memref<10240x128xf32, #tpu.memory_space<vmem_shared>> -> memref<10240x128xf32, #tpu.memory_space<vmem_shared>>
      tpu.wait_indirect_dma semaphore(%arg13 : memref<!tpu.dma_semaphore, #tpu.memory_space<semaphore_mem>>) src(%dma_wait3A_171 : memref<125x128xf32, #tpu.memory_space<vmem>>) dst(%dma_wait3A_177 : memref<10240x128xf32, #tpu.memory_space<vmem_shared>>)
      %dma_start3A_178 = arith.constant 3 : i32
      %dma_start3A_179 = arith.constant 1 : i32
      %dma_start3A_180 = arith.constant 0 : i32
      %dma_start3A_181 = arith.constant 0 : i32
      %dma_start3A_182 = tpu.memref_slice %arg9[%dma_start3A_179, %dma_start3A_180, %dma_start3A_181] : memref<2x125x128xf32, #tpu.memory_space<vmem>> -> memref<1x125x128xf32, #tpu.memory_space<vmem>>
      %dma_start3A_183 = tpu.memref_squeeze %dma_start3A_182 : memref<1x125x128xf32, #tpu.memory_space<vmem>> -> memref<125x128xf32, #tpu.memory_space<vmem>>
      %dma_start3A_184 = arith.constant 0 : i32
      %dma_start3A_185 = tpu.memref_slice %arg7[%rem3A_66, %dma_start3A_178, %dma_start3A_184] : memref<2x8x125xi32, #tpu.memory_space<vmem>> -> memref<1x1x125xi32, #tpu.memory_space<vmem>>
      %dma_start3A_186 = tpu.memref_squeeze %dma_start3A_185 : memref<1x1x125xi32, #tpu.memory_space<vmem>> -> memref<125xi32, #tpu.memory_space<vmem>>
      %dma_start3A_187 = arith.constant 0 : i32
      %dma_start3A_188 = arith.constant 0 : i32
      %dma_start3A_189 = tpu.memref_slice %arg2[%dma_start3A_187, %dma_start3A_188] : memref<20000x128xf32, #tpu.memory_space<hbm>> -> memref<20000x128xf32, #tpu.memory_space<hbm>>
      tpu.enqueue_indirect_dma source(%dma_start3A_189 : memref<20000x128xf32, #tpu.memory_space<hbm>>) target(%dma_start3A_183 : memref<125x128xf32, #tpu.memory_space<vmem>>) offsets(%dma_start3A_186 : memref<125xi32, #tpu.memory_space<vmem>>) semaphore(%arg12 : memref<!tpu.dma_semaphore, #tpu.memory_space<semaphore_mem>>)
      %dma_wait3A_190 = arith.constant 2 : i32
      %dma_wait3A_191 = arith.constant 0 : i32
      %dma_wait3A_192 = arith.constant 0 : i32
      %dma_wait3A_193 = arith.constant 0 : i32
      %dma_wait3A_194 = tpu.memref_slice %arg9[%dma_wait3A_191, %dma_wait3A_192, %dma_wait3A_193] : memref<2x125x128xf32, #tpu.memory_space<vmem>> -> memref<1x125x128xf32, #tpu.memory_space<vmem>>
      %dma_wait3A_195 = tpu.memref_squeeze %dma_wait3A_194 : memref<1x125x128xf32, #tpu.memory_space<vmem>> -> memref<125x128xf32, #tpu.memory_space<vmem>>
      %dma_wait3A_196 = arith.constant 0 : i32
      %dma_wait3A_197 = tpu.memref_slice %arg7[%rem3A_66, %dma_wait3A_190, %dma_wait3A_196] : memref<2x8x125xi32, #tpu.memory_space<vmem>> -> memref<1x1x125xi32, #tpu.memory_space<vmem>>
      %dma_wait3A_198 = tpu.memref_squeeze %dma_wait3A_197 : memref<1x1x125xi32, #tpu.memory_space<vmem>> -> memref<125xi32, #tpu.memory_space<vmem>>
      %dma_wait3A_199 = arith.constant 0 : i32
      %dma_wait3A_200 = arith.constant 0 : i32
      %dma_wait3A_201 = tpu.memref_slice %arg2[%dma_wait3A_199, %dma_wait3A_200] : memref<20000x128xf32, #tpu.memory_space<hbm>> -> memref<20000x128xf32, #tpu.memory_space<hbm>>
      tpu.wait_indirect_dma semaphore(%arg11 : memref<!tpu.dma_semaphore, #tpu.memory_space<semaphore_mem>>) src(%dma_wait3A_201 : memref<20000x128xf32, #tpu.memory_space<hbm>>) dst(%dma_wait3A_195 : memref<125x128xf32, #tpu.memory_space<vmem>>)
      %dma_start3A_202 = arith.constant 0 : i32
      %dma_start3A_203 = arith.constant 2 : i32
      %dma_start3A_204 = arith.constant 0 : i32
      %dma_start3A_205 = arith.constant 0 : i32
      %dma_start3A_206 = tpu.memref_slice %arg9[%dma_start3A_202, %dma_start3A_204, %dma_start3A_205] : memref<2x125x128xf32, #tpu.memory_space<vmem>> -> memref<1x125x128xf32, #tpu.memory_space<vmem>>
      %dma_start3A_207 = tpu.memref_squeeze %dma_start3A_206 : memref<1x125x128xf32, #tpu.memory_space<vmem>> -> memref<125x128xf32, #tpu.memory_space<vmem>>
      %dma_start3A_208 = arith.constant 0 : i32
      %dma_start3A_209 = tpu.memref_slice %arg8[%rem3A_66, %dma_start3A_203, %dma_start3A_208] : memref<2x8x125xi32, #tpu.memory_space<vmem>> -> memref<1x1x125xi32, #tpu.memory_space<vmem>>
      %dma_start3A_210 = tpu.memref_squeeze %dma_start3A_209 : memref<1x1x125xi32, #tpu.memory_space<vmem>> -> memref<125xi32, #tpu.memory_space<vmem>>
      %dma_start3A_211 = arith.constant 0 : i32
      %dma_start3A_212 = arith.constant 0 : i32
      %dma_start3A_213 = tpu.memref_slice %arg14[%dma_start3A_211, %dma_start3A_212] : memref<10240x128xf32, #tpu.memory_space<vmem_shared>> -> memref<10240x128xf32, #tpu.memory_space<vmem_shared>>
      tpu.enqueue_indirect_dma source(%dma_start3A_207 : memref<125x128xf32, #tpu.memory_space<vmem>>) target(%dma_start3A_213 : memref<10240x128xf32, #tpu.memory_space<vmem_shared>>) offsets(%dma_start3A_210 : memref<125xi32, #tpu.memory_space<vmem>>) semaphore(%arg13 : memref<!tpu.dma_semaphore, #tpu.memory_space<semaphore_mem>>) {add = true}
      %dma_wait3A_214 = arith.constant 0 : i32
      %dma_wait3A_215 = arith.constant 3 : i32
      %dma_wait3A_216 = arith.constant 0 : i32
      %dma_wait3A_217 = arith.constant 0 : i32
      %dma_wait3A_218 = tpu.memref_slice %arg9[%dma_wait3A_214, %dma_wait3A_216, %dma_wait3A_217] : memref<2x125x128xf32, #tpu.memory_space<vmem>> -> memref<1x125x128xf32, #tpu.memory_space<vmem>>
      %dma_wait3A_219 = tpu.memref_squeeze %dma_wait3A_218 : memref<1x125x128xf32, #tpu.memory_space<vmem>> -> memref<125x128xf32, #tpu.memory_space<vmem>>
      %dma_wait3A_220 = arith.constant 0 : i32
      %dma_wait3A_221 = tpu.memref_slice %arg8[%rem3A_66, %dma_wait3A_215, %dma_wait3A_220] : memref<2x8x125xi32, #tpu.memory_space<vmem>> -> memref<1x1x125xi32, #tpu.memory_space<vmem>>
      %dma_wait3A_222 = tpu.memref_squeeze %dma_wait3A_221 : memref<1x1x125xi32, #tpu.memory_space<vmem>> -> memref<125xi32, #tpu.memory_space<vmem>>
      %dma_wait3A_223 = arith.constant 0 : i32
      %dma_wait3A_224 = arith.constant 0 : i32
      %dma_wait3A_225 = tpu.memref_slice %arg14[%dma_wait3A_223, %dma_wait3A_224] : memref<10240x128xf32, #tpu.memory_space<vmem_shared>> -> memref<10240x128xf32, #tpu.memory_space<vmem_shared>>
      tpu.wait_indirect_dma semaphore(%arg13 : memref<!tpu.dma_semaphore, #tpu.memory_space<semaphore_mem>>) src(%dma_wait3A_219 : memref<125x128xf32, #tpu.memory_space<vmem>>) dst(%dma_wait3A_225 : memref<10240x128xf32, #tpu.memory_space<vmem_shared>>)
      %dma_start3A_226 = arith.constant 4 : i32
      %dma_start3A_227 = arith.constant 0 : i32
      %dma_start3A_228 = arith.constant 0 : i32
      %dma_start3A_229 = arith.constant 0 : i32
      %dma_start3A_230 = tpu.memref_slice %arg9[%dma_start3A_227, %dma_start3A_228, %dma_start3A_229] : memref<2x125x128xf32, #tpu.memory_space<vmem>> -> memref<1x125x128xf32, #tpu.memory_space<vmem>>
      %dma_start3A_231 = tpu.memref_squeeze %dma_start3A_230 : memref<1x125x128xf32, #tpu.memory_space<vmem>> -> memref<125x128xf32, #tpu.memory_space<vmem>>
      %dma_start3A_232 = arith.constant 0 : i32
      %dma_start3A_233 = tpu.memref_slice %arg7[%rem3A_66, %dma_start3A_226, %dma_start3A_232] : memref<2x8x125xi32, #tpu.memory_space<vmem>> -> memref<1x1x125xi32, #tpu.memory_space<vmem>>
      %dma_start3A_234 = tpu.memref_squeeze %dma_start3A_233 : memref<1x1x125xi32, #tpu.memory_space<vmem>> -> memref<125xi32, #tpu.memory_space<vmem>>
      %dma_start3A_235 = arith.constant 0 : i32
      %dma_start3A_236 = arith.constant 0 : i32
      %dma_start3A_237 = tpu.memref_slice %arg2[%dma_start3A_235, %dma_start3A_236] : memref<20000x128xf32, #tpu.memory_space<hbm>> -> memref<20000x128xf32, #tpu.memory_space<hbm>>
      tpu.enqueue_indirect_dma source(%dma_start3A_237 : memref<20000x128xf32, #tpu.memory_space<hbm>>) target(%dma_start3A_231 : memref<125x128xf32, #tpu.memory_space<vmem>>) offsets(%dma_start3A_234 : memref<125xi32, #tpu.memory_space<vmem>>) semaphore(%arg11 : memref<!tpu.dma_semaphore, #tpu.memory_space<semaphore_mem>>)
      %dma_wait3A_238 = arith.constant 3 : i32
      %dma_wait3A_239 = arith.constant 1 : i32
      %dma_wait3A_240 = arith.constant 0 : i32
      %dma_wait3A_241 = arith.constant 0 : i32
      %dma_wait3A_242 = tpu.memref_slice %arg9[%dma_wait3A_239, %dma_wait3A_240, %dma_wait3A_241] : memref<2x125x128xf32, #tpu.memory_space<vmem>> -> memref<1x125x128xf32, #tpu.memory_space<vmem>>
      %dma_wait3A_243 = tpu.memref_squeeze %dma_wait3A_242 : memref<1x125x128xf32, #tpu.memory_space<vmem>> -> memref<125x128xf32, #tpu.memory_space<vmem>>
      %dma_wait3A_244 = arith.constant 0 : i32
      %dma_wait3A_245 = tpu.memref_slice %arg7[%rem3A_66, %dma_wait3A_238, %dma_wait3A_244] : memref<2x8x125xi32, #tpu.memory_space<vmem>> -> memref<1x1x125xi32, #tpu.memory_space<vmem>>
      %dma_wait3A_246 = tpu.memref_squeeze %dma_wait3A_245 : memref<1x1x125xi32, #tpu.memory_space<vmem>> -> memref<125xi32, #tpu.memory_space<vmem>>
      %dma_wait3A_247 = arith.constant 0 : i32
      %dma_wait3A_248 = arith.constant 0 : i32
      %dma_wait3A_249 = tpu.memref_slice %arg2[%dma_wait3A_247, %dma_wait3A_248] : memref<20000x128xf32, #tpu.memory_space<hbm>> -> memref<20000x128xf32, #tpu.memory_space<hbm>>
      tpu.wait_indirect_dma semaphore(%arg12 : memref<!tpu.dma_semaphore, #tpu.memory_space<semaphore_mem>>) src(%dma_wait3A_249 : memref<20000x128xf32, #tpu.memory_space<hbm>>) dst(%dma_wait3A_243 : memref<125x128xf32, #tpu.memory_space<vmem>>)
      %dma_start3A_250 = arith.constant 1 : i32
      %dma_start3A_251 = arith.constant 3 : i32
      %dma_start3A_252 = arith.constant 0 : i32
      %dma_start3A_253 = arith.constant 0 : i32
      %dma_start3A_254 = tpu.memref_slice %arg9[%dma_start3A_250, %dma_start3A_252, %dma_start3A_253] : memref<2x125x128xf32, #tpu.memory_space<vmem>> -> memref<1x125x128xf32, #tpu.memory_space<vmem>>
      %dma_start3A_255 = tpu.memref_squeeze %dma_start3A_254 : memref<1x125x128xf32, #tpu.memory_space<vmem>> -> memref<125x128xf32, #tpu.memory_space<vmem>>
      %dma_start3A_256 = arith.constant 0 : i32
      %dma_start3A_257 = tpu.memref_slice %arg8[%rem3A_66, %dma_start3A_251, %dma_start3A_256] : memref<2x8x125xi32, #tpu.memory_space<vmem>> -> memref<1x1x125xi32, #tpu.memory_space<vmem>>
      %dma_start3A_258 = tpu.memref_squeeze %dma_start3A_257 : memref<1x1x125xi32, #tpu.memory_space<vmem>> -> memref<125xi32, #tpu.memory_space<vmem>>
      %dma_start3A_259 = arith.constant 0 : i32
      %dma_start3A_260 = arith.constant 0 : i32
      %dma_start3A_261 = tpu.memref_slice %arg14[%dma_start3A_259, %dma_start3A_260] : memref<10240x128xf32, #tpu.memory_space<vmem_shared>> -> memref<10240x128xf32, #tpu.memory_space<vmem_shared>>
      tpu.enqueue_indirect_dma source(%dma_start3A_255 : memref<125x128xf32, #tpu.memory_space<vmem>>) target(%dma_start3A_261 : memref<10240x128xf32, #tpu.memory_space<vmem_shared>>) offsets(%dma_start3A_258 : memref<125xi32, #tpu.memory_space<vmem>>) semaphore(%arg13 : memref<!tpu.dma_semaphore, #tpu.memory_space<semaphore_mem>>) {add = true}
      %dma_wait3A_262 = arith.constant 1 : i32
      %dma_wait3A_263 = arith.constant 4 : i32
      %dma_wait3A_264 = arith.constant 0 : i32
      %dma_wait3A_265 = arith.constant 0 : i32
      %dma_wait3A_266 = tpu.memref_slice %arg9[%dma_wait3A_262, %dma_wait3A_264, %dma_wait3A_265] : memref<2x125x128xf32, #tpu.memory_space<vmem>> -> memref<1x125x128xf32, #tpu.memory_space<vmem>>
      %dma_wait3A_267 = tpu.memref_squeeze %dma_wait3A_266 : memref<1x125x128xf32, #tpu.memory_space<vmem>> -> memref<125x128xf32, #tpu.memory_space<vmem>>
      %dma_wait3A_268 = arith.constant 0 : i32
      %dma_wait3A_269 = tpu.memref_slice %arg8[%rem3A_66, %dma_wait3A_263, %dma_wait3A_268] : memref<2x8x125xi32, #tpu.memory_space<vmem>> -> memref<1x1x125xi32, #tpu.memory_space<vmem>>
      %dma_wait3A_270 = tpu.memref_squeeze %dma_wait3A_269 : memref<1x1x125xi32, #tpu.memory_space<vmem>> -> memref<125xi32, #tpu.memory_space<vmem>>
      %dma_wait3A_271 = arith.constant 0 : i32
      %dma_wait3A_272 = arith.constant 0 : i32
      %dma_wait3A_273 = tpu.memref_slice %arg14[%dma_wait3A_271, %dma_wait3A_272] : memref<10240x128xf32, #tpu.memory_space<vmem_shared>> -> memref<10240x128xf32, #tpu.memory_space<vmem_shared>>
      tpu.wait_indirect_dma semaphore(%arg13 : memref<!tpu.dma_semaphore, #tpu.memory_space<semaphore_mem>>) src(%dma_wait3A_267 : memref<125x128xf32, #tpu.memory_space<vmem>>) dst(%dma_wait3A_273 : memref<10240x128xf32, #tpu.memory_space<vmem_shared>>)
      %dma_start3A_274 = arith.constant 5 : i32
      %dma_start3A_275 = arith.constant 1 : i32
      %dma_start3A_276 = arith.constant 0 : i32
      %dma_start3A_277 = arith.constant 0 : i32
      %dma_start3A_278 = tpu.memref_slice %arg9[%dma_start3A_275, %dma_start3A_276, %dma_start3A_277] : memref<2x125x128xf32, #tpu.memory_space<vmem>> -> memref<1x125x128xf32, #tpu.memory_space<vmem>>
      %dma_start3A_279 = tpu.memref_squeeze %dma_start3A_278 : memref<1x125x128xf32, #tpu.memory_space<vmem>> -> memref<125x128xf32, #tpu.memory_space<vmem>>
      %dma_start3A_280 = arith.constant 0 : i32
      %dma_start3A_281 = tpu.memref_slice %arg7[%rem3A_66, %dma_start3A_274, %dma_start3A_280] : memref<2x8x125xi32, #tpu.memory_space<vmem>> -> memref<1x1x125xi32, #tpu.memory_space<vmem>>
      %dma_start3A_282 = tpu.memref_squeeze %dma_start3A_281 : memref<1x1x125xi32, #tpu.memory_space<vmem>> -> memref<125xi32, #tpu.memory_space<vmem>>
      %dma_start3A_283 = arith.constant 0 : i32
      %dma_start3A_284 = arith.constant 0 : i32
      %dma_start3A_285 = tpu.memref_slice %arg2[%dma_start3A_283, %dma_start3A_284] : memref<20000x128xf32, #tpu.memory_space<hbm>> -> memref<20000x128xf32, #tpu.memory_space<hbm>>
      tpu.enqueue_indirect_dma source(%dma_start3A_285 : memref<20000x128xf32, #tpu.memory_space<hbm>>) target(%dma_start3A_279 : memref<125x128xf32, #tpu.memory_space<vmem>>) offsets(%dma_start3A_282 : memref<125xi32, #tpu.memory_space<vmem>>) semaphore(%arg12 : memref<!tpu.dma_semaphore, #tpu.memory_space<semaphore_mem>>)
      %dma_wait3A_286 = arith.constant 4 : i32
      %dma_wait3A_287 = arith.constant 0 : i32
      %dma_wait3A_288 = arith.constant 0 : i32
      %dma_wait3A_289 = arith.constant 0 : i32
      %dma_wait3A_290 = tpu.memref_slice %arg9[%dma_wait3A_287, %dma_wait3A_288, %dma_wait3A_289] : memref<2x125x128xf32, #tpu.memory_space<vmem>> -> memref<1x125x128xf32, #tpu.memory_space<vmem>>
      %dma_wait3A_291 = tpu.memref_squeeze %dma_wait3A_290 : memref<1x125x128xf32, #tpu.memory_space<vmem>> -> memref<125x128xf32, #tpu.memory_space<vmem>>
      %dma_wait3A_292 = arith.constant 0 : i32
      %dma_wait3A_293 = tpu.memref_slice %arg7[%rem3A_66, %dma_wait3A_286, %dma_wait3A_292] : memref<2x8x125xi32, #tpu.memory_space<vmem>> -> memref<1x1x125xi32, #tpu.memory_space<vmem>>
      %dma_wait3A_294 = tpu.memref_squeeze %dma_wait3A_293 : memref<1x1x125xi32, #tpu.memory_space<vmem>> -> memref<125xi32, #tpu.memory_space<vmem>>
      %dma_wait3A_295 = arith.constant 0 : i32
      %dma_wait3A_296 = arith.constant 0 : i32
      %dma_wait3A_297 = tpu.memref_slice %arg2[%dma_wait3A_295, %dma_wait3A_296] : memref<20000x128xf32, #tpu.memory_space<hbm>> -> memref<20000x128xf32, #tpu.memory_space<hbm>>
      tpu.wait_indirect_dma semaphore(%arg11 : memref<!tpu.dma_semaphore, #tpu.memory_space<semaphore_mem>>) src(%dma_wait3A_297 : memref<20000x128xf32, #tpu.memory_space<hbm>>) dst(%dma_wait3A_291 : memref<125x128xf32, #tpu.memory_space<vmem>>)
      %dma_start3A_298 = arith.constant 0 : i32
      %dma_start3A_299 = arith.constant 4 : i32
      %dma_start3A_300 = arith.constant 0 : i32
      %dma_start3A_301 = arith.constant 0 : i32
      %dma_start3A_302 = tpu.memref_slice %arg9[%dma_start3A_298, %dma_start3A_300, %dma_start3A_301] : memref<2x125x128xf32, #tpu.memory_space<vmem>> -> memref<1x125x128xf32, #tpu.memory_space<vmem>>
      %dma_start3A_303 = tpu.memref_squeeze %dma_start3A_302 : memref<1x125x128xf32, #tpu.memory_space<vmem>> -> memref<125x128xf32, #tpu.memory_space<vmem>>
      %dma_start3A_304 = arith.constant 0 : i32
      %dma_start3A_305 = tpu.memref_slice %arg8[%rem3A_66, %dma_start3A_299, %dma_start3A_304] : memref<2x8x125xi32, #tpu.memory_space<vmem>> -> memref<1x1x125xi32, #tpu.memory_space<vmem>>
      %dma_start3A_306 = tpu.memref_squeeze %dma_start3A_305 : memref<1x1x125xi32, #tpu.memory_space<vmem>> -> memref<125xi32, #tpu.memory_space<vmem>>
      %dma_start3A_307 = arith.constant 0 : i32
      %dma_start3A_308 = arith.constant 0 : i32
      %dma_start3A_309 = tpu.memref_slice %arg14[%dma_start3A_307, %dma_start3A_308] : memref<10240x128xf32, #tpu.memory_space<vmem_shared>> -> memref<10240x128xf32, #tpu.memory_space<vmem_shared>>
      tpu.enqueue_indirect_dma source(%dma_start3A_303 : memref<125x128xf32, #tpu.memory_space<vmem>>) target(%dma_start3A_309 : memref<10240x128xf32, #tpu.memory_space<vmem_shared>>) offsets(%dma_start3A_306 : memref<125xi32, #tpu.memory_space<vmem>>) semaphore(%arg13 : memref<!tpu.dma_semaphore, #tpu.memory_space<semaphore_mem>>) {add = true}
      %dma_wait3A_310 = arith.constant 0 : i32
      %dma_wait3A_311 = arith.constant 5 : i32
      %dma_wait3A_312 = arith.constant 0 : i32
      %dma_wait3A_313 = arith.constant 0 : i32
      %dma_wait3A_314 = tpu.memref_slice %arg9[%dma_wait3A_310, %dma_wait3A_312, %dma_wait3A_313] : memref<2x125x128xf32, #tpu.memory_space<vmem>> -> memref<1x125x128xf32, #tpu.memory_space<vmem>>
      %dma_wait3A_315 = tpu.memref_squeeze %dma_wait3A_314 : memref<1x125x128xf32, #tpu.memory_space<vmem>> -> memref<125x128xf32, #tpu.memory_space<vmem>>
      %dma_wait3A_316 = arith.constant 0 : i32
      %dma_wait3A_317 = tpu.memref_slice %arg8[%rem3A_66, %dma_wait3A_311, %dma_wait3A_316] : memref<2x8x125xi32, #tpu.memory_space<vmem>> -> memref<1x1x125xi32, #tpu.memory_space<vmem>>
      %dma_wait3A_318 = tpu.memref_squeeze %dma_wait3A_317 : memref<1x1x125xi32, #tpu.memory_space<vmem>> -> memref<125xi32, #tpu.memory_space<vmem>>
      %dma_wait3A_319 = arith.constant 0 : i32
      %dma_wait3A_320 = arith.constant 0 : i32
      %dma_wait3A_321 = tpu.memref_slice %arg14[%dma_wait3A_319, %dma_wait3A_320] : memref<10240x128xf32, #tpu.memory_space<vmem_shared>> -> memref<10240x128xf32, #tpu.memory_space<vmem_shared>>
      tpu.wait_indirect_dma semaphore(%arg13 : memref<!tpu.dma_semaphore, #tpu.memory_space<semaphore_mem>>) src(%dma_wait3A_315 : memref<125x128xf32, #tpu.memory_space<vmem>>) dst(%dma_wait3A_321 : memref<10240x128xf32, #tpu.memory_space<vmem_shared>>)
      %dma_start3A_322 = arith.constant 6 : i32
      %dma_start3A_323 = arith.constant 0 : i32
      %dma_start3A_324 = arith.constant 0 : i32
      %dma_start3A_325 = arith.constant 0 : i32
      %dma_start3A_326 = tpu.memref_slice %arg9[%dma_start3A_323, %dma_start3A_324, %dma_start3A_325] : memref<2x125x128xf32, #tpu.memory_space<vmem>> -> memref<1x125x128xf32, #tpu.memory_space<vmem>>
      %dma_start3A_327 = tpu.memref_squeeze %dma_start3A_326 : memref<1x125x128xf32, #tpu.memory_space<vmem>> -> memref<125x128xf32, #tpu.memory_space<vmem>>
      %dma_start3A_328 = arith.constant 0 : i32
      %dma_start3A_329 = tpu.memref_slice %arg7[%rem3A_66, %dma_start3A_322, %dma_start3A_328] : memref<2x8x125xi32, #tpu.memory_space<vmem>> -> memref<1x1x125xi32, #tpu.memory_space<vmem>>
      %dma_start3A_330 = tpu.memref_squeeze %dma_start3A_329 : memref<1x1x125xi32, #tpu.memory_space<vmem>> -> memref<125xi32, #tpu.memory_space<vmem>>
      %dma_start3A_331 = arith.constant 0 : i32
      %dma_start3A_332 = arith.constant 0 : i32
      %dma_start3A_333 = tpu.memref_slice %arg2[%dma_start3A_331, %dma_start3A_332] : memref<20000x128xf32, #tpu.memory_space<hbm>> -> memref<20000x128xf32, #tpu.memory_space<hbm>>
      tpu.enqueue_indirect_dma source(%dma_start3A_333 : memref<20000x128xf32, #tpu.memory_space<hbm>>) target(%dma_start3A_327 : memref<125x128xf32, #tpu.memory_space<vmem>>) offsets(%dma_start3A_330 : memref<125xi32, #tpu.memory_space<vmem>>) semaphore(%arg11 : memref<!tpu.dma_semaphore, #tpu.memory_space<semaphore_mem>>)
      %dma_wait3A_334 = arith.constant 5 : i32
      %dma_wait3A_335 = arith.constant 1 : i32
      %dma_wait3A_336 = arith.constant 0 : i32
      %dma_wait3A_337 = arith.constant 0 : i32
      %dma_wait3A_338 = tpu.memref_slice %arg9[%dma_wait3A_335, %dma_wait3A_336, %dma_wait3A_337] : memref<2x125x128xf32, #tpu.memory_space<vmem>> -> memref<1x125x128xf32, #tpu.memory_space<vmem>>
      %dma_wait3A_339 = tpu.memref_squeeze %dma_wait3A_338 : memref<1x125x128xf32, #tpu.memory_space<vmem>> -> memref<125x128xf32, #tpu.memory_space<vmem>>
      %dma_wait3A_340 = arith.constant 0 : i32
      %dma_wait3A_341 = tpu.memref_slice %arg7[%rem3A_66, %dma_wait3A_334, %dma_wait3A_340] : memref<2x8x125xi32, #tpu.memory_space<vmem>> -> memref<1x1x125xi32, #tpu.memory_space<vmem>>
      %dma_wait3A_342 = tpu.memref_squeeze %dma_wait3A_341 : memref<1x1x125xi32, #tpu.memory_space<vmem>> -> memref<125xi32, #tpu.memory_space<vmem>>
      %dma_wait3A_343 = arith.constant 0 : i32
      %dma_wait3A_344 = arith.constant 0 : i32
      %dma_wait3A_345 = tpu.memref_slice %arg2[%dma_wait3A_343, %dma_wait3A_344] : memref<20000x128xf32, #tpu.memory_space<hbm>> -> memref<20000x128xf32, #tpu.memory_space<hbm>>
      tpu.wait_indirect_dma semaphore(%arg12 : memref<!tpu.dma_semaphore, #tpu.memory_space<semaphore_mem>>) src(%dma_wait3A_345 : memref<20000x128xf32, #tpu.memory_space<hbm>>) dst(%dma_wait3A_339 : memref<125x128xf32, #tpu.memory_space<vmem>>)
      %dma_start3A_346 = arith.constant 1 : i32
      %dma_start3A_347 = arith.constant 5 : i32
      %dma_start3A_348 = arith.constant 0 : i32
      %dma_start3A_349 = arith.constant 0 : i32
      %dma_start3A_350 = tpu.memref_slice %arg9[%dma_start3A_346, %dma_start3A_348, %dma_start3A_349] : memref<2x125x128xf32, #tpu.memory_space<vmem>> -> memref<1x125x128xf32, #tpu.memory_space<vmem>>
      %dma_start3A_351 = tpu.memref_squeeze %dma_start3A_350 : memref<1x125x128xf32, #tpu.memory_space<vmem>> -> memref<125x128xf32, #tpu.memory_space<vmem>>
      %dma_start3A_352 = arith.constant 0 : i32
      %dma_start3A_353 = tpu.memref_slice %arg8[%rem3A_66, %dma_start3A_347, %dma_start3A_352] : memref<2x8x125xi32, #tpu.memory_space<vmem>> -> memref<1x1x125xi32, #tpu.memory_space<vmem>>
      %dma_start3A_354 = tpu.memref_squeeze %dma_start3A_353 : memref<1x1x125xi32, #tpu.memory_space<vmem>> -> memref<125xi32, #tpu.memory_space<vmem>>
      %dma_start3A_355 = arith.constant 0 : i32
      %dma_start3A_356 = arith.constant 0 : i32
      %dma_start3A_357 = tpu.memref_slice %arg14[%dma_start3A_355, %dma_start3A_356] : memref<10240x128xf32, #tpu.memory_space<vmem_shared>> -> memref<10240x128xf32, #tpu.memory_space<vmem_shared>>
      tpu.enqueue_indirect_dma source(%dma_start3A_351 : memref<125x128xf32, #tpu.memory_space<vmem>>) target(%dma_start3A_357 : memref<10240x128xf32, #tpu.memory_space<vmem_shared>>) offsets(%dma_start3A_354 : memref<125xi32, #tpu.memory_space<vmem>>) semaphore(%arg13 : memref<!tpu.dma_semaphore, #tpu.memory_space<semaphore_mem>>) {add = true}
      %dma_wait3A_358 = arith.constant 1 : i32
      %dma_wait3A_359 = arith.constant 6 : i32
      %dma_wait3A_360 = arith.constant 0 : i32
      %dma_wait3A_361 = arith.constant 0 : i32
      %dma_wait3A_362 = tpu.memref_slice %arg9[%dma_wait3A_358, %dma_wait3A_360, %dma_wait3A_361] : memref<2x125x128xf32, #tpu.memory_space<vmem>> -> memref<1x125x128xf32, #tpu.memory_space<vmem>>
      %dma_wait3A_363 = tpu.memref_squeeze %dma_wait3A_362 : memref<1x125x128xf32, #tpu.memory_space<vmem>> -> memref<125x128xf32, #tpu.memory_space<vmem>>
      %dma_wait3A_364 = arith.constant 0 : i32
      %dma_wait3A_365 = tpu.memref_slice %arg8[%rem3A_66, %dma_wait3A_359, %dma_wait3A_364] : memref<2x8x125xi32, #tpu.memory_space<vmem>> -> memref<1x1x125xi32, #tpu.memory_space<vmem>>
      %dma_wait3A_366 = tpu.memref_squeeze %dma_wait3A_365 : memref<1x1x125xi32, #tpu.memory_space<vmem>> -> memref<125xi32, #tpu.memory_space<vmem>>
      %dma_wait3A_367 = arith.constant 0 : i32
      %dma_wait3A_368 = arith.constant 0 : i32
      %dma_wait3A_369 = tpu.memref_slice %arg14[%dma_wait3A_367, %dma_wait3A_368] : memref<10240x128xf32, #tpu.memory_space<vmem_shared>> -> memref<10240x128xf32, #tpu.memory_space<vmem_shared>>
      tpu.wait_indirect_dma semaphore(%arg13 : memref<!tpu.dma_semaphore, #tpu.memory_space<semaphore_mem>>) src(%dma_wait3A_363 : memref<125x128xf32, #tpu.memory_space<vmem>>) dst(%dma_wait3A_369 : memref<10240x128xf32, #tpu.memory_space<vmem_shared>>)
      %dma_start3A_370 = arith.constant 7 : i32
      %dma_start3A_371 = arith.constant 1 : i32
      %dma_start3A_372 = arith.constant 0 : i32
      %dma_start3A_373 = arith.constant 0 : i32
      %dma_start3A_374 = tpu.memref_slice %arg9[%dma_start3A_371, %dma_start3A_372, %dma_start3A_373] : memref<2x125x128xf32, #tpu.memory_space<vmem>> -> memref<1x125x128xf32, #tpu.memory_space<vmem>>
      %dma_start3A_375 = tpu.memref_squeeze %dma_start3A_374 : memref<1x125x128xf32, #tpu.memory_space<vmem>> -> memref<125x128xf32, #tpu.memory_space<vmem>>
      %dma_start3A_376 = arith.constant 0 : i32
      %dma_start3A_377 = tpu.memref_slice %arg7[%rem3A_66, %dma_start3A_370, %dma_start3A_376] : memref<2x8x125xi32, #tpu.memory_space<vmem>> -> memref<1x1x125xi32, #tpu.memory_space<vmem>>
      %dma_start3A_378 = tpu.memref_squeeze %dma_start3A_377 : memref<1x1x125xi32, #tpu.memory_space<vmem>> -> memref<125xi32, #tpu.memory_space<vmem>>
      %dma_start3A_379 = arith.constant 0 : i32
      %dma_start3A_380 = arith.constant 0 : i32
      %dma_start3A_381 = tpu.memref_slice %arg2[%dma_start3A_379, %dma_start3A_380] : memref<20000x128xf32, #tpu.memory_space<hbm>> -> memref<20000x128xf32, #tpu.memory_space<hbm>>
      tpu.enqueue_indirect_dma source(%dma_start3A_381 : memref<20000x128xf32, #tpu.memory_space<hbm>>) target(%dma_start3A_375 : memref<125x128xf32, #tpu.memory_space<vmem>>) offsets(%dma_start3A_378 : memref<125xi32, #tpu.memory_space<vmem>>) semaphore(%arg12 : memref<!tpu.dma_semaphore, #tpu.memory_space<semaphore_mem>>)
      %dma_wait3A_382 = arith.constant 6 : i32
      %dma_wait3A_383 = arith.constant 0 : i32
      %dma_wait3A_384 = arith.constant 0 : i32
      %dma_wait3A_385 = arith.constant 0 : i32
      %dma_wait3A_386 = tpu.memref_slice %arg9[%dma_wait3A_383, %dma_wait3A_384, %dma_wait3A_385] : memref<2x125x128xf32, #tpu.memory_space<vmem>> -> memref<1x125x128xf32, #tpu.memory_space<vmem>>
      %dma_wait3A_387 = tpu.memref_squeeze %dma_wait3A_386 : memref<1x125x128xf32, #tpu.memory_space<vmem>> -> memref<125x128xf32, #tpu.memory_space<vmem>>
      %dma_wait3A_388 = arith.constant 0 : i32
      %dma_wait3A_389 = tpu.memref_slice %arg7[%rem3A_66, %dma_wait3A_382, %dma_wait3A_388] : memref<2x8x125xi32, #tpu.memory_space<vmem>> -> memref<1x1x125xi32, #tpu.memory_space<vmem>>
      %dma_wait3A_390 = tpu.memref_squeeze %dma_wait3A_389 : memref<1x1x125xi32, #tpu.memory_space<vmem>> -> memref<125xi32, #tpu.memory_space<vmem>>
      %dma_wait3A_391 = arith.constant 0 : i32
      %dma_wait3A_392 = arith.constant 0 : i32
      %dma_wait3A_393 = tpu.memref_slice %arg2[%dma_wait3A_391, %dma_wait3A_392] : memref<20000x128xf32, #tpu.memory_space<hbm>> -> memref<20000x128xf32, #tpu.memory_space<hbm>>
      tpu.wait_indirect_dma semaphore(%arg11 : memref<!tpu.dma_semaphore, #tpu.memory_space<semaphore_mem>>) src(%dma_wait3A_393 : memref<20000x128xf32, #tpu.memory_space<hbm>>) dst(%dma_wait3A_387 : memref<125x128xf32, #tpu.memory_space<vmem>>)
      %dma_start3A_394 = arith.constant 0 : i32
      %dma_start3A_395 = arith.constant 6 : i32
      %dma_start3A_396 = arith.constant 0 : i32
      %dma_start3A_397 = arith.constant 0 : i32
      %dma_start3A_398 = tpu.memref_slice %arg9[%dma_start3A_394, %dma_start3A_396, %dma_start3A_397] : memref<2x125x128xf32, #tpu.memory_space<vmem>> -> memref<1x125x128xf32, #tpu.memory_space<vmem>>
      %dma_start3A_399 = tpu.memref_squeeze %dma_start3A_398 : memref<1x125x128xf32, #tpu.memory_space<vmem>> -> memref<125x128xf32, #tpu.memory_space<vmem>>
      %dma_start3A_400 = arith.constant 0 : i32
      %dma_start3A_401 = tpu.memref_slice %arg8[%rem3A_66, %dma_start3A_395, %dma_start3A_400] : memref<2x8x125xi32, #tpu.memory_space<vmem>> -> memref<1x1x125xi32, #tpu.memory_space<vmem>>
      %dma_start3A_402 = tpu.memref_squeeze %dma_start3A_401 : memref<1x1x125xi32, #tpu.memory_space<vmem>> -> memref<125xi32, #tpu.memory_space<vmem>>
      %dma_start3A_403 = arith.constant 0 : i32
      %dma_start3A_404 = arith.constant 0 : i32
      %dma_start3A_405 = tpu.memref_slice %arg14[%dma_start3A_403, %dma_start3A_404] : memref<10240x128xf32, #tpu.memory_space<vmem_shared>> -> memref<10240x128xf32, #tpu.memory_space<vmem_shared>>
      tpu.enqueue_indirect_dma source(%dma_start3A_399 : memref<125x128xf32, #tpu.memory_space<vmem>>) target(%dma_start3A_405 : memref<10240x128xf32, #tpu.memory_space<vmem_shared>>) offsets(%dma_start3A_402 : memref<125xi32, #tpu.memory_space<vmem>>) semaphore(%arg13 : memref<!tpu.dma_semaphore, #tpu.memory_space<semaphore_mem>>) {add = true}
      %dma_wait3A_406 = arith.constant 0 : i32
      %dma_wait3A_407 = arith.constant 7 : i32
      %dma_wait3A_408 = arith.constant 0 : i32
      %dma_wait3A_409 = arith.constant 0 : i32
      %dma_wait3A_410 = tpu.memref_slice %arg9[%dma_wait3A_406, %dma_wait3A_408, %dma_wait3A_409] : memref<2x125x128xf32, #tpu.memory_space<vmem>> -> memref<1x125x128xf32, #tpu.memory_space<vmem>>
      %dma_wait3A_411 = tpu.memref_squeeze %dma_wait3A_410 : memref<1x125x128xf32, #tpu.memory_space<vmem>> -> memref<125x128xf32, #tpu.memory_space<vmem>>
      %dma_wait3A_412 = arith.constant 0 : i32
      %dma_wait3A_413 = tpu.memref_slice %arg8[%rem3A_66, %dma_wait3A_407, %dma_wait3A_412] : memref<2x8x125xi32, #tpu.memory_space<vmem>> -> memref<1x1x125xi32, #tpu.memory_space<vmem>>
      %dma_wait3A_414 = tpu.memref_squeeze %dma_wait3A_413 : memref<1x1x125xi32, #tpu.memory_space<vmem>> -> memref<125xi32, #tpu.memory_space<vmem>>
      %dma_wait3A_415 = arith.constant 0 : i32
      %dma_wait3A_416 = arith.constant 0 : i32
      %dma_wait3A_417 = tpu.memref_slice %arg14[%dma_wait3A_415, %dma_wait3A_416] : memref<10240x128xf32, #tpu.memory_space<vmem_shared>> -> memref<10240x128xf32, #tpu.memory_space<vmem_shared>>
      tpu.wait_indirect_dma semaphore(%arg13 : memref<!tpu.dma_semaphore, #tpu.memory_space<semaphore_mem>>) src(%dma_wait3A_411 : memref<125x128xf32, #tpu.memory_space<vmem>>) dst(%dma_wait3A_417 : memref<10240x128xf32, #tpu.memory_space<vmem_shared>>)
      %lt3A_418 = arith.constant 19 : i32
      %lt3A_419 = arith.cmpi slt, %scan3A_65, %lt3A_418 : i32
      %convert_element_type3A_420 = arith.extui %lt3A_419 : i1 to i32
      %cond3A_421 = arith.constant 0 : i32
      %cond3A_422 = arith.cmpi ne, %convert_element_type3A_420, %cond3A_421 : i32
      scf.if %cond3A_422 {
        %dma_wait3A_447 = arith.constant 0 : i32
        %dma_wait3A_448 = arith.constant 0 : i32
        %dma_wait3A_449 = tpu.memref_slice %arg7[%rem3A_70, %dma_wait3A_447, %dma_wait3A_448] : memref<2x8x125xi32, #tpu.memory_space<vmem>> -> memref<1x8x125xi32, #tpu.memory_space<vmem>>
        %dma_wait3A_450 = tpu.memref_squeeze %dma_wait3A_449 : memref<1x8x125xi32, #tpu.memory_space<vmem>> -> memref<8x125xi32, #tpu.memory_space<vmem>>
        %dma_wait3A_451 = arith.constant 0 : i32
        %dma_wait3A_452 = tpu.memref_slice %arg3[%arg0, %add3A_75, %dma_wait3A_451] : memref<2x2560x125xi32, #tpu.memory_space<hbm>> -> memref<1x8x125xi32, #tpu.memory_space<hbm>>
        %dma_wait3A_453 = tpu.memref_squeeze %dma_wait3A_452 : memref<1x8x125xi32, #tpu.memory_space<hbm>> -> memref<8x125xi32, #tpu.memory_space<hbm>>
        %dma_wait3A_454 = arith.constant 0 : i32
        %dma_wait3A_455 = arith.constant 0 : i32
        %dma_wait3A_456 = tpu.memref_slice %arg7[%rem3A_70, %dma_wait3A_454, %dma_wait3A_455] : memref<2x8x125xi32, #tpu.memory_space<vmem>> -> memref<1x8x125xi32, #tpu.memory_space<vmem>>
        %dma_wait3A_457 = tpu.memref_squeeze %dma_wait3A_456 : memref<1x8x125xi32, #tpu.memory_space<vmem>> -> memref<8x125xi32, #tpu.memory_space<vmem>>
        %dma_wait3A_458 = arith.constant 0 : i32
        %dma_wait3A_459 = tpu.memref_slice %arg3[%arg0, %add3A_75, %dma_wait3A_458] : memref<2x2560x125xi32, #tpu.memory_space<hbm>> -> memref<1x8x125xi32, #tpu.memory_space<hbm>>
        %dma_wait3A_460 = tpu.memref_squeeze %dma_wait3A_459 : memref<1x8x125xi32, #tpu.memory_space<hbm>> -> memref<8x125xi32, #tpu.memory_space<hbm>>
        tpu.wait_dma2 semaphore(%arg10 : memref<!tpu.dma_semaphore, #tpu.memory_space<semaphore_mem>>) src(%dma_wait3A_460 : memref<8x125xi32, #tpu.memory_space<hbm>>) dst(%dma_wait3A_457 : memref<8x125xi32, #tpu.memory_space<vmem>>)
        %dma_wait3A_461 = arith.constant 0 : i32
        %dma_wait3A_462 = arith.constant 0 : i32
        %dma_wait3A_463 = tpu.memref_slice %arg8[%rem3A_70, %dma_wait3A_461, %dma_wait3A_462] : memref<2x8x125xi32, #tpu.memory_space<vmem>> -> memref<1x8x125xi32, #tpu.memory_space<vmem>>
        %dma_wait3A_464 = tpu.memref_squeeze %dma_wait3A_463 : memref<1x8x125xi32, #tpu.memory_space<vmem>> -> memref<8x125xi32, #tpu.memory_space<vmem>>
        %dma_wait3A_465 = arith.constant 0 : i32
        %dma_wait3A_466 = tpu.memref_slice %arg4[%add3A_75, %dma_wait3A_465] : memref<2560x125xi32, #tpu.memory_space<hbm>> -> memref<8x125xi32, #tpu.memory_space<hbm>>
        %dma_wait3A_467 = arith.constant 0 : i32
        %dma_wait3A_468 = arith.constant 0 : i32
        %dma_wait3A_469 = tpu.memref_slice %arg8[%rem3A_70, %dma_wait3A_467, %dma_wait3A_468] : memref<2x8x125xi32, #tpu.memory_space<vmem>> -> memref<1x8x125xi32, #tpu.memory_space<vmem>>
        %dma_wait3A_470 = tpu.memref_squeeze %dma_wait3A_469 : memref<1x8x125xi32, #tpu.memory_space<vmem>> -> memref<8x125xi32, #tpu.memory_space<vmem>>
        %dma_wait3A_471 = arith.constant 0 : i32
        %dma_wait3A_472 = tpu.memref_slice %arg4[%add3A_75, %dma_wait3A_471] : memref<2560x125xi32, #tpu.memory_space<hbm>> -> memref<8x125xi32, #tpu.memory_space<hbm>>
        tpu.wait_dma2 semaphore(%arg10 : memref<!tpu.dma_semaphore, #tpu.memory_space<semaphore_mem>>) src(%dma_wait3A_472 : memref<8x125xi32, #tpu.memory_space<hbm>>) dst(%dma_wait3A_470 : memref<8x125xi32, #tpu.memory_space<vmem>>)
        %dma_start3A_473 = arith.constant 0 : i32
        %dma_start3A_474 = arith.constant 0 : i32
        %dma_start3A_475 = arith.constant 0 : i32
        %dma_start3A_476 = arith.constant 0 : i32
        %dma_start3A_477 = tpu.memref_slice %arg9[%dma_start3A_474, %dma_start3A_475, %dma_start3A_476] : memref<2x125x128xf32, #tpu.memory_space<vmem>> -> memref<1x125x128xf32, #tpu.memory_space<vmem>>
        %dma_start3A_478 = tpu.memref_squeeze %dma_start3A_477 : memref<1x125x128xf32, #tpu.memory_space<vmem>> -> memref<125x128xf32, #tpu.memory_space<vmem>>
        %dma_start3A_479 = arith.constant 0 : i32
        %dma_start3A_480 = tpu.memref_slice %arg7[%rem3A_70, %dma_start3A_473, %dma_start3A_479] : memref<2x8x125xi32, #tpu.memory_space<vmem>> -> memref<1x1x125xi32, #tpu.memory_space<vmem>>
        %dma_start3A_481 = tpu.memref_squeeze %dma_start3A_480 : memref<1x1x125xi32, #tpu.memory_space<vmem>> -> memref<125xi32, #tpu.memory_space<vmem>>
        %dma_start3A_482 = arith.constant 0 : i32
        %dma_start3A_483 = arith.constant 0 : i32
        %dma_start3A_484 = tpu.memref_slice %arg2[%dma_start3A_482, %dma_start3A_483] : memref<20000x128xf32, #tpu.memory_space<hbm>> -> memref<20000x128xf32, #tpu.memory_space<hbm>>
        tpu.enqueue_indirect_dma source(%dma_start3A_484 : memref<20000x128xf32, #tpu.memory_space<hbm>>) target(%dma_start3A_478 : memref<125x128xf32, #tpu.memory_space<vmem>>) offsets(%dma_start3A_481 : memref<125xi32, #tpu.memory_space<vmem>>) semaphore(%arg11 : memref<!tpu.dma_semaphore, #tpu.memory_space<semaphore_mem>>)
      } else {
      }
      %dma_wait3A_423 = arith.constant 7 : i32
      %dma_wait3A_424 = arith.constant 1 : i32
      %dma_wait3A_425 = arith.constant 0 : i32
      %dma_wait3A_426 = arith.constant 0 : i32
      %dma_wait3A_427 = tpu.memref_slice %arg9[%dma_wait3A_424, %dma_wait3A_425, %dma_wait3A_426] : memref<2x125x128xf32, #tpu.memory_space<vmem>> -> memref<1x125x128xf32, #tpu.memory_space<vmem>>
      %dma_wait3A_428 = tpu.memref_squeeze %dma_wait3A_427 : memref<1x125x128xf32, #tpu.memory_space<vmem>> -> memref<125x128xf32, #tpu.memory_space<vmem>>
      %dma_wait3A_429 = arith.constant 0 : i32
      %dma_wait3A_430 = tpu.memref_slice %arg7[%rem3A_66, %dma_wait3A_423, %dma_wait3A_429] : memref<2x8x125xi32, #tpu.memory_space<vmem>> -> memref<1x1x125xi32, #tpu.memory_space<vmem>>
      %dma_wait3A_431 = tpu.memref_squeeze %dma_wait3A_430 : memref<1x1x125xi32, #tpu.memory_space<vmem>> -> memref<125xi32, #tpu.memory_space<vmem>>
      %dma_wait3A_432 = arith.constant 0 : i32
      %dma_wait3A_433 = arith.constant 0 : i32
      %dma_wait3A_434 = tpu.memref_slice %arg2[%dma_wait3A_432, %dma_wait3A_433] : memref<20000x128xf32, #tpu.memory_space<hbm>> -> memref<20000x128xf32, #tpu.memory_space<hbm>>
      tpu.wait_indirect_dma semaphore(%arg12 : memref<!tpu.dma_semaphore, #tpu.memory_space<semaphore_mem>>) src(%dma_wait3A_434 : memref<20000x128xf32, #tpu.memory_space<hbm>>) dst(%dma_wait3A_428 : memref<125x128xf32, #tpu.memory_space<vmem>>)
      %dma_start3A_435 = arith.constant 1 : i32
      %dma_start3A_436 = arith.constant 7 : i32
      %dma_start3A_437 = arith.constant 0 : i32
      %dma_start3A_438 = arith.constant 0 : i32
      %dma_start3A_439 = tpu.memref_slice %arg9[%dma_start3A_435, %dma_start3A_437, %dma_start3A_438] : memref<2x125x128xf32, #tpu.memory_space<vmem>> -> memref<1x125x128xf32, #tpu.memory_space<vmem>>
      %dma_start3A_440 = tpu.memref_squeeze %dma_start3A_439 : memref<1x125x128xf32, #tpu.memory_space<vmem>> -> memref<125x128xf32, #tpu.memory_space<vmem>>
      %dma_start3A_441 = arith.constant 0 : i32
      %dma_start3A_442 = tpu.memref_slice %arg8[%rem3A_66, %dma_start3A_436, %dma_start3A_441] : memref<2x8x125xi32, #tpu.memory_space<vmem>> -> memref<1x1x125xi32, #tpu.memory_space<vmem>>
      %dma_start3A_443 = tpu.memref_squeeze %dma_start3A_442 : memref<1x1x125xi32, #tpu.memory_space<vmem>> -> memref<125xi32, #tpu.memory_space<vmem>>
      %dma_start3A_444 = arith.constant 0 : i32
      %dma_start3A_445 = arith.constant 0 : i32
      %dma_start3A_446 = tpu.memref_slice %arg14[%dma_start3A_444, %dma_start3A_445] : memref<10240x128xf32, #tpu.memory_space<vmem_shared>> -> memref<10240x128xf32, #tpu.memory_space<vmem_shared>>
      tpu.enqueue_indirect_dma source(%dma_start3A_440 : memref<125x128xf32, #tpu.memory_space<vmem>>) target(%dma_start3A_446 : memref<10240x128xf32, #tpu.memory_space<vmem_shared>>) offsets(%dma_start3A_443 : memref<125xi32, #tpu.memory_space<vmem>>) semaphore(%arg13 : memref<!tpu.dma_semaphore, #tpu.memory_space<semaphore_mem>>) {add = true}
    }
    %scan3A_49 = arith.constant 20 : i32
    %dma_wait3A = arith.constant 1 : i32
    %dma_wait3A_50 = arith.constant 0 : i32
    %dma_wait3A_51 = arith.constant 0 : i32
    %dma_wait3A_52 = arith.constant 0 : i32
    %dma_wait3A_53 = arith.constant 0 : i32
    %dma_wait3A_54 = tpu.memref_slice %arg9[%dma_wait3A, %dma_wait3A_52, %dma_wait3A_53] : memref<2x125x128xf32, #tpu.memory_space<vmem>> -> memref<1x125x128xf32, #tpu.memory_space<vmem>>
    %dma_wait3A_55 = tpu.memref_squeeze %dma_wait3A_54 : memref<1x125x128xf32, #tpu.memory_space<vmem>> -> memref<125x128xf32, #tpu.memory_space<vmem>>
    %dma_wait3A_56 = arith.constant 0 : i32
    %dma_wait3A_57 = tpu.memref_slice %arg8[%dma_wait3A_50, %dma_wait3A_51, %dma_wait3A_56] : memref<2x8x125xi32, #tpu.memory_space<vmem>> -> memref<1x1x125xi32, #tpu.memory_space<vmem>>
    %dma_wait3A_58 = tpu.memref_squeeze %dma_wait3A_57 : memref<1x1x125xi32, #tpu.memory_space<vmem>> -> memref<125xi32, #tpu.memory_space<vmem>>
    %dma_wait3A_59 = arith.constant 0 : i32
    %dma_wait3A_60 = arith.constant 0 : i32
    %dma_wait3A_61 = tpu.memref_slice %arg14[%dma_wait3A_59, %dma_wait3A_60] : memref<10240x128xf32, #tpu.memory_space<vmem_shared>> -> memref<10240x128xf32, #tpu.memory_space<vmem_shared>>
    tpu.wait_indirect_dma semaphore(%arg13 : memref<!tpu.dma_semaphore, #tpu.memory_space<semaphore_mem>>) src(%dma_wait3A_55 : memref<125x128xf32, #tpu.memory_space<vmem>>) dst(%dma_wait3A_61 : memref<10240x128xf32, #tpu.memory_space<vmem_shared>>)
    %barrier3A_62 = arith.constant 0 : index
    tpu.barrier barrier_id(%barrier3A_62)
    %mul3A_63 = arith.constant 640 : i32
    %mul3A_64 = arith.muli %arg1, %mul3A_63 : i32
    "tpu.region"() ({
      %run_scoped3A_65 = tpu.sem_alloc : memref<!tpu.dma_semaphore, #tpu.memory_space<semaphore_mem>>
      %dma_start3A_66 = arith.constant 0 : i32
      %dma_start3A_67 = tpu.memref_slice %arg6[%arg0, %mul3A_64, %dma_start3A_66] : memref<2x10240x128xf32, #tpu.memory_space<hbm>> -> memref<1x640x128xf32, #tpu.memory_space<hbm>>
      %dma_start3A_68 = tpu.memref_squeeze %dma_start3A_67 : memref<1x640x128xf32, #tpu.memory_space<hbm>> -> memref<640x128xf32, #tpu.memory_space<hbm>>
      %dma_start3A_69 = arith.constant 0 : i32
      %dma_start3A_70 = tpu.memref_slice %arg14[%mul3A_64, %dma_start3A_69] : memref<10240x128xf32, #tpu.memory_space<vmem_shared>> -> memref<640x128xf32, #tpu.memory_space<vmem_shared>>
      tpu.enqueue_dma source(%dma_start3A_70 : memref<640x128xf32, #tpu.memory_space<vmem_shared>>) target(%dma_start3A_68 : memref<640x128xf32, #tpu.memory_space<hbm>>) target_semaphore(%run_scoped3A_65 : memref<!tpu.dma_semaphore, #tpu.memory_space<semaphore_mem>>)
      %dma_wait3A_71 = arith.constant 0 : i32
      %dma_wait3A_72 = tpu.memref_slice %arg6[%arg0, %mul3A_64, %dma_wait3A_71] : memref<2x10240x128xf32, #tpu.memory_space<hbm>> -> memref<1x640x128xf32, #tpu.memory_space<hbm>>
      %dma_wait3A_73 = tpu.memref_squeeze %dma_wait3A_72 : memref<1x640x128xf32, #tpu.memory_space<hbm>> -> memref<640x128xf32, #tpu.memory_space<hbm>>
      %dma_wait3A_74 = arith.constant 0 : i32
      %dma_wait3A_75 = tpu.memref_slice %arg14[%mul3A_64, %dma_wait3A_74] : memref<10240x128xf32, #tpu.memory_space<vmem_shared>> -> memref<640x128xf32, #tpu.memory_space<vmem_shared>>
      tpu.wait_dma2 semaphore(%run_scoped3A_65 : memref<!tpu.dma_semaphore, #tpu.memory_space<semaphore_mem>>) src(%dma_wait3A_75 : memref<640x128xf32, #tpu.memory_space<vmem_shared>>) dst(%dma_wait3A_73 : memref<640x128xf32, #tpu.memory_space<hbm>>)
      tpu.yield
    }) : () -> ()
    return
  }
}

#map = affine_map<(d0, d1) -> (0, 0)>
#map1 = affine_map<(d0, d1) -> (0, 0, 0)>
module attributes {stable_mosaic.version = 14 : i64} {
  func.func @_scat_body(%arg0: i32, %arg1: i32, %arg2: memref<20000x128xf32, #tpu.memory_space<hbm>>, %arg3: memref<2x2560x125xi32, #tpu.memory_space<hbm>>, %arg4: memref<2560x125xi32, #tpu.memory_space<hbm>>, %arg5: memref<80x128xf32, #tpu.memory_space<hbm>>, %arg6: memref<2x10240x128xf32, #tpu.memory_space<hbm>>, %arg7: memref<2x8x125xi32, #tpu.memory_space<vmem>>, %arg8: memref<2x8x125xi32, #tpu.memory_space<vmem>>, %arg9: memref<2x125x128xf32, #tpu.memory_space<vmem>>, %arg10: memref<!tpu.dma_semaphore, #tpu.memory_space<semaphore_mem>>, %arg11: memref<!tpu.dma_semaphore, #tpu.memory_space<semaphore_mem>>, %arg12: memref<!tpu.dma_semaphore, #tpu.memory_space<semaphore_mem>>, %arg13: memref<!tpu.dma_semaphore, #tpu.memory_space<semaphore_mem>>, %arg14: memref<10240x128xf32, #tpu.memory_space<vmem_shared>>) attributes {dimension_semantics = [#tpu.dimension_semantics<core_parallel>, #tpu.dimension_semantics<subcore_parallel>], iteration_bounds = array<i64: 2, 16>, scalar_prefetch = 0 : i64, scratch_operands = 8 : i64, tpu.core_type = #tpu.core_type<sc_vector_subcore>, window_params = [{transform_indices = #map}, {transform_indices = #map1}, {transform_indices = #map}, {transform_indices = #map}, {transform_indices = #map1}]} {
    %mul3A = arith.constant 640 : i32
    %mul3A_0 = arith.muli %arg1, %mul3A : i32
    %add3A = arith.constant 0 : i32
    %add3A_1 = arith.addi %mul3A_0, %add3A : i32
    "tpu.region"() ({
      %run_scoped3A_65 = tpu.sem_alloc : memref<!tpu.dma_semaphore, #tpu.memory_space<semaphore_mem>>
      %dma_start3A_66 = arith.constant 0 : i32
      %dma_start3A_67 = tpu.memref_slice %arg14[%add3A_1, %dma_start3A_66] : memref<10240x128xf32, #tpu.memory_space<vmem_shared>> -> memref<80x128xf32, #tpu.memory_space<vmem_shared>>
      tpu.enqueue_dma source(%arg5 : memref<80x128xf32, #tpu.memory_space<hbm>>) target(%dma_start3A_67 : memref<80x128xf32, #tpu.memory_space<vmem_shared>>) target_semaphore(%run_scoped3A_65 : memref<!tpu.dma_semaphore, #tpu.memory_space<semaphore_mem>>)
      %dma_wait3A_68 = arith.constant 0 : i32
      %dma_wait3A_69 = tpu.memref_slice %arg14[%add3A_1, %dma_wait3A_68] : memref<10240x128xf32, #tpu.memory_space<vmem_shared>> -> memref<80x128xf32, #tpu.memory_space<vmem_shared>>
      tpu.wait_dma2 semaphore(%run_scoped3A_65 : memref<!tpu.dma_semaphore, #tpu.memory_space<semaphore_mem>>) src(%arg5 : memref<80x128xf32, #tpu.memory_space<hbm>>) dst(%dma_wait3A_69 : memref<80x128xf32, #tpu.memory_space<vmem_shared>>)
      tpu.yield
    }) : () -> ()
    %mul3A_2 = arith.constant 640 : i32
    %mul3A_3 = arith.muli %arg1, %mul3A_2 : i32
    %add3A_4 = arith.constant 80 : i32
    %add3A_5 = arith.addi %mul3A_3, %add3A_4 : i32
    "tpu.region"() ({
      %run_scoped3A_65 = tpu.sem_alloc : memref<!tpu.dma_semaphore, #tpu.memory_space<semaphore_mem>>
      %dma_start3A_66 = arith.constant 0 : i32
      %dma_start3A_67 = tpu.memref_slice %arg14[%add3A_5, %dma_start3A_66] : memref<10240x128xf32, #tpu.memory_space<vmem_shared>> -> memref<80x128xf32, #tpu.memory_space<vmem_shared>>
      tpu.enqueue_dma source(%arg5 : memref<80x128xf32, #tpu.memory_space<hbm>>) target(%dma_start3A_67 : memref<80x128xf32, #tpu.memory_space<vmem_shared>>) target_semaphore(%run_scoped3A_65 : memref<!tpu.dma_semaphore, #tpu.memory_space<semaphore_mem>>)
      %dma_wait3A_68 = arith.constant 0 : i32
      %dma_wait3A_69 = tpu.memref_slice %arg14[%add3A_5, %dma_wait3A_68] : memref<10240x128xf32, #tpu.memory_space<vmem_shared>> -> memref<80x128xf32, #tpu.memory_space<vmem_shared>>
      tpu.wait_dma2 semaphore(%run_scoped3A_65 : memref<!tpu.dma_semaphore, #tpu.memory_space<semaphore_mem>>) src(%arg5 : memref<80x128xf32, #tpu.memory_space<hbm>>) dst(%dma_wait3A_69 : memref<80x128xf32, #tpu.memory_space<vmem_shared>>)
      tpu.yield
    }) : () -> ()
    %mul3A_6 = arith.constant 640 : i32
    %mul3A_7 = arith.muli %arg1, %mul3A_6 : i32
    %add3A_8 = arith.constant 160 : i32
    %add3A_9 = arith.addi %mul3A_7, %add3A_8 : i32
    "tpu.region"() ({
      %run_scoped3A_65 = tpu.sem_alloc : memref<!tpu.dma_semaphore, #tpu.memory_space<semaphore_mem>>
      %dma_start3A_66 = arith.constant 0 : i32
      %dma_start3A_67 = tpu.memref_slice %arg14[%add3A_9, %dma_start3A_66] : memref<10240x128xf32, #tpu.memory_space<vmem_shared>> -> memref<80x128xf32, #tpu.memory_space<vmem_shared>>
      tpu.enqueue_dma source(%arg5 : memref<80x128xf32, #tpu.memory_space<hbm>>) target(%dma_start3A_67 : memref<80x128xf32, #tpu.memory_space<vmem_shared>>) target_semaphore(%run_scoped3A_65 : memref<!tpu.dma_semaphore, #tpu.memory_space<semaphore_mem>>)
      %dma_wait3A_68 = arith.constant 0 : i32
      %dma_wait3A_69 = tpu.memref_slice %arg14[%add3A_9, %dma_wait3A_68] : memref<10240x128xf32, #tpu.memory_space<vmem_shared>> -> memref<80x128xf32, #tpu.memory_space<vmem_shared>>
      tpu.wait_dma2 semaphore(%run_scoped3A_65 : memref<!tpu.dma_semaphore, #tpu.memory_space<semaphore_mem>>) src(%arg5 : memref<80x128xf32, #tpu.memory_space<hbm>>) dst(%dma_wait3A_69 : memref<80x128xf32, #tpu.memory_space<vmem_shared>>)
      tpu.yield
    }) : () -> ()
    %mul3A_10 = arith.constant 640 : i32
    %mul3A_11 = arith.muli %arg1, %mul3A_10 : i32
    %add3A_12 = arith.constant 240 : i32
    %add3A_13 = arith.addi %mul3A_11, %add3A_12 : i32
    "tpu.region"() ({
      %run_scoped3A_65 = tpu.sem_alloc : memref<!tpu.dma_semaphore, #tpu.memory_space<semaphore_mem>>
      %dma_start3A_66 = arith.constant 0 : i32
      %dma_start3A_67 = tpu.memref_slice %arg14[%add3A_13, %dma_start3A_66] : memref<10240x128xf32, #tpu.memory_space<vmem_shared>> -> memref<80x128xf32, #tpu.memory_space<vmem_shared>>
      tpu.enqueue_dma source(%arg5 : memref<80x128xf32, #tpu.memory_space<hbm>>) target(%dma_start3A_67 : memref<80x128xf32, #tpu.memory_space<vmem_shared>>) target_semaphore(%run_scoped3A_65 : memref<!tpu.dma_semaphore, #tpu.memory_space<semaphore_mem>>)
      %dma_wait3A_68 = arith.constant 0 : i32
      %dma_wait3A_69 = tpu.memref_slice %arg14[%add3A_13, %dma_wait3A_68] : memref<10240x128xf32, #tpu.memory_space<vmem_shared>> -> memref<80x128xf32, #tpu.memory_space<vmem_shared>>
      tpu.wait_dma2 semaphore(%run_scoped3A_65 : memref<!tpu.dma_semaphore, #tpu.memory_space<semaphore_mem>>) src(%arg5 : memref<80x128xf32, #tpu.memory_space<hbm>>) dst(%dma_wait3A_69 : memref<80x128xf32, #tpu.memory_space<vmem_shared>>)
      tpu.yield
    }) : () -> ()
    %mul3A_14 = arith.constant 640 : i32
    %mul3A_15 = arith.muli %arg1, %mul3A_14 : i32
    %add3A_16 = arith.constant 320 : i32
    %add3A_17 = arith.addi %mul3A_15, %add3A_16 : i32
    "tpu.region"() ({
      %run_scoped3A_65 = tpu.sem_alloc : memref<!tpu.dma_semaphore, #tpu.memory_space<semaphore_mem>>
      %dma_start3A_66 = arith.constant 0 : i32
      %dma_start3A_67 = tpu.memref_slice %arg14[%add3A_17, %dma_start3A_66] : memref<10240x128xf32, #tpu.memory_space<vmem_shared>> -> memref<80x128xf32, #tpu.memory_space<vmem_shared>>
      tpu.enqueue_dma source(%arg5 : memref<80x128xf32, #tpu.memory_space<hbm>>) target(%dma_start3A_67 : memref<80x128xf32, #tpu.memory_space<vmem_shared>>) target_semaphore(%run_scoped3A_65 : memref<!tpu.dma_semaphore, #tpu.memory_space<semaphore_mem>>)
      %dma_wait3A_68 = arith.constant 0 : i32
      %dma_wait3A_69 = tpu.memref_slice %arg14[%add3A_17, %dma_wait3A_68] : memref<10240x128xf32, #tpu.memory_space<vmem_shared>> -> memref<80x128xf32, #tpu.memory_space<vmem_shared>>
      tpu.wait_dma2 semaphore(%run_scoped3A_65 : memref<!tpu.dma_semaphore, #tpu.memory_space<semaphore_mem>>) src(%arg5 : memref<80x128xf32, #tpu.memory_space<hbm>>) dst(%dma_wait3A_69 : memref<80x128xf32, #tpu.memory_space<vmem_shared>>)
      tpu.yield
    }) : () -> ()
    %mul3A_18 = arith.constant 640 : i32
    %mul3A_19 = arith.muli %arg1, %mul3A_18 : i32
    %add3A_20 = arith.constant 400 : i32
    %add3A_21 = arith.addi %mul3A_19, %add3A_20 : i32
    "tpu.region"() ({
      %run_scoped3A_65 = tpu.sem_alloc : memref<!tpu.dma_semaphore, #tpu.memory_space<semaphore_mem>>
      %dma_start3A_66 = arith.constant 0 : i32
      %dma_start3A_67 = tpu.memref_slice %arg14[%add3A_21, %dma_start3A_66] : memref<10240x128xf32, #tpu.memory_space<vmem_shared>> -> memref<80x128xf32, #tpu.memory_space<vmem_shared>>
      tpu.enqueue_dma source(%arg5 : memref<80x128xf32, #tpu.memory_space<hbm>>) target(%dma_start3A_67 : memref<80x128xf32, #tpu.memory_space<vmem_shared>>) target_semaphore(%run_scoped3A_65 : memref<!tpu.dma_semaphore, #tpu.memory_space<semaphore_mem>>)
      %dma_wait3A_68 = arith.constant 0 : i32
      %dma_wait3A_69 = tpu.memref_slice %arg14[%add3A_21, %dma_wait3A_68] : memref<10240x128xf32, #tpu.memory_space<vmem_shared>> -> memref<80x128xf32, #tpu.memory_space<vmem_shared>>
      tpu.wait_dma2 semaphore(%run_scoped3A_65 : memref<!tpu.dma_semaphore, #tpu.memory_space<semaphore_mem>>) src(%arg5 : memref<80x128xf32, #tpu.memory_space<hbm>>) dst(%dma_wait3A_69 : memref<80x128xf32, #tpu.memory_space<vmem_shared>>)
      tpu.yield
    }) : () -> ()
    %mul3A_22 = arith.constant 640 : i32
    %mul3A_23 = arith.muli %arg1, %mul3A_22 : i32
    %add3A_24 = arith.constant 480 : i32
    %add3A_25 = arith.addi %mul3A_23, %add3A_24 : i32
    "tpu.region"() ({
      %run_scoped3A_65 = tpu.sem_alloc : memref<!tpu.dma_semaphore, #tpu.memory_space<semaphore_mem>>
      %dma_start3A_66 = arith.constant 0 : i32
      %dma_start3A_67 = tpu.memref_slice %arg14[%add3A_25, %dma_start3A_66] : memref<10240x128xf32, #tpu.memory_space<vmem_shared>> -> memref<80x128xf32, #tpu.memory_space<vmem_shared>>
      tpu.enqueue_dma source(%arg5 : memref<80x128xf32, #tpu.memory_space<hbm>>) target(%dma_start3A_67 : memref<80x128xf32, #tpu.memory_space<vmem_shared>>) target_semaphore(%run_scoped3A_65 : memref<!tpu.dma_semaphore, #tpu.memory_space<semaphore_mem>>)
      %dma_wait3A_68 = arith.constant 0 : i32
      %dma_wait3A_69 = tpu.memref_slice %arg14[%add3A_25, %dma_wait3A_68] : memref<10240x128xf32, #tpu.memory_space<vmem_shared>> -> memref<80x128xf32, #tpu.memory_space<vmem_shared>>
      tpu.wait_dma2 semaphore(%run_scoped3A_65 : memref<!tpu.dma_semaphore, #tpu.memory_space<semaphore_mem>>) src(%arg5 : memref<80x128xf32, #tpu.memory_space<hbm>>) dst(%dma_wait3A_69 : memref<80x128xf32, #tpu.memory_space<vmem_shared>>)
      tpu.yield
    }) : () -> ()
    %mul3A_26 = arith.constant 640 : i32
    %mul3A_27 = arith.muli %arg1, %mul3A_26 : i32
    %add3A_28 = arith.constant 560 : i32
    %add3A_29 = arith.addi %mul3A_27, %add3A_28 : i32
    "tpu.region"() ({
      %run_scoped3A_65 = tpu.sem_alloc : memref<!tpu.dma_semaphore, #tpu.memory_space<semaphore_mem>>
      %dma_start3A_66 = arith.constant 0 : i32
      %dma_start3A_67 = tpu.memref_slice %arg14[%add3A_29, %dma_start3A_66] : memref<10240x128xf32, #tpu.memory_space<vmem_shared>> -> memref<80x128xf32, #tpu.memory_space<vmem_shared>>
      tpu.enqueue_dma source(%arg5 : memref<80x128xf32, #tpu.memory_space<hbm>>) target(%dma_start3A_67 : memref<80x128xf32, #tpu.memory_space<vmem_shared>>) target_semaphore(%run_scoped3A_65 : memref<!tpu.dma_semaphore, #tpu.memory_space<semaphore_mem>>)
      %dma_wait3A_68 = arith.constant 0 : i32
      %dma_wait3A_69 = tpu.memref_slice %arg14[%add3A_29, %dma_wait3A_68] : memref<10240x128xf32, #tpu.memory_space<vmem_shared>> -> memref<80x128xf32, #tpu.memory_space<vmem_shared>>
      tpu.wait_dma2 semaphore(%run_scoped3A_65 : memref<!tpu.dma_semaphore, #tpu.memory_space<semaphore_mem>>) src(%arg5 : memref<80x128xf32, #tpu.memory_space<hbm>>) dst(%dma_wait3A_69 : memref<80x128xf32, #tpu.memory_space<vmem_shared>>)
      tpu.yield
    }) : () -> ()
    %mul3A_30 = arith.constant 160 : i32
    %mul3A_31 = arith.muli %arg1, %mul3A_30 : i32
    %run_scoped3A = arith.constant 0 : i32
    "tpu.region"() ({
      %run_scoped3A_65 = tpu.sem_alloc : memref<!tpu.dma_semaphore, #tpu.memory_space<semaphore_mem>>
      %dma_start3A_66 = arith.constant 0 : i32
      %dma_start3A_67 = arith.constant 0 : i32
      %dma_start3A_68 = tpu.memref_slice %arg7[%run_scoped3A, %dma_start3A_66, %dma_start3A_67] : memref<2x8x125xi32, #tpu.memory_space<vmem>> -> memref<1x8x125xi32, #tpu.memory_space<vmem>>
      %dma_start3A_69 = tpu.memref_squeeze %dma_start3A_68 : memref<1x8x125xi32, #tpu.memory_space<vmem>> -> memref<8x125xi32, #tpu.memory_space<vmem>>
      %dma_start3A_70 = arith.constant 0 : i32
      %dma_start3A_71 = tpu.memref_slice %arg3[%arg0, %mul3A_31, %dma_start3A_70] : memref<2x2560x125xi32, #tpu.memory_space<hbm>> -> memref<1x8x125xi32, #tpu.memory_space<hbm>>
      %dma_start3A_72 = tpu.memref_squeeze %dma_start3A_71 : memref<1x8x125xi32, #tpu.memory_space<hbm>> -> memref<8x125xi32, #tpu.memory_space<hbm>>
      %dma_start3A_73 = arith.constant 0 : i32
      %dma_start3A_74 = arith.constant 0 : i32
      %dma_start3A_75 = tpu.memref_slice %arg7[%run_scoped3A, %dma_start3A_73, %dma_start3A_74] : memref<2x8x125xi32, #tpu.memory_space<vmem>> -> memref<1x8x125xi32, #tpu.memory_space<vmem>>
      %dma_start3A_76 = tpu.memref_squeeze %dma_start3A_75 : memref<1x8x125xi32, #tpu.memory_space<vmem>> -> memref<8x125xi32, #tpu.memory_space<vmem>>
      %dma_start3A_77 = arith.constant 0 : i32
      %dma_start3A_78 = tpu.memref_slice %arg3[%arg0, %mul3A_31, %dma_start3A_77] : memref<2x2560x125xi32, #tpu.memory_space<hbm>> -> memref<1x8x125xi32, #tpu.memory_space<hbm>>
      %dma_start3A_79 = tpu.memref_squeeze %dma_start3A_78 : memref<1x8x125xi32, #tpu.memory_space<hbm>> -> memref<8x125xi32, #tpu.memory_space<hbm>>
      tpu.enqueue_dma source(%dma_start3A_79 : memref<8x125xi32, #tpu.memory_space<hbm>>) target(%dma_start3A_76 : memref<8x125xi32, #tpu.memory_space<vmem>>) target_semaphore(%run_scoped3A_65 : memref<!tpu.dma_semaphore, #tpu.memory_space<semaphore_mem>>)
      %dma_wait3A_80 = arith.constant 0 : i32
      %dma_wait3A_81 = arith.constant 0 : i32
      %dma_wait3A_82 = tpu.memref_slice %arg7[%run_scoped3A, %dma_wait3A_80, %dma_wait3A_81] : memref<2x8x125xi32, #tpu.memory_space<vmem>> -> memref<1x8x125xi32, #tpu.memory_space<vmem>>
      %dma_wait3A_83 = tpu.memref_squeeze %dma_wait3A_82 : memref<1x8x125xi32, #tpu.memory_space<vmem>> -> memref<8x125xi32, #tpu.memory_space<vmem>>
      %dma_wait3A_84 = arith.constant 0 : i32
      %dma_wait3A_85 = tpu.memref_slice %arg3[%arg0, %mul3A_31, %dma_wait3A_84] : memref<2x2560x125xi32, #tpu.memory_space<hbm>> -> memref<1x8x125xi32, #tpu.memory_space<hbm>>
      %dma_wait3A_86 = tpu.memref_squeeze %dma_wait3A_85 : memref<1x8x125xi32, #tpu.memory_space<hbm>> -> memref<8x125xi32, #tpu.memory_space<hbm>>
      %dma_wait3A_87 = arith.constant 0 : i32
      %dma_wait3A_88 = arith.constant 0 : i32
      %dma_wait3A_89 = tpu.memref_slice %arg7[%run_scoped3A, %dma_wait3A_87, %dma_wait3A_88] : memref<2x8x125xi32, #tpu.memory_space<vmem>> -> memref<1x8x125xi32, #tpu.memory_space<vmem>>
      %dma_wait3A_90 = tpu.memref_squeeze %dma_wait3A_89 : memref<1x8x125xi32, #tpu.memory_space<vmem>> -> memref<8x125xi32, #tpu.memory_space<vmem>>
      %dma_wait3A_91 = arith.constant 0 : i32
      %dma_wait3A_92 = tpu.memref_slice %arg3[%arg0, %mul3A_31, %dma_wait3A_91] : memref<2x2560x125xi32, #tpu.memory_space<hbm>> -> memref<1x8x125xi32, #tpu.memory_space<hbm>>
      %dma_wait3A_93 = tpu.memref_squeeze %dma_wait3A_92 : memref<1x8x125xi32, #tpu.memory_space<hbm>> -> memref<8x125xi32, #tpu.memory_space<hbm>>
      tpu.wait_dma2 semaphore(%run_scoped3A_65 : memref<!tpu.dma_semaphore, #tpu.memory_space<semaphore_mem>>) src(%dma_wait3A_93 : memref<8x125xi32, #tpu.memory_space<hbm>>) dst(%dma_wait3A_90 : memref<8x125xi32, #tpu.memory_space<vmem>>)
      tpu.yield
    }) : () -> ()
    %run_scoped3A_32 = arith.constant 0 : i32
    "tpu.region"() ({
      %run_scoped3A_65 = tpu.sem_alloc : memref<!tpu.dma_semaphore, #tpu.memory_space<semaphore_mem>>
      %dma_start3A_66 = arith.constant 0 : i32
      %dma_start3A_67 = arith.constant 0 : i32
      %dma_start3A_68 = tpu.memref_slice %arg8[%run_scoped3A_32, %dma_start3A_66, %dma_start3A_67] : memref<2x8x125xi32, #tpu.memory_space<vmem>> -> memref<1x8x125xi32, #tpu.memory_space<vmem>>
      %dma_start3A_69 = tpu.memref_squeeze %dma_start3A_68 : memref<1x8x125xi32, #tpu.memory_space<vmem>> -> memref<8x125xi32, #tpu.memory_space<vmem>>
      %dma_start3A_70 = arith.constant 0 : i32
      %dma_start3A_71 = tpu.memref_slice %arg4[%mul3A_31, %dma_start3A_70] : memref<2560x125xi32, #tpu.memory_space<hbm>> -> memref<8x125xi32, #tpu.memory_space<hbm>>
      %dma_start3A_72 = arith.constant 0 : i32
      %dma_start3A_73 = arith.constant 0 : i32
      %dma_start3A_74 = tpu.memref_slice %arg8[%run_scoped3A_32, %dma_start3A_72, %dma_start3A_73] : memref<2x8x125xi32, #tpu.memory_space<vmem>> -> memref<1x8x125xi32, #tpu.memory_space<vmem>>
      %dma_start3A_75 = tpu.memref_squeeze %dma_start3A_74 : memref<1x8x125xi32, #tpu.memory_space<vmem>> -> memref<8x125xi32, #tpu.memory_space<vmem>>
      %dma_start3A_76 = arith.constant 0 : i32
      %dma_start3A_77 = tpu.memref_slice %arg4[%mul3A_31, %dma_start3A_76] : memref<2560x125xi32, #tpu.memory_space<hbm>> -> memref<8x125xi32, #tpu.memory_space<hbm>>
      tpu.enqueue_dma source(%dma_start3A_77 : memref<8x125xi32, #tpu.memory_space<hbm>>) target(%dma_start3A_75 : memref<8x125xi32, #tpu.memory_space<vmem>>) target_semaphore(%run_scoped3A_65 : memref<!tpu.dma_semaphore, #tpu.memory_space<semaphore_mem>>)
      %dma_wait3A_78 = arith.constant 0 : i32
      %dma_wait3A_79 = arith.constant 0 : i32
      %dma_wait3A_80 = tpu.memref_slice %arg8[%run_scoped3A_32, %dma_wait3A_78, %dma_wait3A_79] : memref<2x8x125xi32, #tpu.memory_space<vmem>> -> memref<1x8x125xi32, #tpu.memory_space<vmem>>
      %dma_wait3A_81 = tpu.memref_squeeze %dma_wait3A_80 : memref<1x8x125xi32, #tpu.memory_space<vmem>> -> memref<8x125xi32, #tpu.memory_space<vmem>>
      %dma_wait3A_82 = arith.constant 0 : i32
      %dma_wait3A_83 = tpu.memref_slice %arg4[%mul3A_31, %dma_wait3A_82] : memref<2560x125xi32, #tpu.memory_space<hbm>> -> memref<8x125xi32, #tpu.memory_space<hbm>>
      %dma_wait3A_84 = arith.constant 0 : i32
      %dma_wait3A_85 = arith.constant 0 : i32
      %dma_wait3A_86 = tpu.memref_slice %arg8[%run_scoped3A_32, %dma_wait3A_84, %dma_wait3A_85] : memref<2x8x125xi32, #tpu.memory_space<vmem>> -> memref<1x8x125xi32, #tpu.memory_space<vmem>>
      %dma_wait3A_87 = tpu.memref_squeeze %dma_wait3A_86 : memref<1x8x125xi32, #tpu.memory_space<vmem>> -> memref<8x125xi32, #tpu.memory_space<vmem>>
      %dma_wait3A_88 = arith.constant 0 : i32
      %dma_wait3A_89 = tpu.memref_slice %arg4[%mul3A_31, %dma_wait3A_88] : memref<2560x125xi32, #tpu.memory_space<hbm>> -> memref<8x125xi32, #tpu.memory_space<hbm>>
      tpu.wait_dma2 semaphore(%run_scoped3A_65 : memref<!tpu.dma_semaphore, #tpu.memory_space<semaphore_mem>>) src(%dma_wait3A_89 : memref<8x125xi32, #tpu.memory_space<hbm>>) dst(%dma_wait3A_87 : memref<8x125xi32, #tpu.memory_space<vmem>>)
      tpu.yield
    }) : () -> ()
    %barrier3A = arith.constant 0 : index
    tpu.barrier barrier_id(%barrier3A)
    %dma_start3A = arith.constant 0 : i32
    %dma_start3A_33 = arith.constant 0 : i32
    %dma_start3A_34 = arith.constant 0 : i32
    %dma_start3A_35 = arith.constant 0 : i32
    %dma_start3A_36 = arith.constant 0 : i32
    %dma_start3A_37 = tpu.memref_slice %arg9[%dma_start3A_34, %dma_start3A_35, %dma_start3A_36] : memref<2x125x128xf32, #tpu.memory_space<vmem>> -> memref<1x125x128xf32, #tpu.memory_space<vmem>>
    %dma_start3A_38 = tpu.memref_squeeze %dma_start3A_37 : memref<1x125x128xf32, #tpu.memory_space<vmem>> -> memref<125x128xf32, #tpu.memory_space<vmem>>
    %dma_start3A_39 = arith.constant 0 : i32
    %dma_start3A_40 = tpu.memref_slice %arg7[%dma_start3A, %dma_start3A_33, %dma_start3A_39] : memref<2x8x125xi32, #tpu.memory_space<vmem>> -> memref<1x1x125xi32, #tpu.memory_space<vmem>>
    %dma_start3A_41 = tpu.memref_squeeze %dma_start3A_40 : memref<1x1x125xi32, #tpu.memory_space<vmem>> -> memref<125xi32, #tpu.memory_space<vmem>>
    %dma_start3A_42 = arith.constant 0 : i32
    %dma_start3A_43 = arith.constant 0 : i32
    %dma_start3A_44 = tpu.memref_slice %arg2[%dma_start3A_42, %dma_start3A_43] : memref<20000x128xf32, #tpu.memory_space<hbm>> -> memref<20000x128xf32, #tpu.memory_space<hbm>>
    tpu.enqueue_indirect_dma source(%dma_start3A_44 : memref<20000x128xf32, #tpu.memory_space<hbm>>) target(%dma_start3A_38 : memref<125x128xf32, #tpu.memory_space<vmem>>) offsets(%dma_start3A_41 : memref<125xi32, #tpu.memory_space<vmem>>) semaphore(%arg11 : memref<!tpu.dma_semaphore, #tpu.memory_space<semaphore_mem>>)
    %scan3A = arith.constant 0 : i32
    %scan3A_45 = arith.constant 0 : i32
    %scan3A_46 = arith.constant 20 : i32
    %scan3A_47 = arith.addi %scan3A_45, %scan3A_46 : i32
    %scan3A_48 = arith.constant 1 : i32
    scf.for %scan3A_65 = %scan3A_45 to %scan3A_47 step %scan3A_48  : i32 {
      %rem3A = arith.constant 2 : i32
      %rem3A_66 = arith.remsi %scan3A_65, %rem3A : i32
      %add3A_67 = arith.constant 1 : i32
      %add3A_68 = arith.addi %scan3A_65, %add3A_67 : i32
      %rem3A_69 = arith.constant 2 : i32
      %rem3A_70 = arith.remsi %add3A_68, %rem3A_69 : i32
      %add3A_71 = arith.constant 1 : i32
      %add3A_72 = arith.addi %scan3A_65, %add3A_71 : i32
      %mul3A_73 = arith.constant 8 : i32
      %mul3A_74 = arith.muli %add3A_72, %mul3A_73 : i32
      %add3A_75 = arith.addi %mul3A_31, %mul3A_74 : i32
      %lt3A = arith.constant 19 : i32
      %lt3A_76 = arith.cmpi slt, %scan3A_65, %lt3A : i32
      %convert_element_type3A = arith.extui %lt3A_76 : i1 to i32
      %cond3A = arith.constant 0 : i32
      %cond3A_77 = arith.cmpi ne, %convert_element_type3A, %cond3A : i32
      scf.if %cond3A_77 {
        %dma_start3A_447 = arith.constant 0 : i32
        %dma_start3A_448 = arith.constant 0 : i32
        %dma_start3A_449 = tpu.memref_slice %arg7[%rem3A_70, %dma_start3A_447, %dma_start3A_448] : memref<2x8x125xi32, #tpu.memory_space<vmem>> -> memref<1x8x125xi32, #tpu.memory_space<vmem>>
        %dma_start3A_450 = tpu.memref_squeeze %dma_start3A_449 : memref<1x8x125xi32, #tpu.memory_space<vmem>> -> memref<8x125xi32, #tpu.memory_space<vmem>>
        %dma_start3A_451 = arith.constant 0 : i32
        %dma_start3A_452 = tpu.memref_slice %arg3[%arg0, %add3A_75, %dma_start3A_451] : memref<2x2560x125xi32, #tpu.memory_space<hbm>> -> memref<1x8x125xi32, #tpu.memory_space<hbm>>
        %dma_start3A_453 = tpu.memref_squeeze %dma_start3A_452 : memref<1x8x125xi32, #tpu.memory_space<hbm>> -> memref<8x125xi32, #tpu.memory_space<hbm>>
        %dma_start3A_454 = arith.constant 0 : i32
        %dma_start3A_455 = arith.constant 0 : i32
        %dma_start3A_456 = tpu.memref_slice %arg7[%rem3A_70, %dma_start3A_454, %dma_start3A_455] : memref<2x8x125xi32, #tpu.memory_space<vmem>> -> memref<1x8x125xi32, #tpu.memory_space<vmem>>
        %dma_start3A_457 = tpu.memref_squeeze %dma_start3A_456 : memref<1x8x125xi32, #tpu.memory_space<vmem>> -> memref<8x125xi32, #tpu.memory_space<vmem>>
        %dma_start3A_458 = arith.constant 0 : i32
        %dma_start3A_459 = tpu.memref_slice %arg3[%arg0, %add3A_75, %dma_start3A_458] : memref<2x2560x125xi32, #tpu.memory_space<hbm>> -> memref<1x8x125xi32, #tpu.memory_space<hbm>>
        %dma_start3A_460 = tpu.memref_squeeze %dma_start3A_459 : memref<1x8x125xi32, #tpu.memory_space<hbm>> -> memref<8x125xi32, #tpu.memory_space<hbm>>
        tpu.enqueue_dma source(%dma_start3A_460 : memref<8x125xi32, #tpu.memory_space<hbm>>) target(%dma_start3A_457 : memref<8x125xi32, #tpu.memory_space<vmem>>) target_semaphore(%arg10 : memref<!tpu.dma_semaphore, #tpu.memory_space<semaphore_mem>>)
        %dma_start3A_461 = arith.constant 0 : i32
        %dma_start3A_462 = arith.constant 0 : i32
        %dma_start3A_463 = tpu.memref_slice %arg8[%rem3A_70, %dma_start3A_461, %dma_start3A_462] : memref<2x8x125xi32, #tpu.memory_space<vmem>> -> memref<1x8x125xi32, #tpu.memory_space<vmem>>
        %dma_start3A_464 = tpu.memref_squeeze %dma_start3A_463 : memref<1x8x125xi32, #tpu.memory_space<vmem>> -> memref<8x125xi32, #tpu.memory_space<vmem>>
        %dma_start3A_465 = arith.constant 0 : i32
        %dma_start3A_466 = tpu.memref_slice %arg4[%add3A_75, %dma_start3A_465] : memref<2560x125xi32, #tpu.memory_space<hbm>> -> memref<8x125xi32, #tpu.memory_space<hbm>>
        %dma_start3A_467 = arith.constant 0 : i32
        %dma_start3A_468 = arith.constant 0 : i32
        %dma_start3A_469 = tpu.memref_slice %arg8[%rem3A_70, %dma_start3A_467, %dma_start3A_468] : memref<2x8x125xi32, #tpu.memory_space<vmem>> -> memref<1x8x125xi32, #tpu.memory_space<vmem>>
        %dma_start3A_470 = tpu.memref_squeeze %dma_start3A_469 : memref<1x8x125xi32, #tpu.memory_space<vmem>> -> memref<8x125xi32, #tpu.memory_space<vmem>>
        %dma_start3A_471 = arith.constant 0 : i32
        %dma_start3A_472 = tpu.memref_slice %arg4[%add3A_75, %dma_start3A_471] : memref<2560x125xi32, #tpu.memory_space<hbm>> -> memref<8x125xi32, #tpu.memory_space<hbm>>
        tpu.enqueue_dma source(%dma_start3A_472 : memref<8x125xi32, #tpu.memory_space<hbm>>) target(%dma_start3A_470 : memref<8x125xi32, #tpu.memory_space<vmem>>) target_semaphore(%arg10 : memref<!tpu.dma_semaphore, #tpu.memory_space<semaphore_mem>>)
      } else {
      }
      %gt3A = arith.constant 0 : i32
      %gt3A_78 = arith.cmpi sgt, %scan3A_65, %gt3A : i32
      %convert_element_type3A_79 = arith.extui %gt3A_78 : i1 to i32
      %cond3A_80 = arith.constant 0 : i32
      %cond3A_81 = arith.cmpi ne, %convert_element_type3A_79, %cond3A_80 : i32
      scf.if %cond3A_81 {
        %dma_wait3A_447 = arith.constant 1 : i32
        %dma_wait3A_448 = arith.constant 0 : i32
        %dma_wait3A_449 = arith.constant 0 : i32
        %dma_wait3A_450 = arith.constant 0 : i32
        %dma_wait3A_451 = tpu.memref_slice %arg9[%dma_wait3A_447, %dma_wait3A_449, %dma_wait3A_450] : memref<2x125x128xf32, #tpu.memory_space<vmem>> -> memref<1x125x128xf32, #tpu.memory_space<vmem>>
        %dma_wait3A_452 = tpu.memref_squeeze %dma_wait3A_451 : memref<1x125x128xf32, #tpu.memory_space<vmem>> -> memref<125x128xf32, #tpu.memory_space<vmem>>
        %dma_wait3A_453 = arith.constant 0 : i32
        %dma_wait3A_454 = tpu.memref_slice %arg8[%rem3A_66, %dma_wait3A_448, %dma_wait3A_453] : memref<2x8x125xi32, #tpu.memory_space<vmem>> -> memref<1x1x125xi32, #tpu.memory_space<vmem>>
        %dma_wait3A_455 = tpu.memref_squeeze %dma_wait3A_454 : memref<1x1x125xi32, #tpu.memory_space<vmem>> -> memref<125xi32, #tpu.memory_space<vmem>>
        %dma_wait3A_456 = arith.constant 0 : i32
        %dma_wait3A_457 = arith.constant 0 : i32
        %dma_wait3A_458 = tpu.memref_slice %arg14[%dma_wait3A_456, %dma_wait3A_457] : memref<10240x128xf32, #tpu.memory_space<vmem_shared>> -> memref<10240x128xf32, #tpu.memory_space<vmem_shared>>
        tpu.wait_indirect_dma semaphore(%arg13 : memref<!tpu.dma_semaphore, #tpu.memory_space<semaphore_mem>>) src(%dma_wait3A_452 : memref<125x128xf32, #tpu.memory_space<vmem>>) dst(%dma_wait3A_458 : memref<10240x128xf32, #tpu.memory_space<vmem_shared>>)
      } else {
      }
      %dma_start3A_82 = arith.constant 1 : i32
      %dma_start3A_83 = arith.constant 1 : i32
      %dma_start3A_84 = arith.constant 0 : i32
      %dma_start3A_85 = arith.constant 0 : i32
      %dma_start3A_86 = tpu.memref_slice %arg9[%dma_start3A_83, %dma_start3A_84, %dma_start3A_85] : memref<2x125x128xf32, #tpu.memory_space<vmem>> -> memref<1x125x128xf32, #tpu.memory_space<vmem>>
      %dma_start3A_87 = tpu.memref_squeeze %dma_start3A_86 : memref<1x125x128xf32, #tpu.memory_space<vmem>> -> memref<125x128xf32, #tpu.memory_space<vmem>>
      %dma_start3A_88 = arith.constant 0 : i32
      %dma_start3A_89 = tpu.memref_slice %arg7[%rem3A_66, %dma_start3A_82, %dma_start3A_88] : memref<2x8x125xi32, #tpu.memory_space<vmem>> -> memref<1x1x125xi32, #tpu.memory_space<vmem>>
      %dma_start3A_90 = tpu.memref_squeeze %dma_start3A_89 : memref<1x1x125xi32, #tpu.memory_space<vmem>> -> memref<125xi32, #tpu.memory_space<vmem>>
      %dma_start3A_91 = arith.constant 0 : i32
      %dma_start3A_92 = arith.constant 0 : i32
      %dma_start3A_93 = tpu.memref_slice %arg2[%dma_start3A_91, %dma_start3A_92] : memref<20000x128xf32, #tpu.memory_space<hbm>> -> memref<20000x128xf32, #tpu.memory_space<hbm>>
      tpu.enqueue_indirect_dma source(%dma_start3A_93 : memref<20000x128xf32, #tpu.memory_space<hbm>>) target(%dma_start3A_87 : memref<125x128xf32, #tpu.memory_space<vmem>>) offsets(%dma_start3A_90 : memref<125xi32, #tpu.memory_space<vmem>>) semaphore(%arg12 : memref<!tpu.dma_semaphore, #tpu.memory_space<semaphore_mem>>)
      %dma_wait3A_94 = arith.constant 0 : i32
      %dma_wait3A_95 = arith.constant 0 : i32
      %dma_wait3A_96 = arith.constant 0 : i32
      %dma_wait3A_97 = arith.constant 0 : i32
      %dma_wait3A_98 = tpu.memref_slice %arg9[%dma_wait3A_95, %dma_wait3A_96, %dma_wait3A_97] : memref<2x125x128xf32, #tpu.memory_space<vmem>> -> memref<1x125x128xf32, #tpu.memory_space<vmem>>
      %dma_wait3A_99 = tpu.memref_squeeze %dma_wait3A_98 : memref<1x125x128xf32, #tpu.memory_space<vmem>> -> memref<125x128xf32, #tpu.memory_space<vmem>>
      %dma_wait3A_100 = arith.constant 0 : i32
      %dma_wait3A_101 = tpu.memref_slice %arg7[%rem3A_66, %dma_wait3A_94, %dma_wait3A_100] : memref<2x8x125xi32, #tpu.memory_space<vmem>> -> memref<1x1x125xi32, #tpu.memory_space<vmem>>
      %dma_wait3A_102 = tpu.memref_squeeze %dma_wait3A_101 : memref<1x1x125xi32, #tpu.memory_space<vmem>> -> memref<125xi32, #tpu.memory_space<vmem>>
      %dma_wait3A_103 = arith.constant 0 : i32
      %dma_wait3A_104 = arith.constant 0 : i32
      %dma_wait3A_105 = tpu.memref_slice %arg2[%dma_wait3A_103, %dma_wait3A_104] : memref<20000x128xf32, #tpu.memory_space<hbm>> -> memref<20000x128xf32, #tpu.memory_space<hbm>>
      tpu.wait_indirect_dma semaphore(%arg11 : memref<!tpu.dma_semaphore, #tpu.memory_space<semaphore_mem>>) src(%dma_wait3A_105 : memref<20000x128xf32, #tpu.memory_space<hbm>>) dst(%dma_wait3A_99 : memref<125x128xf32, #tpu.memory_space<vmem>>)
      %dma_start3A_106 = arith.constant 0 : i32
      %dma_start3A_107 = arith.constant 0 : i32
      %dma_start3A_108 = arith.constant 0 : i32
      %dma_start3A_109 = arith.constant 0 : i32
      %dma_start3A_110 = tpu.memref_slice %arg9[%dma_start3A_106, %dma_start3A_108, %dma_start3A_109] : memref<2x125x128xf32, #tpu.memory_space<vmem>> -> memref<1x125x128xf32, #tpu.memory_space<vmem>>
      %dma_start3A_111 = tpu.memref_squeeze %dma_start3A_110 : memref<1x125x128xf32, #tpu.memory_space<vmem>> -> memref<125x128xf32, #tpu.memory_space<vmem>>
      %dma_start3A_112 = arith.constant 0 : i32
      %dma_start3A_113 = tpu.memref_slice %arg8[%rem3A_66, %dma_start3A_107, %dma_start3A_112] : memref<2x8x125xi32, #tpu.memory_space<vmem>> -> memref<1x1x125xi32, #tpu.memory_space<vmem>>
      %dma_start3A_114 = tpu.memref_squeeze %dma_start3A_113 : memref<1x1x125xi32, #tpu.memory_space<vmem>> -> memref<125xi32, #tpu.memory_space<vmem>>
      %dma_start3A_115 = arith.constant 0 : i32
      %dma_start3A_116 = arith.constant 0 : i32
      %dma_start3A_117 = tpu.memref_slice %arg14[%dma_start3A_115, %dma_start3A_116] : memref<10240x128xf32, #tpu.memory_space<vmem_shared>> -> memref<10240x128xf32, #tpu.memory_space<vmem_shared>>
      tpu.enqueue_indirect_dma source(%dma_start3A_111 : memref<125x128xf32, #tpu.memory_space<vmem>>) target(%dma_start3A_117 : memref<10240x128xf32, #tpu.memory_space<vmem_shared>>) offsets(%dma_start3A_114 : memref<125xi32, #tpu.memory_space<vmem>>) semaphore(%arg13 : memref<!tpu.dma_semaphore, #tpu.memory_space<semaphore_mem>>) {add = true}
      %dma_wait3A_118 = arith.constant 0 : i32
      %dma_wait3A_119 = arith.constant 1 : i32
      %dma_wait3A_120 = arith.constant 0 : i32
      %dma_wait3A_121 = arith.constant 0 : i32
      %dma_wait3A_122 = tpu.memref_slice %arg9[%dma_wait3A_118, %dma_wait3A_120, %dma_wait3A_121] : memref<2x125x128xf32, #tpu.memory_space<vmem>> -> memref<1x125x128xf32, #tpu.memory_space<vmem>>
      %dma_wait3A_123 = tpu.memref_squeeze %dma_wait3A_122 : memref<1x125x128xf32, #tpu.memory_space<vmem>> -> memref<125x128xf32, #tpu.memory_space<vmem>>
      %dma_wait3A_124 = arith.constant 0 : i32
      %dma_wait3A_125 = tpu.memref_slice %arg8[%rem3A_66, %dma_wait3A_119, %dma_wait3A_124] : memref<2x8x125xi32, #tpu.memory_space<vmem>> -> memref<1x1x125xi32, #tpu.memory_space<vmem>>
      %dma_wait3A_126 = tpu.memref_squeeze %dma_wait3A_125 : memref<1x1x125xi32, #tpu.memory_space<vmem>> -> memref<125xi32, #tpu.memory_space<vmem>>
      %dma_wait3A_127 = arith.constant 0 : i32
      %dma_wait3A_128 = arith.constant 0 : i32
      %dma_wait3A_129 = tpu.memref_slice %arg14[%dma_wait3A_127, %dma_wait3A_128] : memref<10240x128xf32, #tpu.memory_space<vmem_shared>> -> memref<10240x128xf32, #tpu.memory_space<vmem_shared>>
      tpu.wait_indirect_dma semaphore(%arg13 : memref<!tpu.dma_semaphore, #tpu.memory_space<semaphore_mem>>) src(%dma_wait3A_123 : memref<125x128xf32, #tpu.memory_space<vmem>>) dst(%dma_wait3A_129 : memref<10240x128xf32, #tpu.memory_space<vmem_shared>>)
      %dma_start3A_130 = arith.constant 2 : i32
      %dma_start3A_131 = arith.constant 0 : i32
      %dma_start3A_132 = arith.constant 0 : i32
      %dma_start3A_133 = arith.constant 0 : i32
      %dma_start3A_134 = tpu.memref_slice %arg9[%dma_start3A_131, %dma_start3A_132, %dma_start3A_133] : memref<2x125x128xf32, #tpu.memory_space<vmem>> -> memref<1x125x128xf32, #tpu.memory_space<vmem>>
      %dma_start3A_135 = tpu.memref_squeeze %dma_start3A_134 : memref<1x125x128xf32, #tpu.memory_space<vmem>> -> memref<125x128xf32, #tpu.memory_space<vmem>>
      %dma_start3A_136 = arith.constant 0 : i32
      %dma_start3A_137 = tpu.memref_slice %arg7[%rem3A_66, %dma_start3A_130, %dma_start3A_136] : memref<2x8x125xi32, #tpu.memory_space<vmem>> -> memref<1x1x125xi32, #tpu.memory_space<vmem>>
      %dma_start3A_138 = tpu.memref_squeeze %dma_start3A_137 : memref<1x1x125xi32, #tpu.memory_space<vmem>> -> memref<125xi32, #tpu.memory_space<vmem>>
      %dma_start3A_139 = arith.constant 0 : i32
      %dma_start3A_140 = arith.constant 0 : i32
      %dma_start3A_141 = tpu.memref_slice %arg2[%dma_start3A_139, %dma_start3A_140] : memref<20000x128xf32, #tpu.memory_space<hbm>> -> memref<20000x128xf32, #tpu.memory_space<hbm>>
      tpu.enqueue_indirect_dma source(%dma_start3A_141 : memref<20000x128xf32, #tpu.memory_space<hbm>>) target(%dma_start3A_135 : memref<125x128xf32, #tpu.memory_space<vmem>>) offsets(%dma_start3A_138 : memref<125xi32, #tpu.memory_space<vmem>>) semaphore(%arg11 : memref<!tpu.dma_semaphore, #tpu.memory_space<semaphore_mem>>)
      %dma_wait3A_142 = arith.constant 1 : i32
      %dma_wait3A_143 = arith.constant 1 : i32
      %dma_wait3A_144 = arith.constant 0 : i32
      %dma_wait3A_145 = arith.constant 0 : i32
      %dma_wait3A_146 = tpu.memref_slice %arg9[%dma_wait3A_143, %dma_wait3A_144, %dma_wait3A_145] : memref<2x125x128xf32, #tpu.memory_space<vmem>> -> memref<1x125x128xf32, #tpu.memory_space<vmem>>
      %dma_wait3A_147 = tpu.memref_squeeze %dma_wait3A_146 : memref<1x125x128xf32, #tpu.memory_space<vmem>> -> memref<125x128xf32, #tpu.memory_space<vmem>>
      %dma_wait3A_148 = arith.constant 0 : i32
      %dma_wait3A_149 = tpu.memref_slice %arg7[%rem3A_66, %dma_wait3A_142, %dma_wait3A_148] : memref<2x8x125xi32, #tpu.memory_space<vmem>> -> memref<1x1x125xi32, #tpu.memory_space<vmem>>
      %dma_wait3A_150 = tpu.memref_squeeze %dma_wait3A_149 : memref<1x1x125xi32, #tpu.memory_space<vmem>> -> memref<125xi32, #tpu.memory_space<vmem>>
      %dma_wait3A_151 = arith.constant 0 : i32
      %dma_wait3A_152 = arith.constant 0 : i32
      %dma_wait3A_153 = tpu.memref_slice %arg2[%dma_wait3A_151, %dma_wait3A_152] : memref<20000x128xf32, #tpu.memory_space<hbm>> -> memref<20000x128xf32, #tpu.memory_space<hbm>>
      tpu.wait_indirect_dma semaphore(%arg12 : memref<!tpu.dma_semaphore, #tpu.memory_space<semaphore_mem>>) src(%dma_wait3A_153 : memref<20000x128xf32, #tpu.memory_space<hbm>>) dst(%dma_wait3A_147 : memref<125x128xf32, #tpu.memory_space<vmem>>)
      %dma_start3A_154 = arith.constant 1 : i32
      %dma_start3A_155 = arith.constant 1 : i32
      %dma_start3A_156 = arith.constant 0 : i32
      %dma_start3A_157 = arith.constant 0 : i32
      %dma_start3A_158 = tpu.memref_slice %arg9[%dma_start3A_154, %dma_start3A_156, %dma_start3A_157] : memref<2x125x128xf32, #tpu.memory_space<vmem>> -> memref<1x125x128xf32, #tpu.memory_space<vmem>>
      %dma_start3A_159 = tpu.memref_squeeze %dma_start3A_158 : memref<1x125x128xf32, #tpu.memory_space<vmem>> -> memref<125x128xf32, #tpu.memory_space<vmem>>
      %dma_start3A_160 = arith.constant 0 : i32
      %dma_start3A_161 = tpu.memref_slice %arg8[%rem3A_66, %dma_start3A_155, %dma_start3A_160] : memref<2x8x125xi32, #tpu.memory_space<vmem>> -> memref<1x1x125xi32, #tpu.memory_space<vmem>>
      %dma_start3A_162 = tpu.memref_squeeze %dma_start3A_161 : memref<1x1x125xi32, #tpu.memory_space<vmem>> -> memref<125xi32, #tpu.memory_space<vmem>>
      %dma_start3A_163 = arith.constant 0 : i32
      %dma_start3A_164 = arith.constant 0 : i32
      %dma_start3A_165 = tpu.memref_slice %arg14[%dma_start3A_163, %dma_start3A_164] : memref<10240x128xf32, #tpu.memory_space<vmem_shared>> -> memref<10240x128xf32, #tpu.memory_space<vmem_shared>>
      tpu.enqueue_indirect_dma source(%dma_start3A_159 : memref<125x128xf32, #tpu.memory_space<vmem>>) target(%dma_start3A_165 : memref<10240x128xf32, #tpu.memory_space<vmem_shared>>) offsets(%dma_start3A_162 : memref<125xi32, #tpu.memory_space<vmem>>) semaphore(%arg13 : memref<!tpu.dma_semaphore, #tpu.memory_space<semaphore_mem>>) {add = true}
      %dma_wait3A_166 = arith.constant 1 : i32
      %dma_wait3A_167 = arith.constant 2 : i32
      %dma_wait3A_168 = arith.constant 0 : i32
      %dma_wait3A_169 = arith.constant 0 : i32
      %dma_wait3A_170 = tpu.memref_slice %arg9[%dma_wait3A_166, %dma_wait3A_168, %dma_wait3A_169] : memref<2x125x128xf32, #tpu.memory_space<vmem>> -> memref<1x125x128xf32, #tpu.memory_space<vmem>>
      %dma_wait3A_171 = tpu.memref_squeeze %dma_wait3A_170 : memref<1x125x128xf32, #tpu.memory_space<vmem>> -> memref<125x128xf32, #tpu.memory_space<vmem>>
      %dma_wait3A_172 = arith.constant 0 : i32
      %dma_wait3A_173 = tpu.memref_slice %arg8[%rem3A_66, %dma_wait3A_167, %dma_wait3A_172] : memref<2x8x125xi32, #tpu.memory_space<vmem>> -> memref<1x1x125xi32, #tpu.memory_space<vmem>>
      %dma_wait3A_174 = tpu.memref_squeeze %dma_wait3A_173 : memref<1x1x125xi32, #tpu.memory_space<vmem>> -> memref<125xi32, #tpu.memory_space<vmem>>
      %dma_wait3A_175 = arith.constant 0 : i32
      %dma_wait3A_176 = arith.constant 0 : i32
      %dma_wait3A_177 = tpu.memref_slice %arg14[%dma_wait3A_175, %dma_wait3A_176] : memref<10240x128xf32, #tpu.memory_space<vmem_shared>> -> memref<10240x128xf32, #tpu.memory_space<vmem_shared>>
      tpu.wait_indirect_dma semaphore(%arg13 : memref<!tpu.dma_semaphore, #tpu.memory_space<semaphore_mem>>) src(%dma_wait3A_171 : memref<125x128xf32, #tpu.memory_space<vmem>>) dst(%dma_wait3A_177 : memref<10240x128xf32, #tpu.memory_space<vmem_shared>>)
      %dma_start3A_178 = arith.constant 3 : i32
      %dma_start3A_179 = arith.constant 1 : i32
      %dma_start3A_180 = arith.constant 0 : i32
      %dma_start3A_181 = arith.constant 0 : i32
      %dma_start3A_182 = tpu.memref_slice %arg9[%dma_start3A_179, %dma_start3A_180, %dma_start3A_181] : memref<2x125x128xf32, #tpu.memory_space<vmem>> -> memref<1x125x128xf32, #tpu.memory_space<vmem>>
      %dma_start3A_183 = tpu.memref_squeeze %dma_start3A_182 : memref<1x125x128xf32, #tpu.memory_space<vmem>> -> memref<125x128xf32, #tpu.memory_space<vmem>>
      %dma_start3A_184 = arith.constant 0 : i32
      %dma_start3A_185 = tpu.memref_slice %arg7[%rem3A_66, %dma_start3A_178, %dma_start3A_184] : memref<2x8x125xi32, #tpu.memory_space<vmem>> -> memref<1x1x125xi32, #tpu.memory_space<vmem>>
      %dma_start3A_186 = tpu.memref_squeeze %dma_start3A_185 : memref<1x1x125xi32, #tpu.memory_space<vmem>> -> memref<125xi32, #tpu.memory_space<vmem>>
      %dma_start3A_187 = arith.constant 0 : i32
      %dma_start3A_188 = arith.constant 0 : i32
      %dma_start3A_189 = tpu.memref_slice %arg2[%dma_start3A_187, %dma_start3A_188] : memref<20000x128xf32, #tpu.memory_space<hbm>> -> memref<20000x128xf32, #tpu.memory_space<hbm>>
      tpu.enqueue_indirect_dma source(%dma_start3A_189 : memref<20000x128xf32, #tpu.memory_space<hbm>>) target(%dma_start3A_183 : memref<125x128xf32, #tpu.memory_space<vmem>>) offsets(%dma_start3A_186 : memref<125xi32, #tpu.memory_space<vmem>>) semaphore(%arg12 : memref<!tpu.dma_semaphore, #tpu.memory_space<semaphore_mem>>)
      %dma_wait3A_190 = arith.constant 2 : i32
      %dma_wait3A_191 = arith.constant 0 : i32
      %dma_wait3A_192 = arith.constant 0 : i32
      %dma_wait3A_193 = arith.constant 0 : i32
      %dma_wait3A_194 = tpu.memref_slice %arg9[%dma_wait3A_191, %dma_wait3A_192, %dma_wait3A_193] : memref<2x125x128xf32, #tpu.memory_space<vmem>> -> memref<1x125x128xf32, #tpu.memory_space<vmem>>
      %dma_wait3A_195 = tpu.memref_squeeze %dma_wait3A_194 : memref<1x125x128xf32, #tpu.memory_space<vmem>> -> memref<125x128xf32, #tpu.memory_space<vmem>>
      %dma_wait3A_196 = arith.constant 0 : i32
      %dma_wait3A_197 = tpu.memref_slice %arg7[%rem3A_66, %dma_wait3A_190, %dma_wait3A_196] : memref<2x8x125xi32, #tpu.memory_space<vmem>> -> memref<1x1x125xi32, #tpu.memory_space<vmem>>
      %dma_wait3A_198 = tpu.memref_squeeze %dma_wait3A_197 : memref<1x1x125xi32, #tpu.memory_space<vmem>> -> memref<125xi32, #tpu.memory_space<vmem>>
      %dma_wait3A_199 = arith.constant 0 : i32
      %dma_wait3A_200 = arith.constant 0 : i32
      %dma_wait3A_201 = tpu.memref_slice %arg2[%dma_wait3A_199, %dma_wait3A_200] : memref<20000x128xf32, #tpu.memory_space<hbm>> -> memref<20000x128xf32, #tpu.memory_space<hbm>>
      tpu.wait_indirect_dma semaphore(%arg11 : memref<!tpu.dma_semaphore, #tpu.memory_space<semaphore_mem>>) src(%dma_wait3A_201 : memref<20000x128xf32, #tpu.memory_space<hbm>>) dst(%dma_wait3A_195 : memref<125x128xf32, #tpu.memory_space<vmem>>)
      %dma_start3A_202 = arith.constant 0 : i32
      %dma_start3A_203 = arith.constant 2 : i32
      %dma_start3A_204 = arith.constant 0 : i32
      %dma_start3A_205 = arith.constant 0 : i32
      %dma_start3A_206 = tpu.memref_slice %arg9[%dma_start3A_202, %dma_start3A_204, %dma_start3A_205] : memref<2x125x128xf32, #tpu.memory_space<vmem>> -> memref<1x125x128xf32, #tpu.memory_space<vmem>>
      %dma_start3A_207 = tpu.memref_squeeze %dma_start3A_206 : memref<1x125x128xf32, #tpu.memory_space<vmem>> -> memref<125x128xf32, #tpu.memory_space<vmem>>
      %dma_start3A_208 = arith.constant 0 : i32
      %dma_start3A_209 = tpu.memref_slice %arg8[%rem3A_66, %dma_start3A_203, %dma_start3A_208] : memref<2x8x125xi32, #tpu.memory_space<vmem>> -> memref<1x1x125xi32, #tpu.memory_space<vmem>>
      %dma_start3A_210 = tpu.memref_squeeze %dma_start3A_209 : memref<1x1x125xi32, #tpu.memory_space<vmem>> -> memref<125xi32, #tpu.memory_space<vmem>>
      %dma_start3A_211 = arith.constant 0 : i32
      %dma_start3A_212 = arith.constant 0 : i32
      %dma_start3A_213 = tpu.memref_slice %arg14[%dma_start3A_211, %dma_start3A_212] : memref<10240x128xf32, #tpu.memory_space<vmem_shared>> -> memref<10240x128xf32, #tpu.memory_space<vmem_shared>>
      tpu.enqueue_indirect_dma source(%dma_start3A_207 : memref<125x128xf32, #tpu.memory_space<vmem>>) target(%dma_start3A_213 : memref<10240x128xf32, #tpu.memory_space<vmem_shared>>) offsets(%dma_start3A_210 : memref<125xi32, #tpu.memory_space<vmem>>) semaphore(%arg13 : memref<!tpu.dma_semaphore, #tpu.memory_space<semaphore_mem>>) {add = true}
      %dma_wait3A_214 = arith.constant 0 : i32
      %dma_wait3A_215 = arith.constant 3 : i32
      %dma_wait3A_216 = arith.constant 0 : i32
      %dma_wait3A_217 = arith.constant 0 : i32
      %dma_wait3A_218 = tpu.memref_slice %arg9[%dma_wait3A_214, %dma_wait3A_216, %dma_wait3A_217] : memref<2x125x128xf32, #tpu.memory_space<vmem>> -> memref<1x125x128xf32, #tpu.memory_space<vmem>>
      %dma_wait3A_219 = tpu.memref_squeeze %dma_wait3A_218 : memref<1x125x128xf32, #tpu.memory_space<vmem>> -> memref<125x128xf32, #tpu.memory_space<vmem>>
      %dma_wait3A_220 = arith.constant 0 : i32
      %dma_wait3A_221 = tpu.memref_slice %arg8[%rem3A_66, %dma_wait3A_215, %dma_wait3A_220] : memref<2x8x125xi32, #tpu.memory_space<vmem>> -> memref<1x1x125xi32, #tpu.memory_space<vmem>>
      %dma_wait3A_222 = tpu.memref_squeeze %dma_wait3A_221 : memref<1x1x125xi32, #tpu.memory_space<vmem>> -> memref<125xi32, #tpu.memory_space<vmem>>
      %dma_wait3A_223 = arith.constant 0 : i32
      %dma_wait3A_224 = arith.constant 0 : i32
      %dma_wait3A_225 = tpu.memref_slice %arg14[%dma_wait3A_223, %dma_wait3A_224] : memref<10240x128xf32, #tpu.memory_space<vmem_shared>> -> memref<10240x128xf32, #tpu.memory_space<vmem_shared>>
      tpu.wait_indirect_dma semaphore(%arg13 : memref<!tpu.dma_semaphore, #tpu.memory_space<semaphore_mem>>) src(%dma_wait3A_219 : memref<125x128xf32, #tpu.memory_space<vmem>>) dst(%dma_wait3A_225 : memref<10240x128xf32, #tpu.memory_space<vmem_shared>>)
      %dma_start3A_226 = arith.constant 4 : i32
      %dma_start3A_227 = arith.constant 0 : i32
      %dma_start3A_228 = arith.constant 0 : i32
      %dma_start3A_229 = arith.constant 0 : i32
      %dma_start3A_230 = tpu.memref_slice %arg9[%dma_start3A_227, %dma_start3A_228, %dma_start3A_229] : memref<2x125x128xf32, #tpu.memory_space<vmem>> -> memref<1x125x128xf32, #tpu.memory_space<vmem>>
      %dma_start3A_231 = tpu.memref_squeeze %dma_start3A_230 : memref<1x125x128xf32, #tpu.memory_space<vmem>> -> memref<125x128xf32, #tpu.memory_space<vmem>>
      %dma_start3A_232 = arith.constant 0 : i32
      %dma_start3A_233 = tpu.memref_slice %arg7[%rem3A_66, %dma_start3A_226, %dma_start3A_232] : memref<2x8x125xi32, #tpu.memory_space<vmem>> -> memref<1x1x125xi32, #tpu.memory_space<vmem>>
      %dma_start3A_234 = tpu.memref_squeeze %dma_start3A_233 : memref<1x1x125xi32, #tpu.memory_space<vmem>> -> memref<125xi32, #tpu.memory_space<vmem>>
      %dma_start3A_235 = arith.constant 0 : i32
      %dma_start3A_236 = arith.constant 0 : i32
      %dma_start3A_237 = tpu.memref_slice %arg2[%dma_start3A_235, %dma_start3A_236] : memref<20000x128xf32, #tpu.memory_space<hbm>> -> memref<20000x128xf32, #tpu.memory_space<hbm>>
      tpu.enqueue_indirect_dma source(%dma_start3A_237 : memref<20000x128xf32, #tpu.memory_space<hbm>>) target(%dma_start3A_231 : memref<125x128xf32, #tpu.memory_space<vmem>>) offsets(%dma_start3A_234 : memref<125xi32, #tpu.memory_space<vmem>>) semaphore(%arg11 : memref<!tpu.dma_semaphore, #tpu.memory_space<semaphore_mem>>)
      %dma_wait3A_238 = arith.constant 3 : i32
      %dma_wait3A_239 = arith.constant 1 : i32
      %dma_wait3A_240 = arith.constant 0 : i32
      %dma_wait3A_241 = arith.constant 0 : i32
      %dma_wait3A_242 = tpu.memref_slice %arg9[%dma_wait3A_239, %dma_wait3A_240, %dma_wait3A_241] : memref<2x125x128xf32, #tpu.memory_space<vmem>> -> memref<1x125x128xf32, #tpu.memory_space<vmem>>
      %dma_wait3A_243 = tpu.memref_squeeze %dma_wait3A_242 : memref<1x125x128xf32, #tpu.memory_space<vmem>> -> memref<125x128xf32, #tpu.memory_space<vmem>>
      %dma_wait3A_244 = arith.constant 0 : i32
      %dma_wait3A_245 = tpu.memref_slice %arg7[%rem3A_66, %dma_wait3A_238, %dma_wait3A_244] : memref<2x8x125xi32, #tpu.memory_space<vmem>> -> memref<1x1x125xi32, #tpu.memory_space<vmem>>
      %dma_wait3A_246 = tpu.memref_squeeze %dma_wait3A_245 : memref<1x1x125xi32, #tpu.memory_space<vmem>> -> memref<125xi32, #tpu.memory_space<vmem>>
      %dma_wait3A_247 = arith.constant 0 : i32
      %dma_wait3A_248 = arith.constant 0 : i32
      %dma_wait3A_249 = tpu.memref_slice %arg2[%dma_wait3A_247, %dma_wait3A_248] : memref<20000x128xf32, #tpu.memory_space<hbm>> -> memref<20000x128xf32, #tpu.memory_space<hbm>>
      tpu.wait_indirect_dma semaphore(%arg12 : memref<!tpu.dma_semaphore, #tpu.memory_space<semaphore_mem>>) src(%dma_wait3A_249 : memref<20000x128xf32, #tpu.memory_space<hbm>>) dst(%dma_wait3A_243 : memref<125x128xf32, #tpu.memory_space<vmem>>)
      %dma_start3A_250 = arith.constant 1 : i32
      %dma_start3A_251 = arith.constant 3 : i32
      %dma_start3A_252 = arith.constant 0 : i32
      %dma_start3A_253 = arith.constant 0 : i32
      %dma_start3A_254 = tpu.memref_slice %arg9[%dma_start3A_250, %dma_start3A_252, %dma_start3A_253] : memref<2x125x128xf32, #tpu.memory_space<vmem>> -> memref<1x125x128xf32, #tpu.memory_space<vmem>>
      %dma_start3A_255 = tpu.memref_squeeze %dma_start3A_254 : memref<1x125x128xf32, #tpu.memory_space<vmem>> -> memref<125x128xf32, #tpu.memory_space<vmem>>
      %dma_start3A_256 = arith.constant 0 : i32
      %dma_start3A_257 = tpu.memref_slice %arg8[%rem3A_66, %dma_start3A_251, %dma_start3A_256] : memref<2x8x125xi32, #tpu.memory_space<vmem>> -> memref<1x1x125xi32, #tpu.memory_space<vmem>>
      %dma_start3A_258 = tpu.memref_squeeze %dma_start3A_257 : memref<1x1x125xi32, #tpu.memory_space<vmem>> -> memref<125xi32, #tpu.memory_space<vmem>>
      %dma_start3A_259 = arith.constant 0 : i32
      %dma_start3A_260 = arith.constant 0 : i32
      %dma_start3A_261 = tpu.memref_slice %arg14[%dma_start3A_259, %dma_start3A_260] : memref<10240x128xf32, #tpu.memory_space<vmem_shared>> -> memref<10240x128xf32, #tpu.memory_space<vmem_shared>>
      tpu.enqueue_indirect_dma source(%dma_start3A_255 : memref<125x128xf32, #tpu.memory_space<vmem>>) target(%dma_start3A_261 : memref<10240x128xf32, #tpu.memory_space<vmem_shared>>) offsets(%dma_start3A_258 : memref<125xi32, #tpu.memory_space<vmem>>) semaphore(%arg13 : memref<!tpu.dma_semaphore, #tpu.memory_space<semaphore_mem>>) {add = true}
      %dma_wait3A_262 = arith.constant 1 : i32
      %dma_wait3A_263 = arith.constant 4 : i32
      %dma_wait3A_264 = arith.constant 0 : i32
      %dma_wait3A_265 = arith.constant 0 : i32
      %dma_wait3A_266 = tpu.memref_slice %arg9[%dma_wait3A_262, %dma_wait3A_264, %dma_wait3A_265] : memref<2x125x128xf32, #tpu.memory_space<vmem>> -> memref<1x125x128xf32, #tpu.memory_space<vmem>>
      %dma_wait3A_267 = tpu.memref_squeeze %dma_wait3A_266 : memref<1x125x128xf32, #tpu.memory_space<vmem>> -> memref<125x128xf32, #tpu.memory_space<vmem>>
      %dma_wait3A_268 = arith.constant 0 : i32
      %dma_wait3A_269 = tpu.memref_slice %arg8[%rem3A_66, %dma_wait3A_263, %dma_wait3A_268] : memref<2x8x125xi32, #tpu.memory_space<vmem>> -> memref<1x1x125xi32, #tpu.memory_space<vmem>>
      %dma_wait3A_270 = tpu.memref_squeeze %dma_wait3A_269 : memref<1x1x125xi32, #tpu.memory_space<vmem>> -> memref<125xi32, #tpu.memory_space<vmem>>
      %dma_wait3A_271 = arith.constant 0 : i32
      %dma_wait3A_272 = arith.constant 0 : i32
      %dma_wait3A_273 = tpu.memref_slice %arg14[%dma_wait3A_271, %dma_wait3A_272] : memref<10240x128xf32, #tpu.memory_space<vmem_shared>> -> memref<10240x128xf32, #tpu.memory_space<vmem_shared>>
      tpu.wait_indirect_dma semaphore(%arg13 : memref<!tpu.dma_semaphore, #tpu.memory_space<semaphore_mem>>) src(%dma_wait3A_267 : memref<125x128xf32, #tpu.memory_space<vmem>>) dst(%dma_wait3A_273 : memref<10240x128xf32, #tpu.memory_space<vmem_shared>>)
      %dma_start3A_274 = arith.constant 5 : i32
      %dma_start3A_275 = arith.constant 1 : i32
      %dma_start3A_276 = arith.constant 0 : i32
      %dma_start3A_277 = arith.constant 0 : i32
      %dma_start3A_278 = tpu.memref_slice %arg9[%dma_start3A_275, %dma_start3A_276, %dma_start3A_277] : memref<2x125x128xf32, #tpu.memory_space<vmem>> -> memref<1x125x128xf32, #tpu.memory_space<vmem>>
      %dma_start3A_279 = tpu.memref_squeeze %dma_start3A_278 : memref<1x125x128xf32, #tpu.memory_space<vmem>> -> memref<125x128xf32, #tpu.memory_space<vmem>>
      %dma_start3A_280 = arith.constant 0 : i32
      %dma_start3A_281 = tpu.memref_slice %arg7[%rem3A_66, %dma_start3A_274, %dma_start3A_280] : memref<2x8x125xi32, #tpu.memory_space<vmem>> -> memref<1x1x125xi32, #tpu.memory_space<vmem>>
      %dma_start3A_282 = tpu.memref_squeeze %dma_start3A_281 : memref<1x1x125xi32, #tpu.memory_space<vmem>> -> memref<125xi32, #tpu.memory_space<vmem>>
      %dma_start3A_283 = arith.constant 0 : i32
      %dma_start3A_284 = arith.constant 0 : i32
      %dma_start3A_285 = tpu.memref_slice %arg2[%dma_start3A_283, %dma_start3A_284] : memref<20000x128xf32, #tpu.memory_space<hbm>> -> memref<20000x128xf32, #tpu.memory_space<hbm>>
      tpu.enqueue_indirect_dma source(%dma_start3A_285 : memref<20000x128xf32, #tpu.memory_space<hbm>>) target(%dma_start3A_279 : memref<125x128xf32, #tpu.memory_space<vmem>>) offsets(%dma_start3A_282 : memref<125xi32, #tpu.memory_space<vmem>>) semaphore(%arg12 : memref<!tpu.dma_semaphore, #tpu.memory_space<semaphore_mem>>)
      %dma_wait3A_286 = arith.constant 4 : i32
      %dma_wait3A_287 = arith.constant 0 : i32
      %dma_wait3A_288 = arith.constant 0 : i32
      %dma_wait3A_289 = arith.constant 0 : i32
      %dma_wait3A_290 = tpu.memref_slice %arg9[%dma_wait3A_287, %dma_wait3A_288, %dma_wait3A_289] : memref<2x125x128xf32, #tpu.memory_space<vmem>> -> memref<1x125x128xf32, #tpu.memory_space<vmem>>
      %dma_wait3A_291 = tpu.memref_squeeze %dma_wait3A_290 : memref<1x125x128xf32, #tpu.memory_space<vmem>> -> memref<125x128xf32, #tpu.memory_space<vmem>>
      %dma_wait3A_292 = arith.constant 0 : i32
      %dma_wait3A_293 = tpu.memref_slice %arg7[%rem3A_66, %dma_wait3A_286, %dma_wait3A_292] : memref<2x8x125xi32, #tpu.memory_space<vmem>> -> memref<1x1x125xi32, #tpu.memory_space<vmem>>
      %dma_wait3A_294 = tpu.memref_squeeze %dma_wait3A_293 : memref<1x1x125xi32, #tpu.memory_space<vmem>> -> memref<125xi32, #tpu.memory_space<vmem>>
      %dma_wait3A_295 = arith.constant 0 : i32
      %dma_wait3A_296 = arith.constant 0 : i32
      %dma_wait3A_297 = tpu.memref_slice %arg2[%dma_wait3A_295, %dma_wait3A_296] : memref<20000x128xf32, #tpu.memory_space<hbm>> -> memref<20000x128xf32, #tpu.memory_space<hbm>>
      tpu.wait_indirect_dma semaphore(%arg11 : memref<!tpu.dma_semaphore, #tpu.memory_space<semaphore_mem>>) src(%dma_wait3A_297 : memref<20000x128xf32, #tpu.memory_space<hbm>>) dst(%dma_wait3A_291 : memref<125x128xf32, #tpu.memory_space<vmem>>)
      %dma_start3A_298 = arith.constant 0 : i32
      %dma_start3A_299 = arith.constant 4 : i32
      %dma_start3A_300 = arith.constant 0 : i32
      %dma_start3A_301 = arith.constant 0 : i32
      %dma_start3A_302 = tpu.memref_slice %arg9[%dma_start3A_298, %dma_start3A_300, %dma_start3A_301] : memref<2x125x128xf32, #tpu.memory_space<vmem>> -> memref<1x125x128xf32, #tpu.memory_space<vmem>>
      %dma_start3A_303 = tpu.memref_squeeze %dma_start3A_302 : memref<1x125x128xf32, #tpu.memory_space<vmem>> -> memref<125x128xf32, #tpu.memory_space<vmem>>
      %dma_start3A_304 = arith.constant 0 : i32
      %dma_start3A_305 = tpu.memref_slice %arg8[%rem3A_66, %dma_start3A_299, %dma_start3A_304] : memref<2x8x125xi32, #tpu.memory_space<vmem>> -> memref<1x1x125xi32, #tpu.memory_space<vmem>>
      %dma_start3A_306 = tpu.memref_squeeze %dma_start3A_305 : memref<1x1x125xi32, #tpu.memory_space<vmem>> -> memref<125xi32, #tpu.memory_space<vmem>>
      %dma_start3A_307 = arith.constant 0 : i32
      %dma_start3A_308 = arith.constant 0 : i32
      %dma_start3A_309 = tpu.memref_slice %arg14[%dma_start3A_307, %dma_start3A_308] : memref<10240x128xf32, #tpu.memory_space<vmem_shared>> -> memref<10240x128xf32, #tpu.memory_space<vmem_shared>>
      tpu.enqueue_indirect_dma source(%dma_start3A_303 : memref<125x128xf32, #tpu.memory_space<vmem>>) target(%dma_start3A_309 : memref<10240x128xf32, #tpu.memory_space<vmem_shared>>) offsets(%dma_start3A_306 : memref<125xi32, #tpu.memory_space<vmem>>) semaphore(%arg13 : memref<!tpu.dma_semaphore, #tpu.memory_space<semaphore_mem>>) {add = true}
      %dma_wait3A_310 = arith.constant 0 : i32
      %dma_wait3A_311 = arith.constant 5 : i32
      %dma_wait3A_312 = arith.constant 0 : i32
      %dma_wait3A_313 = arith.constant 0 : i32
      %dma_wait3A_314 = tpu.memref_slice %arg9[%dma_wait3A_310, %dma_wait3A_312, %dma_wait3A_313] : memref<2x125x128xf32, #tpu.memory_space<vmem>> -> memref<1x125x128xf32, #tpu.memory_space<vmem>>
      %dma_wait3A_315 = tpu.memref_squeeze %dma_wait3A_314 : memref<1x125x128xf32, #tpu.memory_space<vmem>> -> memref<125x128xf32, #tpu.memory_space<vmem>>
      %dma_wait3A_316 = arith.constant 0 : i32
      %dma_wait3A_317 = tpu.memref_slice %arg8[%rem3A_66, %dma_wait3A_311, %dma_wait3A_316] : memref<2x8x125xi32, #tpu.memory_space<vmem>> -> memref<1x1x125xi32, #tpu.memory_space<vmem>>
      %dma_wait3A_318 = tpu.memref_squeeze %dma_wait3A_317 : memref<1x1x125xi32, #tpu.memory_space<vmem>> -> memref<125xi32, #tpu.memory_space<vmem>>
      %dma_wait3A_319 = arith.constant 0 : i32
      %dma_wait3A_320 = arith.constant 0 : i32
      %dma_wait3A_321 = tpu.memref_slice %arg14[%dma_wait3A_319, %dma_wait3A_320] : memref<10240x128xf32, #tpu.memory_space<vmem_shared>> -> memref<10240x128xf32, #tpu.memory_space<vmem_shared>>
      tpu.wait_indirect_dma semaphore(%arg13 : memref<!tpu.dma_semaphore, #tpu.memory_space<semaphore_mem>>) src(%dma_wait3A_315 : memref<125x128xf32, #tpu.memory_space<vmem>>) dst(%dma_wait3A_321 : memref<10240x128xf32, #tpu.memory_space<vmem_shared>>)
      %dma_start3A_322 = arith.constant 6 : i32
      %dma_start3A_323 = arith.constant 0 : i32
      %dma_start3A_324 = arith.constant 0 : i32
      %dma_start3A_325 = arith.constant 0 : i32
      %dma_start3A_326 = tpu.memref_slice %arg9[%dma_start3A_323, %dma_start3A_324, %dma_start3A_325] : memref<2x125x128xf32, #tpu.memory_space<vmem>> -> memref<1x125x128xf32, #tpu.memory_space<vmem>>
      %dma_start3A_327 = tpu.memref_squeeze %dma_start3A_326 : memref<1x125x128xf32, #tpu.memory_space<vmem>> -> memref<125x128xf32, #tpu.memory_space<vmem>>
      %dma_start3A_328 = arith.constant 0 : i32
      %dma_start3A_329 = tpu.memref_slice %arg7[%rem3A_66, %dma_start3A_322, %dma_start3A_328] : memref<2x8x125xi32, #tpu.memory_space<vmem>> -> memref<1x1x125xi32, #tpu.memory_space<vmem>>
      %dma_start3A_330 = tpu.memref_squeeze %dma_start3A_329 : memref<1x1x125xi32, #tpu.memory_space<vmem>> -> memref<125xi32, #tpu.memory_space<vmem>>
      %dma_start3A_331 = arith.constant 0 : i32
      %dma_start3A_332 = arith.constant 0 : i32
      %dma_start3A_333 = tpu.memref_slice %arg2[%dma_start3A_331, %dma_start3A_332] : memref<20000x128xf32, #tpu.memory_space<hbm>> -> memref<20000x128xf32, #tpu.memory_space<hbm>>
      tpu.enqueue_indirect_dma source(%dma_start3A_333 : memref<20000x128xf32, #tpu.memory_space<hbm>>) target(%dma_start3A_327 : memref<125x128xf32, #tpu.memory_space<vmem>>) offsets(%dma_start3A_330 : memref<125xi32, #tpu.memory_space<vmem>>) semaphore(%arg11 : memref<!tpu.dma_semaphore, #tpu.memory_space<semaphore_mem>>)
      %dma_wait3A_334 = arith.constant 5 : i32
      %dma_wait3A_335 = arith.constant 1 : i32
      %dma_wait3A_336 = arith.constant 0 : i32
      %dma_wait3A_337 = arith.constant 0 : i32
      %dma_wait3A_338 = tpu.memref_slice %arg9[%dma_wait3A_335, %dma_wait3A_336, %dma_wait3A_337] : memref<2x125x128xf32, #tpu.memory_space<vmem>> -> memref<1x125x128xf32, #tpu.memory_space<vmem>>
      %dma_wait3A_339 = tpu.memref_squeeze %dma_wait3A_338 : memref<1x125x128xf32, #tpu.memory_space<vmem>> -> memref<125x128xf32, #tpu.memory_space<vmem>>
      %dma_wait3A_340 = arith.constant 0 : i32
      %dma_wait3A_341 = tpu.memref_slice %arg7[%rem3A_66, %dma_wait3A_334, %dma_wait3A_340] : memref<2x8x125xi32, #tpu.memory_space<vmem>> -> memref<1x1x125xi32, #tpu.memory_space<vmem>>
      %dma_wait3A_342 = tpu.memref_squeeze %dma_wait3A_341 : memref<1x1x125xi32, #tpu.memory_space<vmem>> -> memref<125xi32, #tpu.memory_space<vmem>>
      %dma_wait3A_343 = arith.constant 0 : i32
      %dma_wait3A_344 = arith.constant 0 : i32
      %dma_wait3A_345 = tpu.memref_slice %arg2[%dma_wait3A_343, %dma_wait3A_344] : memref<20000x128xf32, #tpu.memory_space<hbm>> -> memref<20000x128xf32, #tpu.memory_space<hbm>>
      tpu.wait_indirect_dma semaphore(%arg12 : memref<!tpu.dma_semaphore, #tpu.memory_space<semaphore_mem>>) src(%dma_wait3A_345 : memref<20000x128xf32, #tpu.memory_space<hbm>>) dst(%dma_wait3A_339 : memref<125x128xf32, #tpu.memory_space<vmem>>)
      %dma_start3A_346 = arith.constant 1 : i32
      %dma_start3A_347 = arith.constant 5 : i32
      %dma_start3A_348 = arith.constant 0 : i32
      %dma_start3A_349 = arith.constant 0 : i32
      %dma_start3A_350 = tpu.memref_slice %arg9[%dma_start3A_346, %dma_start3A_348, %dma_start3A_349] : memref<2x125x128xf32, #tpu.memory_space<vmem>> -> memref<1x125x128xf32, #tpu.memory_space<vmem>>
      %dma_start3A_351 = tpu.memref_squeeze %dma_start3A_350 : memref<1x125x128xf32, #tpu.memory_space<vmem>> -> memref<125x128xf32, #tpu.memory_space<vmem>>
      %dma_start3A_352 = arith.constant 0 : i32
      %dma_start3A_353 = tpu.memref_slice %arg8[%rem3A_66, %dma_start3A_347, %dma_start3A_352] : memref<2x8x125xi32, #tpu.memory_space<vmem>> -> memref<1x1x125xi32, #tpu.memory_space<vmem>>
      %dma_start3A_354 = tpu.memref_squeeze %dma_start3A_353 : memref<1x1x125xi32, #tpu.memory_space<vmem>> -> memref<125xi32, #tpu.memory_space<vmem>>
      %dma_start3A_355 = arith.constant 0 : i32
      %dma_start3A_356 = arith.constant 0 : i32
      %dma_start3A_357 = tpu.memref_slice %arg14[%dma_start3A_355, %dma_start3A_356] : memref<10240x128xf32, #tpu.memory_space<vmem_shared>> -> memref<10240x128xf32, #tpu.memory_space<vmem_shared>>
      tpu.enqueue_indirect_dma source(%dma_start3A_351 : memref<125x128xf32, #tpu.memory_space<vmem>>) target(%dma_start3A_357 : memref<10240x128xf32, #tpu.memory_space<vmem_shared>>) offsets(%dma_start3A_354 : memref<125xi32, #tpu.memory_space<vmem>>) semaphore(%arg13 : memref<!tpu.dma_semaphore, #tpu.memory_space<semaphore_mem>>) {add = true}
      %dma_wait3A_358 = arith.constant 1 : i32
      %dma_wait3A_359 = arith.constant 6 : i32
      %dma_wait3A_360 = arith.constant 0 : i32
      %dma_wait3A_361 = arith.constant 0 : i32
      %dma_wait3A_362 = tpu.memref_slice %arg9[%dma_wait3A_358, %dma_wait3A_360, %dma_wait3A_361] : memref<2x125x128xf32, #tpu.memory_space<vmem>> -> memref<1x125x128xf32, #tpu.memory_space<vmem>>
      %dma_wait3A_363 = tpu.memref_squeeze %dma_wait3A_362 : memref<1x125x128xf32, #tpu.memory_space<vmem>> -> memref<125x128xf32, #tpu.memory_space<vmem>>
      %dma_wait3A_364 = arith.constant 0 : i32
      %dma_wait3A_365 = tpu.memref_slice %arg8[%rem3A_66, %dma_wait3A_359, %dma_wait3A_364] : memref<2x8x125xi32, #tpu.memory_space<vmem>> -> memref<1x1x125xi32, #tpu.memory_space<vmem>>
      %dma_wait3A_366 = tpu.memref_squeeze %dma_wait3A_365 : memref<1x1x125xi32, #tpu.memory_space<vmem>> -> memref<125xi32, #tpu.memory_space<vmem>>
      %dma_wait3A_367 = arith.constant 0 : i32
      %dma_wait3A_368 = arith.constant 0 : i32
      %dma_wait3A_369 = tpu.memref_slice %arg14[%dma_wait3A_367, %dma_wait3A_368] : memref<10240x128xf32, #tpu.memory_space<vmem_shared>> -> memref<10240x128xf32, #tpu.memory_space<vmem_shared>>
      tpu.wait_indirect_dma semaphore(%arg13 : memref<!tpu.dma_semaphore, #tpu.memory_space<semaphore_mem>>) src(%dma_wait3A_363 : memref<125x128xf32, #tpu.memory_space<vmem>>) dst(%dma_wait3A_369 : memref<10240x128xf32, #tpu.memory_space<vmem_shared>>)
      %dma_start3A_370 = arith.constant 7 : i32
      %dma_start3A_371 = arith.constant 1 : i32
      %dma_start3A_372 = arith.constant 0 : i32
      %dma_start3A_373 = arith.constant 0 : i32
      %dma_start3A_374 = tpu.memref_slice %arg9[%dma_start3A_371, %dma_start3A_372, %dma_start3A_373] : memref<2x125x128xf32, #tpu.memory_space<vmem>> -> memref<1x125x128xf32, #tpu.memory_space<vmem>>
      %dma_start3A_375 = tpu.memref_squeeze %dma_start3A_374 : memref<1x125x128xf32, #tpu.memory_space<vmem>> -> memref<125x128xf32, #tpu.memory_space<vmem>>
      %dma_start3A_376 = arith.constant 0 : i32
      %dma_start3A_377 = tpu.memref_slice %arg7[%rem3A_66, %dma_start3A_370, %dma_start3A_376] : memref<2x8x125xi32, #tpu.memory_space<vmem>> -> memref<1x1x125xi32, #tpu.memory_space<vmem>>
      %dma_start3A_378 = tpu.memref_squeeze %dma_start3A_377 : memref<1x1x125xi32, #tpu.memory_space<vmem>> -> memref<125xi32, #tpu.memory_space<vmem>>
      %dma_start3A_379 = arith.constant 0 : i32
      %dma_start3A_380 = arith.constant 0 : i32
      %dma_start3A_381 = tpu.memref_slice %arg2[%dma_start3A_379, %dma_start3A_380] : memref<20000x128xf32, #tpu.memory_space<hbm>> -> memref<20000x128xf32, #tpu.memory_space<hbm>>
      tpu.enqueue_indirect_dma source(%dma_start3A_381 : memref<20000x128xf32, #tpu.memory_space<hbm>>) target(%dma_start3A_375 : memref<125x128xf32, #tpu.memory_space<vmem>>) offsets(%dma_start3A_378 : memref<125xi32, #tpu.memory_space<vmem>>) semaphore(%arg12 : memref<!tpu.dma_semaphore, #tpu.memory_space<semaphore_mem>>)
      %dma_wait3A_382 = arith.constant 6 : i32
      %dma_wait3A_383 = arith.constant 0 : i32
      %dma_wait3A_384 = arith.constant 0 : i32
      %dma_wait3A_385 = arith.constant 0 : i32
      %dma_wait3A_386 = tpu.memref_slice %arg9[%dma_wait3A_383, %dma_wait3A_384, %dma_wait3A_385] : memref<2x125x128xf32, #tpu.memory_space<vmem>> -> memref<1x125x128xf32, #tpu.memory_space<vmem>>
      %dma_wait3A_387 = tpu.memref_squeeze %dma_wait3A_386 : memref<1x125x128xf32, #tpu.memory_space<vmem>> -> memref<125x128xf32, #tpu.memory_space<vmem>>
      %dma_wait3A_388 = arith.constant 0 : i32
      %dma_wait3A_389 = tpu.memref_slice %arg7[%rem3A_66, %dma_wait3A_382, %dma_wait3A_388] : memref<2x8x125xi32, #tpu.memory_space<vmem>> -> memref<1x1x125xi32, #tpu.memory_space<vmem>>
      %dma_wait3A_390 = tpu.memref_squeeze %dma_wait3A_389 : memref<1x1x125xi32, #tpu.memory_space<vmem>> -> memref<125xi32, #tpu.memory_space<vmem>>
      %dma_wait3A_391 = arith.constant 0 : i32
      %dma_wait3A_392 = arith.constant 0 : i32
      %dma_wait3A_393 = tpu.memref_slice %arg2[%dma_wait3A_391, %dma_wait3A_392] : memref<20000x128xf32, #tpu.memory_space<hbm>> -> memref<20000x128xf32, #tpu.memory_space<hbm>>
      tpu.wait_indirect_dma semaphore(%arg11 : memref<!tpu.dma_semaphore, #tpu.memory_space<semaphore_mem>>) src(%dma_wait3A_393 : memref<20000x128xf32, #tpu.memory_space<hbm>>) dst(%dma_wait3A_387 : memref<125x128xf32, #tpu.memory_space<vmem>>)
      %dma_start3A_394 = arith.constant 0 : i32
      %dma_start3A_395 = arith.constant 6 : i32
      %dma_start3A_396 = arith.constant 0 : i32
      %dma_start3A_397 = arith.constant 0 : i32
      %dma_start3A_398 = tpu.memref_slice %arg9[%dma_start3A_394, %dma_start3A_396, %dma_start3A_397] : memref<2x125x128xf32, #tpu.memory_space<vmem>> -> memref<1x125x128xf32, #tpu.memory_space<vmem>>
      %dma_start3A_399 = tpu.memref_squeeze %dma_start3A_398 : memref<1x125x128xf32, #tpu.memory_space<vmem>> -> memref<125x128xf32, #tpu.memory_space<vmem>>
      %dma_start3A_400 = arith.constant 0 : i32
      %dma_start3A_401 = tpu.memref_slice %arg8[%rem3A_66, %dma_start3A_395, %dma_start3A_400] : memref<2x8x125xi32, #tpu.memory_space<vmem>> -> memref<1x1x125xi32, #tpu.memory_space<vmem>>
      %dma_start3A_402 = tpu.memref_squeeze %dma_start3A_401 : memref<1x1x125xi32, #tpu.memory_space<vmem>> -> memref<125xi32, #tpu.memory_space<vmem>>
      %dma_start3A_403 = arith.constant 0 : i32
      %dma_start3A_404 = arith.constant 0 : i32
      %dma_start3A_405 = tpu.memref_slice %arg14[%dma_start3A_403, %dma_start3A_404] : memref<10240x128xf32, #tpu.memory_space<vmem_shared>> -> memref<10240x128xf32, #tpu.memory_space<vmem_shared>>
      tpu.enqueue_indirect_dma source(%dma_start3A_399 : memref<125x128xf32, #tpu.memory_space<vmem>>) target(%dma_start3A_405 : memref<10240x128xf32, #tpu.memory_space<vmem_shared>>) offsets(%dma_start3A_402 : memref<125xi32, #tpu.memory_space<vmem>>) semaphore(%arg13 : memref<!tpu.dma_semaphore, #tpu.memory_space<semaphore_mem>>) {add = true}
      %dma_wait3A_406 = arith.constant 0 : i32
      %dma_wait3A_407 = arith.constant 7 : i32
      %dma_wait3A_408 = arith.constant 0 : i32
      %dma_wait3A_409 = arith.constant 0 : i32
      %dma_wait3A_410 = tpu.memref_slice %arg9[%dma_wait3A_406, %dma_wait3A_408, %dma_wait3A_409] : memref<2x125x128xf32, #tpu.memory_space<vmem>> -> memref<1x125x128xf32, #tpu.memory_space<vmem>>
      %dma_wait3A_411 = tpu.memref_squeeze %dma_wait3A_410 : memref<1x125x128xf32, #tpu.memory_space<vmem>> -> memref<125x128xf32, #tpu.memory_space<vmem>>
      %dma_wait3A_412 = arith.constant 0 : i32
      %dma_wait3A_413 = tpu.memref_slice %arg8[%rem3A_66, %dma_wait3A_407, %dma_wait3A_412] : memref<2x8x125xi32, #tpu.memory_space<vmem>> -> memref<1x1x125xi32, #tpu.memory_space<vmem>>
      %dma_wait3A_414 = tpu.memref_squeeze %dma_wait3A_413 : memref<1x1x125xi32, #tpu.memory_space<vmem>> -> memref<125xi32, #tpu.memory_space<vmem>>
      %dma_wait3A_415 = arith.constant 0 : i32
      %dma_wait3A_416 = arith.constant 0 : i32
      %dma_wait3A_417 = tpu.memref_slice %arg14[%dma_wait3A_415, %dma_wait3A_416] : memref<10240x128xf32, #tpu.memory_space<vmem_shared>> -> memref<10240x128xf32, #tpu.memory_space<vmem_shared>>
      tpu.wait_indirect_dma semaphore(%arg13 : memref<!tpu.dma_semaphore, #tpu.memory_space<semaphore_mem>>) src(%dma_wait3A_411 : memref<125x128xf32, #tpu.memory_space<vmem>>) dst(%dma_wait3A_417 : memref<10240x128xf32, #tpu.memory_space<vmem_shared>>)
      %lt3A_418 = arith.constant 19 : i32
      %lt3A_419 = arith.cmpi slt, %scan3A_65, %lt3A_418 : i32
      %convert_element_type3A_420 = arith.extui %lt3A_419 : i1 to i32
      %cond3A_421 = arith.constant 0 : i32
      %cond3A_422 = arith.cmpi ne, %convert_element_type3A_420, %cond3A_421 : i32
      scf.if %cond3A_422 {
        %dma_wait3A_447 = arith.constant 0 : i32
        %dma_wait3A_448 = arith.constant 0 : i32
        %dma_wait3A_449 = tpu.memref_slice %arg7[%rem3A_70, %dma_wait3A_447, %dma_wait3A_448] : memref<2x8x125xi32, #tpu.memory_space<vmem>> -> memref<1x8x125xi32, #tpu.memory_space<vmem>>
        %dma_wait3A_450 = tpu.memref_squeeze %dma_wait3A_449 : memref<1x8x125xi32, #tpu.memory_space<vmem>> -> memref<8x125xi32, #tpu.memory_space<vmem>>
        %dma_wait3A_451 = arith.constant 0 : i32
        %dma_wait3A_452 = tpu.memref_slice %arg3[%arg0, %add3A_75, %dma_wait3A_451] : memref<2x2560x125xi32, #tpu.memory_space<hbm>> -> memref<1x8x125xi32, #tpu.memory_space<hbm>>
        %dma_wait3A_453 = tpu.memref_squeeze %dma_wait3A_452 : memref<1x8x125xi32, #tpu.memory_space<hbm>> -> memref<8x125xi32, #tpu.memory_space<hbm>>
        %dma_wait3A_454 = arith.constant 0 : i32
        %dma_wait3A_455 = arith.constant 0 : i32
        %dma_wait3A_456 = tpu.memref_slice %arg7[%rem3A_70, %dma_wait3A_454, %dma_wait3A_455] : memref<2x8x125xi32, #tpu.memory_space<vmem>> -> memref<1x8x125xi32, #tpu.memory_space<vmem>>
        %dma_wait3A_457 = tpu.memref_squeeze %dma_wait3A_456 : memref<1x8x125xi32, #tpu.memory_space<vmem>> -> memref<8x125xi32, #tpu.memory_space<vmem>>
        %dma_wait3A_458 = arith.constant 0 : i32
        %dma_wait3A_459 = tpu.memref_slice %arg3[%arg0, %add3A_75, %dma_wait3A_458] : memref<2x2560x125xi32, #tpu.memory_space<hbm>> -> memref<1x8x125xi32, #tpu.memory_space<hbm>>
        %dma_wait3A_460 = tpu.memref_squeeze %dma_wait3A_459 : memref<1x8x125xi32, #tpu.memory_space<hbm>> -> memref<8x125xi32, #tpu.memory_space<hbm>>
        tpu.wait_dma2 semaphore(%arg10 : memref<!tpu.dma_semaphore, #tpu.memory_space<semaphore_mem>>) src(%dma_wait3A_460 : memref<8x125xi32, #tpu.memory_space<hbm>>) dst(%dma_wait3A_457 : memref<8x125xi32, #tpu.memory_space<vmem>>)
        %dma_wait3A_461 = arith.constant 0 : i32
        %dma_wait3A_462 = arith.constant 0 : i32
        %dma_wait3A_463 = tpu.memref_slice %arg8[%rem3A_70, %dma_wait3A_461, %dma_wait3A_462] : memref<2x8x125xi32, #tpu.memory_space<vmem>> -> memref<1x8x125xi32, #tpu.memory_space<vmem>>
        %dma_wait3A_464 = tpu.memref_squeeze %dma_wait3A_463 : memref<1x8x125xi32, #tpu.memory_space<vmem>> -> memref<8x125xi32, #tpu.memory_space<vmem>>
        %dma_wait3A_465 = arith.constant 0 : i32
        %dma_wait3A_466 = tpu.memref_slice %arg4[%add3A_75, %dma_wait3A_465] : memref<2560x125xi32, #tpu.memory_space<hbm>> -> memref<8x125xi32, #tpu.memory_space<hbm>>
        %dma_wait3A_467 = arith.constant 0 : i32
        %dma_wait3A_468 = arith.constant 0 : i32
        %dma_wait3A_469 = tpu.memref_slice %arg8[%rem3A_70, %dma_wait3A_467, %dma_wait3A_468] : memref<2x8x125xi32, #tpu.memory_space<vmem>> -> memref<1x8x125xi32, #tpu.memory_space<vmem>>
        %dma_wait3A_470 = tpu.memref_squeeze %dma_wait3A_469 : memref<1x8x125xi32, #tpu.memory_space<vmem>> -> memref<8x125xi32, #tpu.memory_space<vmem>>
        %dma_wait3A_471 = arith.constant 0 : i32
        %dma_wait3A_472 = tpu.memref_slice %arg4[%add3A_75, %dma_wait3A_471] : memref<2560x125xi32, #tpu.memory_space<hbm>> -> memref<8x125xi32, #tpu.memory_space<hbm>>
        tpu.wait_dma2 semaphore(%arg10 : memref<!tpu.dma_semaphore, #tpu.memory_space<semaphore_mem>>) src(%dma_wait3A_472 : memref<8x125xi32, #tpu.memory_space<hbm>>) dst(%dma_wait3A_470 : memref<8x125xi32, #tpu.memory_space<vmem>>)
        %dma_start3A_473 = arith.constant 0 : i32
        %dma_start3A_474 = arith.constant 0 : i32
        %dma_start3A_475 = arith.constant 0 : i32
        %dma_start3A_476 = arith.constant 0 : i32
        %dma_start3A_477 = tpu.memref_slice %arg9[%dma_start3A_474, %dma_start3A_475, %dma_start3A_476] : memref<2x125x128xf32, #tpu.memory_space<vmem>> -> memref<1x125x128xf32, #tpu.memory_space<vmem>>
        %dma_start3A_478 = tpu.memref_squeeze %dma_start3A_477 : memref<1x125x128xf32, #tpu.memory_space<vmem>> -> memref<125x128xf32, #tpu.memory_space<vmem>>
        %dma_start3A_479 = arith.constant 0 : i32
        %dma_start3A_480 = tpu.memref_slice %arg7[%rem3A_70, %dma_start3A_473, %dma_start3A_479] : memref<2x8x125xi32, #tpu.memory_space<vmem>> -> memref<1x1x125xi32, #tpu.memory_space<vmem>>
        %dma_start3A_481 = tpu.memref_squeeze %dma_start3A_480 : memref<1x1x125xi32, #tpu.memory_space<vmem>> -> memref<125xi32, #tpu.memory_space<vmem>>
        %dma_start3A_482 = arith.constant 0 : i32
        %dma_start3A_483 = arith.constant 0 : i32
        %dma_start3A_484 = tpu.memref_slice %arg2[%dma_start3A_482, %dma_start3A_483] : memref<20000x128xf32, #tpu.memory_space<hbm>> -> memref<20000x128xf32, #tpu.memory_space<hbm>>
        tpu.enqueue_indirect_dma source(%dma_start3A_484 : memref<20000x128xf32, #tpu.memory_space<hbm>>) target(%dma_start3A_478 : memref<125x128xf32, #tpu.memory_space<vmem>>) offsets(%dma_start3A_481 : memref<125xi32, #tpu.memory_space<vmem>>) semaphore(%arg11 : memref<!tpu.dma_semaphore, #tpu.memory_space<semaphore_mem>>)
      } else {
      }
      %dma_wait3A_423 = arith.constant 7 : i32
      %dma_wait3A_424 = arith.constant 1 : i32
      %dma_wait3A_425 = arith.constant 0 : i32
      %dma_wait3A_426 = arith.constant 0 : i32
      %dma_wait3A_427 = tpu.memref_slice %arg9[%dma_wait3A_424, %dma_wait3A_425, %dma_wait3A_426] : memref<2x125x128xf32, #tpu.memory_space<vmem>> -> memref<1x125x128xf32, #tpu.memory_space<vmem>>
      %dma_wait3A_428 = tpu.memref_squeeze %dma_wait3A_427 : memref<1x125x128xf32, #tpu.memory_space<vmem>> -> memref<125x128xf32, #tpu.memory_space<vmem>>
      %dma_wait3A_429 = arith.constant 0 : i32
      %dma_wait3A_430 = tpu.memref_slice %arg7[%rem3A_66, %dma_wait3A_423, %dma_wait3A_429] : memref<2x8x125xi32, #tpu.memory_space<vmem>> -> memref<1x1x125xi32, #tpu.memory_space<vmem>>
      %dma_wait3A_431 = tpu.memref_squeeze %dma_wait3A_430 : memref<1x1x125xi32, #tpu.memory_space<vmem>> -> memref<125xi32, #tpu.memory_space<vmem>>
      %dma_wait3A_432 = arith.constant 0 : i32
      %dma_wait3A_433 = arith.constant 0 : i32
      %dma_wait3A_434 = tpu.memref_slice %arg2[%dma_wait3A_432, %dma_wait3A_433] : memref<20000x128xf32, #tpu.memory_space<hbm>> -> memref<20000x128xf32, #tpu.memory_space<hbm>>
      tpu.wait_indirect_dma semaphore(%arg12 : memref<!tpu.dma_semaphore, #tpu.memory_space<semaphore_mem>>) src(%dma_wait3A_434 : memref<20000x128xf32, #tpu.memory_space<hbm>>) dst(%dma_wait3A_428 : memref<125x128xf32, #tpu.memory_space<vmem>>)
      %dma_start3A_435 = arith.constant 1 : i32
      %dma_start3A_436 = arith.constant 7 : i32
      %dma_start3A_437 = arith.constant 0 : i32
      %dma_start3A_438 = arith.constant 0 : i32
      %dma_start3A_439 = tpu.memref_slice %arg9[%dma_start3A_435, %dma_start3A_437, %dma_start3A_438] : memref<2x125x128xf32, #tpu.memory_space<vmem>> -> memref<1x125x128xf32, #tpu.memory_space<vmem>>
      %dma_start3A_440 = tpu.memref_squeeze %dma_start3A_439 : memref<1x125x128xf32, #tpu.memory_space<vmem>> -> memref<125x128xf32, #tpu.memory_space<vmem>>
      %dma_start3A_441 = arith.constant 0 : i32
      %dma_start3A_442 = tpu.memref_slice %arg8[%rem3A_66, %dma_start3A_436, %dma_start3A_441] : memref<2x8x125xi32, #tpu.memory_space<vmem>> -> memref<1x1x125xi32, #tpu.memory_space<vmem>>
      %dma_start3A_443 = tpu.memref_squeeze %dma_start3A_442 : memref<1x1x125xi32, #tpu.memory_space<vmem>> -> memref<125xi32, #tpu.memory_space<vmem>>
      %dma_start3A_444 = arith.constant 0 : i32
      %dma_start3A_445 = arith.constant 0 : i32
      %dma_start3A_446 = tpu.memref_slice %arg14[%dma_start3A_444, %dma_start3A_445] : memref<10240x128xf32, #tpu.memory_space<vmem_shared>> -> memref<10240x128xf32, #tpu.memory_space<vmem_shared>>
      tpu.enqueue_indirect_dma source(%dma_start3A_440 : memref<125x128xf32, #tpu.memory_space<vmem>>) target(%dma_start3A_446 : memref<10240x128xf32, #tpu.memory_space<vmem_shared>>) offsets(%dma_start3A_443 : memref<125xi32, #tpu.memory_space<vmem>>) semaphore(%arg13 : memref<!tpu.dma_semaphore, #tpu.memory_space<semaphore_mem>>) {add = true}
    }
    %scan3A_49 = arith.constant 20 : i32
    %dma_wait3A = arith.constant 1 : i32
    %dma_wait3A_50 = arith.constant 0 : i32
    %dma_wait3A_51 = arith.constant 0 : i32
    %dma_wait3A_52 = arith.constant 0 : i32
    %dma_wait3A_53 = arith.constant 0 : i32
    %dma_wait3A_54 = tpu.memref_slice %arg9[%dma_wait3A, %dma_wait3A_52, %dma_wait3A_53] : memref<2x125x128xf32, #tpu.memory_space<vmem>> -> memref<1x125x128xf32, #tpu.memory_space<vmem>>
    %dma_wait3A_55 = tpu.memref_squeeze %dma_wait3A_54 : memref<1x125x128xf32, #tpu.memory_space<vmem>> -> memref<125x128xf32, #tpu.memory_space<vmem>>
    %dma_wait3A_56 = arith.constant 0 : i32
    %dma_wait3A_57 = tpu.memref_slice %arg8[%dma_wait3A_50, %dma_wait3A_51, %dma_wait3A_56] : memref<2x8x125xi32, #tpu.memory_space<vmem>> -> memref<1x1x125xi32, #tpu.memory_space<vmem>>
    %dma_wait3A_58 = tpu.memref_squeeze %dma_wait3A_57 : memref<1x1x125xi32, #tpu.memory_space<vmem>> -> memref<125xi32, #tpu.memory_space<vmem>>
    %dma_wait3A_59 = arith.constant 0 : i32
    %dma_wait3A_60 = arith.constant 0 : i32
    %dma_wait3A_61 = tpu.memref_slice %arg14[%dma_wait3A_59, %dma_wait3A_60] : memref<10240x128xf32, #tpu.memory_space<vmem_shared>> -> memref<10240x128xf32, #tpu.memory_space<vmem_shared>>
    tpu.wait_indirect_dma semaphore(%arg13 : memref<!tpu.dma_semaphore, #tpu.memory_space<semaphore_mem>>) src(%dma_wait3A_55 : memref<125x128xf32, #tpu.memory_space<vmem>>) dst(%dma_wait3A_61 : memref<10240x128xf32, #tpu.memory_space<vmem_shared>>)
    %barrier3A_62 = arith.constant 0 : index
    tpu.barrier barrier_id(%barrier3A_62)
    %mul3A_63 = arith.constant 640 : i32
    %mul3A_64 = arith.muli %arg1, %mul3A_63 : i32
    "tpu.region"() ({
      %run_scoped3A_65 = tpu.sem_alloc : memref<!tpu.dma_semaphore, #tpu.memory_space<semaphore_mem>>
      %dma_start3A_66 = arith.constant 0 : i32
      %dma_start3A_67 = tpu.memref_slice %arg6[%arg0, %mul3A_64, %dma_start3A_66] : memref<2x10240x128xf32, #tpu.memory_space<hbm>> -> memref<1x640x128xf32, #tpu.memory_space<hbm>>
      %dma_start3A_68 = tpu.memref_squeeze %dma_start3A_67 : memref<1x640x128xf32, #tpu.memory_space<hbm>> -> memref<640x128xf32, #tpu.memory_space<hbm>>
      %dma_start3A_69 = arith.constant 0 : i32
      %dma_start3A_70 = tpu.memref_slice %arg14[%mul3A_64, %dma_start3A_69] : memref<10240x128xf32, #tpu.memory_space<vmem_shared>> -> memref<640x128xf32, #tpu.memory_space<vmem_shared>>
      tpu.enqueue_dma source(%dma_start3A_70 : memref<640x128xf32, #tpu.memory_space<vmem_shared>>) target(%dma_start3A_68 : memref<640x128xf32, #tpu.memory_space<hbm>>) target_semaphore(%run_scoped3A_65 : memref<!tpu.dma_semaphore, #tpu.memory_space<semaphore_mem>>)
      %dma_wait3A_71 = arith.constant 0 : i32
      %dma_wait3A_72 = tpu.memref_slice %arg6[%arg0, %mul3A_64, %dma_wait3A_71] : memref<2x10240x128xf32, #tpu.memory_space<hbm>> -> memref<1x640x128xf32, #tpu.memory_space<hbm>>
      %dma_wait3A_73 = tpu.memref_squeeze %dma_wait3A_72 : memref<1x640x128xf32, #tpu.memory_space<hbm>> -> memref<640x128xf32, #tpu.memory_space<hbm>>
      %dma_wait3A_74 = arith.constant 0 : i32
      %dma_wait3A_75 = tpu.memref_slice %arg14[%mul3A_64, %dma_wait3A_74] : memref<10240x128xf32, #tpu.memory_space<vmem_shared>> -> memref<640x128xf32, #tpu.memory_space<vmem_shared>>
      tpu.wait_dma2 semaphore(%run_scoped3A_65 : memref<!tpu.dma_semaphore, #tpu.memory_space<semaphore_mem>>) src(%dma_wait3A_75 : memref<640x128xf32, #tpu.memory_space<vmem_shared>>) dst(%dma_wait3A_73 : memref<640x128xf32, #tpu.memory_space<hbm>>)
      tpu.yield
    }) : () -> ()
    return
  }
}

module attributes {stable_mosaic.version = 14 : i64} {
  func.func @_mm1_body(%arg0: i32, %arg1: memref<2x1000x128xf32, #tpu.memory_space<vmem>>, %arg2: memref<1000x128xf32, #tpu.memory_space<vmem>>, %arg3: memref<128x256xf32, #tpu.memory_space<vmem>>, %arg4: memref<2x1000x128xf32, #tpu.memory_space<vmem>>, %arg5: memref<1000x1xf32, #tpu.memory_space<vmem>>) attributes {dimension_semantics = [#tpu.dimension_semantics<arbitrary>], iteration_bounds = array<i64: 10>, scalar_prefetch = 0 : i64, scratch_operands = 0 : i64, tpu.core_type = #tpu.core_type<tc>, window_params = [{transform_indices = @transform_0, window_bounds = array<i64: 2, 1000, 128>}, {transform_indices = @transform_1, window_bounds = array<i64: 1000, 128>}, {pipeline_mode = #tpu.pipeline_mode<synchronous>, transform_indices = @transform_2, window_bounds = array<i64: 128, 256>}, {transform_indices = @transform_3, window_bounds = array<i64: 2, 1000, 128>}, {transform_indices = @transform_4, window_bounds = array<i64: 1000, 1>}]} {
    %get3A = arith.constant 0 : index
    %get3A_0 = arith.constant 0 : index
    %get3A_1 = arith.constant 0 : index
    %get3A_2 = vector.load %arg1[%get3A, %get3A_0, %get3A_1] : memref<2x1000x128xf32, #tpu.memory_space<vmem>>, vector<1x1000x1xf32>
    %get3A_3 = vector.shape_cast %get3A_2 : vector<1x1000x1xf32> to vector<1000xf32>
    %get3A_4 = arith.constant 1 : index
    %get3A_5 = arith.constant 0 : index
    %get3A_6 = arith.constant 0 : index
    %get3A_7 = vector.load %arg1[%get3A_4, %get3A_5, %get3A_6] : memref<2x1000x128xf32, #tpu.memory_space<vmem>>, vector<1x1000x1xf32>
    %get3A_8 = vector.shape_cast %get3A_7 : vector<1x1000x1xf32> to vector<1000xf32>
    %add3A = arith.addf %get3A_3, %get3A_8 : vector<1000xf32>
    %add3A_9 = arith.constant 1.000000e+00 : f32
    %add3A_10 = vector.broadcast %add3A_9 : f32 to vector<1000xf32>
    %add3A_11 = arith.addf %add3A, %add3A_10 : vector<1000xf32>
    %rsqrt3A = math.rsqrt %add3A_11 : vector<1000xf32>
    %get3A_12 = arith.constant 0 : index
    %get3A_13 = arith.constant 0 : index
    %get3A_14 = vector.load %arg2[%get3A_12, %get3A_13] : memref<1000x128xf32, #tpu.memory_space<vmem>>, vector<1000x128xf32>
    %get3A_15 = arith.constant 0 : index
    %get3A_16 = arith.constant 0 : index
    %get3A_17 = vector.load %arg3[%get3A_15, %get3A_16] : memref<128x256xf32, #tpu.memory_space<vmem>>, vector<128x256xf32>
    %dot_general3A = arith.constant dense<0.000000e+00> : vector<1000x256xf32>
    %dot_general3A_18 = tpu.matmul %get3A_14, %get3A_17, %dot_general3A {dimension_numbers = #tpu.dot_dimension_numbers<[1], [0], [0], [1], [0, 0, 1, 1], [], []>, transpose_lhs_hint = false} : vector<1000x128xf32>, vector<128x256xf32>, vector<1000x256xf32> -> vector<1000x256xf32>
    %broadcast_in_dim3A = vector.shape_cast %rsqrt3A : vector<1000xf32> to vector<1000x1xf32>
    %mul3A = vector.broadcast %broadcast_in_dim3A : vector<1000x1xf32> to vector<1000x256xf32>
    %mul3A_19 = arith.mulf %dot_general3A_18, %mul3A : vector<1000x256xf32>
    %slice3A = vector.extract_strided_slice %mul3A_19 {offsets = [0, 0], sizes = [1000, 128], strides = [1, 1]} : vector<1000x256xf32> to vector<1000x128xf32>
    %swap3A = arith.constant 0 : index
    %swap3A_20 = arith.constant 0 : index
    %swap3A_21 = arith.constant 0 : index
    %swap3A_22 = vector.load %arg4[%swap3A, %swap3A_20, %swap3A_21] : memref<2x1000x128xf32, #tpu.memory_space<vmem>>, vector<1x1000x128xf32>
    %swap3A_23 = vector.shape_cast %swap3A_22 : vector<1x1000x128xf32> to vector<1000x128xf32>
    %swap3A_24 = vector.shape_cast %slice3A : vector<1000x128xf32> to vector<1x1000x128xf32>
    tpu.vector_store %arg4[%swap3A, %swap3A_20, %swap3A_21], %swap3A_24 {strides = array<i32>} : memref<2x1000x128xf32, #tpu.memory_space<vmem>>, vector<1x1000x128xf32>,
    %slice3A_25 = vector.extract_strided_slice %mul3A_19 {offsets = [0, 128], sizes = [1000, 128], strides = [1, 1]} : vector<1000x256xf32> to vector<1000x128xf32>
    %swap3A_26 = arith.constant 1 : index
    %swap3A_27 = arith.constant 0 : index
    %swap3A_28 = arith.constant 0 : index
    %swap3A_29 = vector.load %arg4[%swap3A_26, %swap3A_27, %swap3A_28] : memref<2x1000x128xf32, #tpu.memory_space<vmem>>, vector<1x1000x128xf32>
    %swap3A_30 = vector.shape_cast %swap3A_29 : vector<1x1000x128xf32> to vector<1000x128xf32>
    %swap3A_31 = vector.shape_cast %slice3A_25 : vector<1000x128xf32> to vector<1x1000x128xf32>
    tpu.vector_store %arg4[%swap3A_26, %swap3A_27, %swap3A_28], %swap3A_31 {strides = array<i32>} : memref<2x1000x128xf32, #tpu.memory_space<vmem>>, vector<1x1000x128xf32>,
    %broadcast_in_dim3A_32 = vector.shape_cast %rsqrt3A : vector<1000xf32> to vector<1000x1xf32>
    %swap3A_33 = arith.constant 0 : index
    %swap3A_34 = arith.constant 0 : index
    %swap3A_35 = vector.load %arg5[%swap3A_33, %swap3A_34] : memref<1000x1xf32, #tpu.memory_space<vmem>>, vector<1000x1xf32>
    tpu.vector_store %arg5[%swap3A_33, %swap3A_34], %broadcast_in_dim3A_32 {strides = array<i32>} : memref<1000x1xf32, #tpu.memory_space<vmem>>, vector<1000x1xf32>,
    return
  }
  func.func @transform_0(%arg0: i32) -> (i32, i32, i32) {
    %c0_i32 = arith.constant 0 : i32
    %c0_i32_0 = arith.constant 0 : i32
    %c0_i32_1 = arith.constant 0 : i32
    return %c0_i32, %arg0, %c0_i32_0 : i32, i32, i32
  }
  func.func @transform_1(%arg0: i32) -> (i32, i32) {
    %c0_i32 = arith.constant 0 : i32
    %c0_i32_0 = arith.constant 0 : i32
    return %arg0, %c0_i32 : i32, i32
  }
  func.func @transform_2(%arg0: i32) -> (i32, i32) {
    %c0_i32 = arith.constant 0 : i32
    %c0_i32_0 = arith.constant 0 : i32
    %c0_i32_1 = arith.constant 0 : i32
    return %c0_i32, %c0_i32_0 : i32, i32
  }
  func.func @transform_3(%arg0: i32) -> (i32, i32, i32) {
    %c0_i32 = arith.constant 0 : i32
    %c0_i32_0 = arith.constant 0 : i32
    %c0_i32_1 = arith.constant 0 : i32
    return %c0_i32, %arg0, %c0_i32_0 : i32, i32, i32
  }
  func.func @transform_4(%arg0: i32) -> (i32, i32) {
    %c0_i32 = arith.constant 0 : i32
    %c0_i32_0 = arith.constant 0 : i32
    return %arg0, %c0_i32 : i32, i32
  }
}

module attributes {stable_mosaic.version = 14 : i64} {
  func.func @_mm_mid_body(%arg0: i32, %arg1: memref<1000x1xf32, #tpu.memory_space<vmem>>, %arg2: memref<2x1000x128xf32, #tpu.memory_space<vmem>>, %arg3: memref<2x1000x128xf32, #tpu.memory_space<vmem>>, %arg4: memref<1x256xf32, #tpu.memory_space<vmem>>, %arg5: memref<256x256xf32, #tpu.memory_space<vmem>>, %arg6: memref<1x256xf32, #tpu.memory_space<vmem>>, %arg7: memref<256x256xf32, #tpu.memory_space<vmem>>, %arg8: memref<2x1000x128xf32, #tpu.memory_space<vmem>>) attributes {dimension_semantics = [#tpu.dimension_semantics<arbitrary>], iteration_bounds = array<i64: 10>, scalar_prefetch = 0 : i64, scratch_operands = 0 : i64, tpu.core_type = #tpu.core_type<tc>, window_params = [{transform_indices = @transform_0, window_bounds = array<i64: 1000, 1>}, {transform_indices = @transform_1, window_bounds = array<i64: 2, 1000, 128>}, {transform_indices = @transform_2, window_bounds = array<i64: 2, 1000, 128>}, {pipeline_mode = #tpu.pipeline_mode<synchronous>, transform_indices = @transform_3, window_bounds = array<i64: 1, 256>}, {pipeline_mode = #tpu.pipeline_mode<synchronous>, transform_indices = @transform_4, window_bounds = array<i64: 256, 256>}, {pipeline_mode = #tpu.pipeline_mode<synchronous>, transform_indices = @transform_5, window_bounds = array<i64: 1, 256>}, {pipeline_mode = #tpu.pipeline_mode<synchronous>, transform_indices = @transform_6, window_bounds = array<i64: 256, 256>}, {transform_indices = @transform_7, window_bounds = array<i64: 2, 1000, 128>}]} {
    %get3A = arith.constant 0 : index
    %get3A_0 = arith.constant 0 : index
    %get3A_1 = vector.load %arg1[%get3A, %get3A_0] : memref<1000x1xf32, #tpu.memory_space<vmem>>, vector<1000x1xf32>
    %get3A_2 = arith.constant 0 : index
    %get3A_3 = arith.constant 0 : index
    %get3A_4 = arith.constant 0 : index
    %get3A_5 = vector.load %arg2[%get3A_2, %get3A_3, %get3A_4] : memref<2x1000x128xf32, #tpu.memory_space<vmem>>, vector<1x1000x128xf32>
    %get3A_6 = vector.shape_cast %get3A_5 : vector<1x1000x128xf32> to vector<1000x128xf32>
    %get3A_7 = arith.constant 1 : index
    %get3A_8 = arith.constant 0 : index
    %get3A_9 = arith.constant 0 : index
    %get3A_10 = vector.load %arg2[%get3A_7, %get3A_8, %get3A_9] : memref<2x1000x128xf32, #tpu.memory_space<vmem>>, vector<1x1000x128xf32>
    %get3A_11 = vector.shape_cast %get3A_10 : vector<1x1000x128xf32> to vector<1000x128xf32>
    %concatenate3A = tpu.concatenate %get3A_6, %get3A_11 in 1 : vector<1000x128xf32>, vector<1000x128xf32> -> vector<1000x256xf32>
    %get3A_12 = arith.constant 0 : index
    %get3A_13 = arith.constant 0 : index
    %get3A_14 = arith.constant 0 : index
    %get3A_15 = vector.load %arg3[%get3A_12, %get3A_13, %get3A_14] : memref<2x1000x128xf32, #tpu.memory_space<vmem>>, vector<1x1000x128xf32>
    %get3A_16 = vector.shape_cast %get3A_15 : vector<1x1000x128xf32> to vector<1000x128xf32>
    %get3A_17 = arith.constant 1 : index
    %get3A_18 = arith.constant 0 : index
    %get3A_19 = arith.constant 0 : index
    %get3A_20 = vector.load %arg3[%get3A_17, %get3A_18, %get3A_19] : memref<2x1000x128xf32, #tpu.memory_space<vmem>>, vector<1x1000x128xf32>
    %get3A_21 = vector.shape_cast %get3A_20 : vector<1x1000x128xf32> to vector<1000x128xf32>
    %concatenate3A_22 = tpu.concatenate %get3A_16, %get3A_21 in 1 : vector<1000x128xf32>, vector<1000x128xf32> -> vector<1000x256xf32>
    %add3A = arith.addf %concatenate3A, %concatenate3A_22 : vector<1000x256xf32>
    %mul3A = vector.broadcast %get3A_1 : vector<1000x1xf32> to vector<1000x256xf32>
    %mul3A_23 = arith.mulf %add3A, %mul3A : vector<1000x256xf32>
    %get3A_24 = arith.constant 0 : index
    %get3A_25 = arith.constant 0 : index
    %get3A_26 = vector.load %arg4[%get3A_24, %get3A_25] : memref<1x256xf32, #tpu.memory_space<vmem>>, vector<1x256xf32>
    %get3A_27 = vector.shape_cast %get3A_26 : vector<1x256xf32> to vector<256xf32>
    %broadcast_in_dim3A = vector.shape_cast %get3A_27 : vector<256xf32> to vector<1x256xf32>
    %add3A_28 = vector.broadcast %broadcast_in_dim3A : vector<1x256xf32> to vector<1000x256xf32>
    %add3A_29 = arith.addf %mul3A_23, %add3A_28 : vector<1000x256xf32>
    %max3A = arith.constant 0.000000e+00 : f32
    %max3A_30 = vector.broadcast %max3A : f32 to vector<1000x256xf32>
    %max3A_31 = arith.maximumf %add3A_29, %max3A_30 : vector<1000x256xf32>
    %get3A_32 = arith.constant 0 : index
    %get3A_33 = arith.constant 0 : index
    %get3A_34 = vector.load %arg5[%get3A_32, %get3A_33] : memref<256x256xf32, #tpu.memory_space<vmem>>, vector<256x256xf32>
    %dot_general3A = arith.constant dense<0.000000e+00> : vector<1000x256xf32>
    %dot_general3A_35 = tpu.matmul %max3A_31, %get3A_34, %dot_general3A {dimension_numbers = #tpu.dot_dimension_numbers<[1], [0], [0], [1], [0, 0, 1, 1], [], []>, transpose_lhs_hint = false} : vector<1000x256xf32>, vector<256x256xf32>, vector<1000x256xf32> -> vector<1000x256xf32>
    %get3A_36 = arith.constant 0 : index
    %get3A_37 = arith.constant 0 : index
    %get3A_38 = vector.load %arg6[%get3A_36, %get3A_37] : memref<1x256xf32, #tpu.memory_space<vmem>>, vector<1x256xf32>
    %get3A_39 = vector.shape_cast %get3A_38 : vector<1x256xf32> to vector<256xf32>
    %broadcast_in_dim3A_40 = vector.shape_cast %get3A_39 : vector<256xf32> to vector<1x256xf32>
    %add3A_41 = vector.broadcast %broadcast_in_dim3A_40 : vector<1x256xf32> to vector<1000x256xf32>
    %add3A_42 = arith.addf %dot_general3A_35, %add3A_41 : vector<1000x256xf32>
    %get3A_43 = arith.constant 0 : index
    %get3A_44 = arith.constant 0 : index
    %get3A_45 = vector.load %arg7[%get3A_43, %get3A_44] : memref<256x256xf32, #tpu.memory_space<vmem>>, vector<256x256xf32>
    %dot_general3A_46 = arith.constant dense<0.000000e+00> : vector<1000x256xf32>
    %dot_general3A_47 = tpu.matmul %add3A_42, %get3A_45, %dot_general3A_46 {dimension_numbers = #tpu.dot_dimension_numbers<[1], [0], [0], [1], [0, 0, 1, 1], [], []>, transpose_lhs_hint = false} : vector<1000x256xf32>, vector<256x256xf32>, vector<1000x256xf32> -> vector<1000x256xf32>
    %mul3A_48 = vector.broadcast %get3A_1 : vector<1000x1xf32> to vector<1000x256xf32>
    %mul3A_49 = arith.mulf %dot_general3A_47, %mul3A_48 : vector<1000x256xf32>
    %slice3A = vector.extract_strided_slice %mul3A_49 {offsets = [0, 0], sizes = [1000, 128], strides = [1, 1]} : vector<1000x256xf32> to vector<1000x128xf32>
    %swap3A = arith.constant 0 : index
    %swap3A_50 = arith.constant 0 : index
    %swap3A_51 = arith.constant 0 : index
    %swap3A_52 = vector.load %arg8[%swap3A, %swap3A_50, %swap3A_51] : memref<2x1000x128xf32, #tpu.memory_space<vmem>>, vector<1x1000x128xf32>
    %swap3A_53 = vector.shape_cast %swap3A_52 : vector<1x1000x128xf32> to vector<1000x128xf32>
    %swap3A_54 = vector.shape_cast %slice3A : vector<1000x128xf32> to vector<1x1000x128xf32>
    tpu.vector_store %arg8[%swap3A, %swap3A_50, %swap3A_51], %swap3A_54 {strides = array<i32>} : memref<2x1000x128xf32, #tpu.memory_space<vmem>>, vector<1x1000x128xf32>,
    %slice3A_55 = vector.extract_strided_slice %mul3A_49 {offsets = [0, 128], sizes = [1000, 128], strides = [1, 1]} : vector<1000x256xf32> to vector<1000x128xf32>
    %swap3A_56 = arith.constant 1 : index
    %swap3A_57 = arith.constant 0 : index
    %swap3A_58 = arith.constant 0 : index
    %swap3A_59 = vector.load %arg8[%swap3A_56, %swap3A_57, %swap3A_58] : memref<2x1000x128xf32, #tpu.memory_space<vmem>>, vector<1x1000x128xf32>
    %swap3A_60 = vector.shape_cast %swap3A_59 : vector<1x1000x128xf32> to vector<1000x128xf32>
    %swap3A_61 = vector.shape_cast %slice3A_55 : vector<1000x128xf32> to vector<1x1000x128xf32>
    tpu.vector_store %arg8[%swap3A_56, %swap3A_57, %swap3A_58], %swap3A_61 {strides = array<i32>} : memref<2x1000x128xf32, #tpu.memory_space<vmem>>, vector<1x1000x128xf32>,
    return
  }
  func.func @transform_0(%arg0: i32) -> (i32, i32) {
    %c0_i32 = arith.constant 0 : i32
    %c0_i32_0 = arith.constant 0 : i32
    return %arg0, %c0_i32 : i32, i32
  }
  func.func @transform_1(%arg0: i32) -> (i32, i32, i32) {
    %c0_i32 = arith.constant 0 : i32
    %c0_i32_0 = arith.constant 0 : i32
    %c0_i32_1 = arith.constant 0 : i32
    return %c0_i32, %arg0, %c0_i32_0 : i32, i32, i32
  }
  func.func @transform_2(%arg0: i32) -> (i32, i32, i32) {
    %c0_i32 = arith.constant 0 : i32
    %c0_i32_0 = arith.constant 0 : i32
    %c0_i32_1 = arith.constant 0 : i32
    return %c0_i32, %arg0, %c0_i32_0 : i32, i32, i32
  }
  func.func @transform_3(%arg0: i32) -> (i32, i32) {
    %c0_i32 = arith.constant 0 : i32
    %c0_i32_0 = arith.constant 0 : i32
    %c0_i32_1 = arith.constant 0 : i32
    return %c0_i32, %c0_i32_0 : i32, i32
  }
  func.func @transform_4(%arg0: i32) -> (i32, i32) {
    %c0_i32 = arith.constant 0 : i32
    %c0_i32_0 = arith.constant 0 : i32
    %c0_i32_1 = arith.constant 0 : i32
    return %c0_i32, %c0_i32_0 : i32, i32
  }
  func.func @transform_5(%arg0: i32) -> (i32, i32) {
    %c0_i32 = arith.constant 0 : i32
    %c0_i32_0 = arith.constant 0 : i32
    %c0_i32_1 = arith.constant 0 : i32
    return %c0_i32, %c0_i32_0 : i32, i32
  }
  func.func @transform_6(%arg0: i32) -> (i32, i32) {
    %c0_i32 = arith.constant 0 : i32
    %c0_i32_0 = arith.constant 0 : i32
    %c0_i32_1 = arith.constant 0 : i32
    return %c0_i32, %c0_i32_0 : i32, i32
  }
  func.func @transform_7(%arg0: i32) -> (i32, i32, i32) {
    %c0_i32 = arith.constant 0 : i32
    %c0_i32_0 = arith.constant 0 : i32
    %c0_i32_1 = arith.constant 0 : i32
    return %c0_i32, %arg0, %c0_i32_0 : i32, i32, i32
  }
}

module attributes {stable_mosaic.version = 14 : i64} {
  func.func @_mm3_body(%arg0: i32, %arg1: memref<1000x1xf32, #tpu.memory_space<vmem>>, %arg2: memref<2x1000x128xf32, #tpu.memory_space<vmem>>, %arg3: memref<2x1000x128xf32, #tpu.memory_space<vmem>>, %arg4: memref<1x256xf32, #tpu.memory_space<vmem>>, %arg5: memref<256x256xf32, #tpu.memory_space<vmem>>, %arg6: memref<2x1000x128xf32, #tpu.memory_space<vmem>>) attributes {dimension_semantics = [#tpu.dimension_semantics<arbitrary>], iteration_bounds = array<i64: 10>, scalar_prefetch = 0 : i64, scratch_operands = 0 : i64, tpu.core_type = #tpu.core_type<tc>, window_params = [{transform_indices = @transform_0, window_bounds = array<i64: 1000, 1>}, {transform_indices = @transform_1, window_bounds = array<i64: 2, 1000, 128>}, {transform_indices = @transform_2, window_bounds = array<i64: 2, 1000, 128>}, {pipeline_mode = #tpu.pipeline_mode<synchronous>, transform_indices = @transform_3, window_bounds = array<i64: 1, 256>}, {pipeline_mode = #tpu.pipeline_mode<synchronous>, transform_indices = @transform_4, window_bounds = array<i64: 256, 256>}, {transform_indices = @transform_5, window_bounds = array<i64: 2, 1000, 128>}]} {
    %get3A = arith.constant 0 : index
    %get3A_0 = arith.constant 0 : index
    %get3A_1 = vector.load %arg1[%get3A, %get3A_0] : memref<1000x1xf32, #tpu.memory_space<vmem>>, vector<1000x1xf32>
    %get3A_2 = arith.constant 0 : index
    %get3A_3 = arith.constant 0 : index
    %get3A_4 = arith.constant 0 : index
    %get3A_5 = vector.load %arg2[%get3A_2, %get3A_3, %get3A_4] : memref<2x1000x128xf32, #tpu.memory_space<vmem>>, vector<1x1000x128xf32>
    %get3A_6 = vector.shape_cast %get3A_5 : vector<1x1000x128xf32> to vector<1000x128xf32>
    %get3A_7 = arith.constant 1 : index
    %get3A_8 = arith.constant 0 : index
    %get3A_9 = arith.constant 0 : index
    %get3A_10 = vector.load %arg2[%get3A_7, %get3A_8, %get3A_9] : memref<2x1000x128xf32, #tpu.memory_space<vmem>>, vector<1x1000x128xf32>
    %get3A_11 = vector.shape_cast %get3A_10 : vector<1x1000x128xf32> to vector<1000x128xf32>
    %concatenate3A = tpu.concatenate %get3A_6, %get3A_11 in 1 : vector<1000x128xf32>, vector<1000x128xf32> -> vector<1000x256xf32>
    %get3A_12 = arith.constant 0 : index
    %get3A_13 = arith.constant 0 : index
    %get3A_14 = arith.constant 0 : index
    %get3A_15 = vector.load %arg3[%get3A_12, %get3A_13, %get3A_14] : memref<2x1000x128xf32, #tpu.memory_space<vmem>>, vector<1x1000x128xf32>
    %get3A_16 = vector.shape_cast %get3A_15 : vector<1x1000x128xf32> to vector<1000x128xf32>
    %get3A_17 = arith.constant 1 : index
    %get3A_18 = arith.constant 0 : index
    %get3A_19 = arith.constant 0 : index
    %get3A_20 = vector.load %arg3[%get3A_17, %get3A_18, %get3A_19] : memref<2x1000x128xf32, #tpu.memory_space<vmem>>, vector<1x1000x128xf32>
    %get3A_21 = vector.shape_cast %get3A_20 : vector<1x1000x128xf32> to vector<1000x128xf32>
    %concatenate3A_22 = tpu.concatenate %get3A_16, %get3A_21 in 1 : vector<1000x128xf32>, vector<1000x128xf32> -> vector<1000x256xf32>
    %add3A = arith.addf %concatenate3A, %concatenate3A_22 : vector<1000x256xf32>
    %mul3A = vector.broadcast %get3A_1 : vector<1000x1xf32> to vector<1000x256xf32>
    %mul3A_23 = arith.mulf %add3A, %mul3A : vector<1000x256xf32>
    %get3A_24 = arith.constant 0 : index
    %get3A_25 = arith.constant 0 : index
    %get3A_26 = vector.load %arg4[%get3A_24, %get3A_25] : memref<1x256xf32, #tpu.memory_space<vmem>>, vector<1x256xf32>
    %get3A_27 = vector.shape_cast %get3A_26 : vector<1x256xf32> to vector<256xf32>
    %broadcast_in_dim3A = vector.shape_cast %get3A_27 : vector<256xf32> to vector<1x256xf32>
    %add3A_28 = vector.broadcast %broadcast_in_dim3A : vector<1x256xf32> to vector<1000x256xf32>
    %add3A_29 = arith.addf %mul3A_23, %add3A_28 : vector<1000x256xf32>
    %max3A = arith.constant 0.000000e+00 : f32
    %max3A_30 = vector.broadcast %max3A : f32 to vector<1000x256xf32>
    %max3A_31 = arith.maximumf %add3A_29, %max3A_30 : vector<1000x256xf32>
    %get3A_32 = arith.constant 0 : index
    %get3A_33 = arith.constant 0 : index
    %get3A_34 = vector.load %arg5[%get3A_32, %get3A_33] : memref<256x256xf32, #tpu.memory_space<vmem>>, vector<256x256xf32>
    %dot_general3A = arith.constant dense<0.000000e+00> : vector<1000x256xf32>
    %dot_general3A_35 = tpu.matmul %max3A_31, %get3A_34, %dot_general3A {dimension_numbers = #tpu.dot_dimension_numbers<[1], [0], [0], [1], [0, 0, 1, 1], [], []>, transpose_lhs_hint = false} : vector<1000x256xf32>, vector<256x256xf32>, vector<1000x256xf32> -> vector<1000x256xf32>
    %mul3A_36 = vector.broadcast %get3A_1 : vector<1000x1xf32> to vector<1000x256xf32>
    %mul3A_37 = arith.mulf %dot_general3A_35, %mul3A_36 : vector<1000x256xf32>
    %slice3A = vector.extract_strided_slice %mul3A_37 {offsets = [0, 0], sizes = [1000, 128], strides = [1, 1]} : vector<1000x256xf32> to vector<1000x128xf32>
    %swap3A = arith.constant 0 : index
    %swap3A_38 = arith.constant 0 : index
    %swap3A_39 = arith.constant 0 : index
    %swap3A_40 = vector.load %arg6[%swap3A, %swap3A_38, %swap3A_39] : memref<2x1000x128xf32, #tpu.memory_space<vmem>>, vector<1x1000x128xf32>
    %swap3A_41 = vector.shape_cast %swap3A_40 : vector<1x1000x128xf32> to vector<1000x128xf32>
    %swap3A_42 = vector.shape_cast %slice3A : vector<1000x128xf32> to vector<1x1000x128xf32>
    tpu.vector_store %arg6[%swap3A, %swap3A_38, %swap3A_39], %swap3A_42 {strides = array<i32>} : memref<2x1000x128xf32, #tpu.memory_space<vmem>>, vector<1x1000x128xf32>,
    %slice3A_43 = vector.extract_strided_slice %mul3A_37 {offsets = [0, 128], sizes = [1000, 128], strides = [1, 1]} : vector<1000x256xf32> to vector<1000x128xf32>
    %swap3A_44 = arith.constant 1 : index
    %swap3A_45 = arith.constant 0 : index
    %swap3A_46 = arith.constant 0 : index
    %swap3A_47 = vector.load %arg6[%swap3A_44, %swap3A_45, %swap3A_46] : memref<2x1000x128xf32, #tpu.memory_space<vmem>>, vector<1x1000x128xf32>
    %swap3A_48 = vector.shape_cast %swap3A_47 : vector<1x1000x128xf32> to vector<1000x128xf32>
    %swap3A_49 = vector.shape_cast %slice3A_43 : vector<1000x128xf32> to vector<1x1000x128xf32>
    tpu.vector_store %arg6[%swap3A_44, %swap3A_45, %swap3A_46], %swap3A_49 {strides = array<i32>} : memref<2x1000x128xf32, #tpu.memory_space<vmem>>, vector<1x1000x128xf32>,
    return
  }
  func.func @transform_0(%arg0: i32) -> (i32, i32) {
    %c0_i32 = arith.constant 0 : i32
    %c0_i32_0 = arith.constant 0 : i32
    return %arg0, %c0_i32 : i32, i32
  }
  func.func @transform_1(%arg0: i32) -> (i32, i32, i32) {
    %c0_i32 = arith.constant 0 : i32
    %c0_i32_0 = arith.constant 0 : i32
    %c0_i32_1 = arith.constant 0 : i32
    return %c0_i32, %arg0, %c0_i32_0 : i32, i32, i32
  }
  func.func @transform_2(%arg0: i32) -> (i32, i32, i32) {
    %c0_i32 = arith.constant 0 : i32
    %c0_i32_0 = arith.constant 0 : i32
    %c0_i32_1 = arith.constant 0 : i32
    return %c0_i32, %arg0, %c0_i32_0 : i32, i32, i32
  }
  func.func @transform_3(%arg0: i32) -> (i32, i32) {
    %c0_i32 = arith.constant 0 : i32
    %c0_i32_0 = arith.constant 0 : i32
    %c0_i32_1 = arith.constant 0 : i32
    return %c0_i32, %c0_i32_0 : i32, i32
  }
  func.func @transform_4(%arg0: i32) -> (i32, i32) {
    %c0_i32 = arith.constant 0 : i32
    %c0_i32_0 = arith.constant 0 : i32
    %c0_i32_1 = arith.constant 0 : i32
    return %c0_i32, %c0_i32_0 : i32, i32
  }
  func.func @transform_5(%arg0: i32) -> (i32, i32, i32) {
    %c0_i32 = arith.constant 0 : i32
    %c0_i32_0 = arith.constant 0 : i32
    %c0_i32_1 = arith.constant 0 : i32
    return %c0_i32, %arg0, %c0_i32_0 : i32, i32, i32
  }
}

module attributes {stable_mosaic.version = 14 : i64} {
  func.func @_final_body(%arg0: i32, %arg1: memref<1000x1xf32, #tpu.memory_space<vmem>>, %arg2: memref<2x1000x128xf32, #tpu.memory_space<vmem>>, %arg3: memref<2x1000x128xf32, #tpu.memory_space<vmem>>, %arg4: memref<1x256xf32, #tpu.memory_space<vmem>>, %arg5: memref<256x2xf32, #tpu.memory_space<vmem>>, %arg6: memref<1x2xf32, #tpu.memory_space<vmem>>, %arg7: memref<1x2xf32, #tpu.memory_space<vmem>>, %arg8: memref<1x256xf32, #tpu.memory_space<vmem>>) attributes {dimension_semantics = [#tpu.dimension_semantics<arbitrary>], iteration_bounds = array<i64: 10>, scalar_prefetch = 0 : i64, scratch_operands = 1 : i64, tpu.core_type = #tpu.core_type<tc>, window_params = [{transform_indices = @transform_0, window_bounds = array<i64: 1000, 1>}, {transform_indices = @transform_1, window_bounds = array<i64: 2, 1000, 128>}, {transform_indices = @transform_2, window_bounds = array<i64: 2, 1000, 128>}, {pipeline_mode = #tpu.pipeline_mode<synchronous>, transform_indices = @transform_3, window_bounds = array<i64: 1, 256>}, {pipeline_mode = #tpu.pipeline_mode<synchronous>, transform_indices = @transform_4, window_bounds = array<i64: 256, 2>}, {pipeline_mode = #tpu.pipeline_mode<synchronous>, transform_indices = @transform_5, window_bounds = array<i64: 1, 2>}, {pipeline_mode = #tpu.pipeline_mode<synchronous>, transform_indices = @transform_6, window_bounds = array<i64: 1, 2>}]} {
    %get3A = arith.constant 0 : index
    %get3A_0 = arith.constant 0 : index
    %get3A_1 = vector.load %arg1[%get3A, %get3A_0] : memref<1000x1xf32, #tpu.memory_space<vmem>>, vector<1000x1xf32>
    %get3A_2 = arith.constant 0 : index
    %get3A_3 = arith.constant 0 : index
    %get3A_4 = arith.constant 0 : index
    %get3A_5 = vector.load %arg2[%get3A_2, %get3A_3, %get3A_4] : memref<2x1000x128xf32, #tpu.memory_space<vmem>>, vector<1x1000x128xf32>
    %get3A_6 = vector.shape_cast %get3A_5 : vector<1x1000x128xf32> to vector<1000x128xf32>
    %get3A_7 = arith.constant 1 : index
    %get3A_8 = arith.constant 0 : index
    %get3A_9 = arith.constant 0 : index
    %get3A_10 = vector.load %arg2[%get3A_7, %get3A_8, %get3A_9] : memref<2x1000x128xf32, #tpu.memory_space<vmem>>, vector<1x1000x128xf32>
    %get3A_11 = vector.shape_cast %get3A_10 : vector<1x1000x128xf32> to vector<1000x128xf32>
    %concatenate3A = tpu.concatenate %get3A_6, %get3A_11 in 1 : vector<1000x128xf32>, vector<1000x128xf32> -> vector<1000x256xf32>
    %get3A_12 = arith.constant 0 : index
    %get3A_13 = arith.constant 0 : index
    %get3A_14 = arith.constant 0 : index
    %get3A_15 = vector.load %arg3[%get3A_12, %get3A_13, %get3A_14] : memref<2x1000x128xf32, #tpu.memory_space<vmem>>, vector<1x1000x128xf32>
    %get3A_16 = vector.shape_cast %get3A_15 : vector<1x1000x128xf32> to vector<1000x128xf32>
    %get3A_17 = arith.constant 1 : index
    %get3A_18 = arith.constant 0 : index
    %get3A_19 = arith.constant 0 : index
    %get3A_20 = vector.load %arg3[%get3A_17, %get3A_18, %get3A_19] : memref<2x1000x128xf32, #tpu.memory_space<vmem>>, vector<1x1000x128xf32>
    %get3A_21 = vector.shape_cast %get3A_20 : vector<1x1000x128xf32> to vector<1000x128xf32>
    %concatenate3A_22 = tpu.concatenate %get3A_16, %get3A_21 in 1 : vector<1000x128xf32>, vector<1000x128xf32> -> vector<1000x256xf32>
    %add3A = arith.addf %concatenate3A, %concatenate3A_22 : vector<1000x256xf32>
    %mul3A = vector.broadcast %get3A_1 : vector<1000x1xf32> to vector<1000x256xf32>
    %mul3A_23 = arith.mulf %add3A, %mul3A : vector<1000x256xf32>
    %get3A_24 = arith.constant 0 : index
    %get3A_25 = arith.constant 0 : index
    %get3A_26 = vector.load %arg4[%get3A_24, %get3A_25] : memref<1x256xf32, #tpu.memory_space<vmem>>, vector<1x256xf32>
    %get3A_27 = vector.shape_cast %get3A_26 : vector<1x256xf32> to vector<256xf32>
    %broadcast_in_dim3A = vector.shape_cast %get3A_27 : vector<256xf32> to vector<1x256xf32>
    %add3A_28 = vector.broadcast %broadcast_in_dim3A : vector<1x256xf32> to vector<1000x256xf32>
    %add3A_29 = arith.addf %mul3A_23, %add3A_28 : vector<1000x256xf32>
    %reduce_max3A = arith.constant dense<0xFF800000> : vector<256xf32>
    %reduce_max3A_30 = vector.multi_reduction <maximumf>, %add3A_29, %reduce_max3A [0] : vector<1000x256xf32> to vector<256xf32>
    %broadcast_in_dim3A_31 = vector.shape_cast %reduce_max3A_30 : vector<256xf32> to vector<1x256xf32>
    %eq3A = arith.constant 0 : i32
    %eq3A_32 = arith.cmpi eq, %arg0, %eq3A : i32
    %convert_element_type3A = arith.extui %eq3A_32 : i1 to i32
    %cond3A = arith.constant 0 : i32
    %cond3A_33 = arith.cmpi ne, %convert_element_type3A, %cond3A : i32
    scf.if %cond3A_33 {
      %swap3A = arith.constant 0 : index
      %swap3A_43 = arith.constant 0 : index
      %swap3A_44 = vector.load %arg8[%swap3A, %swap3A_43] : memref<1x256xf32, #tpu.memory_space<vmem>>, vector<1x256xf32>
      tpu.vector_store %arg8[%swap3A, %swap3A_43], %broadcast_in_dim3A_31 {strides = array<i32>} : memref<1x256xf32, #tpu.memory_space<vmem>>, vector<1x256xf32>,
    } else {
    }
    %gt3A = arith.constant 0 : i32
    %gt3A_34 = arith.cmpi sgt, %arg0, %gt3A : i32
    %convert_element_type3A_35 = arith.extui %gt3A_34 : i1 to i32
    %cond3A_36 = arith.constant 0 : i32
    %cond3A_37 = arith.cmpi ne, %convert_element_type3A_35, %cond3A_36 : i32
    scf.if %cond3A_37 {
      %get3A_43 = arith.constant 0 : index
      %get3A_44 = arith.constant 0 : index
      %get3A_45 = vector.load %arg8[%get3A_43, %get3A_44] : memref<1x256xf32, #tpu.memory_space<vmem>>, vector<1x256xf32>
      %max3A = arith.maximumf %get3A_45, %broadcast_in_dim3A_31 : vector<1x256xf32>
      %swap3A = arith.constant 0 : index
      %swap3A_46 = arith.constant 0 : index
      %swap3A_47 = vector.load %arg8[%swap3A, %swap3A_46] : memref<1x256xf32, #tpu.memory_space<vmem>>, vector<1x256xf32>
      tpu.vector_store %arg8[%swap3A, %swap3A_46], %max3A {strides = array<i32>} : memref<1x256xf32, #tpu.memory_space<vmem>>, vector<1x256xf32>,
    } else {
    }
    %eq3A_38 = arith.constant 9 : i32
    %eq3A_39 = arith.cmpi eq, %arg0, %eq3A_38 : i32
    %convert_element_type3A_40 = arith.extui %eq3A_39 : i1 to i32
    %cond3A_41 = arith.constant 0 : i32
    %cond3A_42 = arith.cmpi ne, %convert_element_type3A_40, %cond3A_41 : i32
    scf.if %cond3A_42 {
      %get3A_43 = arith.constant 0 : index
      %get3A_44 = arith.constant 0 : index
      %get3A_45 = vector.load %arg8[%get3A_43, %get3A_44] : memref<1x256xf32, #tpu.memory_space<vmem>>, vector<1x256xf32>
      %get3A_46 = arith.constant 0 : index
      %get3A_47 = arith.constant 0 : index
      %get3A_48 = vector.load %arg5[%get3A_46, %get3A_47] : memref<256x2xf32, #tpu.memory_space<vmem>>, vector<256x2xf32>
      %dot_general3A = arith.constant dense<0.000000e+00> : vector<1x2xf32>
      %dot_general3A_49 = tpu.matmul %get3A_45, %get3A_48, %dot_general3A {dimension_numbers = #tpu.dot_dimension_numbers<[1], [0], [0], [1], [0, 0, 1, 1], [], []>, transpose_lhs_hint = false} : vector<1x256xf32>, vector<256x2xf32>, vector<1x2xf32> -> vector<1x2xf32>
      %get3A_50 = arith.constant 0 : index
      %get3A_51 = arith.constant 0 : index
      %get3A_52 = vector.load %arg6[%get3A_50, %get3A_51] : memref<1x2xf32, #tpu.memory_space<vmem>>, vector<1x2xf32>
      %get3A_53 = vector.shape_cast %get3A_52 : vector<1x2xf32> to vector<2xf32>
      %broadcast_in_dim3A_54 = vector.shape_cast %get3A_53 : vector<2xf32> to vector<1x2xf32>
      %add3A_55 = arith.addf %dot_general3A_49, %broadcast_in_dim3A_54 : vector<1x2xf32>
      %reduce_max3A_56 = arith.constant dense<0xFF800000> : vector<1xf32>
      %reduce_max3A_57 = vector.multi_reduction <maximumf>, %add3A_55, %reduce_max3A_56 [1] : vector<1x2xf32> to vector<1xf32>
      %broadcast_in_dim3A_58 = vector.shape_cast %reduce_max3A_57 : vector<1xf32> to vector<1x1xf32>
      %sub3A = vector.broadcast %broadcast_in_dim3A_58 : vector<1x1xf32> to vector<1x2xf32>
      %sub3A_59 = arith.subf %add3A_55, %sub3A : vector<1x2xf32>
      %exp3A = math.exp %sub3A_59 : vector<1x2xf32>
      %reduce_sum3A = arith.constant dense<0.000000e+00> : vector<1xf32>
      %reduce_sum3A_60 = vector.multi_reduction <add>, %exp3A, %reduce_sum3A [1] : vector<1x2xf32> to vector<1xf32>
      %broadcast_in_dim3A_61 = vector.shape_cast %reduce_sum3A_60 : vector<1xf32> to vector<1x1xf32>
      %div3A = vector.broadcast %broadcast_in_dim3A_61 : vector<1x1xf32> to vector<1x2xf32>
      %div3A_62 = arith.divf %exp3A, %div3A : vector<1x2xf32>
      %swap3A = arith.constant 0 : index
      %swap3A_63 = arith.constant 0 : index
      %swap3A_64 = vector.load %arg7[%swap3A, %swap3A_63] : memref<1x2xf32, #tpu.memory_space<vmem>>, vector<1x2xf32>
      tpu.vector_store %arg7[%swap3A, %swap3A_63], %div3A_62 {strides = array<i32>} : memref<1x2xf32, #tpu.memory_space<vmem>>, vector<1x2xf32>,
    } else {
    }
    return
  }
  func.func @transform_0(%arg0: i32) -> (i32, i32) {
    %c0_i32 = arith.constant 0 : i32
    %c0_i32_0 = arith.constant 0 : i32
    return %arg0, %c0_i32 : i32, i32
  }
  func.func @transform_1(%arg0: i32) -> (i32, i32, i32) {
    %c0_i32 = arith.constant 0 : i32
    %c0_i32_0 = arith.constant 0 : i32
    %c0_i32_1 = arith.constant 0 : i32
    return %c0_i32, %arg0, %c0_i32_0 : i32, i32, i32
  }
  func.func @transform_2(%arg0: i32) -> (i32, i32, i32) {
    %c0_i32 = arith.constant 0 : i32
    %c0_i32_0 = arith.constant 0 : i32
    %c0_i32_1 = arith.constant 0 : i32
    return %c0_i32, %arg0, %c0_i32_0 : i32, i32, i32
  }
  func.func @transform_3(%arg0: i32) -> (i32, i32) {
    %c0_i32 = arith.constant 0 : i32
    %c0_i32_0 = arith.constant 0 : i32
    %c0_i32_1 = arith.constant 0 : i32
    return %c0_i32, %c0_i32_0 : i32, i32
  }
  func.func @transform_4(%arg0: i32) -> (i32, i32) {
    %c0_i32 = arith.constant 0 : i32
    %c0_i32_0 = arith.constant 0 : i32
    %c0_i32_1 = arith.constant 0 : i32
    return %c0_i32, %c0_i32_0 : i32, i32
  }
  func.func @transform_5(%arg0: i32) -> (i32, i32) {
    %c0_i32 = arith.constant 0 : i32
    %c0_i32_0 = arith.constant 0 : i32
    %c0_i32_1 = arith.constant 0 : i32
    return %c0_i32, %c0_i32_0 : i32, i32
  }
  func.func @transform_6(%arg0: i32) -> (i32, i32) {
    %c0_i32 = arith.constant 0 : i32
    %c0_i32_0 = arith.constant 0 : i32
    %c0_i32_1 = arith.constant 0 : i32
    return %c0_i32, %c0_i32_0 : i32, i32
  }
}

</mosaic_0001>

<sc_bundles>
// kernel: kernel.10.cloned.1.call-start
scs
__scs_entry_jumppad:
0x0: {  	(pc) =	sbr.rel $0x88, $3  }
0x1: {  	(tag) =	ssettag $0x0;
	lr =	simm.s32 $0x1  }
0x2: {  	[smem:$0x3F95] =	sst lr;
	_ =	strace $0xD0000000  }
0x3: {  	_ = 	snop  }
0x4: {  	_ = 	snop  }
0x5: {  	_ = 	snop  }
0x6: {  	_ = 	snop  }
0x7: {  	_ = 	snop  }
__scs_overlays_trampoline_lowered:
0x8: {  	[smem:$0x3FA4] =	sst s0  }
0x9: {  	[smem:$0x3FA5] =	sst s1  }
0xa: {  	[smem:$0x3FA6] =	sst s2  }
0xb: {  	[smem:$0x3FA7] =	sst s3  }
0xc: {  	[smem:$0x3FA8] =	sst s4  }
0xd: {  	[smem:$0x3FA9] =	sst s5  }
0xe: {  	[smem:$0x3FAA] =	sst s6  }
0xf: {  	[smem:$0x3FAB] =	sst s7  }
0x10: {  	[smem:$0x3FAC] =	sst s8  }
0x11: {  	[smem:$0x3FAD] =	sst s9;
	s0 =	simm.s32 @!p0 $0x0  }
0x12: {  	s1 =	sld [smem:$0x3F93];
	s0 =	simm.s32 @p0 $0x1  }
0x13: {  	[smem:$0x3FAE] =	sst s0;
	s0 =	simm.s32 @!p1 $0x0  }
0x14: {  	s2 =	sld [smem:$0x3F92];
	s0 =	simm.s32 @p1 $0x1  }
0x15: {  	[smem:$0x3FAF] =	sst s0;
	s0 =	simm.s32 @!p2 $0x0  }
0x16: {  	s3 =	sld [smem:$0x3FDB];
	s0 =	simm.s32 @p2 $0x1  }
0x17: {  	s4 =	simm.s32 $0x1BF5;
	[smem:$0x3FB1] =	sst s0  }
0x18: {  	s0 =	sld [smem:$0x3F94];
	_ =	swait.ge [sflag:s4], $0x0  }
0x19: {  	s7 =	sld [smem:$0x3F95]  }
0x1a: {  	s8 =	sadd.s32 $0xFFFFE003, lr  }
0x1b: {  	s9 =	sadd.s32 $0xFFFFFEF7, lr;
	s5 =	simm.s32 $0xFFFFFFFF;
	p2 =	slt.u32 s8, $0xFFFFF086  }
0x1c: {  	p1 =	slt.u32 s9, $0xF7A;
	s5 =	simm.s32 @!p2 $0x0  }
0x1d: {  	s5 =	simm.s32 @p1 $0x1;
	p0 =	seq.s32 s7, s2  }
0x1e: {  	s7 =	smul.u32 @!p0 $0xF7A, s2;
	p2 =	seq.s32 @!p0 s5, $0x0  }
0x1f: {  	s9 =	smul.u32 $0xF7A, s1;
	s8 =	simm.s32 @!p0 $0x1BF5;
	p2 =	por !p2, p0  }
0x20: {  	[sflag:s8] =	ssyncset.s32 @!p0 $0xFFFFF086;
	s6 =	sadd.s32 @!p0 s3, s7;
	s7 =	simm.s32 @!p0 $0x108  }
0x21: {  	s3 =	sadd.s32 s3, s9;
	s6 =	sadd.s32 @!p0 $0x88, s6;
	s7 =	simm.s32 @p2 $0x1082  }
0x22: {  	[simem:s7], [sflag:s8] =	dma.local @!p0 [hbm:s6], $0xF7A  }
0x23: {  	s9 =	sor.u32 $0xD0000000, s2;
	s6 =	simm.s32 $0x108;
	_ =	swait.ge @!p0 [sflag:s8], $0x0  }
0x24: {  	s3 =	sadd.s32 $0x88, s3;
	s6 =	simm.s32 @!p1 $0x1082;
	[sflag:s4] =	ssyncset.s32 $0xFFFFF086  }
0x25: {  	[simem:s6], [sflag:s4] =	dma.local [hbm:s3], $0xF7A  }
0x26: {  	[smem:$0x3F95] =	sst s1;
	(tag) =	ssettag s2;
	_ =	strace s9  }
0x27: {  	s1 =	sld [smem:$0x3FA5]  }
0x28: {  	s2 =	sld [smem:$0x3FA6]  }
0x29: {  	s4 =	sld [smem:$0x3FA8]  }
0x2a: {  	p0 =	seq.s32 s5, $0x0;
	s5 =	sld [smem:$0x3FA9]  }
0x2b: {  	s6 =	sld [smem:$0x3FAA]  }
0x2c: {  	s7 =	sld [smem:$0x3FAB]  }
0x2d: {  	s3 =	simm.s32 $0x108;
	s8 =	sld [smem:$0x3FAC]  }
0x2e: {  	s3 =	simm.s32 @!p0 $0x1082;
	s9 =	sld [smem:$0x3FAD]  }
0x2f: {  	lr =	sadd.s32 s0, s3;
	s0 =	sld [smem:$0x3FA4]  }
0x30: {  	s3 =	sld [smem:$0x3FA7]  }
0x31: {  	[smem:$0x3FB0] =	sst s10  }
0x32: {  	s10 =	sld [smem:$0x3FAE];
	_ =	sdelay $0x3  }
0x33: {  	p0 =	seq.s32 s10, $0x1;
	s10 =	sld [smem:$0x3FB0];
	_ =	sdelay $0x3  }
0x34: {  	[smem:$0x3FB0] =	sst s10  }
0x35: {  	s10 =	sld [smem:$0x3FAF];
	_ =	sdelay $0x3  }
0x36: {  	p1 =	seq.s32 s10, $0x1;
	s10 =	sld [smem:$0x3FB0];
	_ =	sdelay $0x3  }
0x37: {  	[smem:$0x3FB0] =	sst s10  }
0x38: {  	s10 =	sld [smem:$0x3FB1]  }
0x39: {  	_ = 	snop;
	(pc) =	sbr.ind lr, $3  }
0x3a: {  	_ = 	snop  }
0x3b: {  	_ = 	snop  }
0x3c: {  	p2 =	seq.s32 s10, $0x1;
	s10 =	sld [smem:$0x3FB0]  }
0x3d: {  	_ =	shalt  }
0x3e: {  	_ =	shalt  }
0x3f: {  	_ =	shalt  }
0x40: {  	_ =	shalt  }
0x41: {  	_ =	shalt  }
0x42: {  	_ =	shalt  }
0x43: {  	_ =	shalt  }
0x44: {  	_ =	shalt  }
0x45: {  	_ =	shalt  }
0x46: {  	_ =	shalt  }
0x47: {  	_ =	shalt  }
0x48: {  	_ =	shalt  }
0x49: {  	_ =	shalt  }
0x4a: {  	_ =	shalt  }
0x4b: {  	_ =	shalt  }
0x4c: {  	_ =	shalt  }
0x4d: {  	_ =	shalt  }
0x4e: {  	_ =	shalt  }
0x4f: {  	_ =	shalt  }
0x50: {  	_ =	shalt  }
0x51: {  	_ =	shalt  }
0x52: {  	_ =	shalt  }
0x53: {  	_ =	shalt  }
0x54: {  	_ =	shalt  }
0x55: {  	_ =	shalt  }
0x56: {  	_ =	shalt  }
0x57: {  	_ =	shalt  }
0x58: {  	_ =	shalt  }
0x59: {  	_ =	shalt  }
0x5a: {  	_ =	shalt  }
0x5b: {  	_ =	shalt  }
0x5c: {  	_ =	shalt  }
0x5d: {  	_ =	shalt  }
0x5e: {  	_ =	shalt  }
0x5f: {  	_ =	shalt  }
0x60: {  	_ =	shalt  }
0x61: {  	_ =	shalt  }
0x62: {  	_ =	shalt  }
0x63: {  	_ =	shalt  }
0x64: {  	_ =	shalt  }
0x65: {  	_ =	shalt  }
0x66: {  	_ =	shalt  }
0x67: {  	_ =	shalt  }
0x68: {  	_ =	shalt  }
0x69: {  	_ =	shalt  }
0x6a: {  	_ =	shalt  }
0x6b: {  	_ =	shalt  }
0x6c: {  	_ =	shalt  }
0x6d: {  	_ =	shalt  }
0x6e: {  	_ =	shalt  }
0x6f: {  	_ =	shalt  }
0x70: {  	_ =	shalt  }
0x71: {  	_ =	shalt  }
0x72: {  	_ =	shalt  }
0x73: {  	_ =	shalt  }
0x74: {  	_ =	shalt  }
0x75: {  	_ =	shalt  }
0x76: {  	_ =	shalt  }
0x77: {  	_ =	shalt  }
0x78: {  	_ =	shalt  }
0x79: {  	_ =	shalt  }
0x7a: {  	_ =	shalt  }
0x7b: {  	_ =	shalt  }
0x7c: {  	_ =	shalt  }
0x7d: {  	_ =	shalt  }
0x7e: {  	_ =	shalt  }
0x7f: {  	_ =	shalt  }
0x80: {  	_ =	shalt  }
0x81: {  	_ =	shalt  }
0x82: {  	_ =	shalt  }
0x83: {  	_ =	shalt  }
0x84: {  	_ =	shalt  }
0x85: {  	_ =	shalt  }
0x86: {  	_ =	shalt  }
0x87: {  	_ =	shalt  }
.Lfunc_end0:
.L_simem_size_0:
called_computation_lowered:
.L_overlay_start_0:
0x88: {  	s2 =	sld [smem:$0x3FD9]  }
0x89: {  	s3 =	sld [smem:$0x3FFE];
	_ =	sdelay $0x1  }
0x8a: {  	s1 =	srdreg.scid  }
0x8b: {  	s0 =	sand.u32 $0x1, s1  }
0x8c: {  	s16 =	sshll.u32 s0, $0xA;
	s2 =	sadd.s32 s3, s2  }
0x8d: {  	s2 =	sadd.s32 s2, s16  }
0x8e: {  	[smem:$0x3FBC] =	sst s2  }
0x8f: {  	_ = 	snop  }
0x90: {  	(tm) =	ssettm $0x1  }
0x91: {  	s17 =	sld [smem:$0x3FFB];
	_ =	sdelay $0x3  }
0x92: {  	_ =	strace s17  }
0x93: {  	s2 =	sld [smem:$0x3FFC];
	_ =	sdelay $0x3  }
0x94: {  	_ =	strace s2  }
0x95: {  	s2 =	sld [smem:$0x3FFD];
	_ =	sdelay $0x3  }
0x96: {  	_ =	strace s2  }
0x97: {  	_ =	strace $0x8FFFFFFF  }
0x98: {  	s18 =	sld [smem:$0x3FDB];
	_ =	sdelay $0x1  }
0x99: {  	s19 =	simm.s32 $_scs_section_size  }
0x9a: {  	s4 =	simm.s32 $_size__tile_overlayer_lowered;
	s5 =	simm.s32 $_tile_overlayer_lowered  }
0x9b: {  	s22 =	simm.s32 $0x1BFF;
	s21 =	sshll.u32 s5, $0x1;
	s2 =	sadd.s32 s19, s18  }
0x9c: {  	s6 =	simm.s32 $0x0;
	s20 =	sshll.u32 s4, $0x1;
	s4 =	sadd.s32 s21, s2  }
0x9d: {  	[timem:s6], [sflag:s22] =	dma.local [hbm:s4], s20  }
0x9e: {  	_ =	swait.ge [sflag:s22], s20  }
0x9f: {  	s3 =	ssub.s32 $0x0, s20;
	[sflag:s22] =	ssyncset.done $0x0  }
0xa0: {  	[sflag:s22] =	ssyncadd.s32 s3;
	_ =	sdelay $0x1  }
0xa1: {  	s23 =	simm.s32 $0x1B8B  }
0xa2: {  	_ =	swait.ge [sflag:s23], $0x1  }
0xa3: {  	[sflag:s23] =	ssyncset.done $0x0  }
0xa4: {  	s25 =	simm.s32 $0x1B8E;
	s24 =	sld [smem:$0x3FFE];
	[sflag:s23] =	ssyncadd.s32 $0xFFFFFFFF  }
0xa5: {  	s26 =	simm.s32 $execute0_lowered;
	[smem:$0x3FD2] =	sst s25  }
0xa6: {  	s4 =	sshll.u32 s26, $0x1;
	_ =	strace $0x80000046;
	[dreg:$0x1] =	wrdreg $0xFFFFFFFF  }
0xa7: {  	s28 =	simm.s32 $_size_execute0_lowered;
	s2 =	sadd.s32 s2, s4;
	[dreg:$0x0] =	wrdreg $0x0  }
0xa8: {  	s4 =	sshll.u32 s28, $0x1;
	[dreg:$0x2] =	wrdreg s2  }
0xa9: {  	[dreg:$0x3] =	wrdreg s4  }
0xaa: {  	[dreg:$0x4] =	wrdreg $0xC0  }
0xab: {  	_ =	task [dreg:s6], $0x5FFFF  }
0xac: {  	[dreg:$0x1] =	wrdreg $0xFFFFFFFF  }
0xad: {  	[dreg:$0x0] =	wrdreg $0x60  }
0xae: {  	[dreg:$0x2] =	wrdreg s24  }
0xaf: {  	[dreg:$0x3] =	wrdreg $0x44000  }
0xb0: {  	[dreg:$0x4] =	wrdreg $0x9  }
0xb1: {  	_ =	task.clear_ibuf [dreg:s6], $0x5FFFF;
	_ =	strace $0x90000046  }
0xb2: {  	s29 =	simm.s32 $0x9;
	_ =	strace $0x80000048  }
0xb3: {  	_ =	swait.ge [sflag:s29], $0x1  }
0xb4: {  	[sflag:s29] =	ssyncadd.s32 $0xFFFFFFFF  }
0xb5: {  	_ =	strace $0x90000048  }
0xb6: {  	_ =	sfence  }
0xb7: {  	s30 =	sld [smem:$0x0];
	_ =	sdelay $0x2  }
0xb8: {  	s31 =	sshll.u32 s1, $0xD;
	s1 =	sshrl.u32 s1, $0x2  }
0xb9: {  	s3 =	sand.u32 $0x4000, s31;
	s1 =	sadd.s32 s1, s30  }
0xba: {  	s0 =	sor.u32 s3, s0;
	s1 =	sshll.u32 s1, $0x11  }
0xbb: {  	s0 =	sor.u32 s1, s0  }
0xbc: {  	s0 =	sadd.s32 $0x8F2B, s0  }
0xbd: {  	[sflag:s0] =	ssyncadd.remote.s32 $0x1  }
0xbe: {  	_ =	sfence.sel $0xFFFF  }
0xbf: {  	[dreg:$0x0] =	wrdreg $0xFFFFFFFF;
	(pc) =	sbr.abs _section_cstart, $3  }
0xc0: {  	[dreg:$0x1] =	wrdreg $0xFFFFFFFF  }
0xc1: {  	_ =	task.clear_ibuf [dreg:s6], $0x2FFFF;
	_ =	strace $0x9FFFFFFF  }
0xc2: {  	(tm) =	ssettm $0x7FFFFFFF  }
0xc3: {  	_ =	shalt  }
tec
execute0_lowered:
.L_overlay_start_1:
0x0: {  	(tag) =	ssettag $0x1  }
0x1: {  	s6 =	rddreg [dreg:$0x0];
	s0 =	stileid.u32  }
0x2: {  	s1 =	srdreg.scid;
	s2 =	rddreg [dreg:$0x1]  }
0x3: {  	s3 =	simm.s32 $0x0;
	s13 =	simm.s32 $0x7D;
	s14 =	simm.s32 $0x80  }
0x4: {  	s15 =	simm.s32 $0x100;
	s16 =	simm.s32 $0x180;
	s17 =	simm.s32 $0x200  }
0x5: {  	s18 =	simm.s32 $0x280;
	s19 =	simm.s32 $0x300;
	s4 =	smul.u32 $0xA00, s0  }
0x6: {  	s20 =	simm.s32 $0x380;
	s21 =	simm.s32 $0x0;
	s8 =	smul.u32 $0x14000, s0  }
0x7: {  	s7 =	sand.u32 $0x1, s1;
	s1 =	rddreg [dreg:$0x2];
	s12 =	smul.u32 $0x50000, s0  }
0x8: {  	[smem:$0x7FF] =	sst s3;
	s31 =	sshll.u32 s0, $0x6;
	s5 =	smul.u32 $0x140000, s7  }
0x9: {  	_ =	strace $0x80000047;
	s29 =	ssub.s32 $0x2, s7;
	s7 =	sshll.u32 s7, $0x7  }
0xa: {  	s9 =	sadd.s32 s4, s6;
	s4 =	sadd.s32 $0xD400, s6;
	s11 =	sshrl.u32 s29, $0x1  }
0xb: {  	s30 =	sshrl.u32 s12, $0x2;
	s5 =	sadd.s32 s8, s5;
	s8 =	ssub.s32 s29, s11  }
0xc: {  	s12 =	sadd.s32 s30, s2;
	s9 =	sadd.s32 s7, s9;
	s11 =	simm.s32 $0x1  }
0xd: {  	s10 =	sshrl.u32 s5, $0x3;
	s5 =	sadd.s32 $0xFC00, s6;
	s8 =	smax.u32 s8, $0x1  }
0xe: {  	s9 =	sadd.s32 $0x3400, s9;
	s10 =	sadd.s32 s10, s6;
	s6 =	sor.u32 $0x1C01, s31  }
0xf: {  	s7 =	sadd.s32 $0x10400, s10;
	s10 =	sshrl.u32 s12, $0x3;
	s12 =	simm.s32 $0x400  }
.LBB2_1:
0x10: {  	[spmem:s10], [sflag:s6] =	dma.local [hbm:s4], $0x2800  }
0x11: {  	_ =	swait.ge [sflag:s11], $0x2800  }
0x12: {  	[sflag:s11] =	ssyncset.done $0x0  }
0x13: {  	[sflag:s11] =	ssyncadd.s32 $0xFFFFD800  }
0x14: {  	[tilespmem:s12], [sflag:$0x1] =	stream.linear.gather [hbm4b:s5+s3], $0x3E80, $0x38;
	[tilespmem:$0x18400] =	vst v63  }
0x15: {  	_ =	swait.ge [sflag:s11], $0x3E80  }
0x16: {  	[sflag:s11] =	ssyncset.done $0x0  }
0x17: {  	[sflag:s11] =	ssyncadd.s32 $0xFFFFC180  }
0x18: {  	s22 =	sadd.s32 $0x0, s9;
	[bflag:$0x0] =	sbarrier.arrive $0xFFFF  }
0x19: {  	[tilespmem:s3], [sflag:$0x1] =	stream.linear.gather [hbm4b:s22+s3], $0x400, $0x38;
	[tilespmem:$0x18400] =	vst v63  }
0x1a: {  	_ =	swait.ge [sflag:s11], $0x400  }
0x1b: {  	[sflag:s11] =	ssyncset.done $0x0  }
0x1c: {  	[sflag:s11] =	ssyncadd.s32 $0xFFFFFC00  }
0x1d: {  	[spmem:s2] =	stream.indirect.scatter.add.f32 [tilespmem:s12], [sflag:$0x1], $0x80, s3, s13, $0xb8;
	[tilespmem:$0x18400] =	vst v63  }
0x1e: {  	_ =	swait.ge [sflag:s11], $0x3E80  }
0x1f: {  	[sflag:s11] =	ssyncset.done $0x0  }
0x20: {  	[sflag:s11] =	ssyncadd.s32 $0xFFFFC180  }
0x21: {  	[spmem:s2] =	stream.indirect.scatter.add.f32 [tilespmem:s12], [sflag:$0x1], $0x80, s14, s13, $0xb8;
	[tilespmem:$0x18400] =	vst v63  }
0x22: {  	_ =	swait.ge [sflag:s11], $0x3E80  }
0x23: {  	[sflag:s11] =	ssyncset.done $0x0  }
0x24: {  	[sflag:s11] =	ssyncadd.s32 $0xFFFFC180  }
0x25: {  	[spmem:s2] =	stream.indirect.scatter.add.f32 [tilespmem:s12], [sflag:$0x1], $0x80, s15, s13, $0xb8;
	[tilespmem:$0x18400] =	vst v63  }
0x26: {  	_ =	swait.ge [sflag:s11], $0x3E80  }
0x27: {  	[sflag:s11] =	ssyncset.done $0x0  }
0x28: {  	[sflag:s11] =	ssyncadd.s32 $0xFFFFC180  }
0x29: {  	[spmem:s2] =	stream.indirect.scatter.add.f32 [tilespmem:s12], [sflag:$0x1], $0x80, s16, s13, $0xb8;
	[tilespmem:$0x18400] =	vst v63  }
0x2a: {  	_ =	swait.ge [sflag:s11], $0x3E80  }
0x2b: {  	[sflag:s11] =	ssyncset.done $0x0  }
0x2c: {  	[sflag:s11] =	ssyncadd.s32 $0xFFFFC180  }
0x2d: {  	[spmem:s2] =	stream.indirect.scatter.add.f32 [tilespmem:s12], [sflag:$0x1], $0x80, s17, s13, $0xb8;
	[tilespmem:$0x18400] =	vst v63  }
0x2e: {  	_ =	swait.ge [sflag:s11], $0x3E80  }
0x2f: {  	[sflag:s11] =	ssyncset.done $0x0  }
0x30: {  	[sflag:s11] =	ssyncadd.s32 $0xFFFFC180  }
0x31: {  	[spmem:s2] =	stream.indirect.scatter.add.f32 [tilespmem:s12], [sflag:$0x1], $0x80, s18, s13, $0xb8;
	[tilespmem:$0x18400] =	vst v63  }
0x32: {  	_ =	swait.ge [sflag:s11], $0x3E80  }
0x33: {  	[sflag:s11] =	ssyncset.done $0x0  }
0x34: {  	[sflag:s11] =	ssyncadd.s32 $0xFFFFC180  }
0x35: {  	[spmem:s2] =	stream.indirect.scatter.add.f32 [tilespmem:s12], [sflag:$0x1], $0x80, s19, s13, $0xb8;
	[tilespmem:$0x18400] =	vst v63  }
0x36: {  	_ =	swait.ge [sflag:s11], $0x3E80  }
0x37: {  	[sflag:s11] =	ssyncset.done $0x0  }
0x38: {  	[sflag:s11] =	ssyncadd.s32 $0xFFFFC180  }
0x39: {  	[spmem:s2] =	stream.indirect.scatter.add.f32 [tilespmem:s12], [sflag:$0x1], $0x80, s20, s13, $0xb8;
	[tilespmem:$0x18400] =	vst v63  }
0x3a: {  	_ =	swait.ge [sflag:s11], $0x3E80  }
0x3b: {  	s24 =	simm.s32 $0x200;
	s22 =	simm.s32 $0x100;
	[sflag:s11] =	ssyncset.done $0x0  }
.LBB2_2:
0x3c: {  	s25 =	sadd.s32 s22, s9  }
0x3d: {  	[sflag:s11] =	ssyncadd.s32 $0xFFFFC180;
	s22 =	smov.u32 s24;
	s23 =	sadd.s32 $0x100, s24  }
0x3e: {  	[tilespmem:s3], [sflag:$0x1] =	stream.linear.gather [hbm4b:s25+s3], $0x400, $0x38;
	[tilespmem:$0x18400] =	vst v63  }
0x3f: {  	p0 =	sne.s32 s24, $0x900;
	_ =	swait.ge [sflag:s11], $0x400  }
0x40: {  	[sflag:s11] =	ssyncset.done $0x0  }
0x41: {  	[sflag:s11] =	ssyncadd.s32 $0xFFFFFC00  }
0x42: {  	[spmem:s2] =	stream.indirect.scatter.add.f32 [tilespmem:s12], [sflag:$0x1], $0x80, s3, s13, $0xb8;
	[tilespmem:$0x18400] =	vst v63  }
0x43: {  	_ =	swait.ge [sflag:s11], $0x3E80  }
0x44: {  	[sflag:s11] =	ssyncset.done $0x0  }
0x45: {  	[sflag:s11] =	ssyncadd.s32 $0xFFFFC180  }
0x46: {  	[spmem:s2] =	stream.indirect.scatter.add.f32 [tilespmem:s12], [sflag:$0x1], $0x80, s14, s13, $0xb8;
	[tilespmem:$0x18400] =	vst v63  }
0x47: {  	_ =	swait.ge [sflag:s11], $0x3E80  }
0x48: {  	[sflag:s11] =	ssyncset.done $0x0  }
0x49: {  	[sflag:s11] =	ssyncadd.s32 $0xFFFFC180  }
0x4a: {  	[spmem:s2] =	stream.indirect.scatter.add.f32 [tilespmem:s12], [sflag:$0x1], $0x80, s15, s13, $0xb8;
	[tilespmem:$0x18400] =	vst v63  }
0x4b: {  	_ =	swait.ge [sflag:s11], $0x3E80  }
0x4c: {  	[sflag:s11] =	ssyncset.done $0x0  }
0x4d: {  	[sflag:s11] =	ssyncadd.s32 $0xFFFFC180  }
0x4e: {  	[spmem:s2] =	stream.indirect.scatter.add.f32 [tilespmem:s12], [sflag:$0x1], $0x80, s16, s13, $0xb8;
	[tilespmem:$0x18400] =	vst v63  }
0x4f: {  	_ =	swait.ge [sflag:s11], $0x3E80  }
0x50: {  	[sflag:s11] =	ssyncset.done $0x0  }
0x51: {  	[sflag:s11] =	ssyncadd.s32 $0xFFFFC180  }
0x52: {  	[spmem:s2] =	stream.indirect.scatter.add.f32 [tilespmem:s12], [sflag:$0x1], $0x80, s17, s13, $0xb8;
	[tilespmem:$0x18400] =	vst v63  }
0x53: {  	_ =	swait.ge [sflag:s11], $0x3E80  }
0x54: {  	[sflag:s11] =	ssyncset.done $0x0  }
0x55: {  	[sflag:s11] =	ssyncadd.s32 $0xFFFFC180  }
0x56: {  	[spmem:s2] =	stream.indirect.scatter.add.f32 [tilespmem:s12], [sflag:$0x1], $0x80, s18, s13, $0xb8;
	[tilespmem:$0x18400] =	vst v63  }
0x57: {  	_ =	swait.ge [sflag:s11], $0x3E80  }
0x58: {  	[sflag:s11] =	ssyncset.done $0x0  }
0x59: {  	[sflag:s11] =	ssyncadd.s32 $0xFFFFC180  }
0x5a: {  	[spmem:s2] =	stream.indirect.scatter.add.f32 [tilespmem:s12], [sflag:$0x1], $0x80, s19, s13, $0xb8;
	[tilespmem:$0x18400] =	vst v63  }
0x5b: {  	_ =	swait.ge [sflag:s11], $0x3E80  }
.Ltmp0:
0x5c: {  	[sflag:s11] =	ssyncset.done $0x0;
	(pc) =	sbr.rel @p0 .LBB2_2-.Ltmp0, $4  }
0x5d: {  	[sflag:s11] =	ssyncadd.s32 $0xFFFFC180  }
0x5e: {  	[spmem:s2] =	stream.indirect.scatter.add.f32 [tilespmem:s12], [sflag:$0x1], $0x80, s20, s13, $0xb8;
	[tilespmem:$0x18400] =	vst v63  }
0x5f: {  	_ =	swait.ge [sflag:s11], $0x3E80  }
0x60: {  	s24 =	smov.u32 s23;
	[sflag:s11] =	ssyncset.done $0x0  }
0x61: {  	s22 =	sadd.s32 s22, s9;
	[sflag:s11] =	ssyncadd.s32 $0xFFFFC180  }
0x62: {  	[tilespmem:s3], [sflag:$0x1] =	stream.linear.gather [hbm4b:s22+s3], $0x400, $0x38;
	[tilespmem:$0x18400] =	vst v63  }
0x63: {  	_ =	swait.ge [sflag:s11], $0x400  }
0x64: {  	[sflag:s11] =	ssyncset.done $0x0  }
0x65: {  	[sflag:s11] =	ssyncadd.s32 $0xFFFFFC00  }
0x66: {  	[spmem:s2] =	stream.indirect.scatter.add.f32 [tilespmem:s12], [sflag:$0x1], $0x80, s3, s13, $0xb8;
	[tilespmem:$0x18400] =	vst v63  }
0x67: {  	_ =	swait.ge [sflag:s11], $0x3E80  }
0x68: {  	[sflag:s11] =	ssyncset.done $0x0  }
0x69: {  	[sflag:s11] =	ssyncadd.s32 $0xFFFFC180  }
0x6a: {  	[spmem:s2] =	stream.indirect.scatter.add.f32 [tilespmem:s12], [sflag:$0x1], $0x80, s14, s13, $0xb8;
	[tilespmem:$0x18400] =	vst v63  }
0x6b: {  	_ =	swait.ge [sflag:s11], $0x3E80  }
0x6c: {  	[sflag:s11] =	ssyncset.done $0x0  }
0x6d: {  	[sflag:s11] =	ssyncadd.s32 $0xFFFFC180  }
0x6e: {  	[spmem:s2] =	stream.indirect.scatter.add.f32 [tilespmem:s12], [sflag:$0x1], $0x80, s15, s13, $0xb8;
	[tilespmem:$0x18400] =	vst v63  }
0x6f: {  	_ =	swait.ge [sflag:s11], $0x3E80  }
0x70: {  	[sflag:s11] =	ssyncset.done $0x0  }
0x71: {  	[sflag:s11] =	ssyncadd.s32 $0xFFFFC180  }
0x72: {  	[spmem:s2] =	stream.indirect.scatter.add.f32 [tilespmem:s12], [sflag:$0x1], $0x80, s16, s13, $0xb8;
	[tilespmem:$0x18400] =	vst v63  }
0x73: {  	_ =	swait.ge [sflag:s11], $0x3E80  }
0x74: {  	[sflag:s11] =	ssyncset.done $0x0  }
0x75: {  	[sflag:s11] =	ssyncadd.s32 $0xFFFFC180  }
0x76: {  	[spmem:s2] =	stream.indirect.scatter.add.f32 [tilespmem:s12], [sflag:$0x1], $0x80, s17, s13, $0xb8;
	[tilespmem:$0x18400] =	vst v63  }
0x77: {  	_ =	swait.ge [sflag:s11], $0x3E80  }
0x78: {  	[sflag:s11] =	ssyncset.done $0x0  }
0x79: {  	[sflag:s11] =	ssyncadd.s32 $0xFFFFC180  }
0x7a: {  	[spmem:s2] =	stream.indirect.scatter.add.f32 [tilespmem:s12], [sflag:$0x1], $0x80, s18, s13, $0xb8;
	[tilespmem:$0x18400] =	vst v63  }
0x7b: {  	_ =	swait.ge [sflag:s11], $0x3E80  }
0x7c: {  	[sflag:s11] =	ssyncset.done $0x0  }
0x7d: {  	[sflag:s11] =	ssyncadd.s32 $0xFFFFC180  }
0x7e: {  	[spmem:s2] =	stream.indirect.scatter.add.f32 [tilespmem:s12], [sflag:$0x1], $0x80, s19, s13, $0xb8;
	[tilespmem:$0x18400] =	vst v63  }
0x7f: {  	_ =	swait.ge [sflag:s11], $0x3E80  }
0x80: {  	[sflag:s11] =	ssyncset.done $0x0  }
0x81: {  	[sflag:s11] =	ssyncadd.s32 $0xFFFFC180  }
0x82: {  	[spmem:s2] =	stream.indirect.scatter.add.f32 [tilespmem:s12], [sflag:$0x1], $0x80, s20, s13, $0xb8;
	[tilespmem:$0x18400] =	vst v63  }
0x83: {  	_ =	swait.ge [sflag:s11], $0x3E80  }
0x84: {  	s21 =	sadd.s32 $0x1, s21;
	[sflag:s11] =	ssyncset.done $0x0  }
0x85: {  	p0 =	sne.s32 s21, s8;
	[sflag:s11] =	ssyncadd.s32 $0xFFFFC180  }
.Ltmp1:
0x86: {  	[bflag:$0x0] =	sbarrier.arrive $0xFFFF;
	(pc) =	sbr.rel @p0 .LBB2_1-.Ltmp1, $4  }
0x87: {  	[hbm:s7], [sflag:s6] =	dma.local [spmem:s10], $0x2800  }
0x88: {  	_ =	swait.ge [sflag:s11], $0x2800  }
0x89: {  	[sflag:s11] =	ssyncset.done $0x0  }
0x8a: {  	[sflag:s11] =	ssyncadd.s32 $0xFFFFD800  }
0x8b: {  	_ =	sfence.sel $0x180000  }
0x8c: {  	[bflag:$0x0] =	sbarrier.arrive $0xFFFF  }
0x8d: {  	p0 =	sne.s32 s0, $0x0;
	_ =	strace $0x90000047  }
0x8e: {  	s0 =	sadd.s32 @!p0 $0x100000, s1;
	[bflag:$0x2] =	sbarrier.arrive $0xFFFF  }
0x8f: {  	[sflag:s0] =	ssyncadd.tile.s32 @!p0 $0x1;
	_ =	shalt  }
.Lfunc_end2:
_tile_overlayer_lowered:
.L_overlay_start_2:
0x90: {  	(tag) =	ssettag $0x2  }
0x91: {  	s0 =	rddreg [dreg:$0x0];
	s2 =	stileid.u32  }
0x92: {  	s1 =	rddreg [dreg:$0x1];
	p0 =	sne.s32 s2, $0x0  }
0x93: {  	s3 =	rddreg [dreg:$0x2];
	[bflag:$0x3] =	sbarrier.arrive $0xFFFF;
	s2 =	simm.s32 @!p0 $0x1C01  }
0x94: {  	[timem:s3], [sflag:s2] =	dma.local @!p0 [hbm:s0], s1  }
0x95: {  	s0 =	simm.s32 @!p0 $0x1  }
0x96: {  	_ =	swait.ge @!p0 [sflag:s0], s1  }
0x97: {  	s1 =	ssub.s32 @!p0 $0x0, s1;
	[sflag:s0] =	ssyncset.done @!p0 $0x0  }
0x98: {  	[sflag:s0] =	ssyncadd.s32 @!p0 s1  }
0x99: {  	[bflag:$0x3] =	sbarrier.arrive $0xFFFF  }
0x9a: {  	_ =	shalt  }

// kernel: kernel.13.cloned.1.call-start
scs
__scs_entry_jumppad:
0x0: {  	(pc) =	sbr.rel $0x88, $3  }
0x1: {  	(tag) =	ssettag $0x0;
	lr =	simm.s32 $0x1  }
0x2: {  	[smem:$0x3F95] =	sst lr;
	_ =	strace $0xD0000000  }
0x3: {  	_ = 	snop  }
0x4: {  	_ = 	snop  }
0x5: {  	_ = 	snop  }
0x6: {  	_ = 	snop  }
0x7: {  	_ = 	snop  }
__scs_overlays_trampoline_lowered:
0x8: {  	[smem:$0x3FA4] =	sst s0  }
0x9: {  	[smem:$0x3FA5] =	sst s1  }
0xa: {  	[smem:$0x3FA6] =	sst s2  }
0xb: {  	[smem:$0x3FA7] =	sst s3  }
0xc: {  	[smem:$0x3FA8] =	sst s4  }
0xd: {  	[smem:$0x3FA9] =	sst s5  }
0xe: {  	[smem:$0x3FAA] =	sst s6  }
0xf: {  	[smem:$0x3FAB] =	sst s7  }
0x10: {  	[smem:$0x3FAC] =	sst s8  }
0x11: {  	[smem:$0x3FAD] =	sst s9;
	s0 =	simm.s32 @!p0 $0x0  }
0x12: {  	s1 =	sld [smem:$0x3F93];
	s0 =	simm.s32 @p0 $0x1  }
0x13: {  	[smem:$0x3FAE] =	sst s0;
	s0 =	simm.s32 @!p1 $0x0  }
0x14: {  	s2 =	sld [smem:$0x3F92];
	s0 =	simm.s32 @p1 $0x1  }
0x15: {  	[smem:$0x3FAF] =	sst s0;
	s0 =	simm.s32 @!p2 $0x0  }
0x16: {  	s3 =	sld [smem:$0x3FDB];
	s0 =	simm.s32 @p2 $0x1  }
0x17: {  	s4 =	simm.s32 $0x1BF5;
	[smem:$0x3FB1] =	sst s0  }
0x18: {  	s0 =	sld [smem:$0x3F94];
	_ =	swait.ge [sflag:s4], $0x0  }
0x19: {  	s7 =	sld [smem:$0x3F95]  }
0x1a: {  	s8 =	sadd.s32 $0xFFFFE003, lr  }
0x1b: {  	s9 =	sadd.s32 $0xFFFFFEF7, lr;
	s5 =	simm.s32 $0xFFFFFFFF;
	p2 =	slt.u32 s8, $0xFFFFF086  }
0x1c: {  	p1 =	slt.u32 s9, $0xF7A;
	s5 =	simm.s32 @!p2 $0x0  }
0x1d: {  	s5 =	simm.s32 @p1 $0x1;
	p0 =	seq.s32 s7, s2  }
0x1e: {  	s7 =	smul.u32 @!p0 $0xF7A, s2;
	p2 =	seq.s32 @!p0 s5, $0x0  }
0x1f: {  	s9 =	smul.u32 $0xF7A, s1;
	s8 =	simm.s32 @!p0 $0x1BF5;
	p2 =	por !p2, p0  }
0x20: {  	[sflag:s8] =	ssyncset.s32 @!p0 $0xFFFFF086;
	s6 =	sadd.s32 @!p0 s3, s7;
	s7 =	simm.s32 @!p0 $0x108  }
0x21: {  	s3 =	sadd.s32 s3, s9;
	s6 =	sadd.s32 @!p0 $0x88, s6;
	s7 =	simm.s32 @p2 $0x1082  }
0x22: {  	[simem:s7], [sflag:s8] =	dma.local @!p0 [hbm:s6], $0xF7A  }
0x23: {  	s9 =	sor.u32 $0xD0000000, s2;
	s6 =	simm.s32 $0x108;
	_ =	swait.ge @!p0 [sflag:s8], $0x0  }
0x24: {  	s3 =	sadd.s32 $0x88, s3;
	s6 =	simm.s32 @!p1 $0x1082;
	[sflag:s4] =	ssyncset.s32 $0xFFFFF086  }
0x25: {  	[simem:s6], [sflag:s4] =	dma.local [hbm:s3], $0xF7A  }
0x26: {  	[smem:$0x3F95] =	sst s1;
	(tag) =	ssettag s2;
	_ =	strace s9  }
0x27: {  	s1 =	sld [smem:$0x3FA5]  }
0x28: {  	s2 =	sld [smem:$0x3FA6]  }
0x29: {  	s4 =	sld [smem:$0x3FA8]  }
0x2a: {  	p0 =	seq.s32 s5, $0x0;
	s5 =	sld [smem:$0x3FA9]  }
0x2b: {  	s6 =	sld [smem:$0x3FAA]  }
0x2c: {  	s7 =	sld [smem:$0x3FAB]  }
0x2d: {  	s3 =	simm.s32 $0x108;
	s8 =	sld [smem:$0x3FAC]  }
0x2e: {  	s3 =	simm.s32 @!p0 $0x1082;
	s9 =	sld [smem:$0x3FAD]  }
0x2f: {  	lr =	sadd.s32 s0, s3;
	s0 =	sld [smem:$0x3FA4]  }
0x30: {  	s3 =	sld [smem:$0x3FA7]  }
0x31: {  	[smem:$0x3FB0] =	sst s10  }
0x32: {  	s10 =	sld [smem:$0x3FAE];
	_ =	sdelay $0x3  }
0x33: {  	p0 =	seq.s32 s10, $0x1;
	s10 =	sld [smem:$0x3FB0];
	_ =	sdelay $0x3  }
0x34: {  	[smem:$0x3FB0] =	sst s10  }
0x35: {  	s10 =	sld [smem:$0x3FAF];
	_ =	sdelay $0x3  }
0x36: {  	p1 =	seq.s32 s10, $0x1;
	s10 =	sld [smem:$0x3FB0];
	_ =	sdelay $0x3  }
0x37: {  	[smem:$0x3FB0] =	sst s10  }
0x38: {  	s10 =	sld [smem:$0x3FB1]  }
0x39: {  	_ = 	snop;
	(pc) =	sbr.ind lr, $3  }
0x3a: {  	_ = 	snop  }
0x3b: {  	_ = 	snop  }
0x3c: {  	p2 =	seq.s32 s10, $0x1;
	s10 =	sld [smem:$0x3FB0]  }
0x3d: {  	_ =	shalt  }
0x3e: {  	_ =	shalt  }
0x3f: {  	_ =	shalt  }
0x40: {  	_ =	shalt  }
0x41: {  	_ =	shalt  }
0x42: {  	_ =	shalt  }
0x43: {  	_ =	shalt  }
0x44: {  	_ =	shalt  }
0x45: {  	_ =	shalt  }
0x46: {  	_ =	shalt  }
0x47: {  	_ =	shalt  }
0x48: {  	_ =	shalt  }
0x49: {  	_ =	shalt  }
0x4a: {  	_ =	shalt  }
0x4b: {  	_ =	shalt  }
0x4c: {  	_ =	shalt  }
0x4d: {  	_ =	shalt  }
0x4e: {  	_ =	shalt  }
0x4f: {  	_ =	shalt  }
0x50: {  	_ =	shalt  }
0x51: {  	_ =	shalt  }
0x52: {  	_ =	shalt  }
0x53: {  	_ =	shalt  }
0x54: {  	_ =	shalt  }
0x55: {  	_ =	shalt  }
0x56: {  	_ =	shalt  }
0x57: {  	_ =	shalt  }
0x58: {  	_ =	shalt  }
0x59: {  	_ =	shalt  }
0x5a: {  	_ =	shalt  }
0x5b: {  	_ =	shalt  }
0x5c: {  	_ =	shalt  }
0x5d: {  	_ =	shalt  }
0x5e: {  	_ =	shalt  }
0x5f: {  	_ =	shalt  }
0x60: {  	_ =	shalt  }
0x61: {  	_ =	shalt  }
0x62: {  	_ =	shalt  }
0x63: {  	_ =	shalt  }
0x64: {  	_ =	shalt  }
0x65: {  	_ =	shalt  }
0x66: {  	_ =	shalt  }
0x67: {  	_ =	shalt  }
0x68: {  	_ =	shalt  }
0x69: {  	_ =	shalt  }
0x6a: {  	_ =	shalt  }
0x6b: {  	_ =	shalt  }
0x6c: {  	_ =	shalt  }
0x6d: {  	_ =	shalt  }
0x6e: {  	_ =	shalt  }
0x6f: {  	_ =	shalt  }
0x70: {  	_ =	shalt  }
0x71: {  	_ =	shalt  }
0x72: {  	_ =	shalt  }
0x73: {  	_ =	shalt  }
0x74: {  	_ =	shalt  }
0x75: {  	_ =	shalt  }
0x76: {  	_ =	shalt  }
0x77: {  	_ =	shalt  }
0x78: {  	_ =	shalt  }
0x79: {  	_ =	shalt  }
0x7a: {  	_ =	shalt  }
0x7b: {  	_ =	shalt  }
0x7c: {  	_ =	shalt  }
0x7d: {  	_ =	shalt  }
0x7e: {  	_ =	shalt  }
0x7f: {  	_ =	shalt  }
0x80: {  	_ =	shalt  }
0x81: {  	_ =	shalt  }
0x82: {  	_ =	shalt  }
0x83: {  	_ =	shalt  }
0x84: {  	_ =	shalt  }
0x85: {  	_ =	shalt  }
0x86: {  	_ =	shalt  }
0x87: {  	_ =	shalt  }
.Lfunc_end0:
.L_simem_size_0:
called_computation.1_lowered:
.L_overlay_start_0:
0x88: {  	s2 =	sld [smem:$0x3FD9]  }
0x89: {  	s3 =	sld [smem:$0x3FFE];
	_ =	sdelay $0x1  }
0x8a: {  	s1 =	srdreg.scid  }
0x8b: {  	s0 =	sand.u32 $0x1, s1  }
0x8c: {  	s14 =	sshll.u32 s0, $0xA;
	s2 =	sadd.s32 s3, s2  }
0x8d: {  	s2 =	sadd.s32 s2, s14  }
0x8e: {  	[smem:$0x3FBC] =	sst s2  }
0x8f: {  	_ = 	snop  }
0x90: {  	s2 =	sld [smem:$0x3FD0];
	_ =	sdelay $0x2  }
0x91: {  	s15 =	simm.s32 $0xA;
	s4 =	simm.s32 $0x10  }
0x92: {  	[smem:s4], [sflag:s15] =	dma.local [hbm:s2], $0x1  }
0x93: {  	_ =	swait.eq [sflag:s15], $0x1  }
0x94: {  	[sflag:s15] =	ssyncset.done $0x0  }
0x95: {  	[sflag:s15] =	ssyncadd.s32 $0xFFFFFFFF  }
0x96: {  	s16 =	sld [smem:$0x11];
	(tm) =	ssettm $0x1  }
0x97: {  	s17 =	sld [smem:$0x3FFB];
	_ =	sdelay $0x3  }
0x98: {  	_ =	strace s17  }
0x99: {  	s3 =	sld [smem:$0x3FFC];
	_ =	sdelay $0x3  }
0x9a: {  	_ =	strace s3  }
0x9b: {  	s3 =	sld [smem:$0x3FFD];
	_ =	sdelay $0x3  }
0x9c: {  	_ =	strace s3  }
0x9d: {  	_ =	strace $0x8FFFFFFF  }
0x9e: {  	s18 =	sld [smem:$0x3FDB];
	_ =	sdelay $0x1  }
0x9f: {  	s19 =	simm.s32 $_scs_section_size  }
0xa0: {  	s5 =	simm.s32 $_size__tile_overlayer_lowered;
	s6 =	simm.s32 $_tile_overlayer_lowered  }
0xa1: {  	s22 =	simm.s32 $0x1BFF;
	s21 =	sshll.u32 s6, $0x1;
	s3 =	sadd.s32 s19, s18  }
0xa2: {  	s7 =	simm.s32 $0x0;
	s20 =	sshll.u32 s5, $0x1;
	s5 =	sadd.s32 s21, s3  }
0xa3: {  	[timem:s7], [sflag:s22] =	dma.local [hbm:s5], s20  }
0xa4: {  	_ =	swait.ge [sflag:s22], s20  }
0xa5: {  	s4 =	ssub.s32 $0x0, s20;
	[sflag:s22] =	ssyncset.done $0x0  }
0xa6: {  	[sflag:s22] =	ssyncadd.s32 s4;
	_ =	sdelay $0x1  }
0xa7: {  	s23 =	simm.s32 $0x1B8B  }
0xa8: {  	_ =	swait.ge [sflag:s23], $0x1  }
0xa9: {  	[sflag:s23] =	ssyncset.done $0x0  }
0xaa: {  	s25 =	simm.s32 $0x1B8E;
	s24 =	sld [smem:$0x3FFE];
	[sflag:s23] =	ssyncadd.s32 $0xFFFFFFFF  }
0xab: {  	s26 =	simm.s32 $execute0_lowered;
	[smem:$0x3FD2] =	sst s25  }
0xac: {  	s5 =	sshll.u32 s26, $0x1;
	_ =	strace $0x80000049;
	[dreg:$0x1] =	wrdreg $0xFFFFFFFF  }
0xad: {  	s28 =	simm.s32 $_size_execute0_lowered;
	s3 =	sadd.s32 s3, s5;
	[dreg:$0x0] =	wrdreg $0x0  }
0xae: {  	s5 =	sshll.u32 s28, $0x1;
	[dreg:$0x2] =	wrdreg s3  }
0xaf: {  	[dreg:$0x3] =	wrdreg s5  }
0xb0: {  	[dreg:$0x4] =	wrdreg $0xC0  }
0xb1: {  	_ =	task [dreg:s7], $0x5FFFF  }
0xb2: {  	[dreg:$0x1] =	wrdreg $0xFFFFFFFF  }
0xb3: {  	[dreg:$0x0] =	wrdreg $0x60  }
0xb4: {  	[dreg:$0x2] =	wrdreg s24  }
0xb5: {  	[dreg:$0x3] =	wrdreg s16  }
0xb6: {  	[dreg:$0x4] =	wrdreg $0x90000  }
0xb7: {  	[dreg:$0x5] =	wrdreg $0x9  }
0xb8: {  	_ =	task.clear_ibuf [dreg:s7], $0x6FFFF;
	_ =	strace $0x90000049  }
0xb9: {  	s29 =	simm.s32 $0x9;
	_ =	strace $0x8000004B  }
0xba: {  	_ =	swait.ge [sflag:s29], $0x1  }
0xbb: {  	[sflag:s29] =	ssyncadd.s32 $0xFFFFFFFF  }
0xbc: {  	_ =	strace $0x9000004B  }
0xbd: {  	_ =	sfence  }
0xbe: {  	s30 =	sld [smem:$0x0];
	_ =	sdelay $0x2  }
0xbf: {  	s31 =	sshll.u32 s1, $0xD;
	s1 =	sshrl.u32 s1, $0x2  }
0xc0: {  	s3 =	sand.u32 $0x4000, s31;
	s1 =	sadd.s32 s1, s30  }
0xc1: {  	s0 =	sor.u32 s3, s0;
	s1 =	sshll.u32 s1, $0x11  }
0xc2: {  	s0 =	sor.u32 s1, s0  }
0xc3: {  	s0 =	sadd.s32 $0x8F2B, s0  }
0xc4: {  	[sflag:s0] =	ssyncadd.remote.s32 $0x1  }
0xc5: {  	_ =	sfence.sel $0xFFFF  }
0xc6: {  	[dreg:$0x0] =	wrdreg $0xFFFFFFFF;
	(pc) =	sbr.abs _section_cstart, $3  }
0xc7: {  	[dreg:$0x1] =	wrdreg $0xFFFFFFFF  }
0xc8: {  	_ =	task.clear_ibuf [dreg:s7], $0x2FFFF;
	_ =	strace $0x9FFFFFFF  }
0xc9: {  	(tm) =	ssettm $0x7FFFFFFF  }
tec
execute0_lowered:
.L_overlay_start_1:
0x0: {  	(tag) =	ssettag $0x1  }
0x1: {  	s0 =	rddreg [dreg:$0x0]  }
0x2: {  	s2 =	rddreg [dreg:$0x1]  }
0x3: {  	s1 =	rddreg [dreg:$0x2];
	s12 =	stileid.u32  }
0x4: {  	s3 =	srdreg.scid;
	s7 =	smul.u32 $0x14000, s12  }
0x5: {  	s28 =	simm.s32 $0x4;
	s29 =	simm.s32 $0x3;
	s9 =	smul.u32 $0x50000, s12  }
0x6: {  	s30 =	simm.s32 $0x0;
	s6 =	sand.u32 $0x1, s3;
	s23 =	smul.u32 $0x5000, s12  }
0x7: {  	s3 =	simm.s32 $0x0;
	s21 =	sshll.u32 s12, $0x6;
	s12 =	smul.u32 $0xA00, s12  }
0x8: {  	s4 =	sadd.s32 $0xD400, s0;
	s10 =	sadd.s32 $0x3400, s0;
	s5 =	smul.u32 $0x140000, s6  }
0x9: {  	[smem:$0x7FF] =	sst s3;
	s8 =	ssub.s32 $0x2, s6;
	s22 =	smul.u32 $0x50000, s6  }
0xa: {  	s6 =	sor.u32 $0x1C05, s21;
	_ =	strace $0x8000004A;
	s11 =	sshrl.u32 s8, $0x1  }
0xb: {  	s20 =	sshrl.u32 s9, $0x2;
	s25 =	sadd.s32 s12, s10;
	s7 =	sadd.s32 s7, s5  }
0xc: {  	s5 =	sadd.s32 $0x5B600, s0;
	s14 =	ssub.s32 s8, s11;
	s13 =	sadd.s32 s20, s1  }
0xd: {  	s24 =	sadd.s32 s23, s22;
	s8 =	sshrl.u32 s23, $0x3;
	s11 =	sadd.s32 $0x80, s25  }
0xe: {  	s23 =	simm.s32 $0x7D;
	s25 =	simm.s32 $0x5000;
	s7 =	sshrl.u32 s7, $0x3  }
0xf: {  	s15 =	sadd.s32 $0x2800, s13;
	s16 =	sadd.s32 $0x5000, s13;
	s17 =	sadd.s32 $0x7800, s13  }
0x10: {  	s18 =	sadd.s32 $0xA000, s13;
	s19 =	sadd.s32 $0xC800, s13;
	s20 =	sadd.s32 $0xF000, s13  }
0x11: {  	s9 =	sshrl.u32 s24, $0x3;
	s21 =	sadd.s32 $0x11800, s13;
	s8 =	sadd.s32 s10, s8  }
0x12: {  	s26 =	sor.u32 $0x400, s24;
	s10 =	smax.u32 s14, $0x1;
	s13 =	sshrl.u32 s13, $0x3  }
0x13: {  	s14 =	simm.s32 $0x5;
	s24 =	simm.s32 $0x1000;
	s0 =	sadd.s32 s7, s0  }
0x14: {  	s9 =	sadd.s32 s2, s9;
	[dreg:$0x5] =	wrdreg s8;
	s31 =	sshrl.u32 s26, $0x3  }
0x15: {  	s15 =	sshrl.u32 s15, $0x3;
	s16 =	sshrl.u32 s16, $0x3;
	s17 =	sshrl.u32 s17, $0x3  }
0x16: {  	s18 =	sshrl.u32 s18, $0x3;
	s19 =	sshrl.u32 s19, $0x3;
	s20 =	sshrl.u32 s20, $0x3  }
0x17: {  	s21 =	sshrl.u32 s21, $0x3;
	[dreg:$0x4] =	wrdreg s9;
	s0 =	sadd.s32 $0x5BC00, s0  }
0x18: {  	s26 =	simm.s32 $0x2;
	s12 =	sadd.s32 s31, s2;
	[dreg:$0x6] =	wrdreg s0  }
.LBB2_1:
0x19: {  	[spmem:s13], [sflag:s6] =	dma.local [hbm:s5], $0x500  }
0x1a: {  	_ =	swait.ge [sflag:s14], $0x500  }
0x1b: {  	[sflag:s14] =	ssyncset.done $0x0  }
0x1c: {  	[sflag:s14] =	ssyncadd.s32 $0xFFFFFB00  }
0x1d: {  	[spmem:s15], [sflag:s6] =	dma.local [hbm:s5], $0x500  }
0x1e: {  	_ =	swait.ge [sflag:s14], $0x500  }
0x1f: {  	[sflag:s14] =	ssyncset.done $0x0  }
0x20: {  	[sflag:s14] =	ssyncadd.s32 $0xFFFFFB00  }
0x21: {  	[spmem:s16], [sflag:s6] =	dma.local [hbm:s5], $0x500  }
0x22: {  	_ =	swait.ge [sflag:s14], $0x500  }
0x23: {  	[sflag:s14] =	ssyncset.done $0x0  }
0x24: {  	[sflag:s14] =	ssyncadd.s32 $0xFFFFFB00  }
0x25: {  	[spmem:s17], [sflag:s6] =	dma.local [hbm:s5], $0x500  }
0x26: {  	_ =	swait.ge [sflag:s14], $0x500  }
0x27: {  	[sflag:s14] =	ssyncset.done $0x0  }
0x28: {  	[sflag:s14] =	ssyncadd.s32 $0xFFFFFB00  }
0x29: {  	[spmem:s18], [sflag:s6] =	dma.local [hbm:s5], $0x500  }
0x2a: {  	_ =	swait.ge [sflag:s14], $0x500  }
0x2b: {  	[sflag:s14] =	ssyncset.done $0x0  }
0x2c: {  	[sflag:s14] =	ssyncadd.s32 $0xFFFFFB00  }
0x2d: {  	[spmem:s19], [sflag:s6] =	dma.local [hbm:s5], $0x500  }
0x2e: {  	_ =	swait.ge [sflag:s14], $0x500  }
0x2f: {  	[sflag:s14] =	ssyncset.done $0x0  }
0x30: {  	[sflag:s14] =	ssyncadd.s32 $0xFFFFFB00  }
0x31: {  	[spmem:s20], [sflag:s6] =	dma.local [hbm:s5], $0x500  }
0x32: {  	_ =	swait.ge [sflag:s14], $0x500  }
0x33: {  	[sflag:s14] =	ssyncset.done $0x0  }
0x34: {  	[sflag:s14] =	ssyncadd.s32 $0xFFFFFB00  }
0x35: {  	[spmem:s21], [sflag:s6] =	dma.local [hbm:s5], $0x500  }
0x36: {  	_ =	swait.ge [sflag:s14], $0x500  }
0x37: {  	[sflag:s14] =	ssyncset.done $0x0  }
0x38: {  	s0 =	rddreg [dreg:$0x4];
	[sflag:s14] =	ssyncadd.s32 $0xFFFFFB00  }
0x39: {  	[tilespmem:s3], [sflag:$0x5] =	stream.linear.gather [hbm4b:s0+s3], $0x400, $0x38;
	[tilespmem:$0x1D000] =	vst v63  }
0x3a: {  	_ =	swait.ge [sflag:s14], $0x400  }
0x3b: {  	[sflag:s14] =	ssyncset.done $0x0  }
0x3c: {  	s2 =	simm.s32 $0x800;
	s22 =	rddreg [dreg:$0x5];
	[sflag:s14] =	ssyncadd.s32 $0xFFFFFC00  }
0x3d: {  	[tilespmem:s2], [sflag:$0x5] =	stream.linear.gather [hbm4b:s22+s3], $0x400, $0x38;
	[tilespmem:$0x1D000] =	vst v63  }
0x3e: {  	_ =	swait.ge [sflag:s14], $0x400  }
0x3f: {  	[sflag:s14] =	ssyncset.done $0x0  }
0x40: {  	s31 =	simm.s32 $0x1;
	[sflag:s14] =	ssyncadd.s32 $0xFFFFFC00  }
0x41: {  	s0 =	simm.s32 $0x0;
	s2 =	simm.s32 $0x0;
	[bflag:$0x0] =	sbarrier.arrive $0xFFFF  }
0x42: {  	[tilespmem:s24], [sflag:$0x2] =	stream.indirect.gather [hbm4b:s4+s23], $0x80, s3, s23, $0xb8;
	[tilespmem:$0x1D000] =	vst v63  }
.LBB2_2:
0x43: {  	s7 =	sand.u32 $0x1, s31;
	p0 =	seq.s32 s2, $0x980  }
0x44: {  	s22 =	sshll.u32 @!p0 s7, $0xA  }
0x45: {  	s7 =	sadd.s32 @!p0 s2, s12;
	s8 =	simm.s32 @!p0 $0x0;
	p1 =	seq.s32 @!p0 s2, $0x0  }
0x46: {  	[tilespmem:s22], [sflag:$0x1] =	stream.linear.gather @!p0 [hbm4b:s7+s8], $0x400, $0x38;
	[tilespmem:$0x1D000] =	vst v63  }
0x47: {  	s9 =	sadd.s32 @!p0 s2, s11;
	s7 =	sor.u32 @!p0 $0x800, s22;
	p1 =	por p0, !p1  }
0x48: {  	[tilespmem:s7], [sflag:$0x1] =	stream.linear.gather @!p0 [hbm4b:s9+s8], $0x400, $0x38;
	[tilespmem:$0x1D000] =	vst v63  }
0x49: {  	_ =	swait.ge @p1 [sflag:s28], $0x3E80  }
0x4a: {  	s7 =	sand.u32 $0x400, s0;
	[sflag:s28] =	ssyncset.done @p1 $0x0  }
0x4b: {  	s9 =	sor.u32 $0x80, s7;
	[sflag:s28] =	ssyncadd.s32 @p1 $0xFFFFC180  }
0x4c: {  	[tilespmem:s25], [sflag:$0x3] =	stream.indirect.gather [hbm4b:s4+s23], $0x80, s9, s23, $0xb8;
	[tilespmem:$0x1D000] =	vst v63  }
0x4d: {  	_ =	swait.ge [sflag:s26], $0x3E80  }
0x4e: {  	[sflag:s26] =	ssyncset.done $0x0  }
0x4f: {  	s9 =	sor.u32 $0x800, s7;
	[sflag:s26] =	ssyncadd.s32 $0xFFFFC180  }
0x50: {  	[spmem:s1] =	stream.indirect.scatter.add.f32 [tilespmem:s24], [sflag:$0x4], $0x80, s9, s23, $0xb8;
	[tilespmem:$0x1D000] =	vst v63  }
0x51: {  	_ =	swait.ge [sflag:s28], $0x3E80  }
0x52: {  	[sflag:s28] =	ssyncset.done $0x0  }
0x53: {  	s9 =	sor.u32 $0x100, s7;
	[sflag:s28] =	ssyncadd.s32 $0xFFFFC180  }
0x54: {  	[tilespmem:s24], [sflag:$0x2] =	stream.indirect.gather [hbm4b:s4+s23], $0x80, s9, s23, $0xb8;
	[tilespmem:$0x1D000] =	vst v63  }
0x55: {  	_ =	swait.ge [sflag:s29], $0x3E80  }
0x56: {  	[sflag:s29] =	ssyncset.done $0x0  }
0x57: {  	s9 =	sor.u32 $0x880, s7;
	[sflag:s29] =	ssyncadd.s32 $0xFFFFC180  }
0x58: {  	[spmem:s1] =	stream.indirect.scatter.add.f32 [tilespmem:s25], [sflag:$0x4], $0x80, s9, s23, $0xb8;
	[tilespmem:$0x1D000] =	vst v63  }
0x59: {  	_ =	swait.ge [sflag:s28], $0x3E80  }
0x5a: {  	[sflag:s28] =	ssyncset.done $0x0  }
0x5b: {  	s9 =	sor.u32 $0x180, s7;
	[sflag:s28] =	ssyncadd.s32 $0xFFFFC180  }
0x5c: {  	[tilespmem:s25], [sflag:$0x3] =	stream.indirect.gather [hbm4b:s4+s23], $0x80, s9, s23, $0xb8;
	[tilespmem:$0x1D000] =	vst v63  }
0x5d: {  	_ =	swait.ge [sflag:s26], $0x3E80  }
0x5e: {  	[sflag:s26] =	ssyncset.done $0x0  }
0x5f: {  	s9 =	sor.u32 $0x900, s7;
	[sflag:s26] =	ssyncadd.s32 $0xFFFFC180  }
0x60: {  	[spmem:s1] =	stream.indirect.scatter.add.f32 [tilespmem:s24], [sflag:$0x4], $0x80, s9, s23, $0xb8;
	[tilespmem:$0x1D000] =	vst v63  }
0x61: {  	_ =	swait.ge [sflag:s28], $0x3E80  }
0x62: {  	[sflag:s28] =	ssyncset.done $0x0  }
0x63: {  	s9 =	sor.u32 $0x200, s7;
	[sflag:s28] =	ssyncadd.s32 $0xFFFFC180  }
0x64: {  	[tilespmem:s24], [sflag:$0x2] =	stream.indirect.gather [hbm4b:s4+s23], $0x80, s9, s23, $0xb8;
	[tilespmem:$0x1D000] =	vst v63  }
0x65: {  	_ =	swait.ge [sflag:s29], $0x3E80  }
0x66: {  	[sflag:s29] =	ssyncset.done $0x0  }
0x67: {  	s9 =	sor.u32 $0x980, s7;
	[sflag:s29] =	ssyncadd.s32 $0xFFFFC180  }
0x68: {  	[spmem:s1] =	stream.indirect.scatter.add.f32 [tilespmem:s25], [sflag:$0x4], $0x80, s9, s23, $0xb8;
	[tilespmem:$0x1D000] =	vst v63  }
0x69: {  	_ =	swait.ge [sflag:s28], $0x3E80  }
0x6a: {  	[sflag:s28] =	ssyncset.done $0x0  }
0x6b: {  	s9 =	sor.u32 $0x280, s7;
	[sflag:s28] =	ssyncadd.s32 $0xFFFFC180  }
0x6c: {  	[tilespmem:s25], [sflag:$0x3] =	stream.indirect.gather [hbm4b:s4+s23], $0x80, s9, s23, $0xb8;
	[tilespmem:$0x1D000] =	vst v63  }
0x6d: {  	_ =	swait.ge [sflag:s26], $0x3E80  }
0x6e: {  	[sflag:s26] =	ssyncset.done $0x0  }
0x6f: {  	s9 =	sor.u32 $0xA00, s7;
	[sflag:s26] =	ssyncadd.s32 $0xFFFFC180  }
0x70: {  	[spmem:s1] =	stream.indirect.scatter.add.f32 [tilespmem:s24], [sflag:$0x4], $0x80, s9, s23, $0xb8;
	[tilespmem:$0x1D000] =	vst v63  }
0x71: {  	_ =	swait.ge [sflag:s28], $0x3E80  }
0x72: {  	[sflag:s28] =	ssyncset.done $0x0  }
0x73: {  	s9 =	sor.u32 $0x300, s7;
	[sflag:s28] =	ssyncadd.s32 $0xFFFFC180  }
0x74: {  	[tilespmem:s24], [sflag:$0x2] =	stream.indirect.gather [hbm4b:s4+s23], $0x80, s9, s23, $0xb8;
	[tilespmem:$0x1D000] =	vst v63  }
0x75: {  	_ =	swait.ge [sflag:s29], $0x3E80  }
0x76: {  	[sflag:s29] =	ssyncset.done $0x0  }
0x77: {  	s9 =	sor.u32 $0xA80, s7;
	[sflag:s29] =	ssyncadd.s32 $0xFFFFC180  }
0x78: {  	[spmem:s1] =	stream.indirect.scatter.add.f32 [tilespmem:s25], [sflag:$0x4], $0x80, s9, s23, $0xb8;
	[tilespmem:$0x1D000] =	vst v63  }
0x79: {  	_ =	swait.ge [sflag:s28], $0x3E80  }
0x7a: {  	[sflag:s28] =	ssyncset.done $0x0  }
0x7b: {  	s8 =	sor.u32 $0x380, s7;
	[sflag:s28] =	ssyncadd.s32 $0xFFFFC180  }
0x7c: {  	[tilespmem:s25], [sflag:$0x3] =	stream.indirect.gather [hbm4b:s4+s23], $0x80, s8, s23, $0xb8;
	[tilespmem:$0x1D000] =	vst v63  }
0x7d: {  	_ =	swait.ge [sflag:s26], $0x3E80  }
0x7e: {  	[sflag:s26] =	ssyncset.done $0x0  }
0x7f: {  	s7 =	sor.u32 $0xB00, s7;
	[sflag:s26] =	ssyncadd.s32 $0xFFFFC180  }
0x80: {  	[spmem:s1] =	stream.indirect.scatter.add.f32 [tilespmem:s24], [sflag:$0x4], $0x80, s7, s23, $0xb8;
	[tilespmem:$0x1D000] =	vst v63  }
0x81: {  	_ =	swait.ge [sflag:s28], $0x3E80  }
0x82: {  	[sflag:s28] =	ssyncset.done $0x0  }
0x83: {  	s7 =	simm.s32 @!p0 $0x1;
	[sflag:s28] =	ssyncadd.s32 $0xFFFFC180  }
0x84: {  	_ =	swait.ge @!p0 [sflag:s7], $0x400  }
0x85: {  	[sflag:s7] =	ssyncset.done @!p0 $0x0  }
0x86: {  	[sflag:s7] =	ssyncadd.s32 @!p0 $0xFFFFFC00  }
0x87: {  	_ =	swait.ge @!p0 [sflag:s7], $0x400  }
0x88: {  	s2 =	sadd.s32 $0x80, s2;
	[sflag:s7] =	ssyncset.done @!p0 $0x0  }
0x89: {  	s9 =	simm.s32 @!p0 $0x1000;
	[sflag:s7] =	ssyncadd.s32 @!p0 $0xFFFFFC00;
	s7 =	simm.s32 @!p0 $0x7D  }
0x8a: {  	[tilespmem:s9], [sflag:$0x2] =	stream.indirect.gather @!p0 [hbm4b:s4+s7], $0x80, s22, s7, $0xb8;
	[tilespmem:$0x1D000] =	vst v63  }
0x8b: {  	p0 =	sne.s32 s2, $0xA00  }
.Ltmp0:
0x8c: {  	_ = 	snop;
	(pc) =	sbr.rel @p0 .LBB2_2-.Ltmp0, $4  }
0x8d: {  	_ =	swait.ge [sflag:s29], $0x3E80  }
0x8e: {  	s31 =	sadd.s32 $0x1, s31;
	[sflag:s29] =	ssyncset.done $0x0  }
0x8f: {  	s0 =	sadd.s32 $0x400, s0;
	s22 =	sor.u32 $0x800, s8;
	[sflag:s29] =	ssyncadd.s32 $0xFFFFC180  }
0x90: {  	[spmem:s1] =	stream.indirect.scatter.add.f32 [tilespmem:s25], [sflag:$0x4], $0x80, s22, s23, $0xb8;
	[tilespmem:$0x1D000] =	vst v63  }
0x91: {  	_ =	swait.ge [sflag:s28], $0x3E80  }
0x92: {  	[sflag:s28] =	ssyncset.done $0x0  }
0x93: {  	s30 =	sadd.s32 $0x1, s30;
	[sflag:s28] =	ssyncadd.s32 $0xFFFFC180  }
0x94: {  	p0 =	sne.s32 s30, s10;
	[bflag:$0x0] =	sbarrier.arrive $0xFFFF  }
.Ltmp1:
0x95: {  	s0 =	rddreg [dreg:$0x6];
	(pc) =	sbr.rel @p0 .LBB2_1-.Ltmp1, $4  }
0x96: {  	[hbm:s0], [sflag:s6] =	dma.local [spmem:s13], $0x2800  }
0x97: {  	_ =	swait.ge [sflag:s14], $0x2800  }
0x98: {  	[sflag:s14] =	ssyncset.done $0x0  }
0x99: {  	[sflag:s14] =	ssyncadd.s32 $0xFFFFD800  }
0x9a: {  	_ =	sfence.sel $0x180000  }
0x9b: {  	[bflag:$0x0] =	sbarrier.arrive $0xFFFF  }
0x9c: {  	_ =	strace $0x9000004A  }
0x9d: {  	s0 =	stileid.u32;
	[bflag:$0x2] =	sbarrier.arrive $0xFFFF  }
0x9e: {  	p0 =	sne.s32 s0, $0x0;
	s0 =	rddreg [dreg:$0x3]  }
0x9f: {  	s0 =	sadd.s32 @!p0 $0x100000, s0  }
0xa0: {  	[sflag:s0] =	ssyncadd.tile.s32 @!p0 $0x1;
	_ =	shalt  }
.Lfunc_end2:
_tile_overlayer_lowered:
.L_overlay_start_2:
0xa1: {  	(tag) =	ssettag $0x2  }
0xa2: {  	s0 =	rddreg [dreg:$0x0];
	s2 =	stileid.u32  }
0xa3: {  	s1 =	rddreg [dreg:$0x1];
	p0 =	sne.s32 s2, $0x0  }
0xa4: {  	s3 =	rddreg [dreg:$0x2];
	[bflag:$0x3] =	sbarrier.arrive $0xFFFF;
	s2 =	simm.s32 @!p0 $0x1C05  }
0xa5: {  	[timem:s3], [sflag:s2] =	dma.local @!p0 [hbm:s0], s1  }
0xa6: {  	s0 =	simm.s32 @!p0 $0x5  }
0xa7: {  	_ =	swait.ge @!p0 [sflag:s0], s1  }
0xa8: {  	s1 =	ssub.s32 @!p0 $0x0, s1;
	[sflag:s0] =	ssyncset.done @!p0 $0x0  }
0xa9: {  	[sflag:s0] =	ssyncadd.s32 @!p0 s1  }
0xaa: {  	[bflag:$0x3] =	sbarrier.arrive $0xFFFF  }
0xab: {  	_ =	shalt  }

// kernel: kernel.16.cloned.1.call-start
scs
__scs_entry_jumppad:
0x0: {  	(pc) =	sbr.rel $0x88, $3  }
0x1: {  	(tag) =	ssettag $0x0;
	lr =	simm.s32 $0x1  }
0x2: {  	[smem:$0x3F95] =	sst lr;
	_ =	strace $0xD0000000  }
0x3: {  	_ = 	snop  }
0x4: {  	_ = 	snop  }
0x5: {  	_ = 	snop  }
0x6: {  	_ = 	snop  }
0x7: {  	_ = 	snop  }
__scs_overlays_trampoline_lowered:
0x8: {  	[smem:$0x3FA4] =	sst s0  }
0x9: {  	[smem:$0x3FA5] =	sst s1  }
0xa: {  	[smem:$0x3FA6] =	sst s2  }
0xb: {  	[smem:$0x3FA7] =	sst s3  }
0xc: {  	[smem:$0x3FA8] =	sst s4  }
0xd: {  	[smem:$0x3FA9] =	sst s5  }
0xe: {  	[smem:$0x3FAA] =	sst s6  }
0xf: {  	[smem:$0x3FAB] =	sst s7  }
0x10: {  	[smem:$0x3FAC] =	sst s8  }
0x11: {  	[smem:$0x3FAD] =	sst s9;
	s0 =	simm.s32 @!p0 $0x0  }
0x12: {  	s1 =	sld [smem:$0x3F93];
	s0 =	simm.s32 @p0 $0x1  }
0x13: {  	[smem:$0x3FAE] =	sst s0;
	s0 =	simm.s32 @!p1 $0x0  }
0x14: {  	s2 =	sld [smem:$0x3F92];
	s0 =	simm.s32 @p1 $0x1  }
0x15: {  	[smem:$0x3FAF] =	sst s0;
	s0 =	simm.s32 @!p2 $0x0  }
0x16: {  	s3 =	sld [smem:$0x3FDB];
	s0 =	simm.s32 @p2 $0x1  }
0x17: {  	s4 =	simm.s32 $0x1BF5;
	[smem:$0x3FB1] =	sst s0  }
0x18: {  	s0 =	sld [smem:$0x3F94];
	_ =	swait.ge [sflag:s4], $0x0  }
0x19: {  	s7 =	sld [smem:$0x3F95]  }
0x1a: {  	s8 =	sadd.s32 $0xFFFFE003, lr  }
0x1b: {  	s9 =	sadd.s32 $0xFFFFFEF7, lr;
	s5 =	simm.s32 $0xFFFFFFFF;
	p2 =	slt.u32 s8, $0xFFFFF086  }
0x1c: {  	p1 =	slt.u32 s9, $0xF7A;
	s5 =	simm.s32 @!p2 $0x0  }
0x1d: {  	s5 =	simm.s32 @p1 $0x1;
	p0 =	seq.s32 s7, s2  }
0x1e: {  	s7 =	smul.u32 @!p0 $0xF7A, s2;
	p2 =	seq.s32 @!p0 s5, $0x0  }
0x1f: {  	s9 =	smul.u32 $0xF7A, s1;
	s8 =	simm.s32 @!p0 $0x1BF5;
	p2 =	por !p2, p0  }
0x20: {  	[sflag:s8] =	ssyncset.s32 @!p0 $0xFFFFF086;
	s6 =	sadd.s32 @!p0 s3, s7;
	s7 =	simm.s32 @!p0 $0x108  }
0x21: {  	s3 =	sadd.s32 s3, s9;
	s6 =	sadd.s32 @!p0 $0x88, s6;
	s7 =	simm.s32 @p2 $0x1082  }
0x22: {  	[simem:s7], [sflag:s8] =	dma.local @!p0 [hbm:s6], $0xF7A  }
0x23: {  	s9 =	sor.u32 $0xD0000000, s2;
	s6 =	simm.s32 $0x108;
	_ =	swait.ge @!p0 [sflag:s8], $0x0  }
0x24: {  	s3 =	sadd.s32 $0x88, s3;
	s6 =	simm.s32 @!p1 $0x1082;
	[sflag:s4] =	ssyncset.s32 $0xFFFFF086  }
0x25: {  	[simem:s6], [sflag:s4] =	dma.local [hbm:s3], $0xF7A  }
0x26: {  	[smem:$0x3F95] =	sst s1;
	(tag) =	ssettag s2;
	_ =	strace s9  }
0x27: {  	s1 =	sld [smem:$0x3FA5]  }
0x28: {  	s2 =	sld [smem:$0x3FA6]  }
0x29: {  	s4 =	sld [smem:$0x3FA8]  }
0x2a: {  	p0 =	seq.s32 s5, $0x0;
	s5 =	sld [smem:$0x3FA9]  }
0x2b: {  	s6 =	sld [smem:$0x3FAA]  }
0x2c: {  	s7 =	sld [smem:$0x3FAB]  }
0x2d: {  	s3 =	simm.s32 $0x108;
	s8 =	sld [smem:$0x3FAC]  }
0x2e: {  	s3 =	simm.s32 @!p0 $0x1082;
	s9 =	sld [smem:$0x3FAD]  }
0x2f: {  	lr =	sadd.s32 s0, s3;
	s0 =	sld [smem:$0x3FA4]  }
0x30: {  	s3 =	sld [smem:$0x3FA7]  }
0x31: {  	[smem:$0x3FB0] =	sst s10  }
0x32: {  	s10 =	sld [smem:$0x3FAE];
	_ =	sdelay $0x3  }
0x33: {  	p0 =	seq.s32 s10, $0x1;
	s10 =	sld [smem:$0x3FB0];
	_ =	sdelay $0x3  }
0x34: {  	[smem:$0x3FB0] =	sst s10  }
0x35: {  	s10 =	sld [smem:$0x3FAF];
	_ =	sdelay $0x3  }
0x36: {  	p1 =	seq.s32 s10, $0x1;
	s10 =	sld [smem:$0x3FB0];
	_ =	sdelay $0x3  }
0x37: {  	[smem:$0x3FB0] =	sst s10  }
0x38: {  	s10 =	sld [smem:$0x3FB1]  }
0x39: {  	_ = 	snop;
	(pc) =	sbr.ind lr, $3  }
0x3a: {  	_ = 	snop  }
0x3b: {  	_ = 	snop  }
0x3c: {  	p2 =	seq.s32 s10, $0x1;
	s10 =	sld [smem:$0x3FB0]  }
0x3d: {  	_ =	shalt  }
0x3e: {  	_ =	shalt  }
0x3f: {  	_ =	shalt  }
0x40: {  	_ =	shalt  }
0x41: {  	_ =	shalt  }
0x42: {  	_ =	shalt  }
0x43: {  	_ =	shalt  }
0x44: {  	_ =	shalt  }
0x45: {  	_ =	shalt  }
0x46: {  	_ =	shalt  }
0x47: {  	_ =	shalt  }
0x48: {  	_ =	shalt  }
0x49: {  	_ =	shalt  }
0x4a: {  	_ =	shalt  }
0x4b: {  	_ =	shalt  }
0x4c: {  	_ =	shalt  }
0x4d: {  	_ =	shalt  }
0x4e: {  	_ =	shalt  }
0x4f: {  	_ =	shalt  }
0x50: {  	_ =	shalt  }
0x51: {  	_ =	shalt  }
0x52: {  	_ =	shalt  }
0x53: {  	_ =	shalt  }
0x54: {  	_ =	shalt  }
0x55: {  	_ =	shalt  }
0x56: {  	_ =	shalt  }
0x57: {  	_ =	shalt  }
0x58: {  	_ =	shalt  }
0x59: {  	_ =	shalt  }
0x5a: {  	_ =	shalt  }
0x5b: {  	_ =	shalt  }
0x5c: {  	_ =	shalt  }
0x5d: {  	_ =	shalt  }
0x5e: {  	_ =	shalt  }
0x5f: {  	_ =	shalt  }
0x60: {  	_ =	shalt  }
0x61: {  	_ =	shalt  }
0x62: {  	_ =	shalt  }
0x63: {  	_ =	shalt  }
0x64: {  	_ =	shalt  }
0x65: {  	_ =	shalt  }
0x66: {  	_ =	shalt  }
0x67: {  	_ =	shalt  }
0x68: {  	_ =	shalt  }
0x69: {  	_ =	shalt  }
0x6a: {  	_ =	shalt  }
0x6b: {  	_ =	shalt  }
0x6c: {  	_ =	shalt  }
0x6d: {  	_ =	shalt  }
0x6e: {  	_ =	shalt  }
0x6f: {  	_ =	shalt  }
0x70: {  	_ =	shalt  }
0x71: {  	_ =	shalt  }
0x72: {  	_ =	shalt  }
0x73: {  	_ =	shalt  }
0x74: {  	_ =	shalt  }
0x75: {  	_ =	shalt  }
0x76: {  	_ =	shalt  }
0x77: {  	_ =	shalt  }
0x78: {  	_ =	shalt  }
0x79: {  	_ =	shalt  }
0x7a: {  	_ =	shalt  }
0x7b: {  	_ =	shalt  }
0x7c: {  	_ =	shalt  }
0x7d: {  	_ =	shalt  }
0x7e: {  	_ =	shalt  }
0x7f: {  	_ =	shalt  }
0x80: {  	_ =	shalt  }
0x81: {  	_ =	shalt  }
0x82: {  	_ =	shalt  }
0x83: {  	_ =	shalt  }
0x84: {  	_ =	shalt  }
0x85: {  	_ =	shalt  }
0x86: {  	_ =	shalt  }
0x87: {  	_ =	shalt  }
.Lfunc_end0:
.L_simem_size_0:
called_computation.2_lowered:
.L_overlay_start_0:
0x88: {  	s2 =	sld [smem:$0x3FD9]  }
0x89: {  	s3 =	sld [smem:$0x3FFE];
	_ =	sdelay $0x1  }
0x8a: {  	s1 =	srdreg.scid  }
0x8b: {  	s0 =	sand.u32 $0x1, s1  }
0x8c: {  	s14 =	sshll.u32 s0, $0xA;
	s2 =	sadd.s32 s3, s2  }
0x8d: {  	s2 =	sadd.s32 s2, s14  }
0x8e: {  	[smem:$0x3FBC] =	sst s2  }
0x8f: {  	_ = 	snop  }
0x90: {  	s2 =	sld [smem:$0x3FD0];
	_ =	sdelay $0x2  }
0x91: {  	s15 =	simm.s32 $0xA;
	s4 =	simm.s32 $0x10  }
0x92: {  	[smem:s4], [sflag:s15] =	dma.local [hbm:s2], $0x1  }
0x93: {  	_ =	swait.eq [sflag:s15], $0x1  }
0x94: {  	[sflag:s15] =	ssyncset.done $0x0  }
0x95: {  	[sflag:s15] =	ssyncadd.s32 $0xFFFFFFFF  }
0x96: {  	s16 =	sld [smem:$0x11];
	(tm) =	ssettm $0x1  }
0x97: {  	s17 =	sld [smem:$0x3FFB];
	_ =	sdelay $0x3  }
0x98: {  	_ =	strace s17  }
0x99: {  	s3 =	sld [smem:$0x3FFC];
	_ =	sdelay $0x3  }
0x9a: {  	_ =	strace s3  }
0x9b: {  	s3 =	sld [smem:$0x3FFD];
	_ =	sdelay $0x3  }
0x9c: {  	_ =	strace s3  }
0x9d: {  	_ =	strace $0x8FFFFFFF  }
0x9e: {  	s18 =	sld [smem:$0x3FDB];
	_ =	sdelay $0x1  }
0x9f: {  	s19 =	simm.s32 $_scs_section_size  }
0xa0: {  	s5 =	simm.s32 $_size__tile_overlayer_lowered;
	s6 =	simm.s32 $_tile_overlayer_lowered  }
0xa1: {  	s22 =	simm.s32 $0x1BFF;
	s21 =	sshll.u32 s6, $0x1;
	s3 =	sadd.s32 s19, s18  }
0xa2: {  	s7 =	simm.s32 $0x0;
	s20 =	sshll.u32 s5, $0x1;
	s5 =	sadd.s32 s21, s3  }
0xa3: {  	[timem:s7], [sflag:s22] =	dma.local [hbm:s5], s20  }
0xa4: {  	_ =	swait.ge [sflag:s22], s20  }
0xa5: {  	s4 =	ssub.s32 $0x0, s20;
	[sflag:s22] =	ssyncset.done $0x0  }
0xa6: {  	[sflag:s22] =	ssyncadd.s32 s4;
	_ =	sdelay $0x1  }
0xa7: {  	s23 =	simm.s32 $0x1B8B  }
0xa8: {  	_ =	swait.ge [sflag:s23], $0x1  }
0xa9: {  	[sflag:s23] =	ssyncset.done $0x0  }
0xaa: {  	s25 =	simm.s32 $0x1B8E;
	s24 =	sld [smem:$0x3FFE];
	[sflag:s23] =	ssyncadd.s32 $0xFFFFFFFF  }
0xab: {  	s26 =	simm.s32 $execute0_lowered;
	[smem:$0x3FD2] =	sst s25  }
0xac: {  	s5 =	sshll.u32 s26, $0x1;
	_ =	strace $0x8000004C;
	[dreg:$0x1] =	wrdreg $0xFFFFFFFF  }
0xad: {  	s28 =	simm.s32 $_size_execute0_lowered;
	s3 =	sadd.s32 s3, s5;
	[dreg:$0x0] =	wrdreg $0x0  }
0xae: {  	s5 =	sshll.u32 s28, $0x1;
	[dreg:$0x2] =	wrdreg s3  }
0xaf: {  	[dreg:$0x3] =	wrdreg s5  }
0xb0: {  	[dreg:$0x4] =	wrdreg $0xC0  }
0xb1: {  	_ =	task [dreg:s7], $0x5FFFF  }
0xb2: {  	[dreg:$0x1] =	wrdreg $0xFFFFFFFF  }
0xb3: {  	[dreg:$0x0] =	wrdreg $0x60  }
0xb4: {  	[dreg:$0x2] =	wrdreg s24  }
0xb5: {  	[dreg:$0x3] =	wrdreg s16  }
0xb6: {  	[dreg:$0x4] =	wrdreg $0x90000  }
0xb7: {  	[dreg:$0x5] =	wrdreg $0x9  }
0xb8: {  	_ =	task.clear_ibuf [dreg:s7], $0x6FFFF;
	_ =	strace $0x9000004C  }
0xb9: {  	s29 =	simm.s32 $0x9;
	_ =	strace $0x8000004E  }
0xba: {  	_ =	swait.ge [sflag:s29], $0x1  }
0xbb: {  	[sflag:s29] =	ssyncadd.s32 $0xFFFFFFFF  }
0xbc: {  	_ =	strace $0x9000004E  }
0xbd: {  	_ =	sfence  }
0xbe: {  	s30 =	sld [smem:$0x0];
	_ =	sdelay $0x2  }
0xbf: {  	s31 =	sshll.u32 s1, $0xD;
	s1 =	sshrl.u32 s1, $0x2  }
0xc0: {  	s3 =	sand.u32 $0x4000, s31;
	s1 =	sadd.s32 s1, s30  }
0xc1: {  	s0 =	sor.u32 s3, s0;
	s1 =	sshll.u32 s1, $0x11  }
0xc2: {  	s0 =	sor.u32 s1, s0  }
0xc3: {  	s0 =	sadd.s32 $0x8F2B, s0  }
0xc4: {  	[sflag:s0] =	ssyncadd.remote.s32 $0x1  }
0xc5: {  	_ =	sfence.sel $0xFFFF  }
0xc6: {  	[dreg:$0x0] =	wrdreg $0xFFFFFFFF;
	(pc) =	sbr.abs _section_cstart, $3  }
0xc7: {  	[dreg:$0x1] =	wrdreg $0xFFFFFFFF  }
0xc8: {  	_ =	task.clear_ibuf [dreg:s7], $0x2FFFF;
	_ =	strace $0x9FFFFFFF  }
0xc9: {  	(tm) =	ssettm $0x7FFFFFFF  }
tec
execute0_lowered:
.L_overlay_start_1:
0x0: {  	(tag) =	ssettag $0x1  }
0x1: {  	s0 =	rddreg [dreg:$0x0]  }
0x2: {  	s2 =	rddreg [dreg:$0x1]  }
0x3: {  	s1 =	rddreg [dreg:$0x2];
	s12 =	stileid.u32  }
0x4: {  	s3 =	srdreg.scid;
	s7 =	smul.u32 $0x14000, s12  }
0x5: {  	s28 =	simm.s32 $0x4;
	s29 =	simm.s32 $0x3;
	s9 =	smul.u32 $0x50000, s12  }
0x6: {  	s30 =	simm.s32 $0x0;
	s6 =	sand.u32 $0x1, s3;
	s23 =	smul.u32 $0x5000, s12  }
0x7: {  	s3 =	simm.s32 $0x0;
	s21 =	sshll.u32 s12, $0x6;
	s12 =	smul.u32 $0xA00, s12  }
0x8: {  	s4 =	sadd.s32 $0xD400, s0;
	s10 =	sadd.s32 $0x3400, s0;
	s5 =	smul.u32 $0x140000, s6  }
0x9: {  	[smem:$0x7FF] =	sst s3;
	s8 =	ssub.s32 $0x2, s6;
	s22 =	smul.u32 $0x50000, s6  }
0xa: {  	s6 =	sor.u32 $0x1C05, s21;
	_ =	strace $0x8000004D;
	s11 =	sshrl.u32 s8, $0x1  }
0xb: {  	s20 =	sshrl.u32 s9, $0x2;
	s25 =	sadd.s32 s12, s10;
	s7 =	sadd.s32 s7, s5  }
0xc: {  	s5 =	sadd.s32 $0x5B600, s0;
	s14 =	ssub.s32 s8, s11;
	s13 =	sadd.s32 s20, s1  }
0xd: {  	s24 =	sadd.s32 s23, s22;
	s8 =	sshrl.u32 s23, $0x3;
	s11 =	sadd.s32 $0x80, s25  }
0xe: {  	s23 =	simm.s32 $0x7D;
	s25 =	simm.s32 $0x5000;
	s7 =	sshrl.u32 s7, $0x3  }
0xf: {  	s15 =	sadd.s32 $0x2800, s13;
	s16 =	sadd.s32 $0x5000, s13;
	s17 =	sadd.s32 $0x7800, s13  }
0x10: {  	s18 =	sadd.s32 $0xA000, s13;
	s19 =	sadd.s32 $0xC800, s13;
	s20 =	sadd.s32 $0xF000, s13  }
0x11: {  	s9 =	sshrl.u32 s24, $0x3;
	s21 =	sadd.s32 $0x11800, s13;
	s8 =	sadd.s32 s10, s8  }
0x12: {  	s26 =	sor.u32 $0x400, s24;
	s10 =	smax.u32 s14, $0x1;
	s13 =	sshrl.u32 s13, $0x3  }
0x13: {  	s14 =	simm.s32 $0x5;
	s24 =	simm.s32 $0x1000;
	s0 =	sadd.s32 s7, s0  }
0x14: {  	s9 =	sadd.s32 s2, s9;
	[dreg:$0x5] =	wrdreg s8;
	s31 =	sshrl.u32 s26, $0x3  }
0x15: {  	s15 =	sshrl.u32 s15, $0x3;
	s16 =	sshrl.u32 s16, $0x3;
	s17 =	sshrl.u32 s17, $0x3  }
0x16: {  	s18 =	sshrl.u32 s18, $0x3;
	s19 =	sshrl.u32 s19, $0x3;
	s20 =	sshrl.u32 s20, $0x3  }
0x17: {  	s21 =	sshrl.u32 s21, $0x3;
	[dreg:$0x4] =	wrdreg s9;
	s0 =	sadd.s32 $0x5BC00, s0  }
0x18: {  	s26 =	simm.s32 $0x2;
	s12 =	sadd.s32 s31, s2;
	[dreg:$0x6] =	wrdreg s0  }
.LBB2_1:
0x19: {  	[spmem:s13], [sflag:s6] =	dma.local [hbm:s5], $0x500  }
0x1a: {  	_ =	swait.ge [sflag:s14], $0x500  }
0x1b: {  	[sflag:s14] =	ssyncset.done $0x0  }
0x1c: {  	[sflag:s14] =	ssyncadd.s32 $0xFFFFFB00  }
0x1d: {  	[spmem:s15], [sflag:s6] =	dma.local [hbm:s5], $0x500  }
0x1e: {  	_ =	swait.ge [sflag:s14], $0x500  }
0x1f: {  	[sflag:s14] =	ssyncset.done $0x0  }
0x20: {  	[sflag:s14] =	ssyncadd.s32 $0xFFFFFB00  }
0x21: {  	[spmem:s16], [sflag:s6] =	dma.local [hbm:s5], $0x500  }
0x22: {  	_ =	swait.ge [sflag:s14], $0x500  }
0x23: {  	[sflag:s14] =	ssyncset.done $0x0  }
0x24: {  	[sflag:s14] =	ssyncadd.s32 $0xFFFFFB00  }
0x25: {  	[spmem:s17], [sflag:s6] =	dma.local [hbm:s5], $0x500  }
0x26: {  	_ =	swait.ge [sflag:s14], $0x500  }
0x27: {  	[sflag:s14] =	ssyncset.done $0x0  }
0x28: {  	[sflag:s14] =	ssyncadd.s32 $0xFFFFFB00  }
0x29: {  	[spmem:s18], [sflag:s6] =	dma.local [hbm:s5], $0x500  }
0x2a: {  	_ =	swait.ge [sflag:s14], $0x500  }
0x2b: {  	[sflag:s14] =	ssyncset.done $0x0  }
0x2c: {  	[sflag:s14] =	ssyncadd.s32 $0xFFFFFB00  }
0x2d: {  	[spmem:s19], [sflag:s6] =	dma.local [hbm:s5], $0x500  }
0x2e: {  	_ =	swait.ge [sflag:s14], $0x500  }
0x2f: {  	[sflag:s14] =	ssyncset.done $0x0  }
0x30: {  	[sflag:s14] =	ssyncadd.s32 $0xFFFFFB00  }
0x31: {  	[spmem:s20], [sflag:s6] =	dma.local [hbm:s5], $0x500  }
0x32: {  	_ =	swait.ge [sflag:s14], $0x500  }
0x33: {  	[sflag:s14] =	ssyncset.done $0x0  }
0x34: {  	[sflag:s14] =	ssyncadd.s32 $0xFFFFFB00  }
0x35: {  	[spmem:s21], [sflag:s6] =	dma.local [hbm:s5], $0x500  }
0x36: {  	_ =	swait.ge [sflag:s14], $0x500  }
0x37: {  	[sflag:s14] =	ssyncset.done $0x0  }
0x38: {  	s0 =	rddreg [dreg:$0x4];
	[sflag:s14] =	ssyncadd.s32 $0xFFFFFB00  }
0x39: {  	[tilespmem:s3], [sflag:$0x5] =	stream.linear.gather [hbm4b:s0+s3], $0x400, $0x38;
	[tilespmem:$0x1D000] =	vst v63  }
0x3a: {  	_ =	swait.ge [sflag:s14], $0x400  }
0x3b: {  	[sflag:s14] =	ssyncset.done $0x0  }
0x3c: {  	s2 =	simm.s32 $0x800;
	s22 =	rddreg [dreg:$0x5];
	[sflag:s14] =	ssyncadd.s32 $0xFFFFFC00  }
0x3d: {  	[tilespmem:s2], [sflag:$0x5] =	stream.linear.gather [hbm4b:s22+s3], $0x400, $0x38;
	[tilespmem:$0x1D000] =	vst v63  }
0x3e: {  	_ =	swait.ge [sflag:s14], $0x400  }
0x3f: {  	[sflag:s14] =	ssyncset.done $0x0  }
0x40: {  	s31 =	simm.s32 $0x1;
	[sflag:s14] =	ssyncadd.s32 $0xFFFFFC00  }
0x41: {  	s0 =	simm.s32 $0x0;
	s2 =	simm.s32 $0x0;
	[bflag:$0x0] =	sbarrier.arrive $0xFFFF  }
0x42: {  	[tilespmem:s24], [sflag:$0x2] =	stream.indirect.gather [hbm4b:s4+s23], $0x80, s3, s23, $0xb8;
	[tilespmem:$0x1D000] =	vst v63  }
.LBB2_2:
0x43: {  	s7 =	sand.u32 $0x1, s31;
	p0 =	seq.s32 s2, $0x980  }
0x44: {  	s22 =	sshll.u32 @!p0 s7, $0xA  }
0x45: {  	s7 =	sadd.s32 @!p0 s2, s12;
	s8 =	simm.s32 @!p0 $0x0;
	p1 =	seq.s32 @!p0 s2, $0x0  }
0x46: {  	[tilespmem:s22], [sflag:$0x1] =	stream.linear.gather @!p0 [hbm4b:s7+s8], $0x400, $0x38;
	[tilespmem:$0x1D000] =	vst v63  }
0x47: {  	s9 =	sadd.s32 @!p0 s2, s11;
	s7 =	sor.u32 @!p0 $0x800, s22;
	p1 =	por p0, !p1  }
0x48: {  	[tilespmem:s7], [sflag:$0x1] =	stream.linear.gather @!p0 [hbm4b:s9+s8], $0x400, $0x38;
	[tilespmem:$0x1D000] =	vst v63  }
0x49: {  	_ =	swait.ge @p1 [sflag:s28], $0x3E80  }
0x4a: {  	s7 =	sand.u32 $0x400, s0;
	[sflag:s28] =	ssyncset.done @p1 $0x0  }
0x4b: {  	s9 =	sor.u32 $0x80, s7;
	[sflag:s28] =	ssyncadd.s32 @p1 $0xFFFFC180  }
0x4c: {  	[tilespmem:s25], [sflag:$0x3] =	stream.indirect.gather [hbm4b:s4+s23], $0x80, s9, s23, $0xb8;
	[tilespmem:$0x1D000] =	vst v63  }
0x4d: {  	_ =	swait.ge [sflag:s26], $0x3E80  }
0x4e: {  	[sflag:s26] =	ssyncset.done $0x0  }
0x4f: {  	s9 =	sor.u32 $0x800, s7;
	[sflag:s26] =	ssyncadd.s32 $0xFFFFC180  }
0x50: {  	[spmem:s1] =	stream.indirect.scatter.add.f32 [tilespmem:s24], [sflag:$0x4], $0x80, s9, s23, $0xb8;
	[tilespmem:$0x1D000] =	vst v63  }
0x51: {  	_ =	swait.ge [sflag:s28], $0x3E80  }
0x52: {  	[sflag:s28] =	ssyncset.done $0x0  }
0x53: {  	s9 =	sor.u32 $0x100, s7;
	[sflag:s28] =	ssyncadd.s32 $0xFFFFC180  }
0x54: {  	[tilespmem:s24], [sflag:$0x2] =	stream.indirect.gather [hbm4b:s4+s23], $0x80, s9, s23, $0xb8;
	[tilespmem:$0x1D000] =	vst v63  }
0x55: {  	_ =	swait.ge [sflag:s29], $0x3E80  }
0x56: {  	[sflag:s29] =	ssyncset.done $0x0  }
0x57: {  	s9 =	sor.u32 $0x880, s7;
	[sflag:s29] =	ssyncadd.s32 $0xFFFFC180  }
0x58: {  	[spmem:s1] =	stream.indirect.scatter.add.f32 [tilespmem:s25], [sflag:$0x4], $0x80, s9, s23, $0xb8;
	[tilespmem:$0x1D000] =	vst v63  }
0x59: {  	_ =	swait.ge [sflag:s28], $0x3E80  }
0x5a: {  	[sflag:s28] =	ssyncset.done $0x0  }
0x5b: {  	s9 =	sor.u32 $0x180, s7;
	[sflag:s28] =	ssyncadd.s32 $0xFFFFC180  }
0x5c: {  	[tilespmem:s25], [sflag:$0x3] =	stream.indirect.gather [hbm4b:s4+s23], $0x80, s9, s23, $0xb8;
	[tilespmem:$0x1D000] =	vst v63  }
0x5d: {  	_ =	swait.ge [sflag:s26], $0x3E80  }
0x5e: {  	[sflag:s26] =	ssyncset.done $0x0  }
0x5f: {  	s9 =	sor.u32 $0x900, s7;
	[sflag:s26] =	ssyncadd.s32 $0xFFFFC180  }
0x60: {  	[spmem:s1] =	stream.indirect.scatter.add.f32 [tilespmem:s24], [sflag:$0x4], $0x80, s9, s23, $0xb8;
	[tilespmem:$0x1D000] =	vst v63  }
0x61: {  	_ =	swait.ge [sflag:s28], $0x3E80  }
0x62: {  	[sflag:s28] =	ssyncset.done $0x0  }
0x63: {  	s9 =	sor.u32 $0x200, s7;
	[sflag:s28] =	ssyncadd.s32 $0xFFFFC180  }
0x64: {  	[tilespmem:s24], [sflag:$0x2] =	stream.indirect.gather [hbm4b:s4+s23], $0x80, s9, s23, $0xb8;
	[tilespmem:$0x1D000] =	vst v63  }
0x65: {  	_ =	swait.ge [sflag:s29], $0x3E80  }
0x66: {  	[sflag:s29] =	ssyncset.done $0x0  }
0x67: {  	s9 =	sor.u32 $0x980, s7;
	[sflag:s29] =	ssyncadd.s32 $0xFFFFC180  }
0x68: {  	[spmem:s1] =	stream.indirect.scatter.add.f32 [tilespmem:s25], [sflag:$0x4], $0x80, s9, s23, $0xb8;
	[tilespmem:$0x1D000] =	vst v63  }
0x69: {  	_ =	swait.ge [sflag:s28], $0x3E80  }
0x6a: {  	[sflag:s28] =	ssyncset.done $0x0  }
0x6b: {  	s9 =	sor.u32 $0x280, s7;
	[sflag:s28] =	ssyncadd.s32 $0xFFFFC180  }
0x6c: {  	[tilespmem:s25], [sflag:$0x3] =	stream.indirect.gather [hbm4b:s4+s23], $0x80, s9, s23, $0xb8;
	[tilespmem:$0x1D000] =	vst v63  }
0x6d: {  	_ =	swait.ge [sflag:s26], $0x3E80  }
0x6e: {  	[sflag:s26] =	ssyncset.done $0x0  }
0x6f: {  	s9 =	sor.u32 $0xA00, s7;
	[sflag:s26] =	ssyncadd.s32 $0xFFFFC180  }
0x70: {  	[spmem:s1] =	stream.indirect.scatter.add.f32 [tilespmem:s24], [sflag:$0x4], $0x80, s9, s23, $0xb8;
	[tilespmem:$0x1D000] =	vst v63  }
0x71: {  	_ =	swait.ge [sflag:s28], $0x3E80  }
0x72: {  	[sflag:s28] =	ssyncset.done $0x0  }
0x73: {  	s9 =	sor.u32 $0x300, s7;
	[sflag:s28] =	ssyncadd.s32 $0xFFFFC180  }
0x74: {  	[tilespmem:s24], [sflag:$0x2] =	stream.indirect.gather [hbm4b:s4+s23], $0x80, s9, s23, $0xb8;
	[tilespmem:$0x1D000] =	vst v63  }
0x75: {  	_ =	swait.ge [sflag:s29], $0x3E80  }
0x76: {  	[sflag:s29] =	ssyncset.done $0x0  }
0x77: {  	s9 =	sor.u32 $0xA80, s7;
	[sflag:s29] =	ssyncadd.s32 $0xFFFFC180  }
0x78: {  	[spmem:s1] =	stream.indirect.scatter.add.f32 [tilespmem:s25], [sflag:$0x4], $0x80, s9, s23, $0xb8;
	[tilespmem:$0x1D000] =	vst v63  }
0x79: {  	_ =	swait.ge [sflag:s28], $0x3E80  }
0x7a: {  	[sflag:s28] =	ssyncset.done $0x0  }
0x7b: {  	s8 =	sor.u32 $0x380, s7;
	[sflag:s28] =	ssyncadd.s32 $0xFFFFC180  }
0x7c: {  	[tilespmem:s25], [sflag:$0x3] =	stream.indirect.gather [hbm4b:s4+s23], $0x80, s8, s23, $0xb8;
	[tilespmem:$0x1D000] =	vst v63  }
0x7d: {  	_ =	swait.ge [sflag:s26], $0x3E80  }
0x7e: {  	[sflag:s26] =	ssyncset.done $0x0  }
0x7f: {  	s7 =	sor.u32 $0xB00, s7;
	[sflag:s26] =	ssyncadd.s32 $0xFFFFC180  }
0x80: {  	[spmem:s1] =	stream.indirect.scatter.add.f32 [tilespmem:s24], [sflag:$0x4], $0x80, s7, s23, $0xb8;
	[tilespmem:$0x1D000] =	vst v63  }
0x81: {  	_ =	swait.ge [sflag:s28], $0x3E80  }
0x82: {  	[sflag:s28] =	ssyncset.done $0x0  }
0x83: {  	s7 =	simm.s32 @!p0 $0x1;
	[sflag:s28] =	ssyncadd.s32 $0xFFFFC180  }
0x84: {  	_ =	swait.ge @!p0 [sflag:s7], $0x400  }
0x85: {  	[sflag:s7] =	ssyncset.done @!p0 $0x0  }
0x86: {  	[sflag:s7] =	ssyncadd.s32 @!p0 $0xFFFFFC00  }
0x87: {  	_ =	swait.ge @!p0 [sflag:s7], $0x400  }
0x88: {  	s2 =	sadd.s32 $0x80, s2;
	[sflag:s7] =	ssyncset.done @!p0 $0x0  }
0x89: {  	s9 =	simm.s32 @!p0 $0x1000;
	[sflag:s7] =	ssyncadd.s32 @!p0 $0xFFFFFC00;
	s7 =	simm.s32 @!p0 $0x7D  }
0x8a: {  	[tilespmem:s9], [sflag:$0x2] =	stream.indirect.gather @!p0 [hbm4b:s4+s7], $0x80, s22, s7, $0xb8;
	[tilespmem:$0x1D000] =	vst v63  }
0x8b: {  	p0 =	sne.s32 s2, $0xA00  }
.Ltmp0:
0x8c: {  	_ = 	snop;
	(pc) =	sbr.rel @p0 .LBB2_2-.Ltmp0, $4  }
0x8d: {  	_ =	swait.ge [sflag:s29], $0x3E80  }
0x8e: {  	s31 =	sadd.s32 $0x1, s31;
	[sflag:s29] =	ssyncset.done $0x0  }
0x8f: {  	s0 =	sadd.s32 $0x400, s0;
	s22 =	sor.u32 $0x800, s8;
	[sflag:s29] =	ssyncadd.s32 $0xFFFFC180  }
0x90: {  	[spmem:s1] =	stream.indirect.scatter.add.f32 [tilespmem:s25], [sflag:$0x4], $0x80, s22, s23, $0xb8;
	[tilespmem:$0x1D000] =	vst v63  }
0x91: {  	_ =	swait.ge [sflag:s28], $0x3E80  }
0x92: {  	[sflag:s28] =	ssyncset.done $0x0  }
0x93: {  	s30 =	sadd.s32 $0x1, s30;
	[sflag:s28] =	ssyncadd.s32 $0xFFFFC180  }
0x94: {  	p0 =	sne.s32 s30, s10;
	[bflag:$0x0] =	sbarrier.arrive $0xFFFF  }
.Ltmp1:
0x95: {  	s0 =	rddreg [dreg:$0x6];
	(pc) =	sbr.rel @p0 .LBB2_1-.Ltmp1, $4  }
0x96: {  	[hbm:s0], [sflag:s6] =	dma.local [spmem:s13], $0x2800  }
0x97: {  	_ =	swait.ge [sflag:s14], $0x2800  }
0x98: {  	[sflag:s14] =	ssyncset.done $0x0  }
0x99: {  	[sflag:s14] =	ssyncadd.s32 $0xFFFFD800  }
0x9a: {  	_ =	sfence.sel $0x180000  }
0x9b: {  	[bflag:$0x0] =	sbarrier.arrive $0xFFFF  }
0x9c: {  	_ =	strace $0x9000004D  }
0x9d: {  	s0 =	stileid.u32;
	[bflag:$0x2] =	sbarrier.arrive $0xFFFF  }
0x9e: {  	p0 =	sne.s32 s0, $0x0;
	s0 =	rddreg [dreg:$0x3]  }
0x9f: {  	s0 =	sadd.s32 @!p0 $0x100000, s0  }
0xa0: {  	[sflag:s0] =	ssyncadd.tile.s32 @!p0 $0x1;
	_ =	shalt  }
.Lfunc_end2:
_tile_overlayer_lowered:
.L_overlay_start_2:
0xa1: {  	(tag) =	ssettag $0x2  }
0xa2: {  	s0 =	rddreg [dreg:$0x0];
	s2 =	stileid.u32  }
0xa3: {  	s1 =	rddreg [dreg:$0x1];
	p0 =	sne.s32 s2, $0x0  }
0xa4: {  	s3 =	rddreg [dreg:$0x2];
	[bflag:$0x3] =	sbarrier.arrive $0xFFFF;
	s2 =	simm.s32 @!p0 $0x1C05  }
0xa5: {  	[timem:s3], [sflag:s2] =	dma.local @!p0 [hbm:s0], s1  }
0xa6: {  	s0 =	simm.s32 @!p0 $0x5  }
0xa7: {  	_ =	swait.ge @!p0 [sflag:s0], s1  }
0xa8: {  	s1 =	ssub.s32 @!p0 $0x0, s1;
	[sflag:s0] =	ssyncset.done @!p0 $0x0  }
0xa9: {  	[sflag:s0] =	ssyncadd.s32 @!p0 s1  }
0xaa: {  	[bflag:$0x3] =	sbarrier.arrive $0xFFFF  }
0xab: {  	_ =	shalt  }

// kernel: kernel.19.cloned.1.call-start
scs
__scs_entry_jumppad:
0x0: {  	(pc) =	sbr.rel $0x88, $3  }
0x1: {  	(tag) =	ssettag $0x0;
	lr =	simm.s32 $0x1  }
0x2: {  	[smem:$0x3F95] =	sst lr;
	_ =	strace $0xD0000000  }
0x3: {  	_ = 	snop  }
0x4: {  	_ = 	snop  }
0x5: {  	_ = 	snop  }
0x6: {  	_ = 	snop  }
0x7: {  	_ = 	snop  }
__scs_overlays_trampoline_lowered:
0x8: {  	[smem:$0x3FA4] =	sst s0  }
0x9: {  	[smem:$0x3FA5] =	sst s1  }
0xa: {  	[smem:$0x3FA6] =	sst s2  }
0xb: {  	[smem:$0x3FA7] =	sst s3  }
0xc: {  	[smem:$0x3FA8] =	sst s4  }
0xd: {  	[smem:$0x3FA9] =	sst s5  }
0xe: {  	[smem:$0x3FAA] =	sst s6  }
0xf: {  	[smem:$0x3FAB] =	sst s7  }
0x10: {  	[smem:$0x3FAC] =	sst s8  }
0x11: {  	[smem:$0x3FAD] =	sst s9;
	s0 =	simm.s32 @!p0 $0x0  }
0x12: {  	s1 =	sld [smem:$0x3F93];
	s0 =	simm.s32 @p0 $0x1  }
0x13: {  	[smem:$0x3FAE] =	sst s0;
	s0 =	simm.s32 @!p1 $0x0  }
0x14: {  	s2 =	sld [smem:$0x3F92];
	s0 =	simm.s32 @p1 $0x1  }
0x15: {  	[smem:$0x3FAF] =	sst s0;
	s0 =	simm.s32 @!p2 $0x0  }
0x16: {  	s3 =	sld [smem:$0x3FDB];
	s0 =	simm.s32 @p2 $0x1  }
0x17: {  	s4 =	simm.s32 $0x1BF5;
	[smem:$0x3FB1] =	sst s0  }
0x18: {  	s0 =	sld [smem:$0x3F94];
	_ =	swait.ge [sflag:s4], $0x0  }
0x19: {  	s7 =	sld [smem:$0x3F95]  }
0x1a: {  	s8 =	sadd.s32 $0xFFFFE003, lr  }
0x1b: {  	s9 =	sadd.s32 $0xFFFFFEF7, lr;
	s5 =	simm.s32 $0xFFFFFFFF;
	p2 =	slt.u32 s8, $0xFFFFF086  }
0x1c: {  	p1 =	slt.u32 s9, $0xF7A;
	s5 =	simm.s32 @!p2 $0x0  }
0x1d: {  	s5 =	simm.s32 @p1 $0x1;
	p0 =	seq.s32 s7, s2  }
0x1e: {  	s7 =	smul.u32 @!p0 $0xF7A, s2;
	p2 =	seq.s32 @!p0 s5, $0x0  }
0x1f: {  	s9 =	smul.u32 $0xF7A, s1;
	s8 =	simm.s32 @!p0 $0x1BF5;
	p2 =	por !p2, p0  }
0x20: {  	[sflag:s8] =	ssyncset.s32 @!p0 $0xFFFFF086;
	s6 =	sadd.s32 @!p0 s3, s7;
	s7 =	simm.s32 @!p0 $0x108  }
0x21: {  	s3 =	sadd.s32 s3, s9;
	s6 =	sadd.s32 @!p0 $0x88, s6;
	s7 =	simm.s32 @p2 $0x1082  }
0x22: {  	[simem:s7], [sflag:s8] =	dma.local @!p0 [hbm:s6], $0xF7A  }
0x23: {  	s9 =	sor.u32 $0xD0000000, s2;
	s6 =	simm.s32 $0x108;
	_ =	swait.ge @!p0 [sflag:s8], $0x0  }
0x24: {  	s3 =	sadd.s32 $0x88, s3;
	s6 =	simm.s32 @!p1 $0x1082;
	[sflag:s4] =	ssyncset.s32 $0xFFFFF086  }
0x25: {  	[simem:s6], [sflag:s4] =	dma.local [hbm:s3], $0xF7A  }
0x26: {  	[smem:$0x3F95] =	sst s1;
	(tag) =	ssettag s2;
	_ =	strace s9  }
0x27: {  	s1 =	sld [smem:$0x3FA5]  }
0x28: {  	s2 =	sld [smem:$0x3FA6]  }
0x29: {  	s4 =	sld [smem:$0x3FA8]  }
0x2a: {  	p0 =	seq.s32 s5, $0x0;
	s5 =	sld [smem:$0x3FA9]  }
0x2b: {  	s6 =	sld [smem:$0x3FAA]  }
0x2c: {  	s7 =	sld [smem:$0x3FAB]  }
0x2d: {  	s3 =	simm.s32 $0x108;
	s8 =	sld [smem:$0x3FAC]  }
0x2e: {  	s3 =	simm.s32 @!p0 $0x1082;
	s9 =	sld [smem:$0x3FAD]  }
0x2f: {  	lr =	sadd.s32 s0, s3;
	s0 =	sld [smem:$0x3FA4]  }
0x30: {  	s3 =	sld [smem:$0x3FA7]  }
0x31: {  	[smem:$0x3FB0] =	sst s10  }
0x32: {  	s10 =	sld [smem:$0x3FAE];
	_ =	sdelay $0x3  }
0x33: {  	p0 =	seq.s32 s10, $0x1;
	s10 =	sld [smem:$0x3FB0];
	_ =	sdelay $0x3  }
0x34: {  	[smem:$0x3FB0] =	sst s10  }
0x35: {  	s10 =	sld [smem:$0x3FAF];
	_ =	sdelay $0x3  }
0x36: {  	p1 =	seq.s32 s10, $0x1;
	s10 =	sld [smem:$0x3FB0];
	_ =	sdelay $0x3  }
0x37: {  	[smem:$0x3FB0] =	sst s10  }
0x38: {  	s10 =	sld [smem:$0x3FB1]  }
0x39: {  	_ = 	snop;
	(pc) =	sbr.ind lr, $3  }
0x3a: {  	_ = 	snop  }
0x3b: {  	_ = 	snop  }
0x3c: {  	p2 =	seq.s32 s10, $0x1;
	s10 =	sld [smem:$0x3FB0]  }
0x3d: {  	_ =	shalt  }
0x3e: {  	_ =	shalt  }
0x3f: {  	_ =	shalt  }
0x40: {  	_ =	shalt  }
0x41: {  	_ =	shalt  }
0x42: {  	_ =	shalt  }
0x43: {  	_ =	shalt  }
0x44: {  	_ =	shalt  }
0x45: {  	_ =	shalt  }
0x46: {  	_ =	shalt  }
0x47: {  	_ =	shalt  }
0x48: {  	_ =	shalt  }
0x49: {  	_ =	shalt  }
0x4a: {  	_ =	shalt  }
0x4b: {  	_ =	shalt  }
0x4c: {  	_ =	shalt  }
0x4d: {  	_ =	shalt  }
0x4e: {  	_ =	shalt  }
0x4f: {  	_ =	shalt  }
0x50: {  	_ =	shalt  }
0x51: {  	_ =	shalt  }
0x52: {  	_ =	shalt  }
0x53: {  	_ =	shalt  }
0x54: {  	_ =	shalt  }
0x55: {  	_ =	shalt  }
0x56: {  	_ =	shalt  }
0x57: {  	_ =	shalt  }
0x58: {  	_ =	shalt  }
0x59: {  	_ =	shalt  }
0x5a: {  	_ =	shalt  }
0x5b: {  	_ =	shalt  }
0x5c: {  	_ =	shalt  }
0x5d: {  	_ =	shalt  }
0x5e: {  	_ =	shalt  }
0x5f: {  	_ =	shalt  }
0x60: {  	_ =	shalt  }
0x61: {  	_ =	shalt  }
0x62: {  	_ =	shalt  }
0x63: {  	_ =	shalt  }
0x64: {  	_ =	shalt  }
0x65: {  	_ =	shalt  }
0x66: {  	_ =	shalt  }
0x67: {  	_ =	shalt  }
0x68: {  	_ =	shalt  }
0x69: {  	_ =	shalt  }
0x6a: {  	_ =	shalt  }
0x6b: {  	_ =	shalt  }
0x6c: {  	_ =	shalt  }
0x6d: {  	_ =	shalt  }
0x6e: {  	_ =	shalt  }
0x6f: {  	_ =	shalt  }
0x70: {  	_ =	shalt  }
0x71: {  	_ =	shalt  }
0x72: {  	_ =	shalt  }
0x73: {  	_ =	shalt  }
0x74: {  	_ =	shalt  }
0x75: {  	_ =	shalt  }
0x76: {  	_ =	shalt  }
0x77: {  	_ =	shalt  }
0x78: {  	_ =	shalt  }
0x79: {  	_ =	shalt  }
0x7a: {  	_ =	shalt  }
0x7b: {  	_ =	shalt  }
0x7c: {  	_ =	shalt  }
0x7d: {  	_ =	shalt  }
0x7e: {  	_ =	shalt  }
0x7f: {  	_ =	shalt  }
0x80: {  	_ =	shalt  }
0x81: {  	_ =	shalt  }
0x82: {  	_ =	shalt  }
0x83: {  	_ =	shalt  }
0x84: {  	_ =	shalt  }
0x85: {  	_ =	shalt  }
0x86: {  	_ =	shalt  }
0x87: {  	_ =	shalt  }
.Lfunc_end0:
.L_simem_size_0:
called_computation.3_lowered:
.L_overlay_start_0:
0x88: {  	s2 =	sld [smem:$0x3FD9]  }
0x89: {  	s3 =	sld [smem:$0x3FFE];
	_ =	sdelay $0x1  }
0x8a: {  	s1 =	srdreg.scid  }
0x8b: {  	s0 =	sand.u32 $0x1, s1  }
0x8c: {  	s14 =	sshll.u32 s0, $0xA;
	s2 =	sadd.s32 s3, s2  }
0x8d: {  	s2 =	sadd.s32 s2, s14  }
0x8e: {  	[smem:$0x3FBC] =	sst s2  }
0x8f: {  	_ = 	snop  }
0x90: {  	s2 =	sld [smem:$0x3FD0];
	_ =	sdelay $0x2  }
0x91: {  	s15 =	simm.s32 $0xA;
	s4 =	simm.s32 $0x10  }
0x92: {  	[smem:s4], [sflag:s15] =	dma.local [hbm:s2], $0x1  }
0x93: {  	_ =	swait.eq [sflag:s15], $0x1  }
0x94: {  	[sflag:s15] =	ssyncset.done $0x0  }
0x95: {  	[sflag:s15] =	ssyncadd.s32 $0xFFFFFFFF  }
0x96: {  	s16 =	sld [smem:$0x11];
	(tm) =	ssettm $0x1  }
0x97: {  	s17 =	sld [smem:$0x3FFB];
	_ =	sdelay $0x3  }
0x98: {  	_ =	strace s17  }
0x99: {  	s3 =	sld [smem:$0x3FFC];
	_ =	sdelay $0x3  }
0x9a: {  	_ =	strace s3  }
0x9b: {  	s3 =	sld [smem:$0x3FFD];
	_ =	sdelay $0x3  }
0x9c: {  	_ =	strace s3  }
0x9d: {  	_ =	strace $0x8FFFFFFF  }
0x9e: {  	s18 =	sld [smem:$0x3FDB];
	_ =	sdelay $0x1  }
0x9f: {  	s19 =	simm.s32 $_scs_section_size  }
0xa0: {  	s5 =	simm.s32 $_size__tile_overlayer_lowered;
	s6 =	simm.s32 $_tile_overlayer_lowered  }
0xa1: {  	s22 =	simm.s32 $0x1BFF;
	s21 =	sshll.u32 s6, $0x1;
	s3 =	sadd.s32 s19, s18  }
0xa2: {  	s7 =	simm.s32 $0x0;
	s20 =	sshll.u32 s5, $0x1;
	s5 =	sadd.s32 s21, s3  }
0xa3: {  	[timem:s7], [sflag:s22] =	dma.local [hbm:s5], s20  }
0xa4: {  	_ =	swait.ge [sflag:s22], s20  }
0xa5: {  	s4 =	ssub.s32 $0x0, s20;
	[sflag:s22] =	ssyncset.done $0x0  }
0xa6: {  	[sflag:s22] =	ssyncadd.s32 s4;
	_ =	sdelay $0x1  }
0xa7: {  	s23 =	simm.s32 $0x1B8B  }
0xa8: {  	_ =	swait.ge [sflag:s23], $0x1  }
0xa9: {  	[sflag:s23] =	ssyncset.done $0x0  }
0xaa: {  	s25 =	simm.s32 $0x1B8E;
	s24 =	sld [smem:$0x3FFE];
	[sflag:s23] =	ssyncadd.s32 $0xFFFFFFFF  }
0xab: {  	s26 =	simm.s32 $execute0_lowered;
	[smem:$0x3FD2] =	sst s25  }
0xac: {  	s5 =	sshll.u32 s26, $0x1;
	_ =	strace $0x8000004F;
	[dreg:$0x1] =	wrdreg $0xFFFFFFFF  }
0xad: {  	s28 =	simm.s32 $_size_execute0_lowered;
	s3 =	sadd.s32 s3, s5;
	[dreg:$0x0] =	wrdreg $0x0  }
0xae: {  	s5 =	sshll.u32 s28, $0x1;
	[dreg:$0x2] =	wrdreg s3  }
0xaf: {  	[dreg:$0x3] =	wrdreg s5  }
0xb0: {  	[dreg:$0x4] =	wrdreg $0xC0  }
0xb1: {  	_ =	task [dreg:s7], $0x5FFFF  }
0xb2: {  	[dreg:$0x1] =	wrdreg $0xFFFFFFFF  }
0xb3: {  	[dreg:$0x0] =	wrdreg $0x60  }
0xb4: {  	[dreg:$0x2] =	wrdreg s24  }
0xb5: {  	[dreg:$0x3] =	wrdreg s16  }
0xb6: {  	[dreg:$0x4] =	wrdreg $0x90000  }
0xb7: {  	[dreg:$0x5] =	wrdreg $0x9  }
0xb8: {  	_ =	task.clear_ibuf [dreg:s7], $0x6FFFF;
	_ =	strace $0x9000004F  }
0xb9: {  	s29 =	simm.s32 $0x9;
	_ =	strace $0x80000051  }
0xba: {  	_ =	swait.ge [sflag:s29], $0x1  }
0xbb: {  	[sflag:s29] =	ssyncadd.s32 $0xFFFFFFFF  }
0xbc: {  	_ =	strace $0x90000051  }
0xbd: {  	_ =	sfence  }
0xbe: {  	s30 =	sld [smem:$0x0];
	_ =	sdelay $0x2  }
0xbf: {  	s31 =	sshll.u32 s1, $0xD;
	s1 =	sshrl.u32 s1, $0x2  }
0xc0: {  	s3 =	sand.u32 $0x4000, s31;
	s1 =	sadd.s32 s1, s30  }
0xc1: {  	s0 =	sor.u32 s3, s0;
	s1 =	sshll.u32 s1, $0x11  }
0xc2: {  	s0 =	sor.u32 s1, s0  }
0xc3: {  	s0 =	sadd.s32 $0x8F2B, s0  }
0xc4: {  	[sflag:s0] =	ssyncadd.remote.s32 $0x1  }
0xc5: {  	_ =	sfence.sel $0xFFFF  }
0xc6: {  	[dreg:$0x0] =	wrdreg $0xFFFFFFFF;
	(pc) =	sbr.abs _section_cstart, $3  }
0xc7: {  	[dreg:$0x1] =	wrdreg $0xFFFFFFFF  }
0xc8: {  	_ =	task.clear_ibuf [dreg:s7], $0x2FFFF;
	_ =	strace $0x9FFFFFFF  }
0xc9: {  	(tm) =	ssettm $0x7FFFFFFF  }
tec
execute0_lowered:
.L_overlay_start_1:
0x0: {  	(tag) =	ssettag $0x1  }
0x1: {  	s0 =	rddreg [dreg:$0x0]  }
0x2: {  	s2 =	rddreg [dreg:$0x1]  }
0x3: {  	s1 =	rddreg [dreg:$0x2];
	s12 =	stileid.u32  }
0x4: {  	s3 =	srdreg.scid;
	s7 =	smul.u32 $0x14000, s12  }
0x5: {  	s28 =	simm.s32 $0x4;
	s29 =	simm.s32 $0x3;
	s9 =	smul.u32 $0x50000, s12  }
0x6: {  	s30 =	simm.s32 $0x0;
	s6 =	sand.u32 $0x1, s3;
	s23 =	smul.u32 $0x5000, s12  }
0x7: {  	s3 =	simm.s32 $0x0;
	s21 =	sshll.u32 s12, $0x6;
	s12 =	smul.u32 $0xA00, s12  }
0x8: {  	s4 =	sadd.s32 $0xD400, s0;
	s10 =	sadd.s32 $0x3400, s0;
	s5 =	smul.u32 $0x140000, s6  }
0x9: {  	[smem:$0x7FF] =	sst s3;
	s8 =	ssub.s32 $0x2, s6;
	s22 =	smul.u32 $0x50000, s6  }
0xa: {  	s6 =	sor.u32 $0x1C05, s21;
	_ =	strace $0x80000050;
	s11 =	sshrl.u32 s8, $0x1  }
0xb: {  	s20 =	sshrl.u32 s9, $0x2;
	s25 =	sadd.s32 s12, s10;
	s7 =	sadd.s32 s7, s5  }
0xc: {  	s5 =	sadd.s32 $0x5B600, s0;
	s14 =	ssub.s32 s8, s11;
	s13 =	sadd.s32 s20, s1  }
0xd: {  	s24 =	sadd.s32 s23, s22;
	s8 =	sshrl.u32 s23, $0x3;
	s11 =	sadd.s32 $0x80, s25  }
0xe: {  	s23 =	simm.s32 $0x7D;
	s25 =	simm.s32 $0x5000;
	s7 =	sshrl.u32 s7, $0x3  }
0xf: {  	s15 =	sadd.s32 $0x2800, s13;
	s16 =	sadd.s32 $0x5000, s13;
	s17 =	sadd.s32 $0x7800, s13  }
0x10: {  	s18 =	sadd.s32 $0xA000, s13;
	s19 =	sadd.s32 $0xC800, s13;
	s20 =	sadd.s32 $0xF000, s13  }
0x11: {  	s9 =	sshrl.u32 s24, $0x3;
	s21 =	sadd.s32 $0x11800, s13;
	s8 =	sadd.s32 s10, s8  }
0x12: {  	s26 =	sor.u32 $0x400, s24;
	s10 =	smax.u32 s14, $0x1;
	s13 =	sshrl.u32 s13, $0x3  }
0x13: {  	s14 =	simm.s32 $0x5;
	s24 =	simm.s32 $0x1000;
	s0 =	sadd.s32 s7, s0  }
0x14: {  	s9 =	sadd.s32 s2, s9;
	[dreg:$0x5] =	wrdreg s8;
	s31 =	sshrl.u32 s26, $0x3  }
0x15: {  	s15 =	sshrl.u32 s15, $0x3;
	s16 =	sshrl.u32 s16, $0x3;
	s17 =	sshrl.u32 s17, $0x3  }
0x16: {  	s18 =	sshrl.u32 s18, $0x3;
	s19 =	sshrl.u32 s19, $0x3;
	s20 =	sshrl.u32 s20, $0x3  }
0x17: {  	s21 =	sshrl.u32 s21, $0x3;
	[dreg:$0x4] =	wrdreg s9;
	s0 =	sadd.s32 $0x5BC00, s0  }
0x18: {  	s26 =	simm.s32 $0x2;
	s12 =	sadd.s32 s31, s2;
	[dreg:$0x6] =	wrdreg s0  }
.LBB2_1:
0x19: {  	[spmem:s13], [sflag:s6] =	dma.local [hbm:s5], $0x500  }
0x1a: {  	_ =	swait.ge [sflag:s14], $0x500  }
0x1b: {  	[sflag:s14] =	ssyncset.done $0x0  }
0x1c: {  	[sflag:s14] =	ssyncadd.s32 $0xFFFFFB00  }
0x1d: {  	[spmem:s15], [sflag:s6] =	dma.local [hbm:s5], $0x500  }
0x1e: {  	_ =	swait.ge [sflag:s14], $0x500  }
0x1f: {  	[sflag:s14] =	ssyncset.done $0x0  }
0x20: {  	[sflag:s14] =	ssyncadd.s32 $0xFFFFFB00  }
0x21: {  	[spmem:s16], [sflag:s6] =	dma.local [hbm:s5], $0x500  }
0x22: {  	_ =	swait.ge [sflag:s14], $0x500  }
0x23: {  	[sflag:s14] =	ssyncset.done $0x0  }
0x24: {  	[sflag:s14] =	ssyncadd.s32 $0xFFFFFB00  }
0x25: {  	[spmem:s17], [sflag:s6] =	dma.local [hbm:s5], $0x500  }
0x26: {  	_ =	swait.ge [sflag:s14], $0x500  }
0x27: {  	[sflag:s14] =	ssyncset.done $0x0  }
0x28: {  	[sflag:s14] =	ssyncadd.s32 $0xFFFFFB00  }
0x29: {  	[spmem:s18], [sflag:s6] =	dma.local [hbm:s5], $0x500  }
0x2a: {  	_ =	swait.ge [sflag:s14], $0x500  }
0x2b: {  	[sflag:s14] =	ssyncset.done $0x0  }
0x2c: {  	[sflag:s14] =	ssyncadd.s32 $0xFFFFFB00  }
0x2d: {  	[spmem:s19], [sflag:s6] =	dma.local [hbm:s5], $0x500  }
0x2e: {  	_ =	swait.ge [sflag:s14], $0x500  }
0x2f: {  	[sflag:s14] =	ssyncset.done $0x0  }
0x30: {  	[sflag:s14] =	ssyncadd.s32 $0xFFFFFB00  }
0x31: {  	[spmem:s20], [sflag:s6] =	dma.local [hbm:s5], $0x500  }
0x32: {  	_ =	swait.ge [sflag:s14], $0x500  }
0x33: {  	[sflag:s14] =	ssyncset.done $0x0  }
0x34: {  	[sflag:s14] =	ssyncadd.s32 $0xFFFFFB00  }
0x35: {  	[spmem:s21], [sflag:s6] =	dma.local [hbm:s5], $0x500  }
0x36: {  	_ =	swait.ge [sflag:s14], $0x500  }
0x37: {  	[sflag:s14] =	ssyncset.done $0x0  }
0x38: {  	s0 =	rddreg [dreg:$0x4];
	[sflag:s14] =	ssyncadd.s32 $0xFFFFFB00  }
0x39: {  	[tilespmem:s3], [sflag:$0x5] =	stream.linear.gather [hbm4b:s0+s3], $0x400, $0x38;
	[tilespmem:$0x1D000] =	vst v63  }
0x3a: {  	_ =	swait.ge [sflag:s14], $0x400  }
0x3b: {  	[sflag:s14] =	ssyncset.done $0x0  }
0x3c: {  	s2 =	simm.s32 $0x800;
	s22 =	rddreg [dreg:$0x5];
	[sflag:s14] =	ssyncadd.s32 $0xFFFFFC00  }
0x3d: {  	[tilespmem:s2], [sflag:$0x5] =	stream.linear.gather [hbm4b:s22+s3], $0x400, $0x38;
	[tilespmem:$0x1D000] =	vst v63  }
0x3e: {  	_ =	swait.ge [sflag:s14], $0x400  }
0x3f: {  	[sflag:s14] =	ssyncset.done $0x0  }
0x40: {  	s31 =	simm.s32 $0x1;
	[sflag:s14] =	ssyncadd.s32 $0xFFFFFC00  }
0x41: {  	s0 =	simm.s32 $0x0;
	s2 =	simm.s32 $0x0;
	[bflag:$0x0] =	sbarrier.arrive $0xFFFF  }
0x42: {  	[tilespmem:s24], [sflag:$0x2] =	stream.indirect.gather [hbm4b:s4+s23], $0x80, s3, s23, $0xb8;
	[tilespmem:$0x1D000] =	vst v63  }
.LBB2_2:
0x43: {  	s7 =	sand.u32 $0x1, s31;
	p0 =	seq.s32 s2, $0x980  }
0x44: {  	s22 =	sshll.u32 @!p0 s7, $0xA  }
0x45: {  	s7 =	sadd.s32 @!p0 s2, s12;
	s8 =	simm.s32 @!p0 $0x0;
	p1 =	seq.s32 @!p0 s2, $0x0  }
0x46: {  	[tilespmem:s22], [sflag:$0x1] =	stream.linear.gather @!p0 [hbm4b:s7+s8], $0x400, $0x38;
	[tilespmem:$0x1D000] =	vst v63  }
0x47: {  	s9 =	sadd.s32 @!p0 s2, s11;
	s7 =	sor.u32 @!p0 $0x800, s22;
	p1 =	por p0, !p1  }
0x48: {  	[tilespmem:s7], [sflag:$0x1] =	stream.linear.gather @!p0 [hbm4b:s9+s8], $0x400, $0x38;
	[tilespmem:$0x1D000] =	vst v63  }
0x49: {  	_ =	swait.ge @p1 [sflag:s28], $0x3E80  }
0x4a: {  	s7 =	sand.u32 $0x400, s0;
	[sflag:s28] =	ssyncset.done @p1 $0x0  }
0x4b: {  	s9 =	sor.u32 $0x80, s7;
	[sflag:s28] =	ssyncadd.s32 @p1 $0xFFFFC180  }
0x4c: {  	[tilespmem:s25], [sflag:$0x3] =	stream.indirect.gather [hbm4b:s4+s23], $0x80, s9, s23, $0xb8;
	[tilespmem:$0x1D000] =	vst v63  }
0x4d: {  	_ =	swait.ge [sflag:s26], $0x3E80  }
0x4e: {  	[sflag:s26] =	ssyncset.done $0x0  }
0x4f: {  	s9 =	sor.u32 $0x800, s7;
	[sflag:s26] =	ssyncadd.s32 $0xFFFFC180  }
0x50: {  	[spmem:s1] =	stream.indirect.scatter.add.f32 [tilespmem:s24], [sflag:$0x4], $0x80, s9, s23, $0xb8;
	[tilespmem:$0x1D000] =	vst v63  }
0x51: {  	_ =	swait.ge [sflag:s28], $0x3E80  }
0x52: {  	[sflag:s28] =	ssyncset.done $0x0  }
0x53: {  	s9 =	sor.u32 $0x100, s7;
	[sflag:s28] =	ssyncadd.s32 $0xFFFFC180  }
0x54: {  	[tilespmem:s24], [sflag:$0x2] =	stream.indirect.gather [hbm4b:s4+s23], $0x80, s9, s23, $0xb8;
	[tilespmem:$0x1D000] =	vst v63  }
0x55: {  	_ =	swait.ge [sflag:s29], $0x3E80  }
0x56: {  	[sflag:s29] =	ssyncset.done $0x0  }
0x57: {  	s9 =	sor.u32 $0x880, s7;
	[sflag:s29] =	ssyncadd.s32 $0xFFFFC180  }
0x58: {  	[spmem:s1] =	stream.indirect.scatter.add.f32 [tilespmem:s25], [sflag:$0x4], $0x80, s9, s23, $0xb8;
	[tilespmem:$0x1D000] =	vst v63  }
0x59: {  	_ =	swait.ge [sflag:s28], $0x3E80  }
0x5a: {  	[sflag:s28] =	ssyncset.done $0x0  }
0x5b: {  	s9 =	sor.u32 $0x180, s7;
	[sflag:s28] =	ssyncadd.s32 $0xFFFFC180  }
0x5c: {  	[tilespmem:s25], [sflag:$0x3] =	stream.indirect.gather [hbm4b:s4+s23], $0x80, s9, s23, $0xb8;
	[tilespmem:$0x1D000] =	vst v63  }
0x5d: {  	_ =	swait.ge [sflag:s26], $0x3E80  }
0x5e: {  	[sflag:s26] =	ssyncset.done $0x0  }
0x5f: {  	s9 =	sor.u32 $0x900, s7;
	[sflag:s26] =	ssyncadd.s32 $0xFFFFC180  }
0x60: {  	[spmem:s1] =	stream.indirect.scatter.add.f32 [tilespmem:s24], [sflag:$0x4], $0x80, s9, s23, $0xb8;
	[tilespmem:$0x1D000] =	vst v63  }
0x61: {  	_ =	swait.ge [sflag:s28], $0x3E80  }
0x62: {  	[sflag:s28] =	ssyncset.done $0x0  }
0x63: {  	s9 =	sor.u32 $0x200, s7;
	[sflag:s28] =	ssyncadd.s32 $0xFFFFC180  }
0x64: {  	[tilespmem:s24], [sflag:$0x2] =	stream.indirect.gather [hbm4b:s4+s23], $0x80, s9, s23, $0xb8;
	[tilespmem:$0x1D000] =	vst v63  }
0x65: {  	_ =	swait.ge [sflag:s29], $0x3E80  }
0x66: {  	[sflag:s29] =	ssyncset.done $0x0  }
0x67: {  	s9 =	sor.u32 $0x980, s7;
	[sflag:s29] =	ssyncadd.s32 $0xFFFFC180  }
0x68: {  	[spmem:s1] =	stream.indirect.scatter.add.f32 [tilespmem:s25], [sflag:$0x4], $0x80, s9, s23, $0xb8;
	[tilespmem:$0x1D000] =	vst v63  }
0x69: {  	_ =	swait.ge [sflag:s28], $0x3E80  }
0x6a: {  	[sflag:s28] =	ssyncset.done $0x0  }
0x6b: {  	s9 =	sor.u32 $0x280, s7;
	[sflag:s28] =	ssyncadd.s32 $0xFFFFC180  }
0x6c: {  	[tilespmem:s25], [sflag:$0x3] =	stream.indirect.gather [hbm4b:s4+s23], $0x80, s9, s23, $0xb8;
	[tilespmem:$0x1D000] =	vst v63  }
0x6d: {  	_ =	swait.ge [sflag:s26], $0x3E80  }
0x6e: {  	[sflag:s26] =	ssyncset.done $0x0  }
0x6f: {  	s9 =	sor.u32 $0xA00, s7;
	[sflag:s26] =	ssyncadd.s32 $0xFFFFC180  }
0x70: {  	[spmem:s1] =	stream.indirect.scatter.add.f32 [tilespmem:s24], [sflag:$0x4], $0x80, s9, s23, $0xb8;
	[tilespmem:$0x1D000] =	vst v63  }
0x71: {  	_ =	swait.ge [sflag:s28], $0x3E80  }
0x72: {  	[sflag:s28] =	ssyncset.done $0x0  }
0x73: {  	s9 =	sor.u32 $0x300, s7;
	[sflag:s28] =	ssyncadd.s32 $0xFFFFC180  }
0x74: {  	[tilespmem:s24], [sflag:$0x2] =	stream.indirect.gather [hbm4b:s4+s23], $0x80, s9, s23, $0xb8;
	[tilespmem:$0x1D000] =	vst v63  }
0x75: {  	_ =	swait.ge [sflag:s29], $0x3E80  }
0x76: {  	[sflag:s29] =	ssyncset.done $0x0  }
0x77: {  	s9 =	sor.u32 $0xA80, s7;
	[sflag:s29] =	ssyncadd.s32 $0xFFFFC180  }
0x78: {  	[spmem:s1] =	stream.indirect.scatter.add.f32 [tilespmem:s25], [sflag:$0x4], $0x80, s9, s23, $0xb8;
	[tilespmem:$0x1D000] =	vst v63  }
0x79: {  	_ =	swait.ge [sflag:s28], $0x3E80  }
0x7a: {  	[sflag:s28] =	ssyncset.done $0x0  }
0x7b: {  	s8 =	sor.u32 $0x380, s7;
	[sflag:s28] =	ssyncadd.s32 $0xFFFFC180  }
0x7c: {  	[tilespmem:s25], [sflag:$0x3] =	stream.indirect.gather [hbm4b:s4+s23], $0x80, s8, s23, $0xb8;
	[tilespmem:$0x1D000] =	vst v63  }
0x7d: {  	_ =	swait.ge [sflag:s26], $0x3E80  }
0x7e: {  	[sflag:s26] =	ssyncset.done $0x0  }
0x7f: {  	s7 =	sor.u32 $0xB00, s7;
	[sflag:s26] =	ssyncadd.s32 $0xFFFFC180  }
0x80: {  	[spmem:s1] =	stream.indirect.scatter.add.f32 [tilespmem:s24], [sflag:$0x4], $0x80, s7, s23, $0xb8;
	[tilespmem:$0x1D000] =	vst v63  }
0x81: {  	_ =	swait.ge [sflag:s28], $0x3E80  }
0x82: {  	[sflag:s28] =	ssyncset.done $0x0  }
0x83: {  	s7 =	simm.s32 @!p0 $0x1;
	[sflag:s28] =	ssyncadd.s32 $0xFFFFC180  }
0x84: {  	_ =	swait.ge @!p0 [sflag:s7], $0x400  }
0x85: {  	[sflag:s7] =	ssyncset.done @!p0 $0x0  }
0x86: {  	[sflag:s7] =	ssyncadd.s32 @!p0 $0xFFFFFC00  }
0x87: {  	_ =	swait.ge @!p0 [sflag:s7], $0x400  }
0x88: {  	s2 =	sadd.s32 $0x80, s2;
	[sflag:s7] =	ssyncset.done @!p0 $0x0  }
0x89: {  	s9 =	simm.s32 @!p0 $0x1000;
	[sflag:s7] =	ssyncadd.s32 @!p0 $0xFFFFFC00;
	s7 =	simm.s32 @!p0 $0x7D  }
0x8a: {  	[tilespmem:s9], [sflag:$0x2] =	stream.indirect.gather @!p0 [hbm4b:s4+s7], $0x80, s22, s7, $0xb8;
	[tilespmem:$0x1D000] =	vst v63  }
0x8b: {  	p0 =	sne.s32 s2, $0xA00  }
.Ltmp0:
0x8c: {  	_ = 	snop;
	(pc) =	sbr.rel @p0 .LBB2_2-.Ltmp0, $4  }
0x8d: {  	_ =	swait.ge [sflag:s29], $0x3E80  }
0x8e: {  	s31 =	sadd.s32 $0x1, s31;
	[sflag:s29] =	ssyncset.done $0x0  }
0x8f: {  	s0 =	sadd.s32 $0x400, s0;
	s22 =	sor.u32 $0x800, s8;
	[sflag:s29] =	ssyncadd.s32 $0xFFFFC180  }
0x90: {  	[spmem:s1] =	stream.indirect.scatter.add.f32 [tilespmem:s25], [sflag:$0x4], $0x80, s22, s23, $0xb8;
	[tilespmem:$0x1D000] =	vst v63  }
0x91: {  	_ =	swait.ge [sflag:s28], $0x3E80  }
0x92: {  	[sflag:s28] =	ssyncset.done $0x0  }
0x93: {  	s30 =	sadd.s32 $0x1, s30;
	[sflag:s28] =	ssyncadd.s32 $0xFFFFC180  }
0x94: {  	p0 =	sne.s32 s30, s10;
	[bflag:$0x0] =	sbarrier.arrive $0xFFFF  }
.Ltmp1:
0x95: {  	s0 =	rddreg [dreg:$0x6];
	(pc) =	sbr.rel @p0 .LBB2_1-.Ltmp1, $4  }
0x96: {  	[hbm:s0], [sflag:s6] =	dma.local [spmem:s13], $0x2800  }
0x97: {  	_ =	swait.ge [sflag:s14], $0x2800  }
0x98: {  	[sflag:s14] =	ssyncset.done $0x0  }
0x99: {  	[sflag:s14] =	ssyncadd.s32 $0xFFFFD800  }
0x9a: {  	_ =	sfence.sel $0x180000  }
0x9b: {  	[bflag:$0x0] =	sbarrier.arrive $0xFFFF  }
0x9c: {  	_ =	strace $0x90000050  }
0x9d: {  	s0 =	stileid.u32;
	[bflag:$0x2] =	sbarrier.arrive $0xFFFF  }
0x9e: {  	p0 =	sne.s32 s0, $0x0;
	s0 =	rddreg [dreg:$0x3]  }
0x9f: {  	s0 =	sadd.s32 @!p0 $0x100000, s0  }
0xa0: {  	[sflag:s0] =	ssyncadd.tile.s32 @!p0 $0x1;
	_ =	shalt  }
.Lfunc_end2:
_tile_overlayer_lowered:
.L_overlay_start_2:
0xa1: {  	(tag) =	ssettag $0x2  }
0xa2: {  	s0 =	rddreg [dreg:$0x0];
	s2 =	stileid.u32  }
0xa3: {  	s1 =	rddreg [dreg:$0x1];
	p0 =	sne.s32 s2, $0x0  }
0xa4: {  	s3 =	rddreg [dreg:$0x2];
	[bflag:$0x3] =	sbarrier.arrive $0xFFFF;
	s2 =	simm.s32 @!p0 $0x1C05  }
0xa5: {  	[timem:s3], [sflag:s2] =	dma.local @!p0 [hbm:s0], s1  }
0xa6: {  	s0 =	simm.s32 @!p0 $0x5  }
0xa7: {  	_ =	swait.ge @!p0 [sflag:s0], s1  }
0xa8: {  	s1 =	ssub.s32 @!p0 $0x0, s1;
	[sflag:s0] =	ssyncset.done @!p0 $0x0  }
0xa9: {  	[sflag:s0] =	ssyncadd.s32 @!p0 s1  }
0xaa: {  	[bflag:$0x3] =	sbarrier.arrive $0xFFFF  }
0xab: {  	_ =	shalt  }

</sc_bundles>
